<compile_context>
chip_gen: v7x
topology: tpu7x:2x2x1
jax: 0.10.2.dev20260603
libtpu: 0.0.44.dev20260713+nightly
codegen_flags: <defaults>
</compile_context>

<pallas_src>
import functools
import math

import jax
import jax.numpy as jnp
from jax import lax
from jax.experimental import pallas as pl
from jax.experimental.pallas import tpu as pltpu
from jax.experimental.pallas import tpu_sc as plsc


_NC = 2
_NS = 16
_G = 64
_R = 10240
_SR = _R // _NS
_ZR = 32
_NSEG = 8


def _build_sc_agg(n, d, ep):
    npass = -(-n // (_R * _NC))
    np_out = npass * _NC * _R
    ce = ep // _NS
    seg = ce // _NSEG
    assert seg % 16 == 0 and ce % 8 == 0
    nblk = -(-seg // _G) + 1
    cap = seg + 2 * _G

    def body(x_hbm, src_hbm, dst_hbm, agg_hbm,
             src_seg, dst_seg, srcc, ldstc, rows_a, rows_b, idx_a, idx_b, ones_v,
             deg_zero, deg_stage, zrows, sem_a, sem_b, dsem_a, dsem_b,
             acc_sp, deg_sp):
        c = lax.axis_index("c")
        s = lax.axis_index("s")
        iota16 = lax.iota(jnp.int32, 16)
        for t in range(_G // 16):
            ones_v[pl.ds(t * 16, 16)] = jnp.full((16,), 1.0, jnp.float32)

        def dzero_body(j, carry):
            deg_zero[pl.ds(j * 16, 16)] = jnp.zeros((16,), jnp.float32)
            return carry

        lax.fori_loop(0, _SR // 16, dzero_body, jnp.int32(0))

        def zrow_body(j, carry):
            for t in range(8):
                zrows[j, pl.ds(t * 16, 16)] = jnp.zeros((16,), jnp.float32)
            return carry

        lax.fori_loop(0, _ZR, zrow_body, jnp.int32(0))

        soff = s * _SR

        def pass_body(p, pcarry):
            base = (_NC * p + c) * _R
            for t in range(_SR // _ZR):
                pltpu.make_async_copy(
                    zrows, acc_sp.at[pl.ds(soff + t * _ZR, _ZR)], sem_a
                ).start()
            pltpu.make_async_copy(deg_zero, deg_sp.at[pl.ds(soff, _SR)], sem_b).start()
            for t in range(_SR // _ZR):
                pltpu.make_async_copy(
                    zrows, acc_sp.at[pl.ds(soff + t * _ZR, _ZR)], sem_a
                ).wait()
            pltpu.make_async_copy(deg_zero, deg_sp.at[pl.ds(soff, _SR)], sem_b).wait()

            @pl.when(s == 0)
            def _zero_dump():
                pltpu.sync_copy(zrows.at[pl.ds(0, 16)], acc_sp.at[pl.ds(_R, 16)])
                pltpu.sync_copy(deg_zero.at[pl.ds(0, 16)], deg_sp.at[pl.ds(_R, 16)])

            plsc.subcore_barrier()

            def seg_body(k, kcarry):
                off = s * ce + k * seg
                pltpu.make_async_copy(src_hbm.at[pl.ds(off, seg)], src_seg, sem_a).start()
                pltpu.make_async_copy(dst_hbm.at[pl.ds(off, seg)], dst_seg, sem_b).start()
                pltpu.make_async_copy(src_hbm.at[pl.ds(off, seg)], src_seg, sem_a).wait()
                pltpu.make_async_copy(dst_hbm.at[pl.ds(off, seg)], dst_seg, sem_b).wait()

                base_v = jnp.full((16,), base, jnp.int32)
                zero_v = jnp.zeros((16,), jnp.int32)
                one_v = jnp.full((16,), 1, jnp.int32)
                r_v = jnp.full((16,), _R, jnp.int32)

                def scan_body(j, cnt):
                    o0 = j * 32
                    d16a = dst_seg[pl.ds(o0, 16)]
                    d16b = dst_seg[pl.ds(o0 + 16, 16)]
                    la = d16a - base_v
                    lb = d16b - base_v
                    ma = (la >= zero_v) & (la < r_v)
                    mb = (lb >= zero_v) & (lb < r_v)
                    csa = plsc.cumsum(jnp.where(ma, 1, 0).astype(jnp.int32))
                    csb = plsc.cumsum(jnp.where(mb, 1, 0).astype(jnp.int32))
                    s16a = src_seg[pl.ds(o0, 16)]
                    s16b = src_seg[pl.ds(o0 + 16, 16)]
                    cnt_v = jnp.full((16,), cnt, jnp.int32)
                    pos_a = jnp.maximum(cnt_v + csa - one_v, zero_v)
                    cntb = cnt + csa[15]
                    cntb_v = jnp.full((16,), cntb, jnp.int32)
                    pos_b = jnp.maximum(cntb_v + csb - one_v, zero_v)
                    plsc.store_scatter(srcc, [pos_a], s16a, mask=ma)
                    plsc.store_scatter(ldstc, [pos_a], la, mask=ma)
                    plsc.store_scatter(srcc, [pos_b], s16b, mask=mb)
                    plsc.store_scatter(ldstc, [pos_b], lb, mask=mb)
                    return cntb + csb[15]

                cnt = plsc.parallel_loop(0, seg // 32, 1, unroll=4, carry=jnp.int32(0))(scan_body)

                for o0 in range((seg // 32) * 32, seg, 16):
                    d16t = dst_seg[pl.ds(o0, 16)]
                    lt = d16t - base_v
                    mt = (lt >= zero_v) & (lt < r_v)
                    cst = plsc.cumsum(jnp.where(mt, 1, 0).astype(jnp.int32))
                    s16t = src_seg[pl.ds(o0, 16)]
                    cnt_vt = jnp.full((16,), cnt, jnp.int32)
                    pos_t = jnp.maximum(cnt_vt + cst - one_v, zero_v)
                    plsc.store_scatter(srcc, [pos_t], s16t, mask=mt)
                    plsc.store_scatter(ldstc, [pos_t], lt, mask=mt)
                    cnt = cnt + cst[15]

                pad_src = iota16 * 4001
                pad_dst = _R + iota16
                for t in range(_G // 16):
                    srcc[pl.ds(cnt + t * 16, 16)] = pad_src
                    ldstc[pl.ds(cnt + t * 16, 16)] = pad_dst

                @pl.when(jnp.int32(0) < cnt)
                def _prime():
                    pltpu.make_async_copy(
                        x_hbm.at[srcc.at[pl.ds(0, _G)]], rows_a, sem_a
                    ).start()

                def _process(i, rows, sem, idx, dsem):
                    pltpu.make_async_copy(
                        x_hbm.at[srcc.at[pl.ds(i * _G, _G)]], rows, sem
                    ).wait()

                    @pl.when(i >= 2)
                    def _drain_prev_deg():
                        pltpu.make_async_copy(ones_v, deg_sp.at[idx.at[0]], dsem).wait()

                    for t in range(_G // 16):
                        idx[0, pl.ds(t * 16, 16)] = ldstc[pl.ds(i * _G + t * 16, 16)]
                    pltpu.sync_copy(rows, acc_sp.at[idx.at[0]], add=True)
                    pltpu.make_async_copy(
                        ones_v, deg_sp.at[idx.at[0]], dsem
                    ).start(add=True)

                def pair_body(pt, carry):
                    i0 = 2 * pt
                    i1 = 2 * pt + 1

                    @pl.when(i1 * _G < cnt)
                    def _start_odd():
                        pltpu.make_async_copy(
                            x_hbm.at[srcc.at[pl.ds(i1 * _G, _G)]], rows_b, sem_b
                        ).start()

                    @pl.when(i0 * _G < cnt)
                    def _proc_even():
                        _process(i0, rows_a, sem_a, idx_a, dsem_a)

                    @pl.when((i0 + 2) * _G < cnt)
                    def _start_next_even():
                        pltpu.make_async_copy(
                            x_hbm.at[srcc.at[pl.ds((i0 + 2) * _G, _G)]], rows_a, sem_a
                        ).start()

                    @pl.when(i1 * _G < cnt)
                    def _proc_odd():
                        _process(i1, rows_b, sem_b, idx_b, dsem_b)

                    return carry

                lax.fori_loop(0, nblk // 2 + 1, pair_body, jnp.int32(0))

                @pl.when(cnt > 0)
                def _drain_deg_a():
                    pltpu.make_async_copy(ones_v, deg_sp.at[idx_a.at[0]], dsem_a).wait()

                @pl.when(cnt > _G)
                def _drain_deg_b():
                    pltpu.make_async_copy(ones_v, deg_sp.at[idx_b.at[0]], dsem_b).wait()

                return kcarry

            lax.fori_loop(0, _NSEG, seg_body, jnp.int32(0))
            plsc.subcore_barrier()

            gbase = base + soff
            pltpu.sync_copy(deg_sp.at[pl.ds(soff, _SR)], deg_stage.at[pl.ds(0, _SR)])
            nwc = _SR // _G

            def _wproc(t, rows, sem):
                pltpu.make_async_copy(
                    acc_sp.at[pl.ds(soff + t * _G, _G)], rows, sem
                ).wait()

                def wrow(rr, carry2):
                    dvv = deg_stage[pl.ds(t * _G + rr, 16)]
                    rd = 1.0 / jnp.maximum(jnp.full((16,), dvv[0], jnp.float32),
                                           jnp.full((16,), 1.0, jnp.float32))
                    for cg in range(8):
                        rows[rr, pl.ds(cg * 16, 16)] = rows[rr, pl.ds(cg * 16, 16)] * rd
                    return carry2

                plsc.parallel_loop(0, _G, 1, unroll=2, carry=jnp.int32(0))(wrow)
                pltpu.sync_copy(rows, agg_hbm.at[pl.ds(gbase + t * _G, _G)])

            pltpu.make_async_copy(
                acc_sp.at[pl.ds(soff, _G)], rows_a, sem_a
            ).start()
            for pt in range(nwc // 2):
                t0 = 2 * pt
                t1 = 2 * pt + 1
                pltpu.make_async_copy(
                    acc_sp.at[pl.ds(soff + t1 * _G, _G)], rows_b, sem_b
                ).start()
                _wproc(t0, rows_a, sem_a)
                if t0 + 2 < nwc:
                    pltpu.make_async_copy(
                        acc_sp.at[pl.ds(soff + (t0 + 2) * _G, _G)], rows_a, sem_a
                    ).start()
                _wproc(t1, rows_b, sem_b)
            plsc.subcore_barrier()
            return pcarry

        lax.fori_loop(0, npass, pass_body, jnp.int32(0))

    mesh = plsc.VectorSubcoreMesh(
        core_axis_name="c", subcore_axis_name="s", num_cores=_NC, num_subcores=_NS
    )
    return pl.kernel(
        body,
        out_type=jax.ShapeDtypeStruct((np_out, d), jnp.float32),
        mesh=mesh,
        scratch_types=[
            pltpu.VMEM((seg,), jnp.int32),
            pltpu.VMEM((seg,), jnp.int32),
            pltpu.VMEM((cap,), jnp.int32),
            pltpu.VMEM((cap,), jnp.int32),
            pltpu.VMEM((_G, d), jnp.float32),
            pltpu.VMEM((_G, d), jnp.float32),
            pltpu.VMEM((1, _G), jnp.int32),
            pltpu.VMEM((1, _G), jnp.int32),
            pltpu.VMEM((_G,), jnp.float32),
            pltpu.VMEM((_SR,), jnp.float32),
            pltpu.VMEM((_SR + 16,), jnp.float32),
            pltpu.VMEM((_ZR, d), jnp.float32),
            pltpu.SemaphoreType.DMA,
            pltpu.SemaphoreType.DMA,
            pltpu.SemaphoreType.DMA,
            pltpu.SemaphoreType.DMA,
            pltpu.VMEM_SHARED((_R + 16, d), jnp.float32),
            pltpu.VMEM_SHARED((_R + 16,), jnp.float32),
        ],
        compiler_params=pltpu.CompilerParams(needs_layout_passes=False),
    )


@functools.partial(jax.jit, static_argnames=("n", "d", "ep"))
def _sc_aggregate(x2, src_p, dst_p, n, d, ep):
    return _build_sc_agg(n, d, ep)(x2, src_p, dst_p)




def _dense_body(x_ref, agg_ref, wux_ref, wc_ref, bu_ref, g_ref, b_ref, o_ref):
    xb = x_ref[...]
    pre = (
        jnp.dot(xb.astype(jnp.bfloat16), wux_ref[...],
                preferred_element_type=jnp.float32)
        + jnp.dot(agg_ref[...].astype(jnp.bfloat16), wc_ref[...],
                  preferred_element_type=jnp.float32)
        + bu_ref[...]
    )
    h = 0.5 * pre * (1.0 + jax.lax.erf(pre * (1.0 / math.sqrt(2.0)))) + xb
    mean = jnp.mean(h, axis=-1, keepdims=True)
    var = jnp.mean((h - mean) ** 2, axis=-1, keepdims=True)
    o_ref[...] = (h - mean) * jax.lax.rsqrt(var + 1e-5) * g_ref[...] + b_ref[...]


@functools.partial(jax.jit, static_argnames=("bn",))
def _dense_update(x2, aggn, wux_t, wc, bu, gamma, beta, bn=1000):
    n, d = x2.shape
    grid = (n // bn,)
    return pl.pallas_call(
        _dense_body,
        grid=grid,
        in_specs=[
            pl.BlockSpec((bn, d), lambda i: (i, 0)),
            pl.BlockSpec((bn, d), lambda i: (i, 0)),
            pl.BlockSpec((d, d), lambda i: (0, 0)),
            pl.BlockSpec((d, d), lambda i: (0, 0)),
            pl.BlockSpec((1, d), lambda i: (0, 0)),
            pl.BlockSpec((1, d), lambda i: (0, 0)),
            pl.BlockSpec((1, d), lambda i: (0, 0)),
        ],
        out_specs=pl.BlockSpec((bn, d), lambda i: (i, 0)),
        out_shape=jax.ShapeDtypeStruct((n, d), jnp.float32),
    )(x2, aggn, wux_t, wc, bu, gamma, beta)


def kernel(x, edge_index, Wm, Wu, bu, gamma, beta):
    b, n, d = x.shape
    e = edge_index.shape[1]
    x2 = x.reshape(n, d)
    ep = -(-e // 128) * 128
    pad = ep - e
    src_p = jnp.concatenate([edge_index[0], jnp.zeros((pad,), jnp.int32)])
    dst_p = jnp.concatenate([edge_index[1], jnp.full((pad,), -1, jnp.int32)])
    aggn = _sc_aggregate(x2, src_p, dst_p, n, d, ep)
    wux_t = Wu[:, :d].T
    wc = Wm.T @ Wu[:, d:].T
    out = _dense_update(
        x2, aggn, wux_t.astype(jnp.bfloat16), wc.astype(jnp.bfloat16),
        bu.reshape(1, d), gamma.reshape(1, d), beta.reshape(1, d),
    )
    return out.reshape(b, n, d)

# --- scband reference (transcript-rebuilt; emitter-appended) ---
"""Pipeline reference for scband-hex-message-passing-4698694222465 (READ-ONLY COPY).

The authoritative reference and input builder live on the scoring server;
editing this copy changes nothing except your own understanding.
"""

import jax, jax.numpy as jnp
import numpy as np

B, N, D, E = 1, 100000, 128, 600000

def setup_inputs(seed: int = 0) -> dict:
    key = jax.random.key(seed)
    k1, k2, k3, k4 = jax.random.split(key, 4)
    x = jax.random.normal(k1, (B, N, D), dtype=jnp.float32)
    edge_index = jax.random.randint(k2, (2, E), 0, N, dtype=jnp.int32)
    Wm = jax.random.normal(k3, (D, D), dtype=jnp.float32) * (1.0 / np.sqrt(D))
    Wu = jax.random.normal(k4, (D, 2 * D), dtype=jnp.float32) * (1.0 / np.sqrt(2 * D))
    bu = jnp.zeros((D,), dtype=jnp.float32)
    gamma = jnp.ones((D,), dtype=jnp.float32)
    beta = jnp.zeros((D,), dtype=jnp.float32)
    return {"x": x, "edge_index": edge_index, "Wm": Wm, "Wu": Wu, "bu": bu, "gamma": gamma, "beta": beta}

def reference(x, edge_index, Wm, Wu, bu, gamma, beta):
    src = edge_index[0]
    dst = edge_index[1]
    b, n, d = x.shape
    # msg = linear_msg(x) (no bias)
    msg = x @ Wm.T
    # gather source features per edge
    src_features = msg[:, src, :]
    # scatter-add into destination nodes (axis 1)
    agg = jnp.zeros_like(x).at[:, dst, :].add(src_features)
    # degree normalization
    deg = jnp.zeros((n,), dtype=x.dtype).at[dst].add(1.0)
    deg = jnp.clip(deg, 1.0, None)[None, :, None]
    agg = agg / deg
    # update
    combined = jnp.concatenate([x, agg], axis=-1)
    out = combined @ Wu.T + bu
    h = jax.nn.gelu(out, approximate=False) + x
    # LayerNorm (eps=1e-5, biased variance like torch)
    mean = jnp.mean(h, axis=-1, keepdims=True)
    var = jnp.var(h, axis=-1, keepdims=True)
    out = (h - mean) / jnp.sqrt(var + 1e-5) * gamma + beta
    return out

if __name__ == "__main__":
    import jax
    _d = setup_inputs()
    print(jax.jit(kernel)(*tuple(_d.values())))

</pallas_src>

<mosaic_0001>
#map = affine_map<(d0, d1) -> (0, 0)>
#map1 = affine_map<(d0, d1) -> (0)>
module attributes {stable_mosaic.version = 14 : i64} {
  func.func @body(%arg0: i32, %arg1: i32, %arg2: memref<100000x128xf32, #tpu.memory_space<hbm>>, %arg3: memref<600064xi32, #tpu.memory_space<hbm>>, %arg4: memref<600064xi32, #tpu.memory_space<hbm>>, %arg5: memref<102400x128xf32, #tpu.memory_space<hbm>>, %arg6: memref<4688xi32, #tpu.memory_space<vmem>>, %arg7: memref<4688xi32, #tpu.memory_space<vmem>>, %arg8: memref<4816xi32, #tpu.memory_space<vmem>>, %arg9: memref<4816xi32, #tpu.memory_space<vmem>>, %arg10: memref<64x128xf32, #tpu.memory_space<vmem>>, %arg11: memref<64x128xf32, #tpu.memory_space<vmem>>, %arg12: memref<1x64xi32, #tpu.memory_space<vmem>>, %arg13: memref<1x64xi32, #tpu.memory_space<vmem>>, %arg14: memref<64xf32, #tpu.memory_space<vmem>>, %arg15: memref<640xf32, #tpu.memory_space<vmem>>, %arg16: memref<656xf32, #tpu.memory_space<vmem>>, %arg17: memref<32x128xf32, #tpu.memory_space<vmem>>, %arg18: memref<!tpu.dma_semaphore, #tpu.memory_space<semaphore_mem>>, %arg19: memref<!tpu.dma_semaphore, #tpu.memory_space<semaphore_mem>>, %arg20: memref<!tpu.dma_semaphore, #tpu.memory_space<semaphore_mem>>, %arg21: memref<!tpu.dma_semaphore, #tpu.memory_space<semaphore_mem>>, %arg22: memref<10256x128xf32, #tpu.memory_space<vmem_shared>>, %arg23: memref<10256xf32, #tpu.memory_space<vmem_shared>>) attributes {dimension_semantics = [#tpu.dimension_semantics<core_parallel>, #tpu.dimension_semantics<subcore_parallel>], iteration_bounds = array<i64: 2, 16>, scalar_prefetch = 0 : i64, scratch_operands = 18 : i64, tpu.core_type = #tpu.core_type<sc_vector_subcore>, window_params = [{transform_indices = #map}, {transform_indices = #map1}, {transform_indices = #map1}, {transform_indices = #map}]} {
    %iota3A = tpu.iota {dimensions = array<i32: 0>} : vector<16xi32>
    %broadcast_in_dim3A = arith.constant 1.000000e+00 : f32
    %broadcast_in_dim3A_0 = vector.broadcast %broadcast_in_dim3A : f32 to vector<16xf32>
    %swap3A = arith.constant 0 : index
    %swap3A_1 = tpu.vector_load %arg14[%swap3A] {strides = array<i32>} : memref<64xf32, #tpu.memory_space<vmem>>, vector<16xf32>,
    tpu.vector_store %arg14[%swap3A], %broadcast_in_dim3A_0 {strides = array<i32>} : memref<64xf32, #tpu.memory_space<vmem>>, vector<16xf32>,
    %broadcast_in_dim3A_2 = arith.constant 1.000000e+00 : f32
    %broadcast_in_dim3A_3 = vector.broadcast %broadcast_in_dim3A_2 : f32 to vector<16xf32>
    %swap3A_4 = arith.constant 16 : index
    %swap3A_5 = tpu.vector_load %arg14[%swap3A_4] {strides = array<i32>} : memref<64xf32, #tpu.memory_space<vmem>>, vector<16xf32>,
    tpu.vector_store %arg14[%swap3A_4], %broadcast_in_dim3A_3 {strides = array<i32>} : memref<64xf32, #tpu.memory_space<vmem>>, vector<16xf32>,
    %broadcast_in_dim3A_6 = arith.constant 1.000000e+00 : f32
    %broadcast_in_dim3A_7 = vector.broadcast %broadcast_in_dim3A_6 : f32 to vector<16xf32>
    %swap3A_8 = arith.constant 32 : index
    %swap3A_9 = tpu.vector_load %arg14[%swap3A_8] {strides = array<i32>} : memref<64xf32, #tpu.memory_space<vmem>>, vector<16xf32>,
    tpu.vector_store %arg14[%swap3A_8], %broadcast_in_dim3A_7 {strides = array<i32>} : memref<64xf32, #tpu.memory_space<vmem>>, vector<16xf32>,
    %broadcast_in_dim3A_10 = arith.constant 1.000000e+00 : f32
    %broadcast_in_dim3A_11 = vector.broadcast %broadcast_in_dim3A_10 : f32 to vector<16xf32>
    %swap3A_12 = arith.constant 48 : index
    %swap3A_13 = tpu.vector_load %arg14[%swap3A_12] {strides = array<i32>} : memref<64xf32, #tpu.memory_space<vmem>>, vector<16xf32>,
    tpu.vector_store %arg14[%swap3A_12], %broadcast_in_dim3A_11 {strides = array<i32>} : memref<64xf32, #tpu.memory_space<vmem>>, vector<16xf32>,
    %scan3A = arith.constant 0 : i32
    %scan3A_14 = arith.constant 0 : i32
    %scan3A_15 = arith.constant 40 : i32
    %scan3A_16 = arith.addi %scan3A_14, %scan3A_15 : i32
    %scan3A_17 = arith.constant 1 : i32
    scf.for %scan3A_32 = %scan3A_14 to %scan3A_16 step %scan3A_17  : i32 {
      %broadcast_in_dim3A_33 = arith.constant 0.000000e+00 : f32
      %broadcast_in_dim3A_34 = vector.broadcast %broadcast_in_dim3A_33 : f32 to vector<16xf32>
      %mul3A_35 = arith.constant 16 : i32
      %mul3A_36 = arith.muli %scan3A_32, %mul3A_35 : i32
      %swap3A_37 = arith.index_cast %mul3A_36 : i32 to index
      %swap3A_38 = tpu.vector_load %arg15[%swap3A_37] {strides = array<i32>} : memref<640xf32, #tpu.memory_space<vmem>>, vector<16xf32>,
      tpu.vector_store %arg15[%swap3A_37], %broadcast_in_dim3A_34 {strides = array<i32>} : memref<640xf32, #tpu.memory_space<vmem>>, vector<16xf32>,
    }
    %scan3A_18 = arith.constant 40 : i32
    %scan3A_19 = arith.constant 0 : i32
    %scan3A_20 = arith.constant 0 : i32
    %scan3A_21 = arith.constant 32 : i32
    %scan3A_22 = arith.addi %scan3A_20, %scan3A_21 : i32
    %scan3A_23 = arith.constant 1 : i32
    scf.for %scan3A_32 = %scan3A_20 to %scan3A_22 step %scan3A_23  : i32 {
      %broadcast_in_dim3A_33 = arith.constant 0.000000e+00 : f32
      %broadcast_in_dim3A_34 = vector.broadcast %broadcast_in_dim3A_33 : f32 to vector<16xf32>
      %swap3A_35 = arith.index_cast %scan3A_32 : i32 to index
      %swap3A_36 = arith.constant 0 : index
      %swap3A_37 = tpu.vector_load %arg17[%swap3A_35, %swap3A_36] {strides = array<i32>} : memref<32x128xf32, #tpu.memory_space<vmem>>, vector<16xf32>,
      tpu.vector_store %arg17[%swap3A_35, %swap3A_36], %broadcast_in_dim3A_34 {strides = array<i32>} : memref<32x128xf32, #tpu.memory_space<vmem>>, vector<16xf32>,
      %broadcast_in_dim3A_38 = arith.constant 0.000000e+00 : f32
      %broadcast_in_dim3A_39 = vector.broadcast %broadcast_in_dim3A_38 : f32 to vector<16xf32>
      %swap3A_40 = arith.index_cast %scan3A_32 : i32 to index
      %swap3A_41 = arith.constant 16 : index
      %swap3A_42 = tpu.vector_load %arg17[%swap3A_40, %swap3A_41] {strides = array<i32>} : memref<32x128xf32, #tpu.memory_space<vmem>>, vector<16xf32>,
      tpu.vector_store %arg17[%swap3A_40, %swap3A_41], %broadcast_in_dim3A_39 {strides = array<i32>} : memref<32x128xf32, #tpu.memory_space<vmem>>, vector<16xf32>,
      %broadcast_in_dim3A_43 = arith.constant 0.000000e+00 : f32
      %broadcast_in_dim3A_44 = vector.broadcast %broadcast_in_dim3A_43 : f32 to vector<16xf32>
      %swap3A_45 = arith.index_cast %scan3A_32 : i32 to index
      %swap3A_46 = arith.constant 32 : index
      %swap3A_47 = tpu.vector_load %arg17[%swap3A_45, %swap3A_46] {strides = array<i32>} : memref<32x128xf32, #tpu.memory_space<vmem>>, vector<16xf32>,
      tpu.vector_store %arg17[%swap3A_45, %swap3A_46], %broadcast_in_dim3A_44 {strides = array<i32>} : memref<32x128xf32, #tpu.memory_space<vmem>>, vector<16xf32>,
      %broadcast_in_dim3A_48 = arith.constant 0.000000e+00 : f32
      %broadcast_in_dim3A_49 = vector.broadcast %broadcast_in_dim3A_48 : f32 to vector<16xf32>
      %swap3A_50 = arith.index_cast %scan3A_32 : i32 to index
      %swap3A_51 = arith.constant 48 : index
      %swap3A_52 = tpu.vector_load %arg17[%swap3A_50, %swap3A_51] {strides = array<i32>} : memref<32x128xf32, #tpu.memory_space<vmem>>, vector<16xf32>,
      tpu.vector_store %arg17[%swap3A_50, %swap3A_51], %broadcast_in_dim3A_49 {strides = array<i32>} : memref<32x128xf32, #tpu.memory_space<vmem>>, vector<16xf32>,
      %broadcast_in_dim3A_53 = arith.constant 0.000000e+00 : f32
      %broadcast_in_dim3A_54 = vector.broadcast %broadcast_in_dim3A_53 : f32 to vector<16xf32>
      %swap3A_55 = arith.index_cast %scan3A_32 : i32 to index
      %swap3A_56 = arith.constant 64 : index
      %swap3A_57 = tpu.vector_load %arg17[%swap3A_55, %swap3A_56] {strides = array<i32>} : memref<32x128xf32, #tpu.memory_space<vmem>>, vector<16xf32>,
      tpu.vector_store %arg17[%swap3A_55, %swap3A_56], %broadcast_in_dim3A_54 {strides = array<i32>} : memref<32x128xf32, #tpu.memory_space<vmem>>, vector<16xf32>,
      %broadcast_in_dim3A_58 = arith.constant 0.000000e+00 : f32
      %broadcast_in_dim3A_59 = vector.broadcast %broadcast_in_dim3A_58 : f32 to vector<16xf32>
      %swap3A_60 = arith.index_cast %scan3A_32 : i32 to index
      %swap3A_61 = arith.constant 80 : index
      %swap3A_62 = tpu.vector_load %arg17[%swap3A_60, %swap3A_61] {strides = array<i32>} : memref<32x128xf32, #tpu.memory_space<vmem>>, vector<16xf32>,
      tpu.vector_store %arg17[%swap3A_60, %swap3A_61], %broadcast_in_dim3A_59 {strides = array<i32>} : memref<32x128xf32, #tpu.memory_space<vmem>>, vector<16xf32>,
      %broadcast_in_dim3A_63 = arith.constant 0.000000e+00 : f32
      %broadcast_in_dim3A_64 = vector.broadcast %broadcast_in_dim3A_63 : f32 to vector<16xf32>
      %swap3A_65 = arith.index_cast %scan3A_32 : i32 to index
      %swap3A_66 = arith.constant 96 : index
      %swap3A_67 = tpu.vector_load %arg17[%swap3A_65, %swap3A_66] {strides = array<i32>} : memref<32x128xf32, #tpu.memory_space<vmem>>, vector<16xf32>,
      tpu.vector_store %arg17[%swap3A_65, %swap3A_66], %broadcast_in_dim3A_64 {strides = array<i32>} : memref<32x128xf32, #tpu.memory_space<vmem>>, vector<16xf32>,
      %broadcast_in_dim3A_68 = arith.constant 0.000000e+00 : f32
      %broadcast_in_dim3A_69 = vector.broadcast %broadcast_in_dim3A_68 : f32 to vector<16xf32>
      %swap3A_70 = arith.index_cast %scan3A_32 : i32 to index
      %swap3A_71 = arith.constant 112 : index
      %swap3A_72 = tpu.vector_load %arg17[%swap3A_70, %swap3A_71] {strides = array<i32>} : memref<32x128xf32, #tpu.memory_space<vmem>>, vector<16xf32>,
      tpu.vector_store %arg17[%swap3A_70, %swap3A_71], %broadcast_in_dim3A_69 {strides = array<i32>} : memref<32x128xf32, #tpu.memory_space<vmem>>, vector<16xf32>,
    }
    %scan3A_24 = arith.constant 32 : i32
    %mul3A = arith.constant 640 : i32
    %mul3A_25 = arith.muli %arg1, %mul3A : i32
    %scan3A_26 = arith.constant 0 : i32
    %scan3A_27 = arith.constant 0 : i32
    %scan3A_28 = arith.constant 5 : i32
    %scan3A_29 = arith.addi %scan3A_27, %scan3A_28 : i32
    %scan3A_30 = arith.constant 1 : i32
    scf.for %scan3A_32 = %scan3A_27 to %scan3A_29 step %scan3A_30  : i32 {
      %mul3A_33 = arith.constant 2 : i32
      %mul3A_34 = arith.muli %mul3A_33, %scan3A_32 : i32
      %add3A = arith.addi %mul3A_34, %arg0 : i32
      %mul3A_35 = arith.constant 10240 : i32
      %mul3A_36 = arith.muli %add3A, %mul3A_35 : i32
      %add3A_37 = arith.constant 0 : i32
      %add3A_38 = arith.addi %mul3A_25, %add3A_37 : i32
      %dma_start3A = arith.constant 0 : i32
      %dma_start3A_39 = tpu.memref_slice %arg22[%add3A_38, %dma_start3A] : memref<10256x128xf32, #tpu.memory_space<vmem_shared>> -> memref<32x128xf32, #tpu.memory_space<vmem_shared>>
      %dma_start3A_40 = arith.constant 0 : i32
      %dma_start3A_41 = tpu.memref_slice %arg22[%add3A_38, %dma_start3A_40] : memref<10256x128xf32, #tpu.memory_space<vmem_shared>> -> memref<32x128xf32, #tpu.memory_space<vmem_shared>>
      tpu.enqueue_dma source(%arg17 : memref<32x128xf32, #tpu.memory_space<vmem>>) target(%dma_start3A_41 : memref<32x128xf32, #tpu.memory_space<vmem_shared>>) target_semaphore(%arg18 : memref<!tpu.dma_semaphore, #tpu.memory_space<semaphore_mem>>)
      %add3A_42 = arith.constant 32 : i32
      %add3A_43 = arith.addi %mul3A_25, %add3A_42 : i32
      %dma_start3A_44 = arith.constant 0 : i32
      %dma_start3A_45 = tpu.memref_slice %arg22[%add3A_43, %dma_start3A_44] : memref<10256x128xf32, #tpu.memory_space<vmem_shared>> -> memref<32x128xf32, #tpu.memory_space<vmem_shared>>
      %dma_start3A_46 = arith.constant 0 : i32
      %dma_start3A_47 = tpu.memref_slice %arg22[%add3A_43, %dma_start3A_46] : memref<10256x128xf32, #tpu.memory_space<vmem_shared>> -> memref<32x128xf32, #tpu.memory_space<vmem_shared>>
      tpu.enqueue_dma source(%arg17 : memref<32x128xf32, #tpu.memory_space<vmem>>) target(%dma_start3A_47 : memref<32x128xf32, #tpu.memory_space<vmem_shared>>) target_semaphore(%arg18 : memref<!tpu.dma_semaphore, #tpu.memory_space<semaphore_mem>>)
      %add3A_48 = arith.constant 64 : i32
      %add3A_49 = arith.addi %mul3A_25, %add3A_48 : i32
      %dma_start3A_50 = arith.constant 0 : i32
      %dma_start3A_51 = tpu.memref_slice %arg22[%add3A_49, %dma_start3A_50] : memref<10256x128xf32, #tpu.memory_space<vmem_shared>> -> memref<32x128xf32, #tpu.memory_space<vmem_shared>>
      %dma_start3A_52 = arith.constant 0 : i32
      %dma_start3A_53 = tpu.memref_slice %arg22[%add3A_49, %dma_start3A_52] : memref<10256x128xf32, #tpu.memory_space<vmem_shared>> -> memref<32x128xf32, #tpu.memory_space<vmem_shared>>
      tpu.enqueue_dma source(%arg17 : memref<32x128xf32, #tpu.memory_space<vmem>>) target(%dma_start3A_53 : memref<32x128xf32, #tpu.memory_space<vmem_shared>>) target_semaphore(%arg18 : memref<!tpu.dma_semaphore, #tpu.memory_space<semaphore_mem>>)
      %add3A_54 = arith.constant 96 : i32
      %add3A_55 = arith.addi %mul3A_25, %add3A_54 : i32
      %dma_start3A_56 = arith.constant 0 : i32
      %dma_start3A_57 = tpu.memref_slice %arg22[%add3A_55, %dma_start3A_56] : memref<10256x128xf32, #tpu.memory_space<vmem_shared>> -> memref<32x128xf32, #tpu.memory_space<vmem_shared>>
      %dma_start3A_58 = arith.constant 0 : i32
      %dma_start3A_59 = tpu.memref_slice %arg22[%add3A_55, %dma_start3A_58] : memref<10256x128xf32, #tpu.memory_space<vmem_shared>> -> memref<32x128xf32, #tpu.memory_space<vmem_shared>>
      tpu.enqueue_dma source(%arg17 : memref<32x128xf32, #tpu.memory_space<vmem>>) target(%dma_start3A_59 : memref<32x128xf32, #tpu.memory_space<vmem_shared>>) target_semaphore(%arg18 : memref<!tpu.dma_semaphore, #tpu.memory_space<semaphore_mem>>)
      %add3A_60 = arith.constant 128 : i32
      %add3A_61 = arith.addi %mul3A_25, %add3A_60 : i32
      %dma_start3A_62 = arith.constant 0 : i32
      %dma_start3A_63 = tpu.memref_slice %arg22[%add3A_61, %dma_start3A_62] : memref<10256x128xf32, #tpu.memory_space<vmem_shared>> -> memref<32x128xf32, #tpu.memory_space<vmem_shared>>
      %dma_start3A_64 = arith.constant 0 : i32
      %dma_start3A_65 = tpu.memref_slice %arg22[%add3A_61, %dma_start3A_64] : memref<10256x128xf32, #tpu.memory_space<vmem_shared>> -> memref<32x128xf32, #tpu.memory_space<vmem_shared>>
      tpu.enqueue_dma source(%arg17 : memref<32x128xf32, #tpu.memory_space<vmem>>) target(%dma_start3A_65 : memref<32x128xf32, #tpu.memory_space<vmem_shared>>) target_semaphore(%arg18 : memref<!tpu.dma_semaphore, #tpu.memory_space<semaphore_mem>>)
      %add3A_66 = arith.constant 160 : i32
      %add3A_67 = arith.addi %mul3A_25, %add3A_66 : i32
      %dma_start3A_68 = arith.constant 0 : i32
      %dma_start3A_69 = tpu.memref_slice %arg22[%add3A_67, %dma_start3A_68] : memref<10256x128xf32, #tpu.memory_space<vmem_shared>> -> memref<32x128xf32, #tpu.memory_space<vmem_shared>>
      %dma_start3A_70 = arith.constant 0 : i32
      %dma_start3A_71 = tpu.memref_slice %arg22[%add3A_67, %dma_start3A_70] : memref<10256x128xf32, #tpu.memory_space<vmem_shared>> -> memref<32x128xf32, #tpu.memory_space<vmem_shared>>
      tpu.enqueue_dma source(%arg17 : memref<32x128xf32, #tpu.memory_space<vmem>>) target(%dma_start3A_71 : memref<32x128xf32, #tpu.memory_space<vmem_shared>>) target_semaphore(%arg18 : memref<!tpu.dma_semaphore, #tpu.memory_space<semaphore_mem>>)
      %add3A_72 = arith.constant 192 : i32
      %add3A_73 = arith.addi %mul3A_25, %add3A_72 : i32
      %dma_start3A_74 = arith.constant 0 : i32
      %dma_start3A_75 = tpu.memref_slice %arg22[%add3A_73, %dma_start3A_74] : memref<10256x128xf32, #tpu.memory_space<vmem_shared>> -> memref<32x128xf32, #tpu.memory_space<vmem_shared>>
      %dma_start3A_76 = arith.constant 0 : i32
      %dma_start3A_77 = tpu.memref_slice %arg22[%add3A_73, %dma_start3A_76] : memref<10256x128xf32, #tpu.memory_space<vmem_shared>> -> memref<32x128xf32, #tpu.memory_space<vmem_shared>>
      tpu.enqueue_dma source(%arg17 : memref<32x128xf32, #tpu.memory_space<vmem>>) target(%dma_start3A_77 : memref<32x128xf32, #tpu.memory_space<vmem_shared>>) target_semaphore(%arg18 : memref<!tpu.dma_semaphore, #tpu.memory_space<semaphore_mem>>)
      %add3A_78 = arith.constant 224 : i32
      %add3A_79 = arith.addi %mul3A_25, %add3A_78 : i32
      %dma_start3A_80 = arith.constant 0 : i32
      %dma_start3A_81 = tpu.memref_slice %arg22[%add3A_79, %dma_start3A_80] : memref<10256x128xf32, #tpu.memory_space<vmem_shared>> -> memref<32x128xf32, #tpu.memory_space<vmem_shared>>
      %dma_start3A_82 = arith.constant 0 : i32
      %dma_start3A_83 = tpu.memref_slice %arg22[%add3A_79, %dma_start3A_82] : memref<10256x128xf32, #tpu.memory_space<vmem_shared>> -> memref<32x128xf32, #tpu.memory_space<vmem_shared>>
      tpu.enqueue_dma source(%arg17 : memref<32x128xf32, #tpu.memory_space<vmem>>) target(%dma_start3A_83 : memref<32x128xf32, #tpu.memory_space<vmem_shared>>) target_semaphore(%arg18 : memref<!tpu.dma_semaphore, #tpu.memory_space<semaphore_mem>>)
      %add3A_84 = arith.constant 256 : i32
      %add3A_85 = arith.addi %mul3A_25, %add3A_84 : i32
      %dma_start3A_86 = arith.constant 0 : i32
      %dma_start3A_87 = tpu.memref_slice %arg22[%add3A_85, %dma_start3A_86] : memref<10256x128xf32, #tpu.memory_space<vmem_shared>> -> memref<32x128xf32, #tpu.memory_space<vmem_shared>>
      %dma_start3A_88 = arith.constant 0 : i32
      %dma_start3A_89 = tpu.memref_slice %arg22[%add3A_85, %dma_start3A_88] : memref<10256x128xf32, #tpu.memory_space<vmem_shared>> -> memref<32x128xf32, #tpu.memory_space<vmem_shared>>
      tpu.enqueue_dma source(%arg17 : memref<32x128xf32, #tpu.memory_space<vmem>>) target(%dma_start3A_89 : memref<32x128xf32, #tpu.memory_space<vmem_shared>>) target_semaphore(%arg18 : memref<!tpu.dma_semaphore, #tpu.memory_space<semaphore_mem>>)
      %add3A_90 = arith.constant 288 : i32
      %add3A_91 = arith.addi %mul3A_25, %add3A_90 : i32
      %dma_start3A_92 = arith.constant 0 : i32
      %dma_start3A_93 = tpu.memref_slice %arg22[%add3A_91, %dma_start3A_92] : memref<10256x128xf32, #tpu.memory_space<vmem_shared>> -> memref<32x128xf32, #tpu.memory_space<vmem_shared>>
      %dma_start3A_94 = arith.constant 0 : i32
      %dma_start3A_95 = tpu.memref_slice %arg22[%add3A_91, %dma_start3A_94] : memref<10256x128xf32, #tpu.memory_space<vmem_shared>> -> memref<32x128xf32, #tpu.memory_space<vmem_shared>>
      tpu.enqueue_dma source(%arg17 : memref<32x128xf32, #tpu.memory_space<vmem>>) target(%dma_start3A_95 : memref<32x128xf32, #tpu.memory_space<vmem_shared>>) target_semaphore(%arg18 : memref<!tpu.dma_semaphore, #tpu.memory_space<semaphore_mem>>)
      %add3A_96 = arith.constant 320 : i32
      %add3A_97 = arith.addi %mul3A_25, %add3A_96 : i32
      %dma_start3A_98 = arith.constant 0 : i32
      %dma_start3A_99 = tpu.memref_slice %arg22[%add3A_97, %dma_start3A_98] : memref<10256x128xf32, #tpu.memory_space<vmem_shared>> -> memref<32x128xf32, #tpu.memory_space<vmem_shared>>
      %dma_start3A_100 = arith.constant 0 : i32
      %dma_start3A_101 = tpu.memref_slice %arg22[%add3A_97, %dma_start3A_100] : memref<10256x128xf32, #tpu.memory_space<vmem_shared>> -> memref<32x128xf32, #tpu.memory_space<vmem_shared>>
      tpu.enqueue_dma source(%arg17 : memref<32x128xf32, #tpu.memory_space<vmem>>) target(%dma_start3A_101 : memref<32x128xf32, #tpu.memory_space<vmem_shared>>) target_semaphore(%arg18 : memref<!tpu.dma_semaphore, #tpu.memory_space<semaphore_mem>>)
      %add3A_102 = arith.constant 352 : i32
      %add3A_103 = arith.addi %mul3A_25, %add3A_102 : i32
      %dma_start3A_104 = arith.constant 0 : i32
      %dma_start3A_105 = tpu.memref_slice %arg22[%add3A_103, %dma_start3A_104] : memref<10256x128xf32, #tpu.memory_space<vmem_shared>> -> memref<32x128xf32, #tpu.memory_space<vmem_shared>>
      %dma_start3A_106 = arith.constant 0 : i32
      %dma_start3A_107 = tpu.memref_slice %arg22[%add3A_103, %dma_start3A_106] : memref<10256x128xf32, #tpu.memory_space<vmem_shared>> -> memref<32x128xf32, #tpu.memory_space<vmem_shared>>
      tpu.enqueue_dma source(%arg17 : memref<32x128xf32, #tpu.memory_space<vmem>>) target(%dma_start3A_107 : memref<32x128xf32, #tpu.memory_space<vmem_shared>>) target_semaphore(%arg18 : memref<!tpu.dma_semaphore, #tpu.memory_space<semaphore_mem>>)
      %add3A_108 = arith.constant 384 : i32
      %add3A_109 = arith.addi %mul3A_25, %add3A_108 : i32
      %dma_start3A_110 = arith.constant 0 : i32
      %dma_start3A_111 = tpu.memref_slice %arg22[%add3A_109, %dma_start3A_110] : memref<10256x128xf32, #tpu.memory_space<vmem_shared>> -> memref<32x128xf32, #tpu.memory_space<vmem_shared>>
      %dma_start3A_112 = arith.constant 0 : i32
      %dma_start3A_113 = tpu.memref_slice %arg22[%add3A_109, %dma_start3A_112] : memref<10256x128xf32, #tpu.memory_space<vmem_shared>> -> memref<32x128xf32, #tpu.memory_space<vmem_shared>>
      tpu.enqueue_dma source(%arg17 : memref<32x128xf32, #tpu.memory_space<vmem>>) target(%dma_start3A_113 : memref<32x128xf32, #tpu.memory_space<vmem_shared>>) target_semaphore(%arg18 : memref<!tpu.dma_semaphore, #tpu.memory_space<semaphore_mem>>)
      %add3A_114 = arith.constant 416 : i32
      %add3A_115 = arith.addi %mul3A_25, %add3A_114 : i32
      %dma_start3A_116 = arith.constant 0 : i32
      %dma_start3A_117 = tpu.memref_slice %arg22[%add3A_115, %dma_start3A_116] : memref<10256x128xf32, #tpu.memory_space<vmem_shared>> -> memref<32x128xf32, #tpu.memory_space<vmem_shared>>
      %dma_start3A_118 = arith.constant 0 : i32
      %dma_start3A_119 = tpu.memref_slice %arg22[%add3A_115, %dma_start3A_118] : memref<10256x128xf32, #tpu.memory_space<vmem_shared>> -> memref<32x128xf32, #tpu.memory_space<vmem_shared>>
      tpu.enqueue_dma source(%arg17 : memref<32x128xf32, #tpu.memory_space<vmem>>) target(%dma_start3A_119 : memref<32x128xf32, #tpu.memory_space<vmem_shared>>) target_semaphore(%arg18 : memref<!tpu.dma_semaphore, #tpu.memory_space<semaphore_mem>>)
      %add3A_120 = arith.constant 448 : i32
      %add3A_121 = arith.addi %mul3A_25, %add3A_120 : i32
      %dma_start3A_122 = arith.constant 0 : i32
      %dma_start3A_123 = tpu.memref_slice %arg22[%add3A_121, %dma_start3A_122] : memref<10256x128xf32, #tpu.memory_space<vmem_shared>> -> memref<32x128xf32, #tpu.memory_space<vmem_shared>>
      %dma_start3A_124 = arith.constant 0 : i32
      %dma_start3A_125 = tpu.memref_slice %arg22[%add3A_121, %dma_start3A_124] : memref<10256x128xf32, #tpu.memory_space<vmem_shared>> -> memref<32x128xf32, #tpu.memory_space<vmem_shared>>
      tpu.enqueue_dma source(%arg17 : memref<32x128xf32, #tpu.memory_space<vmem>>) target(%dma_start3A_125 : memref<32x128xf32, #tpu.memory_space<vmem_shared>>) target_semaphore(%arg18 : memref<!tpu.dma_semaphore, #tpu.memory_space<semaphore_mem>>)
      %add3A_126 = arith.constant 480 : i32
      %add3A_127 = arith.addi %mul3A_25, %add3A_126 : i32
      %dma_start3A_128 = arith.constant 0 : i32
      %dma_start3A_129 = tpu.memref_slice %arg22[%add3A_127, %dma_start3A_128] : memref<10256x128xf32, #tpu.memory_space<vmem_shared>> -> memref<32x128xf32, #tpu.memory_space<vmem_shared>>
      %dma_start3A_130 = arith.constant 0 : i32
      %dma_start3A_131 = tpu.memref_slice %arg22[%add3A_127, %dma_start3A_130] : memref<10256x128xf32, #tpu.memory_space<vmem_shared>> -> memref<32x128xf32, #tpu.memory_space<vmem_shared>>
      tpu.enqueue_dma source(%arg17 : memref<32x128xf32, #tpu.memory_space<vmem>>) target(%dma_start3A_131 : memref<32x128xf32, #tpu.memory_space<vmem_shared>>) target_semaphore(%arg18 : memref<!tpu.dma_semaphore, #tpu.memory_space<semaphore_mem>>)
      %add3A_132 = arith.constant 512 : i32
      %add3A_133 = arith.addi %mul3A_25, %add3A_132 : i32
      %dma_start3A_134 = arith.constant 0 : i32
      %dma_start3A_135 = tpu.memref_slice %arg22[%add3A_133, %dma_start3A_134] : memref<10256x128xf32, #tpu.memory_space<vmem_shared>> -> memref<32x128xf32, #tpu.memory_space<vmem_shared>>
      %dma_start3A_136 = arith.constant 0 : i32
      %dma_start3A_137 = tpu.memref_slice %arg22[%add3A_133, %dma_start3A_136] : memref<10256x128xf32, #tpu.memory_space<vmem_shared>> -> memref<32x128xf32, #tpu.memory_space<vmem_shared>>
      tpu.enqueue_dma source(%arg17 : memref<32x128xf32, #tpu.memory_space<vmem>>) target(%dma_start3A_137 : memref<32x128xf32, #tpu.memory_space<vmem_shared>>) target_semaphore(%arg18 : memref<!tpu.dma_semaphore, #tpu.memory_space<semaphore_mem>>)
      %add3A_138 = arith.constant 544 : i32
      %add3A_139 = arith.addi %mul3A_25, %add3A_138 : i32
      %dma_start3A_140 = arith.constant 0 : i32
      %dma_start3A_141 = tpu.memref_slice %arg22[%add3A_139, %dma_start3A_140] : memref<10256x128xf32, #tpu.memory_space<vmem_shared>> -> memref<32x128xf32, #tpu.memory_space<vmem_shared>>
      %dma_start3A_142 = arith.constant 0 : i32
      %dma_start3A_143 = tpu.memref_slice %arg22[%add3A_139, %dma_start3A_142] : memref<10256x128xf32, #tpu.memory_space<vmem_shared>> -> memref<32x128xf32, #tpu.memory_space<vmem_shared>>
      tpu.enqueue_dma source(%arg17 : memref<32x128xf32, #tpu.memory_space<vmem>>) target(%dma_start3A_143 : memref<32x128xf32, #tpu.memory_space<vmem_shared>>) target_semaphore(%arg18 : memref<!tpu.dma_semaphore, #tpu.memory_space<semaphore_mem>>)
      %add3A_144 = arith.constant 576 : i32
      %add3A_145 = arith.addi %mul3A_25, %add3A_144 : i32
      %dma_start3A_146 = arith.constant 0 : i32
      %dma_start3A_147 = tpu.memref_slice %arg22[%add3A_145, %dma_start3A_146] : memref<10256x128xf32, #tpu.memory_space<vmem_shared>> -> memref<32x128xf32, #tpu.memory_space<vmem_shared>>
      %dma_start3A_148 = arith.constant 0 : i32
      %dma_start3A_149 = tpu.memref_slice %arg22[%add3A_145, %dma_start3A_148] : memref<10256x128xf32, #tpu.memory_space<vmem_shared>> -> memref<32x128xf32, #tpu.memory_space<vmem_shared>>
      tpu.enqueue_dma source(%arg17 : memref<32x128xf32, #tpu.memory_space<vmem>>) target(%dma_start3A_149 : memref<32x128xf32, #tpu.memory_space<vmem_shared>>) target_semaphore(%arg18 : memref<!tpu.dma_semaphore, #tpu.memory_space<semaphore_mem>>)
      %add3A_150 = arith.constant 608 : i32
      %add3A_151 = arith.addi %mul3A_25, %add3A_150 : i32
      %dma_start3A_152 = arith.constant 0 : i32
      %dma_start3A_153 = tpu.memref_slice %arg22[%add3A_151, %dma_start3A_152] : memref<10256x128xf32, #tpu.memory_space<vmem_shared>> -> memref<32x128xf32, #tpu.memory_space<vmem_shared>>
      %dma_start3A_154 = arith.constant 0 : i32
      %dma_start3A_155 = tpu.memref_slice %arg22[%add3A_151, %dma_start3A_154] : memref<10256x128xf32, #tpu.memory_space<vmem_shared>> -> memref<32x128xf32, #tpu.memory_space<vmem_shared>>
      tpu.enqueue_dma source(%arg17 : memref<32x128xf32, #tpu.memory_space<vmem>>) target(%dma_start3A_155 : memref<32x128xf32, #tpu.memory_space<vmem_shared>>) target_semaphore(%arg18 : memref<!tpu.dma_semaphore, #tpu.memory_space<semaphore_mem>>)
      %dma_start3A_156 = tpu.memref_slice %arg23[%mul3A_25] : memref<10256xf32, #tpu.memory_space<vmem_shared>> -> memref<640xf32, #tpu.memory_space<vmem_shared>>
      %dma_start3A_157 = tpu.memref_slice %arg23[%mul3A_25] : memref<10256xf32, #tpu.memory_space<vmem_shared>> -> memref<640xf32, #tpu.memory_space<vmem_shared>>
      tpu.enqueue_dma source(%arg15 : memref<640xf32, #tpu.memory_space<vmem>>) target(%dma_start3A_157 : memref<640xf32, #tpu.memory_space<vmem_shared>>) target_semaphore(%arg19 : memref<!tpu.dma_semaphore, #tpu.memory_space<semaphore_mem>>)
      %add3A_158 = arith.constant 0 : i32
      %add3A_159 = arith.addi %mul3A_25, %add3A_158 : i32
      %dma_wait3A = arith.constant 0 : i32
      %dma_wait3A_160 = tpu.memref_slice %arg22[%add3A_159, %dma_wait3A] : memref<10256x128xf32, #tpu.memory_space<vmem_shared>> -> memref<32x128xf32, #tpu.memory_space<vmem_shared>>
      %dma_wait3A_161 = arith.constant 0 : i32
      %dma_wait3A_162 = tpu.memref_slice %arg22[%add3A_159, %dma_wait3A_161] : memref<10256x128xf32, #tpu.memory_space<vmem_shared>> -> memref<32x128xf32, #tpu.memory_space<vmem_shared>>
      tpu.wait_dma2 semaphore(%arg18 : memref<!tpu.dma_semaphore, #tpu.memory_space<semaphore_mem>>) src(%arg17 : memref<32x128xf32, #tpu.memory_space<vmem>>) dst(%dma_wait3A_162 : memref<32x128xf32, #tpu.memory_space<vmem_shared>>)
      %add3A_163 = arith.constant 32 : i32
      %add3A_164 = arith.addi %mul3A_25, %add3A_163 : i32
      %dma_wait3A_165 = arith.constant 0 : i32
      %dma_wait3A_166 = tpu.memref_slice %arg22[%add3A_164, %dma_wait3A_165] : memref<10256x128xf32, #tpu.memory_space<vmem_shared>> -> memref<32x128xf32, #tpu.memory_space<vmem_shared>>
      %dma_wait3A_167 = arith.constant 0 : i32
      %dma_wait3A_168 = tpu.memref_slice %arg22[%add3A_164, %dma_wait3A_167] : memref<10256x128xf32, #tpu.memory_space<vmem_shared>> -> memref<32x128xf32, #tpu.memory_space<vmem_shared>>
      tpu.wait_dma2 semaphore(%arg18 : memref<!tpu.dma_semaphore, #tpu.memory_space<semaphore_mem>>) src(%arg17 : memref<32x128xf32, #tpu.memory_space<vmem>>) dst(%dma_wait3A_168 : memref<32x128xf32, #tpu.memory_space<vmem_shared>>)
      %add3A_169 = arith.constant 64 : i32
      %add3A_170 = arith.addi %mul3A_25, %add3A_169 : i32
      %dma_wait3A_171 = arith.constant 0 : i32
      %dma_wait3A_172 = tpu.memref_slice %arg22[%add3A_170, %dma_wait3A_171] : memref<10256x128xf32, #tpu.memory_space<vmem_shared>> -> memref<32x128xf32, #tpu.memory_space<vmem_shared>>
      %dma_wait3A_173 = arith.constant 0 : i32
      %dma_wait3A_174 = tpu.memref_slice %arg22[%add3A_170, %dma_wait3A_173] : memref<10256x128xf32, #tpu.memory_space<vmem_shared>> -> memref<32x128xf32, #tpu.memory_space<vmem_shared>>
      tpu.wait_dma2 semaphore(%arg18 : memref<!tpu.dma_semaphore, #tpu.memory_space<semaphore_mem>>) src(%arg17 : memref<32x128xf32, #tpu.memory_space<vmem>>) dst(%dma_wait3A_174 : memref<32x128xf32, #tpu.memory_space<vmem_shared>>)
      %add3A_175 = arith.constant 96 : i32
      %add3A_176 = arith.addi %mul3A_25, %add3A_175 : i32
      %dma_wait3A_177 = arith.constant 0 : i32
      %dma_wait3A_178 = tpu.memref_slice %arg22[%add3A_176, %dma_wait3A_177] : memref<10256x128xf32, #tpu.memory_space<vmem_shared>> -> memref<32x128xf32, #tpu.memory_space<vmem_shared>>
      %dma_wait3A_179 = arith.constant 0 : i32
      %dma_wait3A_180 = tpu.memref_slice %arg22[%add3A_176, %dma_wait3A_179] : memref<10256x128xf32, #tpu.memory_space<vmem_shared>> -> memref<32x128xf32, #tpu.memory_space<vmem_shared>>
      tpu.wait_dma2 semaphore(%arg18 : memref<!tpu.dma_semaphore, #tpu.memory_space<semaphore_mem>>) src(%arg17 : memref<32x128xf32, #tpu.memory_space<vmem>>) dst(%dma_wait3A_180 : memref<32x128xf32, #tpu.memory_space<vmem_shared>>)
      %add3A_181 = arith.constant 128 : i32
      %add3A_182 = arith.addi %mul3A_25, %add3A_181 : i32
      %dma_wait3A_183 = arith.constant 0 : i32
      %dma_wait3A_184 = tpu.memref_slice %arg22[%add3A_182, %dma_wait3A_183] : memref<10256x128xf32, #tpu.memory_space<vmem_shared>> -> memref<32x128xf32, #tpu.memory_space<vmem_shared>>
      %dma_wait3A_185 = arith.constant 0 : i32
      %dma_wait3A_186 = tpu.memref_slice %arg22[%add3A_182, %dma_wait3A_185] : memref<10256x128xf32, #tpu.memory_space<vmem_shared>> -> memref<32x128xf32, #tpu.memory_space<vmem_shared>>
      tpu.wait_dma2 semaphore(%arg18 : memref<!tpu.dma_semaphore, #tpu.memory_space<semaphore_mem>>) src(%arg17 : memref<32x128xf32, #tpu.memory_space<vmem>>) dst(%dma_wait3A_186 : memref<32x128xf32, #tpu.memory_space<vmem_shared>>)
      %add3A_187 = arith.constant 160 : i32
      %add3A_188 = arith.addi %mul3A_25, %add3A_187 : i32
      %dma_wait3A_189 = arith.constant 0 : i32
      %dma_wait3A_190 = tpu.memref_slice %arg22[%add3A_188, %dma_wait3A_189] : memref<10256x128xf32, #tpu.memory_space<vmem_shared>> -> memref<32x128xf32, #tpu.memory_space<vmem_shared>>
      %dma_wait3A_191 = arith.constant 0 : i32
      %dma_wait3A_192 = tpu.memref_slice %arg22[%add3A_188, %dma_wait3A_191] : memref<10256x128xf32, #tpu.memory_space<vmem_shared>> -> memref<32x128xf32, #tpu.memory_space<vmem_shared>>
      tpu.wait_dma2 semaphore(%arg18 : memref<!tpu.dma_semaphore, #tpu.memory_space<semaphore_mem>>) src(%arg17 : memref<32x128xf32, #tpu.memory_space<vmem>>) dst(%dma_wait3A_192 : memref<32x128xf32, #tpu.memory_space<vmem_shared>>)
      %add3A_193 = arith.constant 192 : i32
      %add3A_194 = arith.addi %mul3A_25, %add3A_193 : i32
      %dma_wait3A_195 = arith.constant 0 : i32
      %dma_wait3A_196 = tpu.memref_slice %arg22[%add3A_194, %dma_wait3A_195] : memref<10256x128xf32, #tpu.memory_space<vmem_shared>> -> memref<32x128xf32, #tpu.memory_space<vmem_shared>>
      %dma_wait3A_197 = arith.constant 0 : i32
      %dma_wait3A_198 = tpu.memref_slice %arg22[%add3A_194, %dma_wait3A_197] : memref<10256x128xf32, #tpu.memory_space<vmem_shared>> -> memref<32x128xf32, #tpu.memory_space<vmem_shared>>
      tpu.wait_dma2 semaphore(%arg18 : memref<!tpu.dma_semaphore, #tpu.memory_space<semaphore_mem>>) src(%arg17 : memref<32x128xf32, #tpu.memory_space<vmem>>) dst(%dma_wait3A_198 : memref<32x128xf32, #tpu.memory_space<vmem_shared>>)
      %add3A_199 = arith.constant 224 : i32
      %add3A_200 = arith.addi %mul3A_25, %add3A_199 : i32
      %dma_wait3A_201 = arith.constant 0 : i32
      %dma_wait3A_202 = tpu.memref_slice %arg22[%add3A_200, %dma_wait3A_201] : memref<10256x128xf32, #tpu.memory_space<vmem_shared>> -> memref<32x128xf32, #tpu.memory_space<vmem_shared>>
      %dma_wait3A_203 = arith.constant 0 : i32
      %dma_wait3A_204 = tpu.memref_slice %arg22[%add3A_200, %dma_wait3A_203] : memref<10256x128xf32, #tpu.memory_space<vmem_shared>> -> memref<32x128xf32, #tpu.memory_space<vmem_shared>>
      tpu.wait_dma2 semaphore(%arg18 : memref<!tpu.dma_semaphore, #tpu.memory_space<semaphore_mem>>) src(%arg17 : memref<32x128xf32, #tpu.memory_space<vmem>>) dst(%dma_wait3A_204 : memref<32x128xf32, #tpu.memory_space<vmem_shared>>)
      %add3A_205 = arith.constant 256 : i32
      %add3A_206 = arith.addi %mul3A_25, %add3A_205 : i32
      %dma_wait3A_207 = arith.constant 0 : i32
      %dma_wait3A_208 = tpu.memref_slice %arg22[%add3A_206, %dma_wait3A_207] : memref<10256x128xf32, #tpu.memory_space<vmem_shared>> -> memref<32x128xf32, #tpu.memory_space<vmem_shared>>
      %dma_wait3A_209 = arith.constant 0 : i32
      %dma_wait3A_210 = tpu.memref_slice %arg22[%add3A_206, %dma_wait3A_209] : memref<10256x128xf32, #tpu.memory_space<vmem_shared>> -> memref<32x128xf32, #tpu.memory_space<vmem_shared>>
      tpu.wait_dma2 semaphore(%arg18 : memref<!tpu.dma_semaphore, #tpu.memory_space<semaphore_mem>>) src(%arg17 : memref<32x128xf32, #tpu.memory_space<vmem>>) dst(%dma_wait3A_210 : memref<32x128xf32, #tpu.memory_space<vmem_shared>>)
      %add3A_211 = arith.constant 288 : i32
      %add3A_212 = arith.addi %mul3A_25, %add3A_211 : i32
      %dma_wait3A_213 = arith.constant 0 : i32
      %dma_wait3A_214 = tpu.memref_slice %arg22[%add3A_212, %dma_wait3A_213] : memref<10256x128xf32, #tpu.memory_space<vmem_shared>> -> memref<32x128xf32, #tpu.memory_space<vmem_shared>>
      %dma_wait3A_215 = arith.constant 0 : i32
      %dma_wait3A_216 = tpu.memref_slice %arg22[%add3A_212, %dma_wait3A_215] : memref<10256x128xf32, #tpu.memory_space<vmem_shared>> -> memref<32x128xf32, #tpu.memory_space<vmem_shared>>
      tpu.wait_dma2 semaphore(%arg18 : memref<!tpu.dma_semaphore, #tpu.memory_space<semaphore_mem>>) src(%arg17 : memref<32x128xf32, #tpu.memory_space<vmem>>) dst(%dma_wait3A_216 : memref<32x128xf32, #tpu.memory_space<vmem_shared>>)
      %add3A_217 = arith.constant 320 : i32
      %add3A_218 = arith.addi %mul3A_25, %add3A_217 : i32
      %dma_wait3A_219 = arith.constant 0 : i32
      %dma_wait3A_220 = tpu.memref_slice %arg22[%add3A_218, %dma_wait3A_219] : memref<10256x128xf32, #tpu.memory_space<vmem_shared>> -> memref<32x128xf32, #tpu.memory_space<vmem_shared>>
      %dma_wait3A_221 = arith.constant 0 : i32
      %dma_wait3A_222 = tpu.memref_slice %arg22[%add3A_218, %dma_wait3A_221] : memref<10256x128xf32, #tpu.memory_space<vmem_shared>> -> memref<32x128xf32, #tpu.memory_space<vmem_shared>>
      tpu.wait_dma2 semaphore(%arg18 : memref<!tpu.dma_semaphore, #tpu.memory_space<semaphore_mem>>) src(%arg17 : memref<32x128xf32, #tpu.memory_space<vmem>>) dst(%dma_wait3A_222 : memref<32x128xf32, #tpu.memory_space<vmem_shared>>)
      %add3A_223 = arith.constant 352 : i32
      %add3A_224 = arith.addi %mul3A_25, %add3A_223 : i32
      %dma_wait3A_225 = arith.constant 0 : i32
      %dma_wait3A_226 = tpu.memref_slice %arg22[%add3A_224, %dma_wait3A_225] : memref<10256x128xf32, #tpu.memory_space<vmem_shared>> -> memref<32x128xf32, #tpu.memory_space<vmem_shared>>
      %dma_wait3A_227 = arith.constant 0 : i32
      %dma_wait3A_228 = tpu.memref_slice %arg22[%add3A_224, %dma_wait3A_227] : memref<10256x128xf32, #tpu.memory_space<vmem_shared>> -> memref<32x128xf32, #tpu.memory_space<vmem_shared>>
      tpu.wait_dma2 semaphore(%arg18 : memref<!tpu.dma_semaphore, #tpu.memory_space<semaphore_mem>>) src(%arg17 : memref<32x128xf32, #tpu.memory_space<vmem>>) dst(%dma_wait3A_228 : memref<32x128xf32, #tpu.memory_space<vmem_shared>>)
      %add3A_229 = arith.constant 384 : i32
      %add3A_230 = arith.addi %mul3A_25, %add3A_229 : i32
      %dma_wait3A_231 = arith.constant 0 : i32
      %dma_wait3A_232 = tpu.memref_slice %arg22[%add3A_230, %dma_wait3A_231] : memref<10256x128xf32, #tpu.memory_space<vmem_shared>> -> memref<32x128xf32, #tpu.memory_space<vmem_shared>>
      %dma_wait3A_233 = arith.constant 0 : i32
      %dma_wait3A_234 = tpu.memref_slice %arg22[%add3A_230, %dma_wait3A_233] : memref<10256x128xf32, #tpu.memory_space<vmem_shared>> -> memref<32x128xf32, #tpu.memory_space<vmem_shared>>
      tpu.wait_dma2 semaphore(%arg18 : memref<!tpu.dma_semaphore, #tpu.memory_space<semaphore_mem>>) src(%arg17 : memref<32x128xf32, #tpu.memory_space<vmem>>) dst(%dma_wait3A_234 : memref<32x128xf32, #tpu.memory_space<vmem_shared>>)
      %add3A_235 = arith.constant 416 : i32
      %add3A_236 = arith.addi %mul3A_25, %add3A_235 : i32
      %dma_wait3A_237 = arith.constant 0 : i32
      %dma_wait3A_238 = tpu.memref_slice %arg22[%add3A_236, %dma_wait3A_237] : memref<10256x128xf32, #tpu.memory_space<vmem_shared>> -> memref<32x128xf32, #tpu.memory_space<vmem_shared>>
      %dma_wait3A_239 = arith.constant 0 : i32
      %dma_wait3A_240 = tpu.memref_slice %arg22[%add3A_236, %dma_wait3A_239] : memref<10256x128xf32, #tpu.memory_space<vmem_shared>> -> memref<32x128xf32, #tpu.memory_space<vmem_shared>>
      tpu.wait_dma2 semaphore(%arg18 : memref<!tpu.dma_semaphore, #tpu.memory_space<semaphore_mem>>) src(%arg17 : memref<32x128xf32, #tpu.memory_space<vmem>>) dst(%dma_wait3A_240 : memref<32x128xf32, #tpu.memory_space<vmem_shared>>)
      %add3A_241 = arith.constant 448 : i32
      %add3A_242 = arith.addi %mul3A_25, %add3A_241 : i32
      %dma_wait3A_243 = arith.constant 0 : i32
      %dma_wait3A_244 = tpu.memref_slice %arg22[%add3A_242, %dma_wait3A_243] : memref<10256x128xf32, #tpu.memory_space<vmem_shared>> -> memref<32x128xf32, #tpu.memory_space<vmem_shared>>
      %dma_wait3A_245 = arith.constant 0 : i32
      %dma_wait3A_246 = tpu.memref_slice %arg22[%add3A_242, %dma_wait3A_245] : memref<10256x128xf32, #tpu.memory_space<vmem_shared>> -> memref<32x128xf32, #tpu.memory_space<vmem_shared>>
      tpu.wait_dma2 semaphore(%arg18 : memref<!tpu.dma_semaphore, #tpu.memory_space<semaphore_mem>>) src(%arg17 : memref<32x128xf32, #tpu.memory_space<vmem>>) dst(%dma_wait3A_246 : memref<32x128xf32, #tpu.memory_space<vmem_shared>>)
      %add3A_247 = arith.constant 480 : i32
      %add3A_248 = arith.addi %mul3A_25, %add3A_247 : i32
      %dma_wait3A_249 = arith.constant 0 : i32
      %dma_wait3A_250 = tpu.memref_slice %arg22[%add3A_248, %dma_wait3A_249] : memref<10256x128xf32, #tpu.memory_space<vmem_shared>> -> memref<32x128xf32, #tpu.memory_space<vmem_shared>>
      %dma_wait3A_251 = arith.constant 0 : i32
      %dma_wait3A_252 = tpu.memref_slice %arg22[%add3A_248, %dma_wait3A_251] : memref<10256x128xf32, #tpu.memory_space<vmem_shared>> -> memref<32x128xf32, #tpu.memory_space<vmem_shared>>
      tpu.wait_dma2 semaphore(%arg18 : memref<!tpu.dma_semaphore, #tpu.memory_space<semaphore_mem>>) src(%arg17 : memref<32x128xf32, #tpu.memory_space<vmem>>) dst(%dma_wait3A_252 : memref<32x128xf32, #tpu.memory_space<vmem_shared>>)
      %add3A_253 = arith.constant 512 : i32
      %add3A_254 = arith.addi %mul3A_25, %add3A_253 : i32
      %dma_wait3A_255 = arith.constant 0 : i32
      %dma_wait3A_256 = tpu.memref_slice %arg22[%add3A_254, %dma_wait3A_255] : memref<10256x128xf32, #tpu.memory_space<vmem_shared>> -> memref<32x128xf32, #tpu.memory_space<vmem_shared>>
      %dma_wait3A_257 = arith.constant 0 : i32
      %dma_wait3A_258 = tpu.memref_slice %arg22[%add3A_254, %dma_wait3A_257] : memref<10256x128xf32, #tpu.memory_space<vmem_shared>> -> memref<32x128xf32, #tpu.memory_space<vmem_shared>>
      tpu.wait_dma2 semaphore(%arg18 : memref<!tpu.dma_semaphore, #tpu.memory_space<semaphore_mem>>) src(%arg17 : memref<32x128xf32, #tpu.memory_space<vmem>>) dst(%dma_wait3A_258 : memref<32x128xf32, #tpu.memory_space<vmem_shared>>)
      %add3A_259 = arith.constant 544 : i32
      %add3A_260 = arith.addi %mul3A_25, %add3A_259 : i32
      %dma_wait3A_261 = arith.constant 0 : i32
      %dma_wait3A_262 = tpu.memref_slice %arg22[%add3A_260, %dma_wait3A_261] : memref<10256x128xf32, #tpu.memory_space<vmem_shared>> -> memref<32x128xf32, #tpu.memory_space<vmem_shared>>
      %dma_wait3A_263 = arith.constant 0 : i32
      %dma_wait3A_264 = tpu.memref_slice %arg22[%add3A_260, %dma_wait3A_263] : memref<10256x128xf32, #tpu.memory_space<vmem_shared>> -> memref<32x128xf32, #tpu.memory_space<vmem_shared>>
      tpu.wait_dma2 semaphore(%arg18 : memref<!tpu.dma_semaphore, #tpu.memory_space<semaphore_mem>>) src(%arg17 : memref<32x128xf32, #tpu.memory_space<vmem>>) dst(%dma_wait3A_264 : memref<32x128xf32, #tpu.memory_space<vmem_shared>>)
      %add3A_265 = arith.constant 576 : i32
      %add3A_266 = arith.addi %mul3A_25, %add3A_265 : i32
      %dma_wait3A_267 = arith.constant 0 : i32
      %dma_wait3A_268 = tpu.memref_slice %arg22[%add3A_266, %dma_wait3A_267] : memref<10256x128xf32, #tpu.memory_space<vmem_shared>> -> memref<32x128xf32, #tpu.memory_space<vmem_shared>>
      %dma_wait3A_269 = arith.constant 0 : i32
      %dma_wait3A_270 = tpu.memref_slice %arg22[%add3A_266, %dma_wait3A_269] : memref<10256x128xf32, #tpu.memory_space<vmem_shared>> -> memref<32x128xf32, #tpu.memory_space<vmem_shared>>
      tpu.wait_dma2 semaphore(%arg18 : memref<!tpu.dma_semaphore, #tpu.memory_space<semaphore_mem>>) src(%arg17 : memref<32x128xf32, #tpu.memory_space<vmem>>) dst(%dma_wait3A_270 : memref<32x128xf32, #tpu.memory_space<vmem_shared>>)
      %add3A_271 = arith.constant 608 : i32
      %add3A_272 = arith.addi %mul3A_25, %add3A_271 : i32
      %dma_wait3A_273 = arith.constant 0 : i32
      %dma_wait3A_274 = tpu.memref_slice %arg22[%add3A_272, %dma_wait3A_273] : memref<10256x128xf32, #tpu.memory_space<vmem_shared>> -> memref<32x128xf32, #tpu.memory_space<vmem_shared>>
      %dma_wait3A_275 = arith.constant 0 : i32
      %dma_wait3A_276 = tpu.memref_slice %arg22[%add3A_272, %dma_wait3A_275] : memref<10256x128xf32, #tpu.memory_space<vmem_shared>> -> memref<32x128xf32, #tpu.memory_space<vmem_shared>>
      tpu.wait_dma2 semaphore(%arg18 : memref<!tpu.dma_semaphore, #tpu.memory_space<semaphore_mem>>) src(%arg17 : memref<32x128xf32, #tpu.memory_space<vmem>>) dst(%dma_wait3A_276 : memref<32x128xf32, #tpu.memory_space<vmem_shared>>)
      %dma_wait3A_277 = tpu.memref_slice %arg23[%mul3A_25] : memref<10256xf32, #tpu.memory_space<vmem_shared>> -> memref<640xf32, #tpu.memory_space<vmem_shared>>
      %dma_wait3A_278 = tpu.memref_slice %arg23[%mul3A_25] : memref<10256xf32, #tpu.memory_space<vmem_shared>> -> memref<640xf32, #tpu.memory_space<vmem_shared>>
      tpu.wait_dma2 semaphore(%arg19 : memref<!tpu.dma_semaphore, #tpu.memory_space<semaphore_mem>>) src(%arg15 : memref<640xf32, #tpu.memory_space<vmem>>) dst(%dma_wait3A_278 : memref<640xf32, #tpu.memory_space<vmem_shared>>)
      %eq3A = arith.constant 0 : i32
      %eq3A_279 = arith.cmpi eq, %arg1, %eq3A : i32
      %convert_element_type3A = arith.extui %eq3A_279 : i1 to i32
      %cond3A = arith.constant 0 : i32
      %cond3A_280 = arith.cmpi ne, %convert_element_type3A, %cond3A : i32
      scf.if %cond3A_280 {
        "tpu.region"() ({
          %run_scoped3A = tpu.sem_alloc : memref<!tpu.dma_semaphore, #tpu.memory_space<semaphore_mem>>
          %dma_start3A_477 = arith.constant 0 : i32
          %dma_start3A_478 = arith.constant 0 : i32
          %dma_start3A_479 = tpu.memref_slice %arg17[%dma_start3A_477, %dma_start3A_478] : memref<32x128xf32, #tpu.memory_space<vmem>> -> memref<16x128xf32, #tpu.memory_space<vmem>>
          %dma_start3A_480 = arith.constant 10240 : i32
          %dma_start3A_481 = arith.constant 0 : i32
          %dma_start3A_482 = tpu.memref_slice %arg22[%dma_start3A_480, %dma_start3A_481] : memref<10256x128xf32, #tpu.memory_space<vmem_shared>> -> memref<16x128xf32, #tpu.memory_space<vmem_shared>>
          %dma_start3A_483 = arith.constant 10240 : i32
          %dma_start3A_484 = arith.constant 0 : i32
          %dma_start3A_485 = tpu.memref_slice %arg22[%dma_start3A_483, %dma_start3A_484] : memref<10256x128xf32, #tpu.memory_space<vmem_shared>> -> memref<16x128xf32, #tpu.memory_space<vmem_shared>>
          %dma_start3A_486 = arith.constant 0 : i32
          %dma_start3A_487 = arith.constant 0 : i32
          %dma_start3A_488 = tpu.memref_slice %arg17[%dma_start3A_486, %dma_start3A_487] : memref<32x128xf32, #tpu.memory_space<vmem>> -> memref<16x128xf32, #tpu.memory_space<vmem>>
          tpu.enqueue_dma source(%dma_start3A_488 : memref<16x128xf32, #tpu.memory_space<vmem>>) target(%dma_start3A_485 : memref<16x128xf32, #tpu.memory_space<vmem_shared>>) target_semaphore(%run_scoped3A : memref<!tpu.dma_semaphore, #tpu.memory_space<semaphore_mem>>)
          %dma_wait3A_489 = arith.constant 0 : i32
          %dma_wait3A_490 = arith.constant 0 : i32
          %dma_wait3A_491 = tpu.memref_slice %arg17[%dma_wait3A_489, %dma_wait3A_490] : memref<32x128xf32, #tpu.memory_space<vmem>> -> memref<16x128xf32, #tpu.memory_space<vmem>>
          %dma_wait3A_492 = arith.constant 10240 : i32
          %dma_wait3A_493 = arith.constant 0 : i32
          %dma_wait3A_494 = tpu.memref_slice %arg22[%dma_wait3A_492, %dma_wait3A_493] : memref<10256x128xf32, #tpu.memory_space<vmem_shared>> -> memref<16x128xf32, #tpu.memory_space<vmem_shared>>
          %dma_wait3A_495 = arith.constant 10240 : i32
          %dma_wait3A_496 = arith.constant 0 : i32
          %dma_wait3A_497 = tpu.memref_slice %arg22[%dma_wait3A_495, %dma_wait3A_496] : memref<10256x128xf32, #tpu.memory_space<vmem_shared>> -> memref<16x128xf32, #tpu.memory_space<vmem_shared>>
          %dma_wait3A_498 = arith.constant 0 : i32
          %dma_wait3A_499 = arith.constant 0 : i32
          %dma_wait3A_500 = tpu.memref_slice %arg17[%dma_wait3A_498, %dma_wait3A_499] : memref<32x128xf32, #tpu.memory_space<vmem>> -> memref<16x128xf32, #tpu.memory_space<vmem>>
          tpu.wait_dma2 semaphore(%run_scoped3A : memref<!tpu.dma_semaphore, #tpu.memory_space<semaphore_mem>>) src(%dma_wait3A_500 : memref<16x128xf32, #tpu.memory_space<vmem>>) dst(%dma_wait3A_497 : memref<16x128xf32, #tpu.memory_space<vmem_shared>>)
          tpu.yield
        }) : () -> ()
        "tpu.region"() ({
          %run_scoped3A = tpu.sem_alloc : memref<!tpu.dma_semaphore, #tpu.memory_space<semaphore_mem>>
          %dma_start3A_477 = arith.constant 0 : i32
          %dma_start3A_478 = tpu.memref_slice %arg15[%dma_start3A_477] : memref<640xf32, #tpu.memory_space<vmem>> -> memref<16xf32, #tpu.memory_space<vmem>>
          %dma_start3A_479 = arith.constant 10240 : i32
          %dma_start3A_480 = tpu.memref_slice %arg23[%dma_start3A_479] : memref<10256xf32, #tpu.memory_space<vmem_shared>> -> memref<16xf32, #tpu.memory_space<vmem_shared>>
          %dma_start3A_481 = arith.constant 10240 : i32
          %dma_start3A_482 = tpu.memref_slice %arg23[%dma_start3A_481] : memref<10256xf32, #tpu.memory_space<vmem_shared>> -> memref<16xf32, #tpu.memory_space<vmem_shared>>
          %dma_start3A_483 = arith.constant 0 : i32
          %dma_start3A_484 = tpu.memref_slice %arg15[%dma_start3A_483] : memref<640xf32, #tpu.memory_space<vmem>> -> memref<16xf32, #tpu.memory_space<vmem>>
          tpu.enqueue_dma source(%dma_start3A_484 : memref<16xf32, #tpu.memory_space<vmem>>) target(%dma_start3A_482 : memref<16xf32, #tpu.memory_space<vmem_shared>>) target_semaphore(%run_scoped3A : memref<!tpu.dma_semaphore, #tpu.memory_space<semaphore_mem>>)
          %dma_wait3A_485 = arith.constant 0 : i32
          %dma_wait3A_486 = tpu.memref_slice %arg15[%dma_wait3A_485] : memref<640xf32, #tpu.memory_space<vmem>> -> memref<16xf32, #tpu.memory_space<vmem>>
          %dma_wait3A_487 = arith.constant 10240 : i32
          %dma_wait3A_488 = tpu.memref_slice %arg23[%dma_wait3A_487] : memref<10256xf32, #tpu.memory_space<vmem_shared>> -> memref<16xf32, #tpu.memory_space<vmem_shared>>
          %dma_wait3A_489 = arith.constant 10240 : i32
          %dma_wait3A_490 = tpu.memref_slice %arg23[%dma_wait3A_489] : memref<10256xf32, #tpu.memory_space<vmem_shared>> -> memref<16xf32, #tpu.memory_space<vmem_shared>>
          %dma_wait3A_491 = arith.constant 0 : i32
          %dma_wait3A_492 = tpu.memref_slice %arg15[%dma_wait3A_491] : memref<640xf32, #tpu.memory_space<vmem>> -> memref<16xf32, #tpu.memory_space<vmem>>
          tpu.wait_dma2 semaphore(%run_scoped3A : memref<!tpu.dma_semaphore, #tpu.memory_space<semaphore_mem>>) src(%dma_wait3A_492 : memref<16xf32, #tpu.memory_space<vmem>>) dst(%dma_wait3A_490 : memref<16xf32, #tpu.memory_space<vmem_shared>>)
          tpu.yield
        }) : () -> ()
      } else {
      }
      %barrier3A = arith.constant 0 : index
      tpu.barrier barrier_id(%barrier3A)
      %scan3A_281 = arith.constant 0 : i32
      %scan3A_282 = arith.constant 0 : i32
      %scan3A_283 = arith.constant 8 : i32
      %scan3A_284 = arith.addi %scan3A_282, %scan3A_283 : i32
      %scan3A_285 = arith.constant 1 : i32
      scf.for %scan3A_477 = %scan3A_282 to %scan3A_284 step %scan3A_285  : i32 {
        %mul3A_478 = arith.constant 37504 : i32
        %mul3A_479 = arith.muli %arg1, %mul3A_478 : i32
        %mul3A_480 = arith.constant 4688 : i32
        %mul3A_481 = arith.muli %scan3A_477, %mul3A_480 : i32
        %add3A_482 = arith.addi %mul3A_479, %mul3A_481 : i32
        %dma_start3A_483 = tpu.memref_slice %arg3[%add3A_482] : memref<600064xi32, #tpu.memory_space<hbm>> -> memref<4688xi32, #tpu.memory_space<hbm>>
        %dma_start3A_484 = tpu.memref_slice %arg3[%add3A_482] : memref<600064xi32, #tpu.memory_space<hbm>> -> memref<4688xi32, #tpu.memory_space<hbm>>
        tpu.enqueue_dma source(%dma_start3A_484 : memref<4688xi32, #tpu.memory_space<hbm>>) target(%arg6 : memref<4688xi32, #tpu.memory_space<vmem>>) target_semaphore(%arg18 : memref<!tpu.dma_semaphore, #tpu.memory_space<semaphore_mem>>)
        %dma_start3A_485 = tpu.memref_slice %arg4[%add3A_482] : memref<600064xi32, #tpu.memory_space<hbm>> -> memref<4688xi32, #tpu.memory_space<hbm>>
        %dma_start3A_486 = tpu.memref_slice %arg4[%add3A_482] : memref<600064xi32, #tpu.memory_space<hbm>> -> memref<4688xi32, #tpu.memory_space<hbm>>
        tpu.enqueue_dma source(%dma_start3A_486 : memref<4688xi32, #tpu.memory_space<hbm>>) target(%arg7 : memref<4688xi32, #tpu.memory_space<vmem>>) target_semaphore(%arg19 : memref<!tpu.dma_semaphore, #tpu.memory_space<semaphore_mem>>)
        %dma_wait3A_487 = tpu.memref_slice %arg3[%add3A_482] : memref<600064xi32, #tpu.memory_space<hbm>> -> memref<4688xi32, #tpu.memory_space<hbm>>
        %dma_wait3A_488 = tpu.memref_slice %arg3[%add3A_482] : memref<600064xi32, #tpu.memory_space<hbm>> -> memref<4688xi32, #tpu.memory_space<hbm>>
        tpu.wait_dma2 semaphore(%arg18 : memref<!tpu.dma_semaphore, #tpu.memory_space<semaphore_mem>>) src(%dma_wait3A_488 : memref<4688xi32, #tpu.memory_space<hbm>>) dst(%arg6 : memref<4688xi32, #tpu.memory_space<vmem>>)
        %dma_wait3A_489 = tpu.memref_slice %arg4[%add3A_482] : memref<600064xi32, #tpu.memory_space<hbm>> -> memref<4688xi32, #tpu.memory_space<hbm>>
        %dma_wait3A_490 = tpu.memref_slice %arg4[%add3A_482] : memref<600064xi32, #tpu.memory_space<hbm>> -> memref<4688xi32, #tpu.memory_space<hbm>>
        tpu.wait_dma2 semaphore(%arg19 : memref<!tpu.dma_semaphore, #tpu.memory_space<semaphore_mem>>) src(%dma_wait3A_490 : memref<4688xi32, #tpu.memory_space<hbm>>) dst(%arg7 : memref<4688xi32, #tpu.memory_space<vmem>>)
        %broadcast_in_dim3A_491 = vector.broadcast %mul3A_36 : i32 to vector<16xi32>
        %broadcast_in_dim3A_492 = arith.constant 0 : i32
        %broadcast_in_dim3A_493 = vector.broadcast %broadcast_in_dim3A_492 : i32 to vector<16xi32>
        %broadcast_in_dim3A_494 = arith.constant 1 : i32
        %broadcast_in_dim3A_495 = vector.broadcast %broadcast_in_dim3A_494 : i32 to vector<16xi32>
        %broadcast_in_dim3A_496 = arith.constant 10240 : i32
        %broadcast_in_dim3A_497 = vector.broadcast %broadcast_in_dim3A_496 : i32 to vector<16xi32>
        %parallel_loop3A_498 = arith.constant 0 : i32
        %parallel_loop3A_499 = arith.constant 146 : i32
        %parallel_loop3A_500 = arith.constant 1 : i32
        %parallel_loop3A_501 = arith.constant 0 : i32
        %parallel_loop3A_502 = scf.for %parallel_loop3A_573 = %parallel_loop3A_498 to %parallel_loop3A_499 step %parallel_loop3A_500 iter_args(%parallel_loop3A_574 = %parallel_loop3A_501) -> (i32)  : i32 {
          %parallel_loop3A_575 = arith.constant 32 : i32
          %parallel_loop3A_576 = arith.muli %parallel_loop3A_573, %parallel_loop3A_575 : i32
          %parallel_loop3A_577 = arith.index_cast %parallel_loop3A_576 : i32 to index
          %parallel_loop3A_578 = tpu.vector_load %arg7[%parallel_loop3A_577] {strides = array<i32>} : memref<4688xi32, #tpu.memory_space<vmem>>, vector<16xi32>,
          %parallel_loop3A_579 = arith.constant 16 : i32
          %parallel_loop3A_580 = arith.addi %parallel_loop3A_576, %parallel_loop3A_579 : i32
          %parallel_loop3A_581 = arith.index_cast %parallel_loop3A_580 : i32 to index
          %parallel_loop3A_582 = tpu.vector_load %arg7[%parallel_loop3A_581] {strides = array<i32>} : memref<4688xi32, #tpu.memory_space<vmem>>, vector<16xi32>,
          %parallel_loop3A_583 = arith.subi %parallel_loop3A_578, %broadcast_in_dim3A_491 : vector<16xi32>
          %parallel_loop3A_584 = arith.subi %parallel_loop3A_582, %broadcast_in_dim3A_491 : vector<16xi32>
          %parallel_loop3A_585 = arith.cmpi sge, %parallel_loop3A_583, %broadcast_in_dim3A_493 : vector<16xi32>
          %parallel_loop3A_586 = arith.cmpi slt, %parallel_loop3A_583, %broadcast_in_dim3A_497 : vector<16xi32>
          %parallel_loop3A_587 = arith.andi %parallel_loop3A_585, %parallel_loop3A_586 : vector<16xi1>
          %parallel_loop3A_588 = arith.cmpi sge, %parallel_loop3A_584, %broadcast_in_dim3A_493 : vector<16xi32>
          %parallel_loop3A_589 = arith.cmpi slt, %parallel_loop3A_584, %broadcast_in_dim3A_497 : vector<16xi32>
          %parallel_loop3A_590 = arith.andi %parallel_loop3A_588, %parallel_loop3A_589 : vector<16xi1>
          %parallel_loop3A_591 = arith.constant 1 : i32
          %parallel_loop3A_592 = arith.constant 0 : i32
          %parallel_loop3A_593 = vector.broadcast %parallel_loop3A_591 : i32 to vector<16xi32>
          %parallel_loop3A_594 = vector.broadcast %parallel_loop3A_592 : i32 to vector<16xi32>
          %parallel_loop3A_595 = arith.select %parallel_loop3A_587, %parallel_loop3A_593, %parallel_loop3A_594 : vector<16xi1>, vector<16xi32>
          %parallel_loop3A_596 = arith.constant true
          %parallel_loop3A_597 = vector.broadcast %parallel_loop3A_596 : i1 to vector<16xi1>
          %parallel_loop3A_598 = tpu.scan <sum>, %parallel_loop3A_595 masked %parallel_loop3A_597 : vector<16xi32>, vector<16xi1> -> vector<16xi32>
          %parallel_loop3A_599 = arith.constant 1 : i32
          %parallel_loop3A_600 = arith.constant 0 : i32
          %parallel_loop3A_601 = vector.broadcast %parallel_loop3A_599 : i32 to vector<16xi32>
          %parallel_loop3A_602 = vector.broadcast %parallel_loop3A_600 : i32 to vector<16xi32>
          %parallel_loop3A_603 = arith.select %parallel_loop3A_590, %parallel_loop3A_601, %parallel_loop3A_602 : vector<16xi1>, vector<16xi32>
          %parallel_loop3A_604 = arith.constant true
          %parallel_loop3A_605 = vector.broadcast %parallel_loop3A_604 : i1 to vector<16xi1>
          %parallel_loop3A_606 = tpu.scan <sum>, %parallel_loop3A_603 masked %parallel_loop3A_605 : vector<16xi32>, vector<16xi1> -> vector<16xi32>
          %parallel_loop3A_607 = arith.index_cast %parallel_loop3A_576 : i32 to index
          %parallel_loop3A_608 = tpu.vector_load %arg6[%parallel_loop3A_607] {strides = array<i32>} : memref<4688xi32, #tpu.memory_space<vmem>>, vector<16xi32>,
          %parallel_loop3A_609 = arith.constant 16 : i32
          %parallel_loop3A_610 = arith.addi %parallel_loop3A_576, %parallel_loop3A_609 : i32
          %parallel_loop3A_611 = arith.index_cast %parallel_loop3A_610 : i32 to index
          %parallel_loop3A_612 = tpu.vector_load %arg6[%parallel_loop3A_611] {strides = array<i32>} : memref<4688xi32, #tpu.memory_space<vmem>>, vector<16xi32>,
          %parallel_loop3A_613 = vector.broadcast %parallel_loop3A_574 : i32 to vector<16xi32>
          %parallel_loop3A_614 = arith.addi %parallel_loop3A_613, %parallel_loop3A_598 : vector<16xi32>
          %parallel_loop3A_615 = arith.subi %parallel_loop3A_614, %broadcast_in_dim3A_495 : vector<16xi32>
          %parallel_loop3A_616 = arith.maxsi %parallel_loop3A_615, %broadcast_in_dim3A_493 : vector<16xi32>
          %parallel_loop3A_617 = vector.extract_strided_slice %parallel_loop3A_598 {offsets = [15], sizes = [1], strides = [1]} : vector<16xi32> to vector<1xi32>
          %parallel_loop3A_618 = vector.extract %parallel_loop3A_617[0] : i32 from vector<1xi32>
          %parallel_loop3A_619 = arith.addi %parallel_loop3A_574, %parallel_loop3A_618 : i32
          %parallel_loop3A_620 = vector.broadcast %parallel_loop3A_619 : i32 to vector<16xi32>
          %parallel_loop3A_621 = arith.addi %parallel_loop3A_620, %parallel_loop3A_606 : vector<16xi32>
          %parallel_loop3A_622 = arith.subi %parallel_loop3A_621, %broadcast_in_dim3A_495 : vector<16xi32>
          %parallel_loop3A_623 = arith.maxsi %parallel_loop3A_622, %broadcast_in_dim3A_493 : vector<16xi32>
          tpu.vector_store_idx %arg8[%parallel_loop3A_616], %parallel_loop3A_608 masked %parallel_loop3A_587 : memref<4816xi32, #tpu.memory_space<vmem>>[vector<16xi32>], vector<16xi32>, vector<16xi1>
          tpu.vector_store_idx %arg9[%parallel_loop3A_616], %parallel_loop3A_583 masked %parallel_loop3A_587 : memref<4816xi32, #tpu.memory_space<vmem>>[vector<16xi32>], vector<16xi32>, vector<16xi1>
          tpu.vector_store_idx %arg8[%parallel_loop3A_623], %parallel_loop3A_612 masked %parallel_loop3A_590 : memref<4816xi32, #tpu.memory_space<vmem>>[vector<16xi32>], vector<16xi32>, vector<16xi1>
          tpu.vector_store_idx %arg9[%parallel_loop3A_623], %parallel_loop3A_584 masked %parallel_loop3A_590 : memref<4816xi32, #tpu.memory_space<vmem>>[vector<16xi32>], vector<16xi32>, vector<16xi1>
          %parallel_loop3A_624 = vector.extract_strided_slice %parallel_loop3A_606 {offsets = [15], sizes = [1], strides = [1]} : vector<16xi32> to vector<1xi32>
          %parallel_loop3A_625 = vector.extract %parallel_loop3A_624[0] : i32 from vector<1xi32>
          %parallel_loop3A_626 = arith.addi %parallel_loop3A_619, %parallel_loop3A_625 : i32
          scf.yield %parallel_loop3A_626 : i32
        } {sc.loop_unroll_factor = 4 : i64, sc.parallel_access}
        %get3A = arith.constant 4672 : index
        %get3A_503 = tpu.vector_load %arg7[%get3A] {strides = array<i32>} : memref<4688xi32, #tpu.memory_space<vmem>>, vector<16xi32>,
        %sub3A = arith.subi %get3A_503, %broadcast_in_dim3A_491 : vector<16xi32>
        %ge3A = arith.cmpi sge, %sub3A, %broadcast_in_dim3A_493 : vector<16xi32>
        %lt3A = arith.cmpi slt, %sub3A, %broadcast_in_dim3A_497 : vector<16xi32>
        %and3A = arith.andi %ge3A, %lt3A : vector<16xi1>
        %jit3A = arith.constant 1 : i32
        %jit3A_504 = arith.constant 0 : i32
        %broadcast_in_dim3A_505 = vector.broadcast %jit3A : i32 to vector<16xi32>
        %broadcast_in_dim3A_506 = vector.broadcast %jit3A_504 : i32 to vector<16xi32>
        %select_n3A = arith.select %and3A, %broadcast_in_dim3A_505, %broadcast_in_dim3A_506 : vector<16xi1>, vector<16xi32>
        %broadcast_in_dim3A_507 = arith.constant true
        %broadcast_in_dim3A_508 = vector.broadcast %broadcast_in_dim3A_507 : i1 to vector<16xi1>
        %masked_cumsum3A = tpu.scan <sum>, %select_n3A masked %broadcast_in_dim3A_508 : vector<16xi32>, vector<16xi1> -> vector<16xi32>
        %get3A_509 = arith.constant 4672 : index
        %get3A_510 = tpu.vector_load %arg6[%get3A_509] {strides = array<i32>} : memref<4688xi32, #tpu.memory_space<vmem>>, vector<16xi32>,
        %broadcast_in_dim3A_511 = vector.broadcast %parallel_loop3A_502 : i32 to vector<16xi32>
        %add3A_512 = arith.addi %broadcast_in_dim3A_511, %masked_cumsum3A : vector<16xi32>
        %sub3A_513 = arith.subi %add3A_512, %broadcast_in_dim3A_495 : vector<16xi32>
        %max3A = arith.maxsi %sub3A_513, %broadcast_in_dim3A_493 : vector<16xi32>
        tpu.vector_store_idx %arg8[%max3A], %get3A_510 masked %and3A : memref<4816xi32, #tpu.memory_space<vmem>>[vector<16xi32>], vector<16xi32>, vector<16xi1>
        tpu.vector_store_idx %arg9[%max3A], %sub3A masked %and3A : memref<4816xi32, #tpu.memory_space<vmem>>[vector<16xi32>], vector<16xi32>, vector<16xi1>
        %slice3A = vector.extract_strided_slice %masked_cumsum3A {offsets = [15], sizes = [1], strides = [1]} : vector<16xi32> to vector<1xi32>
        %squeeze3A = vector.extract %slice3A[0] : i32 from vector<1xi32>
        %add3A_514 = arith.addi %parallel_loop3A_502, %squeeze3A : i32
        %mul3A_515 = arith.constant 4001 : i32
        %mul3A_516 = vector.broadcast %mul3A_515 : i32 to vector<16xi32>
        %mul3A_517 = arith.muli %iota3A, %mul3A_516 : vector<16xi32>
        %add3A_518 = arith.constant 10240 : i32
        %add3A_519 = vector.broadcast %add3A_518 : i32 to vector<16xi32>
        %add3A_520 = arith.addi %add3A_519, %iota3A : vector<16xi32>
        %add3A_521 = arith.constant 0 : i32
        %add3A_522 = arith.addi %add3A_514, %add3A_521 : i32
        %swap3A_523 = arith.index_cast %add3A_522 : i32 to index
        %swap3A_524 = tpu.vector_load %arg8[%swap3A_523] {strides = array<i32>} : memref<4816xi32, #tpu.memory_space<vmem>>, vector<16xi32>,
        tpu.vector_store %arg8[%swap3A_523], %mul3A_517 {strides = array<i32>} : memref<4816xi32, #tpu.memory_space<vmem>>, vector<16xi32>,
        %add3A_525 = arith.constant 0 : i32
        %add3A_526 = arith.addi %add3A_514, %add3A_525 : i32
        %swap3A_527 = arith.index_cast %add3A_526 : i32 to index
        %swap3A_528 = tpu.vector_load %arg9[%swap3A_527] {strides = array<i32>} : memref<4816xi32, #tpu.memory_space<vmem>>, vector<16xi32>,
        tpu.vector_store %arg9[%swap3A_527], %add3A_520 {strides = array<i32>} : memref<4816xi32, #tpu.memory_space<vmem>>, vector<16xi32>,
        %add3A_529 = arith.constant 16 : i32
        %add3A_530 = arith.addi %add3A_514, %add3A_529 : i32
        %swap3A_531 = arith.index_cast %add3A_530 : i32 to index
        %swap3A_532 = tpu.vector_load %arg8[%swap3A_531] {strides = array<i32>} : memref<4816xi32, #tpu.memory_space<vmem>>, vector<16xi32>,
        tpu.vector_store %arg8[%swap3A_531], %mul3A_517 {strides = array<i32>} : memref<4816xi32, #tpu.memory_space<vmem>>, vector<16xi32>,
        %add3A_533 = arith.constant 16 : i32
        %add3A_534 = arith.addi %add3A_514, %add3A_533 : i32
        %swap3A_535 = arith.index_cast %add3A_534 : i32 to index
        %swap3A_536 = tpu.vector_load %arg9[%swap3A_535] {strides = array<i32>} : memref<4816xi32, #tpu.memory_space<vmem>>, vector<16xi32>,
        tpu.vector_store %arg9[%swap3A_535], %add3A_520 {strides = array<i32>} : memref<4816xi32, #tpu.memory_space<vmem>>, vector<16xi32>,
        %add3A_537 = arith.constant 32 : i32
        %add3A_538 = arith.addi %add3A_514, %add3A_537 : i32
        %swap3A_539 = arith.index_cast %add3A_538 : i32 to index
        %swap3A_540 = tpu.vector_load %arg8[%swap3A_539] {strides = array<i32>} : memref<4816xi32, #tpu.memory_space<vmem>>, vector<16xi32>,
        tpu.vector_store %arg8[%swap3A_539], %mul3A_517 {strides = array<i32>} : memref<4816xi32, #tpu.memory_space<vmem>>, vector<16xi32>,
        %add3A_541 = arith.constant 32 : i32
        %add3A_542 = arith.addi %add3A_514, %add3A_541 : i32
        %swap3A_543 = arith.index_cast %add3A_542 : i32 to index
        %swap3A_544 = tpu.vector_load %arg9[%swap3A_543] {strides = array<i32>} : memref<4816xi32, #tpu.memory_space<vmem>>, vector<16xi32>,
        tpu.vector_store %arg9[%swap3A_543], %add3A_520 {strides = array<i32>} : memref<4816xi32, #tpu.memory_space<vmem>>, vector<16xi32>,
        %add3A_545 = arith.constant 48 : i32
        %add3A_546 = arith.addi %add3A_514, %add3A_545 : i32
        %swap3A_547 = arith.index_cast %add3A_546 : i32 to index
        %swap3A_548 = tpu.vector_load %arg8[%swap3A_547] {strides = array<i32>} : memref<4816xi32, #tpu.memory_space<vmem>>, vector<16xi32>,
        tpu.vector_store %arg8[%swap3A_547], %mul3A_517 {strides = array<i32>} : memref<4816xi32, #tpu.memory_space<vmem>>, vector<16xi32>,
        %add3A_549 = arith.constant 48 : i32
        %add3A_550 = arith.addi %add3A_514, %add3A_549 : i32
        %swap3A_551 = arith.index_cast %add3A_550 : i32 to index
        %swap3A_552 = tpu.vector_load %arg9[%swap3A_551] {strides = array<i32>} : memref<4816xi32, #tpu.memory_space<vmem>>, vector<16xi32>,
        tpu.vector_store %arg9[%swap3A_551], %add3A_520 {strides = array<i32>} : memref<4816xi32, #tpu.memory_space<vmem>>, vector<16xi32>,
        %lt3A_553 = arith.constant 0 : i32
        %lt3A_554 = arith.cmpi slt, %lt3A_553, %add3A_514 : i32
        %convert_element_type3A_555 = arith.extui %lt3A_554 : i1 to i32
        %cond3A_556 = arith.constant 0 : i32
        %cond3A_557 = arith.cmpi ne, %convert_element_type3A_555, %cond3A_556 : i32
        scf.if %cond3A_557 {
          %dma_start3A_573 = arith.constant 0 : i32
          %dma_start3A_574 = tpu.memref_slice %arg8[%dma_start3A_573] : memref<4816xi32, #tpu.memory_space<vmem>> -> memref<64xi32, #tpu.memory_space<vmem>>
          %dma_start3A_575 = arith.constant 0 : i32
          %dma_start3A_576 = arith.constant 0 : i32
          %dma_start3A_577 = tpu.memref_slice %arg2[%dma_start3A_575, %dma_start3A_576] : memref<100000x128xf32, #tpu.memory_space<hbm>> -> memref<100000x128xf32, #tpu.memory_space<hbm>>
          tpu.enqueue_indirect_dma source(%dma_start3A_577 : memref<100000x128xf32, #tpu.memory_space<hbm>>) target(%arg10 : memref<64x128xf32, #tpu.memory_space<vmem>>) offsets(%dma_start3A_574 : memref<64xi32, #tpu.memory_space<vmem>>) semaphore(%arg18 : memref<!tpu.dma_semaphore, #tpu.memory_space<semaphore_mem>>)
        } else {
        }
        %scan3A_558 = arith.constant 0 : i32
        %scan3A_559 = arith.constant 0 : i32
        %scan3A_560 = arith.constant 38 : i32
        %scan3A_561 = arith.addi %scan3A_559, %scan3A_560 : i32
        %scan3A_562 = arith.constant 1 : i32
        scf.for %scan3A_573 = %scan3A_559 to %scan3A_561 step %scan3A_562  : i32 {
          %mul3A_574 = arith.constant 2 : i32
          %mul3A_575 = arith.muli %mul3A_574, %scan3A_573 : i32
          %mul3A_576 = arith.constant 2 : i32
          %mul3A_577 = arith.muli %mul3A_576, %scan3A_573 : i32
          %add3A_578 = arith.constant 1 : i32
          %add3A_579 = arith.addi %mul3A_577, %add3A_578 : i32
          %mul3A_580 = arith.constant 64 : i32
          %mul3A_581 = arith.muli %add3A_579, %mul3A_580 : i32
          %lt3A_582 = arith.cmpi slt, %mul3A_581, %add3A_514 : i32
          %convert_element_type3A_583 = arith.extui %lt3A_582 : i1 to i32
          %cond3A_584 = arith.constant 0 : i32
          %cond3A_585 = arith.cmpi ne, %convert_element_type3A_583, %cond3A_584 : i32
          scf.if %cond3A_585 {
            %mul3A_606 = arith.constant 64 : i32
            %mul3A_607 = arith.muli %add3A_579, %mul3A_606 : i32
            %dma_start3A_608 = tpu.memref_slice %arg8[%mul3A_607] : memref<4816xi32, #tpu.memory_space<vmem>> -> memref<64xi32, #tpu.memory_space<vmem>>
            %dma_start3A_609 = arith.constant 0 : i32
            %dma_start3A_610 = arith.constant 0 : i32
            %dma_start3A_611 = tpu.memref_slice %arg2[%dma_start3A_609, %dma_start3A_610] : memref<100000x128xf32, #tpu.memory_space<hbm>> -> memref<100000x128xf32, #tpu.memory_space<hbm>>
            tpu.enqueue_indirect_dma source(%dma_start3A_611 : memref<100000x128xf32, #tpu.memory_space<hbm>>) target(%arg11 : memref<64x128xf32, #tpu.memory_space<vmem>>) offsets(%dma_start3A_608 : memref<64xi32, #tpu.memory_space<vmem>>) semaphore(%arg19 : memref<!tpu.dma_semaphore, #tpu.memory_space<semaphore_mem>>)
          } else {
          }
          %mul3A_586 = arith.constant 64 : i32
          %mul3A_587 = arith.muli %mul3A_575, %mul3A_586 : i32
          %lt3A_588 = arith.cmpi slt, %mul3A_587, %add3A_514 : i32
          %convert_element_type3A_589 = arith.extui %lt3A_588 : i1 to i32
          %cond3A_590 = arith.constant 0 : i32
          %cond3A_591 = arith.cmpi ne, %convert_element_type3A_589, %cond3A_590 : i32
          scf.if %cond3A_591 {
            %mul3A_606 = arith.constant 64 : i32
            %mul3A_607 = arith.muli %mul3A_575, %mul3A_606 : i32
            %dma_wait3A_608 = tpu.memref_slice %arg8[%mul3A_607] : memref<4816xi32, #tpu.memory_space<vmem>> -> memref<64xi32, #tpu.memory_space<vmem>>
            %dma_wait3A_609 = arith.constant 0 : i32
            %dma_wait3A_610 = arith.constant 0 : i32
            %dma_wait3A_611 = tpu.memref_slice %arg2[%dma_wait3A_609, %dma_wait3A_610] : memref<100000x128xf32, #tpu.memory_space<hbm>> -> memref<100000x128xf32, #tpu.memory_space<hbm>>
            tpu.wait_indirect_dma semaphore(%arg18 : memref<!tpu.dma_semaphore, #tpu.memory_space<semaphore_mem>>) src(%dma_wait3A_611 : memref<100000x128xf32, #tpu.memory_space<hbm>>) dst(%arg10 : memref<64x128xf32, #tpu.memory_space<vmem>>)
            %ge3A_612 = arith.constant 2 : i32
            %ge3A_613 = arith.cmpi sge, %mul3A_575, %ge3A_612 : i32
            %convert_element_type3A_614 = arith.extui %ge3A_613 : i1 to i32
            %cond3A_615 = arith.constant 0 : i32
            %cond3A_616 = arith.cmpi ne, %convert_element_type3A_614, %cond3A_615 : i32
            scf.if %cond3A_616 {
              %dma_wait3A_663 = arith.constant 0 : i32
              %dma_wait3A_664 = arith.constant 0 : i32
              %dma_wait3A_665 = tpu.memref_slice %arg12[%dma_wait3A_663, %dma_wait3A_664] : memref<1x64xi32, #tpu.memory_space<vmem>> -> memref<1x64xi32, #tpu.memory_space<vmem>>
              %dma_wait3A_666 = tpu.memref_squeeze %dma_wait3A_665 : memref<1x64xi32, #tpu.memory_space<vmem>> -> memref<64xi32, #tpu.memory_space<vmem>>
              %dma_wait3A_667 = arith.constant 0 : i32
              %dma_wait3A_668 = tpu.memref_slice %arg23[%dma_wait3A_667] : memref<10256xf32, #tpu.memory_space<vmem_shared>> -> memref<10256xf32, #tpu.memory_space<vmem_shared>>
              tpu.wait_indirect_dma semaphore(%arg20 : memref<!tpu.dma_semaphore, #tpu.memory_space<semaphore_mem>>) src(%arg14 : memref<64xf32, #tpu.memory_space<vmem>>) dst(%dma_wait3A_668 : memref<10256xf32, #tpu.memory_space<vmem_shared>>)
            } else {
            }
            %mul3A_617 = arith.constant 64 : i32
            %mul3A_618 = arith.muli %mul3A_575, %mul3A_617 : i32
            %add3A_619 = arith.constant 0 : i32
            %add3A_620 = arith.addi %mul3A_618, %add3A_619 : i32
            %get3A_621 = arith.index_cast %add3A_620 : i32 to index
            %get3A_622 = tpu.vector_load %arg9[%get3A_621] {strides = array<i32>} : memref<4816xi32, #tpu.memory_space<vmem>>, vector<16xi32>,
            %swap3A_623 = arith.constant 0 : i32
            %swap3A_624 = arith.index_cast %swap3A_623 : i32 to index
            %swap3A_625 = arith.constant 0 : index
            %swap3A_626 = tpu.vector_load %arg12[%swap3A_624, %swap3A_625] {strides = array<i32>} : memref<1x64xi32, #tpu.memory_space<vmem>>, vector<16xi32>,
            tpu.vector_store %arg12[%swap3A_624, %swap3A_625], %get3A_622 {strides = array<i32>} : memref<1x64xi32, #tpu.memory_space<vmem>>, vector<16xi32>,
            %mul3A_627 = arith.constant 64 : i32
            %mul3A_628 = arith.muli %mul3A_575, %mul3A_627 : i32
            %add3A_629 = arith.constant 16 : i32
            %add3A_630 = arith.addi %mul3A_628, %add3A_629 : i32
            %get3A_631 = arith.index_cast %add3A_630 : i32 to index
            %get3A_632 = tpu.vector_load %arg9[%get3A_631] {strides = array<i32>} : memref<4816xi32, #tpu.memory_space<vmem>>, vector<16xi32>,
            %swap3A_633 = arith.constant 0 : i32
            %swap3A_634 = arith.index_cast %swap3A_633 : i32 to index
            %swap3A_635 = arith.constant 16 : index
            %swap3A_636 = tpu.vector_load %arg12[%swap3A_634, %swap3A_635] {strides = array<i32>} : memref<1x64xi32, #tpu.memory_space<vmem>>, vector<16xi32>,
            tpu.vector_store %arg12[%swap3A_634, %swap3A_635], %get3A_632 {strides = array<i32>} : memref<1x64xi32, #tpu.memory_space<vmem>>, vector<16xi32>,
            %mul3A_637 = arith.constant 64 : i32
            %mul3A_638 = arith.muli %mul3A_575, %mul3A_637 : i32
            %add3A_639 = arith.constant 32 : i32
            %add3A_640 = arith.addi %mul3A_638, %add3A_639 : i32
            %get3A_641 = arith.index_cast %add3A_640 : i32 to index
            %get3A_642 = tpu.vector_load %arg9[%get3A_641] {strides = array<i32>} : memref<4816xi32, #tpu.memory_space<vmem>>, vector<16xi32>,
            %swap3A_643 = arith.constant 0 : i32
            %swap3A_644 = arith.index_cast %swap3A_643 : i32 to index
            %swap3A_645 = arith.constant 32 : index
            %swap3A_646 = tpu.vector_load %arg12[%swap3A_644, %swap3A_645] {strides = array<i32>} : memref<1x64xi32, #tpu.memory_space<vmem>>, vector<16xi32>,
            tpu.vector_store %arg12[%swap3A_644, %swap3A_645], %get3A_642 {strides = array<i32>} : memref<1x64xi32, #tpu.memory_space<vmem>>, vector<16xi32>,
            %mul3A_647 = arith.constant 64 : i32
            %mul3A_648 = arith.muli %mul3A_575, %mul3A_647 : i32
            %add3A_649 = arith.constant 48 : i32
            %add3A_650 = arith.addi %mul3A_648, %add3A_649 : i32
            %get3A_651 = arith.index_cast %add3A_650 : i32 to index
            %get3A_652 = tpu.vector_load %arg9[%get3A_651] {strides = array<i32>} : memref<4816xi32, #tpu.memory_space<vmem>>, vector<16xi32>,
            %swap3A_653 = arith.constant 0 : i32
            %swap3A_654 = arith.index_cast %swap3A_653 : i32 to index
            %swap3A_655 = arith.constant 48 : index
            %swap3A_656 = tpu.vector_load %arg12[%swap3A_654, %swap3A_655] {strides = array<i32>} : memref<1x64xi32, #tpu.memory_space<vmem>>, vector<16xi32>,
            tpu.vector_store %arg12[%swap3A_654, %swap3A_655], %get3A_652 {strides = array<i32>} : memref<1x64xi32, #tpu.memory_space<vmem>>, vector<16xi32>,
            %run_scoped3A = arith.constant 0 : i32
            "tpu.region"() ({
              %run_scoped3A_663 = tpu.sem_alloc : memref<!tpu.dma_semaphore, #tpu.memory_space<semaphore_mem>>
              %dma_start3A_664 = arith.constant 0 : i32
              %dma_start3A_665 = tpu.memref_slice %arg12[%run_scoped3A, %dma_start3A_664] : memref<1x64xi32, #tpu.memory_space<vmem>> -> memref<1x64xi32, #tpu.memory_space<vmem>>
              %dma_start3A_666 = tpu.memref_squeeze %dma_start3A_665 : memref<1x64xi32, #tpu.memory_space<vmem>> -> memref<64xi32, #tpu.memory_space<vmem>>
              %dma_start3A_667 = arith.constant 0 : i32
              %dma_start3A_668 = arith.constant 0 : i32
              %dma_start3A_669 = tpu.memref_slice %arg22[%dma_start3A_667, %dma_start3A_668] : memref<10256x128xf32, #tpu.memory_space<vmem_shared>> -> memref<10256x128xf32, #tpu.memory_space<vmem_shared>>
              tpu.enqueue_indirect_dma source(%arg10 : memref<64x128xf32, #tpu.memory_space<vmem>>) target(%dma_start3A_669 : memref<10256x128xf32, #tpu.memory_space<vmem_shared>>) offsets(%dma_start3A_666 : memref<64xi32, #tpu.memory_space<vmem>>) semaphore(%run_scoped3A_663 : memref<!tpu.dma_semaphore, #tpu.memory_space<semaphore_mem>>) {add = true}
              %dma_wait3A_670 = arith.constant 0 : i32
              %dma_wait3A_671 = tpu.memref_slice %arg12[%run_scoped3A, %dma_wait3A_670] : memref<1x64xi32, #tpu.memory_space<vmem>> -> memref<1x64xi32, #tpu.memory_space<vmem>>
              %dma_wait3A_672 = tpu.memref_squeeze %dma_wait3A_671 : memref<1x64xi32, #tpu.memory_space<vmem>> -> memref<64xi32, #tpu.memory_space<vmem>>
              %dma_wait3A_673 = arith.constant 0 : i32
              %dma_wait3A_674 = arith.constant 0 : i32
              %dma_wait3A_675 = tpu.memref_slice %arg22[%dma_wait3A_673, %dma_wait3A_674] : memref<10256x128xf32, #tpu.memory_space<vmem_shared>> -> memref<10256x128xf32, #tpu.memory_space<vmem_shared>>
              tpu.wait_indirect_dma semaphore(%run_scoped3A_663 : memref<!tpu.dma_semaphore, #tpu.memory_space<semaphore_mem>>) src(%arg10 : memref<64x128xf32, #tpu.memory_space<vmem>>) dst(%dma_wait3A_675 : memref<10256x128xf32, #tpu.memory_space<vmem_shared>>)
              tpu.yield
            }) : () -> ()
            %dma_start3A_657 = arith.constant 0 : i32
            %dma_start3A_658 = arith.constant 0 : i32
            %dma_start3A_659 = tpu.memref_slice %arg12[%dma_start3A_657, %dma_start3A_658] : memref<1x64xi32, #tpu.memory_space<vmem>> -> memref<1x64xi32, #tpu.memory_space<vmem>>
            %dma_start3A_660 = tpu.memref_squeeze %dma_start3A_659 : memref<1x64xi32, #tpu.memory_space<vmem>> -> memref<64xi32, #tpu.memory_space<vmem>>
            %dma_start3A_661 = arith.constant 0 : i32
            %dma_start3A_662 = tpu.memref_slice %arg23[%dma_start3A_661] : memref<10256xf32, #tpu.memory_space<vmem_shared>> -> memref<10256xf32, #tpu.memory_space<vmem_shared>>
            tpu.enqueue_indirect_dma source(%arg14 : memref<64xf32, #tpu.memory_space<vmem>>) target(%dma_start3A_662 : memref<10256xf32, #tpu.memory_space<vmem_shared>>) offsets(%dma_start3A_660 : memref<64xi32, #tpu.memory_space<vmem>>) semaphore(%arg20 : memref<!tpu.dma_semaphore, #tpu.memory_space<semaphore_mem>>) {add = true}
          } else {
          }
          %add3A_592 = arith.constant 2 : i32
          %add3A_593 = arith.addi %mul3A_575, %add3A_592 : i32
          %mul3A_594 = arith.constant 64 : i32
          %mul3A_595 = arith.muli %add3A_593, %mul3A_594 : i32
          %lt3A_596 = arith.cmpi slt, %mul3A_595, %add3A_514 : i32
          %convert_element_type3A_597 = arith.extui %lt3A_596 : i1 to i32
          %cond3A_598 = arith.constant 0 : i32
          %cond3A_599 = arith.cmpi ne, %convert_element_type3A_597, %cond3A_598 : i32
          scf.if %cond3A_599 {
            %add3A_606 = arith.constant 2 : i32
            %add3A_607 = arith.addi %mul3A_575, %add3A_606 : i32
            %mul3A_608 = arith.constant 64 : i32
            %mul3A_609 = arith.muli %add3A_607, %mul3A_608 : i32
            %dma_start3A_610 = tpu.memref_slice %arg8[%mul3A_609] : memref<4816xi32, #tpu.memory_space<vmem>> -> memref<64xi32, #tpu.memory_space<vmem>>
            %dma_start3A_611 = arith.constant 0 : i32
            %dma_start3A_612 = arith.constant 0 : i32
            %dma_start3A_613 = tpu.memref_slice %arg2[%dma_start3A_611, %dma_start3A_612] : memref<100000x128xf32, #tpu.memory_space<hbm>> -> memref<100000x128xf32, #tpu.memory_space<hbm>>
            tpu.enqueue_indirect_dma source(%dma_start3A_613 : memref<100000x128xf32, #tpu.memory_space<hbm>>) target(%arg10 : memref<64x128xf32, #tpu.memory_space<vmem>>) offsets(%dma_start3A_610 : memref<64xi32, #tpu.memory_space<vmem>>) semaphore(%arg18 : memref<!tpu.dma_semaphore, #tpu.memory_space<semaphore_mem>>)
          } else {
          }
          %mul3A_600 = arith.constant 64 : i32
          %mul3A_601 = arith.muli %add3A_579, %mul3A_600 : i32
          %lt3A_602 = arith.cmpi slt, %mul3A_601, %add3A_514 : i32
          %convert_element_type3A_603 = arith.extui %lt3A_602 : i1 to i32
          %cond3A_604 = arith.constant 0 : i32
          %cond3A_605 = arith.cmpi ne, %convert_element_type3A_603, %cond3A_604 : i32
          scf.if %cond3A_605 {
            %mul3A_606 = arith.constant 64 : i32
            %mul3A_607 = arith.muli %add3A_579, %mul3A_606 : i32
            %dma_wait3A_608 = tpu.memref_slice %arg8[%mul3A_607] : memref<4816xi32, #tpu.memory_space<vmem>> -> memref<64xi32, #tpu.memory_space<vmem>>
            %dma_wait3A_609 = arith.constant 0 : i32
            %dma_wait3A_610 = arith.constant 0 : i32
            %dma_wait3A_611 = tpu.memref_slice %arg2[%dma_wait3A_609, %dma_wait3A_610] : memref<100000x128xf32, #tpu.memory_space<hbm>> -> memref<100000x128xf32, #tpu.memory_space<hbm>>
            tpu.wait_indirect_dma semaphore(%arg19 : memref<!tpu.dma_semaphore, #tpu.memory_space<semaphore_mem>>) src(%dma_wait3A_611 : memref<100000x128xf32, #tpu.memory_space<hbm>>) dst(%arg11 : memref<64x128xf32, #tpu.memory_space<vmem>>)
            %ge3A_612 = arith.constant 2 : i32
            %ge3A_613 = arith.cmpi sge, %add3A_579, %ge3A_612 : i32
            %convert_element_type3A_614 = arith.extui %ge3A_613 : i1 to i32
            %cond3A_615 = arith.constant 0 : i32
            %cond3A_616 = arith.cmpi ne, %convert_element_type3A_614, %cond3A_615 : i32
            scf.if %cond3A_616 {
              %dma_wait3A_663 = arith.constant 0 : i32
              %dma_wait3A_664 = arith.constant 0 : i32
              %dma_wait3A_665 = tpu.memref_slice %arg13[%dma_wait3A_663, %dma_wait3A_664] : memref<1x64xi32, #tpu.memory_space<vmem>> -> memref<1x64xi32, #tpu.memory_space<vmem>>
              %dma_wait3A_666 = tpu.memref_squeeze %dma_wait3A_665 : memref<1x64xi32, #tpu.memory_space<vmem>> -> memref<64xi32, #tpu.memory_space<vmem>>
              %dma_wait3A_667 = arith.constant 0 : i32
              %dma_wait3A_668 = tpu.memref_slice %arg23[%dma_wait3A_667] : memref<10256xf32, #tpu.memory_space<vmem_shared>> -> memref<10256xf32, #tpu.memory_space<vmem_shared>>
              tpu.wait_indirect_dma semaphore(%arg21 : memref<!tpu.dma_semaphore, #tpu.memory_space<semaphore_mem>>) src(%arg14 : memref<64xf32, #tpu.memory_space<vmem>>) dst(%dma_wait3A_668 : memref<10256xf32, #tpu.memory_space<vmem_shared>>)
            } else {
            }
            %mul3A_617 = arith.constant 64 : i32
            %mul3A_618 = arith.muli %add3A_579, %mul3A_617 : i32
            %add3A_619 = arith.constant 0 : i32
            %add3A_620 = arith.addi %mul3A_618, %add3A_619 : i32
            %get3A_621 = arith.index_cast %add3A_620 : i32 to index
            %get3A_622 = tpu.vector_load %arg9[%get3A_621] {strides = array<i32>} : memref<4816xi32, #tpu.memory_space<vmem>>, vector<16xi32>,
            %swap3A_623 = arith.constant 0 : i32
            %swap3A_624 = arith.index_cast %swap3A_623 : i32 to index
            %swap3A_625 = arith.constant 0 : index
            %swap3A_626 = tpu.vector_load %arg13[%swap3A_624, %swap3A_625] {strides = array<i32>} : memref<1x64xi32, #tpu.memory_space<vmem>>, vector<16xi32>,
            tpu.vector_store %arg13[%swap3A_624, %swap3A_625], %get3A_622 {strides = array<i32>} : memref<1x64xi32, #tpu.memory_space<vmem>>, vector<16xi32>,
            %mul3A_627 = arith.constant 64 : i32
            %mul3A_628 = arith.muli %add3A_579, %mul3A_627 : i32
            %add3A_629 = arith.constant 16 : i32
            %add3A_630 = arith.addi %mul3A_628, %add3A_629 : i32
            %get3A_631 = arith.index_cast %add3A_630 : i32 to index
            %get3A_632 = tpu.vector_load %arg9[%get3A_631] {strides = array<i32>} : memref<4816xi32, #tpu.memory_space<vmem>>, vector<16xi32>,
            %swap3A_633 = arith.constant 0 : i32
            %swap3A_634 = arith.index_cast %swap3A_633 : i32 to index
            %swap3A_635 = arith.constant 16 : index
            %swap3A_636 = tpu.vector_load %arg13[%swap3A_634, %swap3A_635] {strides = array<i32>} : memref<1x64xi32, #tpu.memory_space<vmem>>, vector<16xi32>,
            tpu.vector_store %arg13[%swap3A_634, %swap3A_635], %get3A_632 {strides = array<i32>} : memref<1x64xi32, #tpu.memory_space<vmem>>, vector<16xi32>,
            %mul3A_637 = arith.constant 64 : i32
            %mul3A_638 = arith.muli %add3A_579, %mul3A_637 : i32
            %add3A_639 = arith.constant 32 : i32
            %add3A_640 = arith.addi %mul3A_638, %add3A_639 : i32
            %get3A_641 = arith.index_cast %add3A_640 : i32 to index
            %get3A_642 = tpu.vector_load %arg9[%get3A_641] {strides = array<i32>} : memref<4816xi32, #tpu.memory_space<vmem>>, vector<16xi32>,
            %swap3A_643 = arith.constant 0 : i32
            %swap3A_644 = arith.index_cast %swap3A_643 : i32 to index
            %swap3A_645 = arith.constant 32 : index
            %swap3A_646 = tpu.vector_load %arg13[%swap3A_644, %swap3A_645] {strides = array<i32>} : memref<1x64xi32, #tpu.memory_space<vmem>>, vector<16xi32>,
            tpu.vector_store %arg13[%swap3A_644, %swap3A_645], %get3A_642 {strides = array<i32>} : memref<1x64xi32, #tpu.memory_space<vmem>>, vector<16xi32>,
            %mul3A_647 = arith.constant 64 : i32
            %mul3A_648 = arith.muli %add3A_579, %mul3A_647 : i32
            %add3A_649 = arith.constant 48 : i32
            %add3A_650 = arith.addi %mul3A_648, %add3A_649 : i32
            %get3A_651 = arith.index_cast %add3A_650 : i32 to index
            %get3A_652 = tpu.vector_load %arg9[%get3A_651] {strides = array<i32>} : memref<4816xi32, #tpu.memory_space<vmem>>, vector<16xi32>,
            %swap3A_653 = arith.constant 0 : i32
            %swap3A_654 = arith.index_cast %swap3A_653 : i32 to index
            %swap3A_655 = arith.constant 48 : index
            %swap3A_656 = tpu.vector_load %arg13[%swap3A_654, %swap3A_655] {strides = array<i32>} : memref<1x64xi32, #tpu.memory_space<vmem>>, vector<16xi32>,
            tpu.vector_store %arg13[%swap3A_654, %swap3A_655], %get3A_652 {strides = array<i32>} : memref<1x64xi32, #tpu.memory_space<vmem>>, vector<16xi32>,
            %run_scoped3A = arith.constant 0 : i32
            "tpu.region"() ({
              %run_scoped3A_663 = tpu.sem_alloc : memref<!tpu.dma_semaphore, #tpu.memory_space<semaphore_mem>>
              %dma_start3A_664 = arith.constant 0 : i32
              %dma_start3A_665 = tpu.memref_slice %arg13[%run_scoped3A, %dma_start3A_664] : memref<1x64xi32, #tpu.memory_space<vmem>> -> memref<1x64xi32, #tpu.memory_space<vmem>>
              %dma_start3A_666 = tpu.memref_squeeze %dma_start3A_665 : memref<1x64xi32, #tpu.memory_space<vmem>> -> memref<64xi32, #tpu.memory_space<vmem>>
              %dma_start3A_667 = arith.constant 0 : i32
              %dma_start3A_668 = arith.constant 0 : i32
              %dma_start3A_669 = tpu.memref_slice %arg22[%dma_start3A_667, %dma_start3A_668] : memref<10256x128xf32, #tpu.memory_space<vmem_shared>> -> memref<10256x128xf32, #tpu.memory_space<vmem_shared>>
              tpu.enqueue_indirect_dma source(%arg11 : memref<64x128xf32, #tpu.memory_space<vmem>>) target(%dma_start3A_669 : memref<10256x128xf32, #tpu.memory_space<vmem_shared>>) offsets(%dma_start3A_666 : memref<64xi32, #tpu.memory_space<vmem>>) semaphore(%run_scoped3A_663 : memref<!tpu.dma_semaphore, #tpu.memory_space<semaphore_mem>>) {add = true}
              %dma_wait3A_670 = arith.constant 0 : i32
              %dma_wait3A_671 = tpu.memref_slice %arg13[%run_scoped3A, %dma_wait3A_670] : memref<1x64xi32, #tpu.memory_space<vmem>> -> memref<1x64xi32, #tpu.memory_space<vmem>>
              %dma_wait3A_672 = tpu.memref_squeeze %dma_wait3A_671 : memref<1x64xi32, #tpu.memory_space<vmem>> -> memref<64xi32, #tpu.memory_space<vmem>>
              %dma_wait3A_673 = arith.constant 0 : i32
              %dma_wait3A_674 = arith.constant 0 : i32
              %dma_wait3A_675 = tpu.memref_slice %arg22[%dma_wait3A_673, %dma_wait3A_674] : memref<10256x128xf32, #tpu.memory_space<vmem_shared>> -> memref<10256x128xf32, #tpu.memory_space<vmem_shared>>
              tpu.wait_indirect_dma semaphore(%run_scoped3A_663 : memref<!tpu.dma_semaphore, #tpu.memory_space<semaphore_mem>>) src(%arg11 : memref<64x128xf32, #tpu.memory_space<vmem>>) dst(%dma_wait3A_675 : memref<10256x128xf32, #tpu.memory_space<vmem_shared>>)
              tpu.yield
            }) : () -> ()
            %dma_start3A_657 = arith.constant 0 : i32
            %dma_start3A_658 = arith.constant 0 : i32
            %dma_start3A_659 = tpu.memref_slice %arg13[%dma_start3A_657, %dma_start3A_658] : memref<1x64xi32, #tpu.memory_space<vmem>> -> memref<1x64xi32, #tpu.memory_space<vmem>>
            %dma_start3A_660 = tpu.memref_squeeze %dma_start3A_659 : memref<1x64xi32, #tpu.memory_space<vmem>> -> memref<64xi32, #tpu.memory_space<vmem>>
            %dma_start3A_661 = arith.constant 0 : i32
            %dma_start3A_662 = tpu.memref_slice %arg23[%dma_start3A_661] : memref<10256xf32, #tpu.memory_space<vmem_shared>> -> memref<10256xf32, #tpu.memory_space<vmem_shared>>
            tpu.enqueue_indirect_dma source(%arg14 : memref<64xf32, #tpu.memory_space<vmem>>) target(%dma_start3A_662 : memref<10256xf32, #tpu.memory_space<vmem_shared>>) offsets(%dma_start3A_660 : memref<64xi32, #tpu.memory_space<vmem>>) semaphore(%arg21 : memref<!tpu.dma_semaphore, #tpu.memory_space<semaphore_mem>>) {add = true}
          } else {
          }
        }
        %scan3A_563 = arith.constant 38 : i32
        %gt3A = arith.constant 0 : i32
        %gt3A_564 = arith.cmpi sgt, %add3A_514, %gt3A : i32
        %convert_element_type3A_565 = arith.extui %gt3A_564 : i1 to i32
        %cond3A_566 = arith.constant 0 : i32
        %cond3A_567 = arith.cmpi ne, %convert_element_type3A_565, %cond3A_566 : i32
        scf.if %cond3A_567 {
          %dma_wait3A_573 = arith.constant 0 : i32
          %dma_wait3A_574 = arith.constant 0 : i32
          %dma_wait3A_575 = tpu.memref_slice %arg12[%dma_wait3A_573, %dma_wait3A_574] : memref<1x64xi32, #tpu.memory_space<vmem>> -> memref<1x64xi32, #tpu.memory_space<vmem>>
          %dma_wait3A_576 = tpu.memref_squeeze %dma_wait3A_575 : memref<1x64xi32, #tpu.memory_space<vmem>> -> memref<64xi32, #tpu.memory_space<vmem>>
          %dma_wait3A_577 = arith.constant 0 : i32
          %dma_wait3A_578 = tpu.memref_slice %arg23[%dma_wait3A_577] : memref<10256xf32, #tpu.memory_space<vmem_shared>> -> memref<10256xf32, #tpu.memory_space<vmem_shared>>
          tpu.wait_indirect_dma semaphore(%arg20 : memref<!tpu.dma_semaphore, #tpu.memory_space<semaphore_mem>>) src(%arg14 : memref<64xf32, #tpu.memory_space<vmem>>) dst(%dma_wait3A_578 : memref<10256xf32, #tpu.memory_space<vmem_shared>>)
        } else {
        }
        %gt3A_568 = arith.constant 64 : i32
        %gt3A_569 = arith.cmpi sgt, %add3A_514, %gt3A_568 : i32
        %convert_element_type3A_570 = arith.extui %gt3A_569 : i1 to i32
        %cond3A_571 = arith.constant 0 : i32
        %cond3A_572 = arith.cmpi ne, %convert_element_type3A_570, %cond3A_571 : i32
        scf.if %cond3A_572 {
          %dma_wait3A_573 = arith.constant 0 : i32
          %dma_wait3A_574 = arith.constant 0 : i32
          %dma_wait3A_575 = tpu.memref_slice %arg13[%dma_wait3A_573, %dma_wait3A_574] : memref<1x64xi32, #tpu.memory_space<vmem>> -> memref<1x64xi32, #tpu.memory_space<vmem>>
          %dma_wait3A_576 = tpu.memref_squeeze %dma_wait3A_575 : memref<1x64xi32, #tpu.memory_space<vmem>> -> memref<64xi32, #tpu.memory_space<vmem>>
          %dma_wait3A_577 = arith.constant 0 : i32
          %dma_wait3A_578 = tpu.memref_slice %arg23[%dma_wait3A_577] : memref<10256xf32, #tpu.memory_space<vmem_shared>> -> memref<10256xf32, #tpu.memory_space<vmem_shared>>
          tpu.wait_indirect_dma semaphore(%arg21 : memref<!tpu.dma_semaphore, #tpu.memory_space<semaphore_mem>>) src(%arg14 : memref<64xf32, #tpu.memory_space<vmem>>) dst(%dma_wait3A_578 : memref<10256xf32, #tpu.memory_space<vmem_shared>>)
        } else {
        }
      }
      %scan3A_286 = arith.constant 8 : i32
      %barrier3A_287 = arith.constant 0 : index
      tpu.barrier barrier_id(%barrier3A_287)
      %add3A_288 = arith.addi %mul3A_36, %mul3A_25 : i32
      "tpu.region"() ({
        %run_scoped3A = tpu.sem_alloc : memref<!tpu.dma_semaphore, #tpu.memory_space<semaphore_mem>>
        %dma_start3A_477 = arith.constant 0 : i32
        %dma_start3A_478 = tpu.memref_slice %arg16[%dma_start3A_477] : memref<656xf32, #tpu.memory_space<vmem>> -> memref<640xf32, #tpu.memory_space<vmem>>
        %dma_start3A_479 = tpu.memref_slice %arg23[%mul3A_25] : memref<10256xf32, #tpu.memory_space<vmem_shared>> -> memref<640xf32, #tpu.memory_space<vmem_shared>>
        %dma_start3A_480 = arith.constant 0 : i32
        %dma_start3A_481 = tpu.memref_slice %arg16[%dma_start3A_480] : memref<656xf32, #tpu.memory_space<vmem>> -> memref<640xf32, #tpu.memory_space<vmem>>
        %dma_start3A_482 = tpu.memref_slice %arg23[%mul3A_25] : memref<10256xf32, #tpu.memory_space<vmem_shared>> -> memref<640xf32, #tpu.memory_space<vmem_shared>>
        tpu.enqueue_dma source(%dma_start3A_482 : memref<640xf32, #tpu.memory_space<vmem_shared>>) target(%dma_start3A_481 : memref<640xf32, #tpu.memory_space<vmem>>) target_semaphore(%run_scoped3A : memref<!tpu.dma_semaphore, #tpu.memory_space<semaphore_mem>>)
        %dma_wait3A_483 = arith.constant 0 : i32
        %dma_wait3A_484 = tpu.memref_slice %arg16[%dma_wait3A_483] : memref<656xf32, #tpu.memory_space<vmem>> -> memref<640xf32, #tpu.memory_space<vmem>>
        %dma_wait3A_485 = tpu.memref_slice %arg23[%mul3A_25] : memref<10256xf32, #tpu.memory_space<vmem_shared>> -> memref<640xf32, #tpu.memory_space<vmem_shared>>
        %dma_wait3A_486 = arith.constant 0 : i32
        %dma_wait3A_487 = tpu.memref_slice %arg16[%dma_wait3A_486] : memref<656xf32, #tpu.memory_space<vmem>> -> memref<640xf32, #tpu.memory_space<vmem>>
        %dma_wait3A_488 = tpu.memref_slice %arg23[%mul3A_25] : memref<10256xf32, #tpu.memory_space<vmem_shared>> -> memref<640xf32, #tpu.memory_space<vmem_shared>>
        tpu.wait_dma2 semaphore(%run_scoped3A : memref<!tpu.dma_semaphore, #tpu.memory_space<semaphore_mem>>) src(%dma_wait3A_488 : memref<640xf32, #tpu.memory_space<vmem_shared>>) dst(%dma_wait3A_487 : memref<640xf32, #tpu.memory_space<vmem>>)
        tpu.yield
      }) : () -> ()
      %dma_start3A_289 = arith.constant 0 : i32
      %dma_start3A_290 = tpu.memref_slice %arg22[%mul3A_25, %dma_start3A_289] : memref<10256x128xf32, #tpu.memory_space<vmem_shared>> -> memref<64x128xf32, #tpu.memory_space<vmem_shared>>
      %dma_start3A_291 = arith.constant 0 : i32
      %dma_start3A_292 = tpu.memref_slice %arg22[%mul3A_25, %dma_start3A_291] : memref<10256x128xf32, #tpu.memory_space<vmem_shared>> -> memref<64x128xf32, #tpu.memory_space<vmem_shared>>
      tpu.enqueue_dma source(%dma_start3A_292 : memref<64x128xf32, #tpu.memory_space<vmem_shared>>) target(%arg10 : memref<64x128xf32, #tpu.memory_space<vmem>>) target_semaphore(%arg18 : memref<!tpu.dma_semaphore, #tpu.memory_space<semaphore_mem>>)
      %add3A_293 = arith.constant 64 : i32
      %add3A_294 = arith.addi %mul3A_25, %add3A_293 : i32
      %dma_start3A_295 = arith.constant 0 : i32
      %dma_start3A_296 = tpu.memref_slice %arg22[%add3A_294, %dma_start3A_295] : memref<10256x128xf32, #tpu.memory_space<vmem_shared>> -> memref<64x128xf32, #tpu.memory_space<vmem_shared>>
      %dma_start3A_297 = arith.constant 0 : i32
      %dma_start3A_298 = tpu.memref_slice %arg22[%add3A_294, %dma_start3A_297] : memref<10256x128xf32, #tpu.memory_space<vmem_shared>> -> memref<64x128xf32, #tpu.memory_space<vmem_shared>>
      tpu.enqueue_dma source(%dma_start3A_298 : memref<64x128xf32, #tpu.memory_space<vmem_shared>>) target(%arg11 : memref<64x128xf32, #tpu.memory_space<vmem>>) target_semaphore(%arg19 : memref<!tpu.dma_semaphore, #tpu.memory_space<semaphore_mem>>)
      %add3A_299 = arith.constant 0 : i32
      %add3A_300 = arith.addi %mul3A_25, %add3A_299 : i32
      %dma_wait3A_301 = arith.constant 0 : i32
      %dma_wait3A_302 = tpu.memref_slice %arg22[%add3A_300, %dma_wait3A_301] : memref<10256x128xf32, #tpu.memory_space<vmem_shared>> -> memref<64x128xf32, #tpu.memory_space<vmem_shared>>
      %dma_wait3A_303 = arith.constant 0 : i32
      %dma_wait3A_304 = tpu.memref_slice %arg22[%add3A_300, %dma_wait3A_303] : memref<10256x128xf32, #tpu.memory_space<vmem_shared>> -> memref<64x128xf32, #tpu.memory_space<vmem_shared>>
      tpu.wait_dma2 semaphore(%arg18 : memref<!tpu.dma_semaphore, #tpu.memory_space<semaphore_mem>>) src(%dma_wait3A_304 : memref<64x128xf32, #tpu.memory_space<vmem_shared>>) dst(%arg10 : memref<64x128xf32, #tpu.memory_space<vmem>>)
      %parallel_loop3A = arith.constant 0 : i32
      %parallel_loop3A_305 = arith.constant 64 : i32
      %parallel_loop3A_306 = arith.constant 1 : i32
      %parallel_loop3A_307 = arith.constant 0 : i32
      %parallel_loop3A_308 = scf.for %parallel_loop3A_477 = %parallel_loop3A to %parallel_loop3A_305 step %parallel_loop3A_306 iter_args(%parallel_loop3A_478 = %parallel_loop3A_307) -> (i32)  : i32 {
        %parallel_loop3A_479 = arith.constant 0 : i32
        %parallel_loop3A_480 = arith.addi %parallel_loop3A_479, %parallel_loop3A_477 : i32
        %parallel_loop3A_481 = arith.index_cast %parallel_loop3A_480 : i32 to index
        %parallel_loop3A_482 = tpu.vector_load %arg16[%parallel_loop3A_481] {strides = array<i32>} : memref<656xf32, #tpu.memory_space<vmem>>, vector<16xf32>,
        %parallel_loop3A_483 = vector.extract_strided_slice %parallel_loop3A_482 {offsets = [0], sizes = [1], strides = [1]} : vector<16xf32> to vector<1xf32>
        %parallel_loop3A_484 = vector.extract %parallel_loop3A_483[0] : f32 from vector<1xf32>
        %parallel_loop3A_485 = vector.broadcast %parallel_loop3A_484 : f32 to vector<16xf32>
        %parallel_loop3A_486 = arith.constant 1.000000e+00 : f32
        %parallel_loop3A_487 = vector.broadcast %parallel_loop3A_486 : f32 to vector<16xf32>
        %parallel_loop3A_488 = arith.maximumf %parallel_loop3A_485, %parallel_loop3A_487 : vector<16xf32>
        %parallel_loop3A_489 = arith.constant 1.000000e+00 : f32
        %parallel_loop3A_490 = vector.broadcast %parallel_loop3A_489 : f32 to vector<16xf32>
        %parallel_loop3A_491 = arith.divf %parallel_loop3A_490, %parallel_loop3A_488 : vector<16xf32>
        %parallel_loop3A_492 = arith.index_cast %parallel_loop3A_477 : i32 to index
        %parallel_loop3A_493 = arith.constant 0 : index
        %parallel_loop3A_494 = tpu.vector_load %arg10[%parallel_loop3A_492, %parallel_loop3A_493] {strides = array<i32>} : memref<64x128xf32, #tpu.memory_space<vmem>>, vector<16xf32>,
        %parallel_loop3A_495 = arith.mulf %parallel_loop3A_494, %parallel_loop3A_491 : vector<16xf32>
        %parallel_loop3A_496 = arith.index_cast %parallel_loop3A_477 : i32 to index
        %parallel_loop3A_497 = arith.constant 0 : index
        %parallel_loop3A_498 = tpu.vector_load %arg10[%parallel_loop3A_496, %parallel_loop3A_497] {strides = array<i32>} : memref<64x128xf32, #tpu.memory_space<vmem>>, vector<16xf32>,
        tpu.vector_store %arg10[%parallel_loop3A_496, %parallel_loop3A_497], %parallel_loop3A_495 {strides = array<i32>} : memref<64x128xf32, #tpu.memory_space<vmem>>, vector<16xf32>,
        %parallel_loop3A_499 = arith.index_cast %parallel_loop3A_477 : i32 to index
        %parallel_loop3A_500 = arith.constant 16 : index
        %parallel_loop3A_501 = tpu.vector_load %arg10[%parallel_loop3A_499, %parallel_loop3A_500] {strides = array<i32>} : memref<64x128xf32, #tpu.memory_space<vmem>>, vector<16xf32>,
        %parallel_loop3A_502 = arith.mulf %parallel_loop3A_501, %parallel_loop3A_491 : vector<16xf32>
        %parallel_loop3A_503 = arith.index_cast %parallel_loop3A_477 : i32 to index
        %parallel_loop3A_504 = arith.constant 16 : index
        %parallel_loop3A_505 = tpu.vector_load %arg10[%parallel_loop3A_503, %parallel_loop3A_504] {strides = array<i32>} : memref<64x128xf32, #tpu.memory_space<vmem>>, vector<16xf32>,
        tpu.vector_store %arg10[%parallel_loop3A_503, %parallel_loop3A_504], %parallel_loop3A_502 {strides = array<i32>} : memref<64x128xf32, #tpu.memory_space<vmem>>, vector<16xf32>,
        %parallel_loop3A_506 = arith.index_cast %parallel_loop3A_477 : i32 to index
        %parallel_loop3A_507 = arith.constant 32 : index
        %parallel_loop3A_508 = tpu.vector_load %arg10[%parallel_loop3A_506, %parallel_loop3A_507] {strides = array<i32>} : memref<64x128xf32, #tpu.memory_space<vmem>>, vector<16xf32>,
        %parallel_loop3A_509 = arith.mulf %parallel_loop3A_508, %parallel_loop3A_491 : vector<16xf32>
        %parallel_loop3A_510 = arith.index_cast %parallel_loop3A_477 : i32 to index
        %parallel_loop3A_511 = arith.constant 32 : index
        %parallel_loop3A_512 = tpu.vector_load %arg10[%parallel_loop3A_510, %parallel_loop3A_511] {strides = array<i32>} : memref<64x128xf32, #tpu.memory_space<vmem>>, vector<16xf32>,
        tpu.vector_store %arg10[%parallel_loop3A_510, %parallel_loop3A_511], %parallel_loop3A_509 {strides = array<i32>} : memref<64x128xf32, #tpu.memory_space<vmem>>, vector<16xf32>,
        %parallel_loop3A_513 = arith.index_cast %parallel_loop3A_477 : i32 to index
        %parallel_loop3A_514 = arith.constant 48 : index
        %parallel_loop3A_515 = tpu.vector_load %arg10[%parallel_loop3A_513, %parallel_loop3A_514] {strides = array<i32>} : memref<64x128xf32, #tpu.memory_space<vmem>>, vector<16xf32>,
        %parallel_loop3A_516 = arith.mulf %parallel_loop3A_515, %parallel_loop3A_491 : vector<16xf32>
        %parallel_loop3A_517 = arith.index_cast %parallel_loop3A_477 : i32 to index
        %parallel_loop3A_518 = arith.constant 48 : index
        %parallel_loop3A_519 = tpu.vector_load %arg10[%parallel_loop3A_517, %parallel_loop3A_518] {strides = array<i32>} : memref<64x128xf32, #tpu.memory_space<vmem>>, vector<16xf32>,
        tpu.vector_store %arg10[%parallel_loop3A_517, %parallel_loop3A_518], %parallel_loop3A_516 {strides = array<i32>} : memref<64x128xf32, #tpu.memory_space<vmem>>, vector<16xf32>,
        %parallel_loop3A_520 = arith.index_cast %parallel_loop3A_477 : i32 to index
        %parallel_loop3A_521 = arith.constant 64 : index
        %parallel_loop3A_522 = tpu.vector_load %arg10[%parallel_loop3A_520, %parallel_loop3A_521] {strides = array<i32>} : memref<64x128xf32, #tpu.memory_space<vmem>>, vector<16xf32>,
        %parallel_loop3A_523 = arith.mulf %parallel_loop3A_522, %parallel_loop3A_491 : vector<16xf32>
        %parallel_loop3A_524 = arith.index_cast %parallel_loop3A_477 : i32 to index
        %parallel_loop3A_525 = arith.constant 64 : index
        %parallel_loop3A_526 = tpu.vector_load %arg10[%parallel_loop3A_524, %parallel_loop3A_525] {strides = array<i32>} : memref<64x128xf32, #tpu.memory_space<vmem>>, vector<16xf32>,
        tpu.vector_store %arg10[%parallel_loop3A_524, %parallel_loop3A_525], %parallel_loop3A_523 {strides = array<i32>} : memref<64x128xf32, #tpu.memory_space<vmem>>, vector<16xf32>,
        %parallel_loop3A_527 = arith.index_cast %parallel_loop3A_477 : i32 to index
        %parallel_loop3A_528 = arith.constant 80 : index
        %parallel_loop3A_529 = tpu.vector_load %arg10[%parallel_loop3A_527, %parallel_loop3A_528] {strides = array<i32>} : memref<64x128xf32, #tpu.memory_space<vmem>>, vector<16xf32>,
        %parallel_loop3A_530 = arith.mulf %parallel_loop3A_529, %parallel_loop3A_491 : vector<16xf32>
        %parallel_loop3A_531 = arith.index_cast %parallel_loop3A_477 : i32 to index
        %parallel_loop3A_532 = arith.constant 80 : index
        %parallel_loop3A_533 = tpu.vector_load %arg10[%parallel_loop3A_531, %parallel_loop3A_532] {strides = array<i32>} : memref<64x128xf32, #tpu.memory_space<vmem>>, vector<16xf32>,
        tpu.vector_store %arg10[%parallel_loop3A_531, %parallel_loop3A_532], %parallel_loop3A_530 {strides = array<i32>} : memref<64x128xf32, #tpu.memory_space<vmem>>, vector<16xf32>,
        %parallel_loop3A_534 = arith.index_cast %parallel_loop3A_477 : i32 to index
        %parallel_loop3A_535 = arith.constant 96 : index
        %parallel_loop3A_536 = tpu.vector_load %arg10[%parallel_loop3A_534, %parallel_loop3A_535] {strides = array<i32>} : memref<64x128xf32, #tpu.memory_space<vmem>>, vector<16xf32>,
        %parallel_loop3A_537 = arith.mulf %parallel_loop3A_536, %parallel_loop3A_491 : vector<16xf32>
        %parallel_loop3A_538 = arith.index_cast %parallel_loop3A_477 : i32 to index
        %parallel_loop3A_539 = arith.constant 96 : index
        %parallel_loop3A_540 = tpu.vector_load %arg10[%parallel_loop3A_538, %parallel_loop3A_539] {strides = array<i32>} : memref<64x128xf32, #tpu.memory_space<vmem>>, vector<16xf32>,
        tpu.vector_store %arg10[%parallel_loop3A_538, %parallel_loop3A_539], %parallel_loop3A_537 {strides = array<i32>} : memref<64x128xf32, #tpu.memory_space<vmem>>, vector<16xf32>,
        %parallel_loop3A_541 = arith.index_cast %parallel_loop3A_477 : i32 to index
        %parallel_loop3A_542 = arith.constant 112 : index
        %parallel_loop3A_543 = tpu.vector_load %arg10[%parallel_loop3A_541, %parallel_loop3A_542] {strides = array<i32>} : memref<64x128xf32, #tpu.memory_space<vmem>>, vector<16xf32>,
        %parallel_loop3A_544 = arith.mulf %parallel_loop3A_543, %parallel_loop3A_491 : vector<16xf32>
        %parallel_loop3A_545 = arith.index_cast %parallel_loop3A_477 : i32 to index
        %parallel_loop3A_546 = arith.constant 112 : index
        %parallel_loop3A_547 = tpu.vector_load %arg10[%parallel_loop3A_545, %parallel_loop3A_546] {strides = array<i32>} : memref<64x128xf32, #tpu.memory_space<vmem>>, vector<16xf32>,
        tpu.vector_store %arg10[%parallel_loop3A_545, %parallel_loop3A_546], %parallel_loop3A_544 {strides = array<i32>} : memref<64x128xf32, #tpu.memory_space<vmem>>, vector<16xf32>,
        scf.yield %parallel_loop3A_478 : i32
      } {sc.loop_unroll_factor = 2 : i64, sc.parallel_access}
      %add3A_309 = arith.constant 0 : i32
      %add3A_310 = arith.addi %add3A_288, %add3A_309 : i32
      "tpu.region"() ({
        %run_scoped3A = tpu.sem_alloc : memref<!tpu.dma_semaphore, #tpu.memory_space<semaphore_mem>>
        %dma_start3A_477 = arith.constant 0 : i32
        %dma_start3A_478 = tpu.memref_slice %arg5[%add3A_310, %dma_start3A_477] : memref<102400x128xf32, #tpu.memory_space<hbm>> -> memref<64x128xf32, #tpu.memory_space<hbm>>
        %dma_start3A_479 = arith.constant 0 : i32
        %dma_start3A_480 = tpu.memref_slice %arg5[%add3A_310, %dma_start3A_479] : memref<102400x128xf32, #tpu.memory_space<hbm>> -> memref<64x128xf32, #tpu.memory_space<hbm>>
        tpu.enqueue_dma source(%arg10 : memref<64x128xf32, #tpu.memory_space<vmem>>) target(%dma_start3A_480 : memref<64x128xf32, #tpu.memory_space<hbm>>) target_semaphore(%run_scoped3A : memref<!tpu.dma_semaphore, #tpu.memory_space<semaphore_mem>>)
        %dma_wait3A_481 = arith.constant 0 : i32
        %dma_wait3A_482 = tpu.memref_slice %arg5[%add3A_310, %dma_wait3A_481] : memref<102400x128xf32, #tpu.memory_space<hbm>> -> memref<64x128xf32, #tpu.memory_space<hbm>>
        %dma_wait3A_483 = arith.constant 0 : i32
        %dma_wait3A_484 = tpu.memref_slice %arg5[%add3A_310, %dma_wait3A_483] : memref<102400x128xf32, #tpu.memory_space<hbm>> -> memref<64x128xf32, #tpu.memory_space<hbm>>
        tpu.wait_dma2 semaphore(%run_scoped3A : memref<!tpu.dma_semaphore, #tpu.memory_space<semaphore_mem>>) src(%arg10 : memref<64x128xf32, #tpu.memory_space<vmem>>) dst(%dma_wait3A_484 : memref<64x128xf32, #tpu.memory_space<hbm>>)
        tpu.yield
      }) : () -> ()
      %add3A_311 = arith.constant 128 : i32
      %add3A_312 = arith.addi %mul3A_25, %add3A_311 : i32
      %dma_start3A_313 = arith.constant 0 : i32
      %dma_start3A_314 = tpu.memref_slice %arg22[%add3A_312, %dma_start3A_313] : memref<10256x128xf32, #tpu.memory_space<vmem_shared>> -> memref<64x128xf32, #tpu.memory_space<vmem_shared>>
      %dma_start3A_315 = arith.constant 0 : i32
      %dma_start3A_316 = tpu.memref_slice %arg22[%add3A_312, %dma_start3A_315] : memref<10256x128xf32, #tpu.memory_space<vmem_shared>> -> memref<64x128xf32, #tpu.memory_space<vmem_shared>>
      tpu.enqueue_dma source(%dma_start3A_316 : memref<64x128xf32, #tpu.memory_space<vmem_shared>>) target(%arg10 : memref<64x128xf32, #tpu.memory_space<vmem>>) target_semaphore(%arg18 : memref<!tpu.dma_semaphore, #tpu.memory_space<semaphore_mem>>)
      %add3A_317 = arith.constant 64 : i32
      %add3A_318 = arith.addi %mul3A_25, %add3A_317 : i32
      %dma_wait3A_319 = arith.constant 0 : i32
      %dma_wait3A_320 = tpu.memref_slice %arg22[%add3A_318, %dma_wait3A_319] : memref<10256x128xf32, #tpu.memory_space<vmem_shared>> -> memref<64x128xf32, #tpu.memory_space<vmem_shared>>
      %dma_wait3A_321 = arith.constant 0 : i32
      %dma_wait3A_322 = tpu.memref_slice %arg22[%add3A_318, %dma_wait3A_321] : memref<10256x128xf32, #tpu.memory_space<vmem_shared>> -> memref<64x128xf32, #tpu.memory_space<vmem_shared>>
      tpu.wait_dma2 semaphore(%arg19 : memref<!tpu.dma_semaphore, #tpu.memory_space<semaphore_mem>>) src(%dma_wait3A_322 : memref<64x128xf32, #tpu.memory_space<vmem_shared>>) dst(%arg11 : memref<64x128xf32, #tpu.memory_space<vmem>>)
      %parallel_loop3A_323 = arith.constant 0 : i32
      %parallel_loop3A_324 = arith.constant 64 : i32
      %parallel_loop3A_325 = arith.constant 1 : i32
      %parallel_loop3A_326 = arith.constant 0 : i32
      %parallel_loop3A_327 = scf.for %parallel_loop3A_477 = %parallel_loop3A_323 to %parallel_loop3A_324 step %parallel_loop3A_325 iter_args(%parallel_loop3A_478 = %parallel_loop3A_326) -> (i32)  : i32 {
        %parallel_loop3A_479 = arith.constant 64 : i32
        %parallel_loop3A_480 = arith.addi %parallel_loop3A_479, %parallel_loop3A_477 : i32
        %parallel_loop3A_481 = arith.index_cast %parallel_loop3A_480 : i32 to index
        %parallel_loop3A_482 = tpu.vector_load %arg16[%parallel_loop3A_481] {strides = array<i32>} : memref<656xf32, #tpu.memory_space<vmem>>, vector<16xf32>,
        %parallel_loop3A_483 = vector.extract_strided_slice %parallel_loop3A_482 {offsets = [0], sizes = [1], strides = [1]} : vector<16xf32> to vector<1xf32>
        %parallel_loop3A_484 = vector.extract %parallel_loop3A_483[0] : f32 from vector<1xf32>
        %parallel_loop3A_485 = vector.broadcast %parallel_loop3A_484 : f32 to vector<16xf32>
        %parallel_loop3A_486 = arith.constant 1.000000e+00 : f32
        %parallel_loop3A_487 = vector.broadcast %parallel_loop3A_486 : f32 to vector<16xf32>
        %parallel_loop3A_488 = arith.maximumf %parallel_loop3A_485, %parallel_loop3A_487 : vector<16xf32>
        %parallel_loop3A_489 = arith.constant 1.000000e+00 : f32
        %parallel_loop3A_490 = vector.broadcast %parallel_loop3A_489 : f32 to vector<16xf32>
        %parallel_loop3A_491 = arith.divf %parallel_loop3A_490, %parallel_loop3A_488 : vector<16xf32>
        %parallel_loop3A_492 = arith.index_cast %parallel_loop3A_477 : i32 to index
        %parallel_loop3A_493 = arith.constant 0 : index
        %parallel_loop3A_494 = tpu.vector_load %arg11[%parallel_loop3A_492, %parallel_loop3A_493] {strides = array<i32>} : memref<64x128xf32, #tpu.memory_space<vmem>>, vector<16xf32>,
        %parallel_loop3A_495 = arith.mulf %parallel_loop3A_494, %parallel_loop3A_491 : vector<16xf32>
        %parallel_loop3A_496 = arith.index_cast %parallel_loop3A_477 : i32 to index
        %parallel_loop3A_497 = arith.constant 0 : index
        %parallel_loop3A_498 = tpu.vector_load %arg11[%parallel_loop3A_496, %parallel_loop3A_497] {strides = array<i32>} : memref<64x128xf32, #tpu.memory_space<vmem>>, vector<16xf32>,
        tpu.vector_store %arg11[%parallel_loop3A_496, %parallel_loop3A_497], %parallel_loop3A_495 {strides = array<i32>} : memref<64x128xf32, #tpu.memory_space<vmem>>, vector<16xf32>,
        %parallel_loop3A_499 = arith.index_cast %parallel_loop3A_477 : i32 to index
        %parallel_loop3A_500 = arith.constant 16 : index
        %parallel_loop3A_501 = tpu.vector_load %arg11[%parallel_loop3A_499, %parallel_loop3A_500] {strides = array<i32>} : memref<64x128xf32, #tpu.memory_space<vmem>>, vector<16xf32>,
        %parallel_loop3A_502 = arith.mulf %parallel_loop3A_501, %parallel_loop3A_491 : vector<16xf32>
        %parallel_loop3A_503 = arith.index_cast %parallel_loop3A_477 : i32 to index
        %parallel_loop3A_504 = arith.constant 16 : index
        %parallel_loop3A_505 = tpu.vector_load %arg11[%parallel_loop3A_503, %parallel_loop3A_504] {strides = array<i32>} : memref<64x128xf32, #tpu.memory_space<vmem>>, vector<16xf32>,
        tpu.vector_store %arg11[%parallel_loop3A_503, %parallel_loop3A_504], %parallel_loop3A_502 {strides = array<i32>} : memref<64x128xf32, #tpu.memory_space<vmem>>, vector<16xf32>,
        %parallel_loop3A_506 = arith.index_cast %parallel_loop3A_477 : i32 to index
        %parallel_loop3A_507 = arith.constant 32 : index
        %parallel_loop3A_508 = tpu.vector_load %arg11[%parallel_loop3A_506, %parallel_loop3A_507] {strides = array<i32>} : memref<64x128xf32, #tpu.memory_space<vmem>>, vector<16xf32>,
        %parallel_loop3A_509 = arith.mulf %parallel_loop3A_508, %parallel_loop3A_491 : vector<16xf32>
        %parallel_loop3A_510 = arith.index_cast %parallel_loop3A_477 : i32 to index
        %parallel_loop3A_511 = arith.constant 32 : index
        %parallel_loop3A_512 = tpu.vector_load %arg11[%parallel_loop3A_510, %parallel_loop3A_511] {strides = array<i32>} : memref<64x128xf32, #tpu.memory_space<vmem>>, vector<16xf32>,
        tpu.vector_store %arg11[%parallel_loop3A_510, %parallel_loop3A_511], %parallel_loop3A_509 {strides = array<i32>} : memref<64x128xf32, #tpu.memory_space<vmem>>, vector<16xf32>,
        %parallel_loop3A_513 = arith.index_cast %parallel_loop3A_477 : i32 to index
        %parallel_loop3A_514 = arith.constant 48 : index
        %parallel_loop3A_515 = tpu.vector_load %arg11[%parallel_loop3A_513, %parallel_loop3A_514] {strides = array<i32>} : memref<64x128xf32, #tpu.memory_space<vmem>>, vector<16xf32>,
        %parallel_loop3A_516 = arith.mulf %parallel_loop3A_515, %parallel_loop3A_491 : vector<16xf32>
        %parallel_loop3A_517 = arith.index_cast %parallel_loop3A_477 : i32 to index
        %parallel_loop3A_518 = arith.constant 48 : index
        %parallel_loop3A_519 = tpu.vector_load %arg11[%parallel_loop3A_517, %parallel_loop3A_518] {strides = array<i32>} : memref<64x128xf32, #tpu.memory_space<vmem>>, vector<16xf32>,
        tpu.vector_store %arg11[%parallel_loop3A_517, %parallel_loop3A_518], %parallel_loop3A_516 {strides = array<i32>} : memref<64x128xf32, #tpu.memory_space<vmem>>, vector<16xf32>,
        %parallel_loop3A_520 = arith.index_cast %parallel_loop3A_477 : i32 to index
        %parallel_loop3A_521 = arith.constant 64 : index
        %parallel_loop3A_522 = tpu.vector_load %arg11[%parallel_loop3A_520, %parallel_loop3A_521] {strides = array<i32>} : memref<64x128xf32, #tpu.memory_space<vmem>>, vector<16xf32>,
        %parallel_loop3A_523 = arith.mulf %parallel_loop3A_522, %parallel_loop3A_491 : vector<16xf32>
        %parallel_loop3A_524 = arith.index_cast %parallel_loop3A_477 : i32 to index
        %parallel_loop3A_525 = arith.constant 64 : index
        %parallel_loop3A_526 = tpu.vector_load %arg11[%parallel_loop3A_524, %parallel_loop3A_525] {strides = array<i32>} : memref<64x128xf32, #tpu.memory_space<vmem>>, vector<16xf32>,
        tpu.vector_store %arg11[%parallel_loop3A_524, %parallel_loop3A_525], %parallel_loop3A_523 {strides = array<i32>} : memref<64x128xf32, #tpu.memory_space<vmem>>, vector<16xf32>,
        %parallel_loop3A_527 = arith.index_cast %parallel_loop3A_477 : i32 to index
        %parallel_loop3A_528 = arith.constant 80 : index
        %parallel_loop3A_529 = tpu.vector_load %arg11[%parallel_loop3A_527, %parallel_loop3A_528] {strides = array<i32>} : memref<64x128xf32, #tpu.memory_space<vmem>>, vector<16xf32>,
        %parallel_loop3A_530 = arith.mulf %parallel_loop3A_529, %parallel_loop3A_491 : vector<16xf32>
        %parallel_loop3A_531 = arith.index_cast %parallel_loop3A_477 : i32 to index
        %parallel_loop3A_532 = arith.constant 80 : index
        %parallel_loop3A_533 = tpu.vector_load %arg11[%parallel_loop3A_531, %parallel_loop3A_532] {strides = array<i32>} : memref<64x128xf32, #tpu.memory_space<vmem>>, vector<16xf32>,
        tpu.vector_store %arg11[%parallel_loop3A_531, %parallel_loop3A_532], %parallel_loop3A_530 {strides = array<i32>} : memref<64x128xf32, #tpu.memory_space<vmem>>, vector<16xf32>,
        %parallel_loop3A_534 = arith.index_cast %parallel_loop3A_477 : i32 to index
        %parallel_loop3A_535 = arith.constant 96 : index
        %parallel_loop3A_536 = tpu.vector_load %arg11[%parallel_loop3A_534, %parallel_loop3A_535] {strides = array<i32>} : memref<64x128xf32, #tpu.memory_space<vmem>>, vector<16xf32>,
        %parallel_loop3A_537 = arith.mulf %parallel_loop3A_536, %parallel_loop3A_491 : vector<16xf32>
        %parallel_loop3A_538 = arith.index_cast %parallel_loop3A_477 : i32 to index
        %parallel_loop3A_539 = arith.constant 96 : index
        %parallel_loop3A_540 = tpu.vector_load %arg11[%parallel_loop3A_538, %parallel_loop3A_539] {strides = array<i32>} : memref<64x128xf32, #tpu.memory_space<vmem>>, vector<16xf32>,
        tpu.vector_store %arg11[%parallel_loop3A_538, %parallel_loop3A_539], %parallel_loop3A_537 {strides = array<i32>} : memref<64x128xf32, #tpu.memory_space<vmem>>, vector<16xf32>,
        %parallel_loop3A_541 = arith.index_cast %parallel_loop3A_477 : i32 to index
        %parallel_loop3A_542 = arith.constant 112 : index
        %parallel_loop3A_543 = tpu.vector_load %arg11[%parallel_loop3A_541, %parallel_loop3A_542] {strides = array<i32>} : memref<64x128xf32, #tpu.memory_space<vmem>>, vector<16xf32>,
        %parallel_loop3A_544 = arith.mulf %parallel_loop3A_543, %parallel_loop3A_491 : vector<16xf32>
        %parallel_loop3A_545 = arith.index_cast %parallel_loop3A_477 : i32 to index
        %parallel_loop3A_546 = arith.constant 112 : index
        %parallel_loop3A_547 = tpu.vector_load %arg11[%parallel_loop3A_545, %parallel_loop3A_546] {strides = array<i32>} : memref<64x128xf32, #tpu.memory_space<vmem>>, vector<16xf32>,
        tpu.vector_store %arg11[%parallel_loop3A_545, %parallel_loop3A_546], %parallel_loop3A_544 {strides = array<i32>} : memref<64x128xf32, #tpu.memory_space<vmem>>, vector<16xf32>,
        scf.yield %parallel_loop3A_478 : i32
      } {sc.loop_unroll_factor = 2 : i64, sc.parallel_access}
      %add3A_328 = arith.constant 64 : i32
      %add3A_329 = arith.addi %add3A_288, %add3A_328 : i32
      "tpu.region"() ({
        %run_scoped3A = tpu.sem_alloc : memref<!tpu.dma_semaphore, #tpu.memory_space<semaphore_mem>>
        %dma_start3A_477 = arith.constant 0 : i32
        %dma_start3A_478 = tpu.memref_slice %arg5[%add3A_329, %dma_start3A_477] : memref<102400x128xf32, #tpu.memory_space<hbm>> -> memref<64x128xf32, #tpu.memory_space<hbm>>
        %dma_start3A_479 = arith.constant 0 : i32
        %dma_start3A_480 = tpu.memref_slice %arg5[%add3A_329, %dma_start3A_479] : memref<102400x128xf32, #tpu.memory_space<hbm>> -> memref<64x128xf32, #tpu.memory_space<hbm>>
        tpu.enqueue_dma source(%arg11 : memref<64x128xf32, #tpu.memory_space<vmem>>) target(%dma_start3A_480 : memref<64x128xf32, #tpu.memory_space<hbm>>) target_semaphore(%run_scoped3A : memref<!tpu.dma_semaphore, #tpu.memory_space<semaphore_mem>>)
        %dma_wait3A_481 = arith.constant 0 : i32
        %dma_wait3A_482 = tpu.memref_slice %arg5[%add3A_329, %dma_wait3A_481] : memref<102400x128xf32, #tpu.memory_space<hbm>> -> memref<64x128xf32, #tpu.memory_space<hbm>>
        %dma_wait3A_483 = arith.constant 0 : i32
        %dma_wait3A_484 = tpu.memref_slice %arg5[%add3A_329, %dma_wait3A_483] : memref<102400x128xf32, #tpu.memory_space<hbm>> -> memref<64x128xf32, #tpu.memory_space<hbm>>
        tpu.wait_dma2 semaphore(%run_scoped3A : memref<!tpu.dma_semaphore, #tpu.memory_space<semaphore_mem>>) src(%arg11 : memref<64x128xf32, #tpu.memory_space<vmem>>) dst(%dma_wait3A_484 : memref<64x128xf32, #tpu.memory_space<hbm>>)
        tpu.yield
      }) : () -> ()
      %add3A_330 = arith.constant 192 : i32
      %add3A_331 = arith.addi %mul3A_25, %add3A_330 : i32
      %dma_start3A_332 = arith.constant 0 : i32
      %dma_start3A_333 = tpu.memref_slice %arg22[%add3A_331, %dma_start3A_332] : memref<10256x128xf32, #tpu.memory_space<vmem_shared>> -> memref<64x128xf32, #tpu.memory_space<vmem_shared>>
      %dma_start3A_334 = arith.constant 0 : i32
      %dma_start3A_335 = tpu.memref_slice %arg22[%add3A_331, %dma_start3A_334] : memref<10256x128xf32, #tpu.memory_space<vmem_shared>> -> memref<64x128xf32, #tpu.memory_space<vmem_shared>>
      tpu.enqueue_dma source(%dma_start3A_335 : memref<64x128xf32, #tpu.memory_space<vmem_shared>>) target(%arg11 : memref<64x128xf32, #tpu.memory_space<vmem>>) target_semaphore(%arg19 : memref<!tpu.dma_semaphore, #tpu.memory_space<semaphore_mem>>)
      %add3A_336 = arith.constant 128 : i32
      %add3A_337 = arith.addi %mul3A_25, %add3A_336 : i32
      %dma_wait3A_338 = arith.constant 0 : i32
      %dma_wait3A_339 = tpu.memref_slice %arg22[%add3A_337, %dma_wait3A_338] : memref<10256x128xf32, #tpu.memory_space<vmem_shared>> -> memref<64x128xf32, #tpu.memory_space<vmem_shared>>
      %dma_wait3A_340 = arith.constant 0 : i32
      %dma_wait3A_341 = tpu.memref_slice %arg22[%add3A_337, %dma_wait3A_340] : memref<10256x128xf32, #tpu.memory_space<vmem_shared>> -> memref<64x128xf32, #tpu.memory_space<vmem_shared>>
      tpu.wait_dma2 semaphore(%arg18 : memref<!tpu.dma_semaphore, #tpu.memory_space<semaphore_mem>>) src(%dma_wait3A_341 : memref<64x128xf32, #tpu.memory_space<vmem_shared>>) dst(%arg10 : memref<64x128xf32, #tpu.memory_space<vmem>>)
      %parallel_loop3A_342 = arith.constant 0 : i32
      %parallel_loop3A_343 = arith.constant 64 : i32
      %parallel_loop3A_344 = arith.constant 1 : i32
      %parallel_loop3A_345 = arith.constant 0 : i32
      %parallel_loop3A_346 = scf.for %parallel_loop3A_477 = %parallel_loop3A_342 to %parallel_loop3A_343 step %parallel_loop3A_344 iter_args(%parallel_loop3A_478 = %parallel_loop3A_345) -> (i32)  : i32 {
        %parallel_loop3A_479 = arith.constant 128 : i32
        %parallel_loop3A_480 = arith.addi %parallel_loop3A_479, %parallel_loop3A_477 : i32
        %parallel_loop3A_481 = arith.index_cast %parallel_loop3A_480 : i32 to index
        %parallel_loop3A_482 = tpu.vector_load %arg16[%parallel_loop3A_481] {strides = array<i32>} : memref<656xf32, #tpu.memory_space<vmem>>, vector<16xf32>,
        %parallel_loop3A_483 = vector.extract_strided_slice %parallel_loop3A_482 {offsets = [0], sizes = [1], strides = [1]} : vector<16xf32> to vector<1xf32>
        %parallel_loop3A_484 = vector.extract %parallel_loop3A_483[0] : f32 from vector<1xf32>
        %parallel_loop3A_485 = vector.broadcast %parallel_loop3A_484 : f32 to vector<16xf32>
        %parallel_loop3A_486 = arith.constant 1.000000e+00 : f32
        %parallel_loop3A_487 = vector.broadcast %parallel_loop3A_486 : f32 to vector<16xf32>
        %parallel_loop3A_488 = arith.maximumf %parallel_loop3A_485, %parallel_loop3A_487 : vector<16xf32>
        %parallel_loop3A_489 = arith.constant 1.000000e+00 : f32
        %parallel_loop3A_490 = vector.broadcast %parallel_loop3A_489 : f32 to vector<16xf32>
        %parallel_loop3A_491 = arith.divf %parallel_loop3A_490, %parallel_loop3A_488 : vector<16xf32>
        %parallel_loop3A_492 = arith.index_cast %parallel_loop3A_477 : i32 to index
        %parallel_loop3A_493 = arith.constant 0 : index
        %parallel_loop3A_494 = tpu.vector_load %arg10[%parallel_loop3A_492, %parallel_loop3A_493] {strides = array<i32>} : memref<64x128xf32, #tpu.memory_space<vmem>>, vector<16xf32>,
        %parallel_loop3A_495 = arith.mulf %parallel_loop3A_494, %parallel_loop3A_491 : vector<16xf32>
        %parallel_loop3A_496 = arith.index_cast %parallel_loop3A_477 : i32 to index
        %parallel_loop3A_497 = arith.constant 0 : index
        %parallel_loop3A_498 = tpu.vector_load %arg10[%parallel_loop3A_496, %parallel_loop3A_497] {strides = array<i32>} : memref<64x128xf32, #tpu.memory_space<vmem>>, vector<16xf32>,
        tpu.vector_store %arg10[%parallel_loop3A_496, %parallel_loop3A_497], %parallel_loop3A_495 {strides = array<i32>} : memref<64x128xf32, #tpu.memory_space<vmem>>, vector<16xf32>,
        %parallel_loop3A_499 = arith.index_cast %parallel_loop3A_477 : i32 to index
        %parallel_loop3A_500 = arith.constant 16 : index
        %parallel_loop3A_501 = tpu.vector_load %arg10[%parallel_loop3A_499, %parallel_loop3A_500] {strides = array<i32>} : memref<64x128xf32, #tpu.memory_space<vmem>>, vector<16xf32>,
        %parallel_loop3A_502 = arith.mulf %parallel_loop3A_501, %parallel_loop3A_491 : vector<16xf32>
        %parallel_loop3A_503 = arith.index_cast %parallel_loop3A_477 : i32 to index
        %parallel_loop3A_504 = arith.constant 16 : index
        %parallel_loop3A_505 = tpu.vector_load %arg10[%parallel_loop3A_503, %parallel_loop3A_504] {strides = array<i32>} : memref<64x128xf32, #tpu.memory_space<vmem>>, vector<16xf32>,
        tpu.vector_store %arg10[%parallel_loop3A_503, %parallel_loop3A_504], %parallel_loop3A_502 {strides = array<i32>} : memref<64x128xf32, #tpu.memory_space<vmem>>, vector<16xf32>,
        %parallel_loop3A_506 = arith.index_cast %parallel_loop3A_477 : i32 to index
        %parallel_loop3A_507 = arith.constant 32 : index
        %parallel_loop3A_508 = tpu.vector_load %arg10[%parallel_loop3A_506, %parallel_loop3A_507] {strides = array<i32>} : memref<64x128xf32, #tpu.memory_space<vmem>>, vector<16xf32>,
        %parallel_loop3A_509 = arith.mulf %parallel_loop3A_508, %parallel_loop3A_491 : vector<16xf32>
        %parallel_loop3A_510 = arith.index_cast %parallel_loop3A_477 : i32 to index
        %parallel_loop3A_511 = arith.constant 32 : index
        %parallel_loop3A_512 = tpu.vector_load %arg10[%parallel_loop3A_510, %parallel_loop3A_511] {strides = array<i32>} : memref<64x128xf32, #tpu.memory_space<vmem>>, vector<16xf32>,
        tpu.vector_store %arg10[%parallel_loop3A_510, %parallel_loop3A_511], %parallel_loop3A_509 {strides = array<i32>} : memref<64x128xf32, #tpu.memory_space<vmem>>, vector<16xf32>,
        %parallel_loop3A_513 = arith.index_cast %parallel_loop3A_477 : i32 to index
        %parallel_loop3A_514 = arith.constant 48 : index
        %parallel_loop3A_515 = tpu.vector_load %arg10[%parallel_loop3A_513, %parallel_loop3A_514] {strides = array<i32>} : memref<64x128xf32, #tpu.memory_space<vmem>>, vector<16xf32>,
        %parallel_loop3A_516 = arith.mulf %parallel_loop3A_515, %parallel_loop3A_491 : vector<16xf32>
        %parallel_loop3A_517 = arith.index_cast %parallel_loop3A_477 : i32 to index
        %parallel_loop3A_518 = arith.constant 48 : index
        %parallel_loop3A_519 = tpu.vector_load %arg10[%parallel_loop3A_517, %parallel_loop3A_518] {strides = array<i32>} : memref<64x128xf32, #tpu.memory_space<vmem>>, vector<16xf32>,
        tpu.vector_store %arg10[%parallel_loop3A_517, %parallel_loop3A_518], %parallel_loop3A_516 {strides = array<i32>} : memref<64x128xf32, #tpu.memory_space<vmem>>, vector<16xf32>,
        %parallel_loop3A_520 = arith.index_cast %parallel_loop3A_477 : i32 to index
        %parallel_loop3A_521 = arith.constant 64 : index
        %parallel_loop3A_522 = tpu.vector_load %arg10[%parallel_loop3A_520, %parallel_loop3A_521] {strides = array<i32>} : memref<64x128xf32, #tpu.memory_space<vmem>>, vector<16xf32>,
        %parallel_loop3A_523 = arith.mulf %parallel_loop3A_522, %parallel_loop3A_491 : vector<16xf32>
        %parallel_loop3A_524 = arith.index_cast %parallel_loop3A_477 : i32 to index
        %parallel_loop3A_525 = arith.constant 64 : index
        %parallel_loop3A_526 = tpu.vector_load %arg10[%parallel_loop3A_524, %parallel_loop3A_525] {strides = array<i32>} : memref<64x128xf32, #tpu.memory_space<vmem>>, vector<16xf32>,
        tpu.vector_store %arg10[%parallel_loop3A_524, %parallel_loop3A_525], %parallel_loop3A_523 {strides = array<i32>} : memref<64x128xf32, #tpu.memory_space<vmem>>, vector<16xf32>,
        %parallel_loop3A_527 = arith.index_cast %parallel_loop3A_477 : i32 to index
        %parallel_loop3A_528 = arith.constant 80 : index
        %parallel_loop3A_529 = tpu.vector_load %arg10[%parallel_loop3A_527, %parallel_loop3A_528] {strides = array<i32>} : memref<64x128xf32, #tpu.memory_space<vmem>>, vector<16xf32>,
        %parallel_loop3A_530 = arith.mulf %parallel_loop3A_529, %parallel_loop3A_491 : vector<16xf32>
        %parallel_loop3A_531 = arith.index_cast %parallel_loop3A_477 : i32 to index
        %parallel_loop3A_532 = arith.constant 80 : index
        %parallel_loop3A_533 = tpu.vector_load %arg10[%parallel_loop3A_531, %parallel_loop3A_532] {strides = array<i32>} : memref<64x128xf32, #tpu.memory_space<vmem>>, vector<16xf32>,
        tpu.vector_store %arg10[%parallel_loop3A_531, %parallel_loop3A_532], %parallel_loop3A_530 {strides = array<i32>} : memref<64x128xf32, #tpu.memory_space<vmem>>, vector<16xf32>,
        %parallel_loop3A_534 = arith.index_cast %parallel_loop3A_477 : i32 to index
        %parallel_loop3A_535 = arith.constant 96 : index
        %parallel_loop3A_536 = tpu.vector_load %arg10[%parallel_loop3A_534, %parallel_loop3A_535] {strides = array<i32>} : memref<64x128xf32, #tpu.memory_space<vmem>>, vector<16xf32>,
        %parallel_loop3A_537 = arith.mulf %parallel_loop3A_536, %parallel_loop3A_491 : vector<16xf32>
        %parallel_loop3A_538 = arith.index_cast %parallel_loop3A_477 : i32 to index
        %parallel_loop3A_539 = arith.constant 96 : index
        %parallel_loop3A_540 = tpu.vector_load %arg10[%parallel_loop3A_538, %parallel_loop3A_539] {strides = array<i32>} : memref<64x128xf32, #tpu.memory_space<vmem>>, vector<16xf32>,
        tpu.vector_store %arg10[%parallel_loop3A_538, %parallel_loop3A_539], %parallel_loop3A_537 {strides = array<i32>} : memref<64x128xf32, #tpu.memory_space<vmem>>, vector<16xf32>,
        %parallel_loop3A_541 = arith.index_cast %parallel_loop3A_477 : i32 to index
        %parallel_loop3A_542 = arith.constant 112 : index
        %parallel_loop3A_543 = tpu.vector_load %arg10[%parallel_loop3A_541, %parallel_loop3A_542] {strides = array<i32>} : memref<64x128xf32, #tpu.memory_space<vmem>>, vector<16xf32>,
        %parallel_loop3A_544 = arith.mulf %parallel_loop3A_543, %parallel_loop3A_491 : vector<16xf32>
        %parallel_loop3A_545 = arith.index_cast %parallel_loop3A_477 : i32 to index
        %parallel_loop3A_546 = arith.constant 112 : index
        %parallel_loop3A_547 = tpu.vector_load %arg10[%parallel_loop3A_545, %parallel_loop3A_546] {strides = array<i32>} : memref<64x128xf32, #tpu.memory_space<vmem>>, vector<16xf32>,
        tpu.vector_store %arg10[%parallel_loop3A_545, %parallel_loop3A_546], %parallel_loop3A_544 {strides = array<i32>} : memref<64x128xf32, #tpu.memory_space<vmem>>, vector<16xf32>,
        scf.yield %parallel_loop3A_478 : i32
      } {sc.loop_unroll_factor = 2 : i64, sc.parallel_access}
      %add3A_347 = arith.constant 128 : i32
      %add3A_348 = arith.addi %add3A_288, %add3A_347 : i32
      "tpu.region"() ({
        %run_scoped3A = tpu.sem_alloc : memref<!tpu.dma_semaphore, #tpu.memory_space<semaphore_mem>>
        %dma_start3A_477 = arith.constant 0 : i32
        %dma_start3A_478 = tpu.memref_slice %arg5[%add3A_348, %dma_start3A_477] : memref<102400x128xf32, #tpu.memory_space<hbm>> -> memref<64x128xf32, #tpu.memory_space<hbm>>
        %dma_start3A_479 = arith.constant 0 : i32
        %dma_start3A_480 = tpu.memref_slice %arg5[%add3A_348, %dma_start3A_479] : memref<102400x128xf32, #tpu.memory_space<hbm>> -> memref<64x128xf32, #tpu.memory_space<hbm>>
        tpu.enqueue_dma source(%arg10 : memref<64x128xf32, #tpu.memory_space<vmem>>) target(%dma_start3A_480 : memref<64x128xf32, #tpu.memory_space<hbm>>) target_semaphore(%run_scoped3A : memref<!tpu.dma_semaphore, #tpu.memory_space<semaphore_mem>>)
        %dma_wait3A_481 = arith.constant 0 : i32
        %dma_wait3A_482 = tpu.memref_slice %arg5[%add3A_348, %dma_wait3A_481] : memref<102400x128xf32, #tpu.memory_space<hbm>> -> memref<64x128xf32, #tpu.memory_space<hbm>>
        %dma_wait3A_483 = arith.constant 0 : i32
        %dma_wait3A_484 = tpu.memref_slice %arg5[%add3A_348, %dma_wait3A_483] : memref<102400x128xf32, #tpu.memory_space<hbm>> -> memref<64x128xf32, #tpu.memory_space<hbm>>
        tpu.wait_dma2 semaphore(%run_scoped3A : memref<!tpu.dma_semaphore, #tpu.memory_space<semaphore_mem>>) src(%arg10 : memref<64x128xf32, #tpu.memory_space<vmem>>) dst(%dma_wait3A_484 : memref<64x128xf32, #tpu.memory_space<hbm>>)
        tpu.yield
      }) : () -> ()
      %add3A_349 = arith.constant 256 : i32
      %add3A_350 = arith.addi %mul3A_25, %add3A_349 : i32
      %dma_start3A_351 = arith.constant 0 : i32
      %dma_start3A_352 = tpu.memref_slice %arg22[%add3A_350, %dma_start3A_351] : memref<10256x128xf32, #tpu.memory_space<vmem_shared>> -> memref<64x128xf32, #tpu.memory_space<vmem_shared>>
      %dma_start3A_353 = arith.constant 0 : i32
      %dma_start3A_354 = tpu.memref_slice %arg22[%add3A_350, %dma_start3A_353] : memref<10256x128xf32, #tpu.memory_space<vmem_shared>> -> memref<64x128xf32, #tpu.memory_space<vmem_shared>>
      tpu.enqueue_dma source(%dma_start3A_354 : memref<64x128xf32, #tpu.memory_space<vmem_shared>>) target(%arg10 : memref<64x128xf32, #tpu.memory_space<vmem>>) target_semaphore(%arg18 : memref<!tpu.dma_semaphore, #tpu.memory_space<semaphore_mem>>)
      %add3A_355 = arith.constant 192 : i32
      %add3A_356 = arith.addi %mul3A_25, %add3A_355 : i32
      %dma_wait3A_357 = arith.constant 0 : i32
      %dma_wait3A_358 = tpu.memref_slice %arg22[%add3A_356, %dma_wait3A_357] : memref<10256x128xf32, #tpu.memory_space<vmem_shared>> -> memref<64x128xf32, #tpu.memory_space<vmem_shared>>
      %dma_wait3A_359 = arith.constant 0 : i32
      %dma_wait3A_360 = tpu.memref_slice %arg22[%add3A_356, %dma_wait3A_359] : memref<10256x128xf32, #tpu.memory_space<vmem_shared>> -> memref<64x128xf32, #tpu.memory_space<vmem_shared>>
      tpu.wait_dma2 semaphore(%arg19 : memref<!tpu.dma_semaphore, #tpu.memory_space<semaphore_mem>>) src(%dma_wait3A_360 : memref<64x128xf32, #tpu.memory_space<vmem_shared>>) dst(%arg11 : memref<64x128xf32, #tpu.memory_space<vmem>>)
      %parallel_loop3A_361 = arith.constant 0 : i32
      %parallel_loop3A_362 = arith.constant 64 : i32
      %parallel_loop3A_363 = arith.constant 1 : i32
      %parallel_loop3A_364 = arith.constant 0 : i32
      %parallel_loop3A_365 = scf.for %parallel_loop3A_477 = %parallel_loop3A_361 to %parallel_loop3A_362 step %parallel_loop3A_363 iter_args(%parallel_loop3A_478 = %parallel_loop3A_364) -> (i32)  : i32 {
        %parallel_loop3A_479 = arith.constant 192 : i32
        %parallel_loop3A_480 = arith.addi %parallel_loop3A_479, %parallel_loop3A_477 : i32
        %parallel_loop3A_481 = arith.index_cast %parallel_loop3A_480 : i32 to index
        %parallel_loop3A_482 = tpu.vector_load %arg16[%parallel_loop3A_481] {strides = array<i32>} : memref<656xf32, #tpu.memory_space<vmem>>, vector<16xf32>,
        %parallel_loop3A_483 = vector.extract_strided_slice %parallel_loop3A_482 {offsets = [0], sizes = [1], strides = [1]} : vector<16xf32> to vector<1xf32>
        %parallel_loop3A_484 = vector.extract %parallel_loop3A_483[0] : f32 from vector<1xf32>
        %parallel_loop3A_485 = vector.broadcast %parallel_loop3A_484 : f32 to vector<16xf32>
        %parallel_loop3A_486 = arith.constant 1.000000e+00 : f32
        %parallel_loop3A_487 = vector.broadcast %parallel_loop3A_486 : f32 to vector<16xf32>
        %parallel_loop3A_488 = arith.maximumf %parallel_loop3A_485, %parallel_loop3A_487 : vector<16xf32>
        %parallel_loop3A_489 = arith.constant 1.000000e+00 : f32
        %parallel_loop3A_490 = vector.broadcast %parallel_loop3A_489 : f32 to vector<16xf32>
        %parallel_loop3A_491 = arith.divf %parallel_loop3A_490, %parallel_loop3A_488 : vector<16xf32>
        %parallel_loop3A_492 = arith.index_cast %parallel_loop3A_477 : i32 to index
        %parallel_loop3A_493 = arith.constant 0 : index
        %parallel_loop3A_494 = tpu.vector_load %arg11[%parallel_loop3A_492, %parallel_loop3A_493] {strides = array<i32>} : memref<64x128xf32, #tpu.memory_space<vmem>>, vector<16xf32>,
        %parallel_loop3A_495 = arith.mulf %parallel_loop3A_494, %parallel_loop3A_491 : vector<16xf32>
        %parallel_loop3A_496 = arith.index_cast %parallel_loop3A_477 : i32 to index
        %parallel_loop3A_497 = arith.constant 0 : index
        %parallel_loop3A_498 = tpu.vector_load %arg11[%parallel_loop3A_496, %parallel_loop3A_497] {strides = array<i32>} : memref<64x128xf32, #tpu.memory_space<vmem>>, vector<16xf32>,
        tpu.vector_store %arg11[%parallel_loop3A_496, %parallel_loop3A_497], %parallel_loop3A_495 {strides = array<i32>} : memref<64x128xf32, #tpu.memory_space<vmem>>, vector<16xf32>,
        %parallel_loop3A_499 = arith.index_cast %parallel_loop3A_477 : i32 to index
        %parallel_loop3A_500 = arith.constant 16 : index
        %parallel_loop3A_501 = tpu.vector_load %arg11[%parallel_loop3A_499, %parallel_loop3A_500] {strides = array<i32>} : memref<64x128xf32, #tpu.memory_space<vmem>>, vector<16xf32>,
        %parallel_loop3A_502 = arith.mulf %parallel_loop3A_501, %parallel_loop3A_491 : vector<16xf32>
        %parallel_loop3A_503 = arith.index_cast %parallel_loop3A_477 : i32 to index
        %parallel_loop3A_504 = arith.constant 16 : index
        %parallel_loop3A_505 = tpu.vector_load %arg11[%parallel_loop3A_503, %parallel_loop3A_504] {strides = array<i32>} : memref<64x128xf32, #tpu.memory_space<vmem>>, vector<16xf32>,
        tpu.vector_store %arg11[%parallel_loop3A_503, %parallel_loop3A_504], %parallel_loop3A_502 {strides = array<i32>} : memref<64x128xf32, #tpu.memory_space<vmem>>, vector<16xf32>,
        %parallel_loop3A_506 = arith.index_cast %parallel_loop3A_477 : i32 to index
        %parallel_loop3A_507 = arith.constant 32 : index
        %parallel_loop3A_508 = tpu.vector_load %arg11[%parallel_loop3A_506, %parallel_loop3A_507] {strides = array<i32>} : memref<64x128xf32, #tpu.memory_space<vmem>>, vector<16xf32>,
        %parallel_loop3A_509 = arith.mulf %parallel_loop3A_508, %parallel_loop3A_491 : vector<16xf32>
        %parallel_loop3A_510 = arith.index_cast %parallel_loop3A_477 : i32 to index
        %parallel_loop3A_511 = arith.constant 32 : index
        %parallel_loop3A_512 = tpu.vector_load %arg11[%parallel_loop3A_510, %parallel_loop3A_511] {strides = array<i32>} : memref<64x128xf32, #tpu.memory_space<vmem>>, vector<16xf32>,
        tpu.vector_store %arg11[%parallel_loop3A_510, %parallel_loop3A_511], %parallel_loop3A_509 {strides = array<i32>} : memref<64x128xf32, #tpu.memory_space<vmem>>, vector<16xf32>,
        %parallel_loop3A_513 = arith.index_cast %parallel_loop3A_477 : i32 to index
        %parallel_loop3A_514 = arith.constant 48 : index
        %parallel_loop3A_515 = tpu.vector_load %arg11[%parallel_loop3A_513, %parallel_loop3A_514] {strides = array<i32>} : memref<64x128xf32, #tpu.memory_space<vmem>>, vector<16xf32>,
        %parallel_loop3A_516 = arith.mulf %parallel_loop3A_515, %parallel_loop3A_491 : vector<16xf32>
        %parallel_loop3A_517 = arith.index_cast %parallel_loop3A_477 : i32 to index
        %parallel_loop3A_518 = arith.constant 48 : index
        %parallel_loop3A_519 = tpu.vector_load %arg11[%parallel_loop3A_517, %parallel_loop3A_518] {strides = array<i32>} : memref<64x128xf32, #tpu.memory_space<vmem>>, vector<16xf32>,
        tpu.vector_store %arg11[%parallel_loop3A_517, %parallel_loop3A_518], %parallel_loop3A_516 {strides = array<i32>} : memref<64x128xf32, #tpu.memory_space<vmem>>, vector<16xf32>,
        %parallel_loop3A_520 = arith.index_cast %parallel_loop3A_477 : i32 to index
        %parallel_loop3A_521 = arith.constant 64 : index
        %parallel_loop3A_522 = tpu.vector_load %arg11[%parallel_loop3A_520, %parallel_loop3A_521] {strides = array<i32>} : memref<64x128xf32, #tpu.memory_space<vmem>>, vector<16xf32>,
        %parallel_loop3A_523 = arith.mulf %parallel_loop3A_522, %parallel_loop3A_491 : vector<16xf32>
        %parallel_loop3A_524 = arith.index_cast %parallel_loop3A_477 : i32 to index
        %parallel_loop3A_525 = arith.constant 64 : index
        %parallel_loop3A_526 = tpu.vector_load %arg11[%parallel_loop3A_524, %parallel_loop3A_525] {strides = array<i32>} : memref<64x128xf32, #tpu.memory_space<vmem>>, vector<16xf32>,
        tpu.vector_store %arg11[%parallel_loop3A_524, %parallel_loop3A_525], %parallel_loop3A_523 {strides = array<i32>} : memref<64x128xf32, #tpu.memory_space<vmem>>, vector<16xf32>,
        %parallel_loop3A_527 = arith.index_cast %parallel_loop3A_477 : i32 to index
        %parallel_loop3A_528 = arith.constant 80 : index
        %parallel_loop3A_529 = tpu.vector_load %arg11[%parallel_loop3A_527, %parallel_loop3A_528] {strides = array<i32>} : memref<64x128xf32, #tpu.memory_space<vmem>>, vector<16xf32>,
        %parallel_loop3A_530 = arith.mulf %parallel_loop3A_529, %parallel_loop3A_491 : vector<16xf32>
        %parallel_loop3A_531 = arith.index_cast %parallel_loop3A_477 : i32 to index
        %parallel_loop3A_532 = arith.constant 80 : index
        %parallel_loop3A_533 = tpu.vector_load %arg11[%parallel_loop3A_531, %parallel_loop3A_532] {strides = array<i32>} : memref<64x128xf32, #tpu.memory_space<vmem>>, vector<16xf32>,
        tpu.vector_store %arg11[%parallel_loop3A_531, %parallel_loop3A_532], %parallel_loop3A_530 {strides = array<i32>} : memref<64x128xf32, #tpu.memory_space<vmem>>, vector<16xf32>,
        %parallel_loop3A_534 = arith.index_cast %parallel_loop3A_477 : i32 to index
        %parallel_loop3A_535 = arith.constant 96 : index
        %parallel_loop3A_536 = tpu.vector_load %arg11[%parallel_loop3A_534, %parallel_loop3A_535] {strides = array<i32>} : memref<64x128xf32, #tpu.memory_space<vmem>>, vector<16xf32>,
        %parallel_loop3A_537 = arith.mulf %parallel_loop3A_536, %parallel_loop3A_491 : vector<16xf32>
        %parallel_loop3A_538 = arith.index_cast %parallel_loop3A_477 : i32 to index
        %parallel_loop3A_539 = arith.constant 96 : index
        %parallel_loop3A_540 = tpu.vector_load %arg11[%parallel_loop3A_538, %parallel_loop3A_539] {strides = array<i32>} : memref<64x128xf32, #tpu.memory_space<vmem>>, vector<16xf32>,
        tpu.vector_store %arg11[%parallel_loop3A_538, %parallel_loop3A_539], %parallel_loop3A_537 {strides = array<i32>} : memref<64x128xf32, #tpu.memory_space<vmem>>, vector<16xf32>,
        %parallel_loop3A_541 = arith.index_cast %parallel_loop3A_477 : i32 to index
        %parallel_loop3A_542 = arith.constant 112 : index
        %parallel_loop3A_543 = tpu.vector_load %arg11[%parallel_loop3A_541, %parallel_loop3A_542] {strides = array<i32>} : memref<64x128xf32, #tpu.memory_space<vmem>>, vector<16xf32>,
        %parallel_loop3A_544 = arith.mulf %parallel_loop3A_543, %parallel_loop3A_491 : vector<16xf32>
        %parallel_loop3A_545 = arith.index_cast %parallel_loop3A_477 : i32 to index
        %parallel_loop3A_546 = arith.constant 112 : index
        %parallel_loop3A_547 = tpu.vector_load %arg11[%parallel_loop3A_545, %parallel_loop3A_546] {strides = array<i32>} : memref<64x128xf32, #tpu.memory_space<vmem>>, vector<16xf32>,
        tpu.vector_store %arg11[%parallel_loop3A_545, %parallel_loop3A_546], %parallel_loop3A_544 {strides = array<i32>} : memref<64x128xf32, #tpu.memory_space<vmem>>, vector<16xf32>,
        scf.yield %parallel_loop3A_478 : i32
      } {sc.loop_unroll_factor = 2 : i64, sc.parallel_access}
      %add3A_366 = arith.constant 192 : i32
      %add3A_367 = arith.addi %add3A_288, %add3A_366 : i32
      "tpu.region"() ({
        %run_scoped3A = tpu.sem_alloc : memref<!tpu.dma_semaphore, #tpu.memory_space<semaphore_mem>>
        %dma_start3A_477 = arith.constant 0 : i32
        %dma_start3A_478 = tpu.memref_slice %arg5[%add3A_367, %dma_start3A_477] : memref<102400x128xf32, #tpu.memory_space<hbm>> -> memref<64x128xf32, #tpu.memory_space<hbm>>
        %dma_start3A_479 = arith.constant 0 : i32
        %dma_start3A_480 = tpu.memref_slice %arg5[%add3A_367, %dma_start3A_479] : memref<102400x128xf32, #tpu.memory_space<hbm>> -> memref<64x128xf32, #tpu.memory_space<hbm>>
        tpu.enqueue_dma source(%arg11 : memref<64x128xf32, #tpu.memory_space<vmem>>) target(%dma_start3A_480 : memref<64x128xf32, #tpu.memory_space<hbm>>) target_semaphore(%run_scoped3A : memref<!tpu.dma_semaphore, #tpu.memory_space<semaphore_mem>>)
        %dma_wait3A_481 = arith.constant 0 : i32
        %dma_wait3A_482 = tpu.memref_slice %arg5[%add3A_367, %dma_wait3A_481] : memref<102400x128xf32, #tpu.memory_space<hbm>> -> memref<64x128xf32, #tpu.memory_space<hbm>>
        %dma_wait3A_483 = arith.constant 0 : i32
        %dma_wait3A_484 = tpu.memref_slice %arg5[%add3A_367, %dma_wait3A_483] : memref<102400x128xf32, #tpu.memory_space<hbm>> -> memref<64x128xf32, #tpu.memory_space<hbm>>
        tpu.wait_dma2 semaphore(%run_scoped3A : memref<!tpu.dma_semaphore, #tpu.memory_space<semaphore_mem>>) src(%arg11 : memref<64x128xf32, #tpu.memory_space<vmem>>) dst(%dma_wait3A_484 : memref<64x128xf32, #tpu.memory_space<hbm>>)
        tpu.yield
      }) : () -> ()
      %add3A_368 = arith.constant 320 : i32
      %add3A_369 = arith.addi %mul3A_25, %add3A_368 : i32
      %dma_start3A_370 = arith.constant 0 : i32
      %dma_start3A_371 = tpu.memref_slice %arg22[%add3A_369, %dma_start3A_370] : memref<10256x128xf32, #tpu.memory_space<vmem_shared>> -> memref<64x128xf32, #tpu.memory_space<vmem_shared>>
      %dma_start3A_372 = arith.constant 0 : i32
      %dma_start3A_373 = tpu.memref_slice %arg22[%add3A_369, %dma_start3A_372] : memref<10256x128xf32, #tpu.memory_space<vmem_shared>> -> memref<64x128xf32, #tpu.memory_space<vmem_shared>>
      tpu.enqueue_dma source(%dma_start3A_373 : memref<64x128xf32, #tpu.memory_space<vmem_shared>>) target(%arg11 : memref<64x128xf32, #tpu.memory_space<vmem>>) target_semaphore(%arg19 : memref<!tpu.dma_semaphore, #tpu.memory_space<semaphore_mem>>)
      %add3A_374 = arith.constant 256 : i32
      %add3A_375 = arith.addi %mul3A_25, %add3A_374 : i32
      %dma_wait3A_376 = arith.constant 0 : i32
      %dma_wait3A_377 = tpu.memref_slice %arg22[%add3A_375, %dma_wait3A_376] : memref<10256x128xf32, #tpu.memory_space<vmem_shared>> -> memref<64x128xf32, #tpu.memory_space<vmem_shared>>
      %dma_wait3A_378 = arith.constant 0 : i32
      %dma_wait3A_379 = tpu.memref_slice %arg22[%add3A_375, %dma_wait3A_378] : memref<10256x128xf32, #tpu.memory_space<vmem_shared>> -> memref<64x128xf32, #tpu.memory_space<vmem_shared>>
      tpu.wait_dma2 semaphore(%arg18 : memref<!tpu.dma_semaphore, #tpu.memory_space<semaphore_mem>>) src(%dma_wait3A_379 : memref<64x128xf32, #tpu.memory_space<vmem_shared>>) dst(%arg10 : memref<64x128xf32, #tpu.memory_space<vmem>>)
      %parallel_loop3A_380 = arith.constant 0 : i32
      %parallel_loop3A_381 = arith.constant 64 : i32
      %parallel_loop3A_382 = arith.constant 1 : i32
      %parallel_loop3A_383 = arith.constant 0 : i32
      %parallel_loop3A_384 = scf.for %parallel_loop3A_477 = %parallel_loop3A_380 to %parallel_loop3A_381 step %parallel_loop3A_382 iter_args(%parallel_loop3A_478 = %parallel_loop3A_383) -> (i32)  : i32 {
        %parallel_loop3A_479 = arith.constant 256 : i32
        %parallel_loop3A_480 = arith.addi %parallel_loop3A_479, %parallel_loop3A_477 : i32
        %parallel_loop3A_481 = arith.index_cast %parallel_loop3A_480 : i32 to index
        %parallel_loop3A_482 = tpu.vector_load %arg16[%parallel_loop3A_481] {strides = array<i32>} : memref<656xf32, #tpu.memory_space<vmem>>, vector<16xf32>,
        %parallel_loop3A_483 = vector.extract_strided_slice %parallel_loop3A_482 {offsets = [0], sizes = [1], strides = [1]} : vector<16xf32> to vector<1xf32>
        %parallel_loop3A_484 = vector.extract %parallel_loop3A_483[0] : f32 from vector<1xf32>
        %parallel_loop3A_485 = vector.broadcast %parallel_loop3A_484 : f32 to vector<16xf32>
        %parallel_loop3A_486 = arith.constant 1.000000e+00 : f32
        %parallel_loop3A_487 = vector.broadcast %parallel_loop3A_486 : f32 to vector<16xf32>
        %parallel_loop3A_488 = arith.maximumf %parallel_loop3A_485, %parallel_loop3A_487 : vector<16xf32>
        %parallel_loop3A_489 = arith.constant 1.000000e+00 : f32
        %parallel_loop3A_490 = vector.broadcast %parallel_loop3A_489 : f32 to vector<16xf32>
        %parallel_loop3A_491 = arith.divf %parallel_loop3A_490, %parallel_loop3A_488 : vector<16xf32>
        %parallel_loop3A_492 = arith.index_cast %parallel_loop3A_477 : i32 to index
        %parallel_loop3A_493 = arith.constant 0 : index
        %parallel_loop3A_494 = tpu.vector_load %arg10[%parallel_loop3A_492, %parallel_loop3A_493] {strides = array<i32>} : memref<64x128xf32, #tpu.memory_space<vmem>>, vector<16xf32>,
        %parallel_loop3A_495 = arith.mulf %parallel_loop3A_494, %parallel_loop3A_491 : vector<16xf32>
        %parallel_loop3A_496 = arith.index_cast %parallel_loop3A_477 : i32 to index
        %parallel_loop3A_497 = arith.constant 0 : index
        %parallel_loop3A_498 = tpu.vector_load %arg10[%parallel_loop3A_496, %parallel_loop3A_497] {strides = array<i32>} : memref<64x128xf32, #tpu.memory_space<vmem>>, vector<16xf32>,
        tpu.vector_store %arg10[%parallel_loop3A_496, %parallel_loop3A_497], %parallel_loop3A_495 {strides = array<i32>} : memref<64x128xf32, #tpu.memory_space<vmem>>, vector<16xf32>,
        %parallel_loop3A_499 = arith.index_cast %parallel_loop3A_477 : i32 to index
        %parallel_loop3A_500 = arith.constant 16 : index
        %parallel_loop3A_501 = tpu.vector_load %arg10[%parallel_loop3A_499, %parallel_loop3A_500] {strides = array<i32>} : memref<64x128xf32, #tpu.memory_space<vmem>>, vector<16xf32>,
        %parallel_loop3A_502 = arith.mulf %parallel_loop3A_501, %parallel_loop3A_491 : vector<16xf32>
        %parallel_loop3A_503 = arith.index_cast %parallel_loop3A_477 : i32 to index
        %parallel_loop3A_504 = arith.constant 16 : index
        %parallel_loop3A_505 = tpu.vector_load %arg10[%parallel_loop3A_503, %parallel_loop3A_504] {strides = array<i32>} : memref<64x128xf32, #tpu.memory_space<vmem>>, vector<16xf32>,
        tpu.vector_store %arg10[%parallel_loop3A_503, %parallel_loop3A_504], %parallel_loop3A_502 {strides = array<i32>} : memref<64x128xf32, #tpu.memory_space<vmem>>, vector<16xf32>,
        %parallel_loop3A_506 = arith.index_cast %parallel_loop3A_477 : i32 to index
        %parallel_loop3A_507 = arith.constant 32 : index
        %parallel_loop3A_508 = tpu.vector_load %arg10[%parallel_loop3A_506, %parallel_loop3A_507] {strides = array<i32>} : memref<64x128xf32, #tpu.memory_space<vmem>>, vector<16xf32>,
        %parallel_loop3A_509 = arith.mulf %parallel_loop3A_508, %parallel_loop3A_491 : vector<16xf32>
        %parallel_loop3A_510 = arith.index_cast %parallel_loop3A_477 : i32 to index
        %parallel_loop3A_511 = arith.constant 32 : index
        %parallel_loop3A_512 = tpu.vector_load %arg10[%parallel_loop3A_510, %parallel_loop3A_511] {strides = array<i32>} : memref<64x128xf32, #tpu.memory_space<vmem>>, vector<16xf32>,
        tpu.vector_store %arg10[%parallel_loop3A_510, %parallel_loop3A_511], %parallel_loop3A_509 {strides = array<i32>} : memref<64x128xf32, #tpu.memory_space<vmem>>, vector<16xf32>,
        %parallel_loop3A_513 = arith.index_cast %parallel_loop3A_477 : i32 to index
        %parallel_loop3A_514 = arith.constant 48 : index
        %parallel_loop3A_515 = tpu.vector_load %arg10[%parallel_loop3A_513, %parallel_loop3A_514] {strides = array<i32>} : memref<64x128xf32, #tpu.memory_space<vmem>>, vector<16xf32>,
        %parallel_loop3A_516 = arith.mulf %parallel_loop3A_515, %parallel_loop3A_491 : vector<16xf32>
        %parallel_loop3A_517 = arith.index_cast %parallel_loop3A_477 : i32 to index
        %parallel_loop3A_518 = arith.constant 48 : index
        %parallel_loop3A_519 = tpu.vector_load %arg10[%parallel_loop3A_517, %parallel_loop3A_518] {strides = array<i32>} : memref<64x128xf32, #tpu.memory_space<vmem>>, vector<16xf32>,
        tpu.vector_store %arg10[%parallel_loop3A_517, %parallel_loop3A_518], %parallel_loop3A_516 {strides = array<i32>} : memref<64x128xf32, #tpu.memory_space<vmem>>, vector<16xf32>,
        %parallel_loop3A_520 = arith.index_cast %parallel_loop3A_477 : i32 to index
        %parallel_loop3A_521 = arith.constant 64 : index
        %parallel_loop3A_522 = tpu.vector_load %arg10[%parallel_loop3A_520, %parallel_loop3A_521] {strides = array<i32>} : memref<64x128xf32, #tpu.memory_space<vmem>>, vector<16xf32>,
        %parallel_loop3A_523 = arith.mulf %parallel_loop3A_522, %parallel_loop3A_491 : vector<16xf32>
        %parallel_loop3A_524 = arith.index_cast %parallel_loop3A_477 : i32 to index
        %parallel_loop3A_525 = arith.constant 64 : index
        %parallel_loop3A_526 = tpu.vector_load %arg10[%parallel_loop3A_524, %parallel_loop3A_525] {strides = array<i32>} : memref<64x128xf32, #tpu.memory_space<vmem>>, vector<16xf32>,
        tpu.vector_store %arg10[%parallel_loop3A_524, %parallel_loop3A_525], %parallel_loop3A_523 {strides = array<i32>} : memref<64x128xf32, #tpu.memory_space<vmem>>, vector<16xf32>,
        %parallel_loop3A_527 = arith.index_cast %parallel_loop3A_477 : i32 to index
        %parallel_loop3A_528 = arith.constant 80 : index
        %parallel_loop3A_529 = tpu.vector_load %arg10[%parallel_loop3A_527, %parallel_loop3A_528] {strides = array<i32>} : memref<64x128xf32, #tpu.memory_space<vmem>>, vector<16xf32>,
        %parallel_loop3A_530 = arith.mulf %parallel_loop3A_529, %parallel_loop3A_491 : vector<16xf32>
        %parallel_loop3A_531 = arith.index_cast %parallel_loop3A_477 : i32 to index
        %parallel_loop3A_532 = arith.constant 80 : index
        %parallel_loop3A_533 = tpu.vector_load %arg10[%parallel_loop3A_531, %parallel_loop3A_532] {strides = array<i32>} : memref<64x128xf32, #tpu.memory_space<vmem>>, vector<16xf32>,
        tpu.vector_store %arg10[%parallel_loop3A_531, %parallel_loop3A_532], %parallel_loop3A_530 {strides = array<i32>} : memref<64x128xf32, #tpu.memory_space<vmem>>, vector<16xf32>,
        %parallel_loop3A_534 = arith.index_cast %parallel_loop3A_477 : i32 to index
        %parallel_loop3A_535 = arith.constant 96 : index
        %parallel_loop3A_536 = tpu.vector_load %arg10[%parallel_loop3A_534, %parallel_loop3A_535] {strides = array<i32>} : memref<64x128xf32, #tpu.memory_space<vmem>>, vector<16xf32>,
        %parallel_loop3A_537 = arith.mulf %parallel_loop3A_536, %parallel_loop3A_491 : vector<16xf32>
        %parallel_loop3A_538 = arith.index_cast %parallel_loop3A_477 : i32 to index
        %parallel_loop3A_539 = arith.constant 96 : index
        %parallel_loop3A_540 = tpu.vector_load %arg10[%parallel_loop3A_538, %parallel_loop3A_539] {strides = array<i32>} : memref<64x128xf32, #tpu.memory_space<vmem>>, vector<16xf32>,
        tpu.vector_store %arg10[%parallel_loop3A_538, %parallel_loop3A_539], %parallel_loop3A_537 {strides = array<i32>} : memref<64x128xf32, #tpu.memory_space<vmem>>, vector<16xf32>,
        %parallel_loop3A_541 = arith.index_cast %parallel_loop3A_477 : i32 to index
        %parallel_loop3A_542 = arith.constant 112 : index
        %parallel_loop3A_543 = tpu.vector_load %arg10[%parallel_loop3A_541, %parallel_loop3A_542] {strides = array<i32>} : memref<64x128xf32, #tpu.memory_space<vmem>>, vector<16xf32>,
        %parallel_loop3A_544 = arith.mulf %parallel_loop3A_543, %parallel_loop3A_491 : vector<16xf32>
        %parallel_loop3A_545 = arith.index_cast %parallel_loop3A_477 : i32 to index
        %parallel_loop3A_546 = arith.constant 112 : index
        %parallel_loop3A_547 = tpu.vector_load %arg10[%parallel_loop3A_545, %parallel_loop3A_546] {strides = array<i32>} : memref<64x128xf32, #tpu.memory_space<vmem>>, vector<16xf32>,
        tpu.vector_store %arg10[%parallel_loop3A_545, %parallel_loop3A_546], %parallel_loop3A_544 {strides = array<i32>} : memref<64x128xf32, #tpu.memory_space<vmem>>, vector<16xf32>,
        scf.yield %parallel_loop3A_478 : i32
      } {sc.loop_unroll_factor = 2 : i64, sc.parallel_access}
      %add3A_385 = arith.constant 256 : i32
      %add3A_386 = arith.addi %add3A_288, %add3A_385 : i32
      "tpu.region"() ({
        %run_scoped3A = tpu.sem_alloc : memref<!tpu.dma_semaphore, #tpu.memory_space<semaphore_mem>>
        %dma_start3A_477 = arith.constant 0 : i32
        %dma_start3A_478 = tpu.memref_slice %arg5[%add3A_386, %dma_start3A_477] : memref<102400x128xf32, #tpu.memory_space<hbm>> -> memref<64x128xf32, #tpu.memory_space<hbm>>
        %dma_start3A_479 = arith.constant 0 : i32
        %dma_start3A_480 = tpu.memref_slice %arg5[%add3A_386, %dma_start3A_479] : memref<102400x128xf32, #tpu.memory_space<hbm>> -> memref<64x128xf32, #tpu.memory_space<hbm>>
        tpu.enqueue_dma source(%arg10 : memref<64x128xf32, #tpu.memory_space<vmem>>) target(%dma_start3A_480 : memref<64x128xf32, #tpu.memory_space<hbm>>) target_semaphore(%run_scoped3A : memref<!tpu.dma_semaphore, #tpu.memory_space<semaphore_mem>>)
        %dma_wait3A_481 = arith.constant 0 : i32
        %dma_wait3A_482 = tpu.memref_slice %arg5[%add3A_386, %dma_wait3A_481] : memref<102400x128xf32, #tpu.memory_space<hbm>> -> memref<64x128xf32, #tpu.memory_space<hbm>>
        %dma_wait3A_483 = arith.constant 0 : i32
        %dma_wait3A_484 = tpu.memref_slice %arg5[%add3A_386, %dma_wait3A_483] : memref<102400x128xf32, #tpu.memory_space<hbm>> -> memref<64x128xf32, #tpu.memory_space<hbm>>
        tpu.wait_dma2 semaphore(%run_scoped3A : memref<!tpu.dma_semaphore, #tpu.memory_space<semaphore_mem>>) src(%arg10 : memref<64x128xf32, #tpu.memory_space<vmem>>) dst(%dma_wait3A_484 : memref<64x128xf32, #tpu.memory_space<hbm>>)
        tpu.yield
      }) : () -> ()
      %add3A_387 = arith.constant 384 : i32
      %add3A_388 = arith.addi %mul3A_25, %add3A_387 : i32
      %dma_start3A_389 = arith.constant 0 : i32
      %dma_start3A_390 = tpu.memref_slice %arg22[%add3A_388, %dma_start3A_389] : memref<10256x128xf32, #tpu.memory_space<vmem_shared>> -> memref<64x128xf32, #tpu.memory_space<vmem_shared>>
      %dma_start3A_391 = arith.constant 0 : i32
      %dma_start3A_392 = tpu.memref_slice %arg22[%add3A_388, %dma_start3A_391] : memref<10256x128xf32, #tpu.memory_space<vmem_shared>> -> memref<64x128xf32, #tpu.memory_space<vmem_shared>>
      tpu.enqueue_dma source(%dma_start3A_392 : memref<64x128xf32, #tpu.memory_space<vmem_shared>>) target(%arg10 : memref<64x128xf32, #tpu.memory_space<vmem>>) target_semaphore(%arg18 : memref<!tpu.dma_semaphore, #tpu.memory_space<semaphore_mem>>)
      %add3A_393 = arith.constant 320 : i32
      %add3A_394 = arith.addi %mul3A_25, %add3A_393 : i32
      %dma_wait3A_395 = arith.constant 0 : i32
      %dma_wait3A_396 = tpu.memref_slice %arg22[%add3A_394, %dma_wait3A_395] : memref<10256x128xf32, #tpu.memory_space<vmem_shared>> -> memref<64x128xf32, #tpu.memory_space<vmem_shared>>
      %dma_wait3A_397 = arith.constant 0 : i32
      %dma_wait3A_398 = tpu.memref_slice %arg22[%add3A_394, %dma_wait3A_397] : memref<10256x128xf32, #tpu.memory_space<vmem_shared>> -> memref<64x128xf32, #tpu.memory_space<vmem_shared>>
      tpu.wait_dma2 semaphore(%arg19 : memref<!tpu.dma_semaphore, #tpu.memory_space<semaphore_mem>>) src(%dma_wait3A_398 : memref<64x128xf32, #tpu.memory_space<vmem_shared>>) dst(%arg11 : memref<64x128xf32, #tpu.memory_space<vmem>>)
      %parallel_loop3A_399 = arith.constant 0 : i32
      %parallel_loop3A_400 = arith.constant 64 : i32
      %parallel_loop3A_401 = arith.constant 1 : i32
      %parallel_loop3A_402 = arith.constant 0 : i32
      %parallel_loop3A_403 = scf.for %parallel_loop3A_477 = %parallel_loop3A_399 to %parallel_loop3A_400 step %parallel_loop3A_401 iter_args(%parallel_loop3A_478 = %parallel_loop3A_402) -> (i32)  : i32 {
        %parallel_loop3A_479 = arith.constant 320 : i32
        %parallel_loop3A_480 = arith.addi %parallel_loop3A_479, %parallel_loop3A_477 : i32
        %parallel_loop3A_481 = arith.index_cast %parallel_loop3A_480 : i32 to index
        %parallel_loop3A_482 = tpu.vector_load %arg16[%parallel_loop3A_481] {strides = array<i32>} : memref<656xf32, #tpu.memory_space<vmem>>, vector<16xf32>,
        %parallel_loop3A_483 = vector.extract_strided_slice %parallel_loop3A_482 {offsets = [0], sizes = [1], strides = [1]} : vector<16xf32> to vector<1xf32>
        %parallel_loop3A_484 = vector.extract %parallel_loop3A_483[0] : f32 from vector<1xf32>
        %parallel_loop3A_485 = vector.broadcast %parallel_loop3A_484 : f32 to vector<16xf32>
        %parallel_loop3A_486 = arith.constant 1.000000e+00 : f32
        %parallel_loop3A_487 = vector.broadcast %parallel_loop3A_486 : f32 to vector<16xf32>
        %parallel_loop3A_488 = arith.maximumf %parallel_loop3A_485, %parallel_loop3A_487 : vector<16xf32>
        %parallel_loop3A_489 = arith.constant 1.000000e+00 : f32
        %parallel_loop3A_490 = vector.broadcast %parallel_loop3A_489 : f32 to vector<16xf32>
        %parallel_loop3A_491 = arith.divf %parallel_loop3A_490, %parallel_loop3A_488 : vector<16xf32>
        %parallel_loop3A_492 = arith.index_cast %parallel_loop3A_477 : i32 to index
        %parallel_loop3A_493 = arith.constant 0 : index
        %parallel_loop3A_494 = tpu.vector_load %arg11[%parallel_loop3A_492, %parallel_loop3A_493] {strides = array<i32>} : memref<64x128xf32, #tpu.memory_space<vmem>>, vector<16xf32>,
        %parallel_loop3A_495 = arith.mulf %parallel_loop3A_494, %parallel_loop3A_491 : vector<16xf32>
        %parallel_loop3A_496 = arith.index_cast %parallel_loop3A_477 : i32 to index
        %parallel_loop3A_497 = arith.constant 0 : index
        %parallel_loop3A_498 = tpu.vector_load %arg11[%parallel_loop3A_496, %parallel_loop3A_497] {strides = array<i32>} : memref<64x128xf32, #tpu.memory_space<vmem>>, vector<16xf32>,
        tpu.vector_store %arg11[%parallel_loop3A_496, %parallel_loop3A_497], %parallel_loop3A_495 {strides = array<i32>} : memref<64x128xf32, #tpu.memory_space<vmem>>, vector<16xf32>,
        %parallel_loop3A_499 = arith.index_cast %parallel_loop3A_477 : i32 to index
        %parallel_loop3A_500 = arith.constant 16 : index
        %parallel_loop3A_501 = tpu.vector_load %arg11[%parallel_loop3A_499, %parallel_loop3A_500] {strides = array<i32>} : memref<64x128xf32, #tpu.memory_space<vmem>>, vector<16xf32>,
        %parallel_loop3A_502 = arith.mulf %parallel_loop3A_501, %parallel_loop3A_491 : vector<16xf32>
        %parallel_loop3A_503 = arith.index_cast %parallel_loop3A_477 : i32 to index
        %parallel_loop3A_504 = arith.constant 16 : index
        %parallel_loop3A_505 = tpu.vector_load %arg11[%parallel_loop3A_503, %parallel_loop3A_504] {strides = array<i32>} : memref<64x128xf32, #tpu.memory_space<vmem>>, vector<16xf32>,
        tpu.vector_store %arg11[%parallel_loop3A_503, %parallel_loop3A_504], %parallel_loop3A_502 {strides = array<i32>} : memref<64x128xf32, #tpu.memory_space<vmem>>, vector<16xf32>,
        %parallel_loop3A_506 = arith.index_cast %parallel_loop3A_477 : i32 to index
        %parallel_loop3A_507 = arith.constant 32 : index
        %parallel_loop3A_508 = tpu.vector_load %arg11[%parallel_loop3A_506, %parallel_loop3A_507] {strides = array<i32>} : memref<64x128xf32, #tpu.memory_space<vmem>>, vector<16xf32>,
        %parallel_loop3A_509 = arith.mulf %parallel_loop3A_508, %parallel_loop3A_491 : vector<16xf32>
        %parallel_loop3A_510 = arith.index_cast %parallel_loop3A_477 : i32 to index
        %parallel_loop3A_511 = arith.constant 32 : index
        %parallel_loop3A_512 = tpu.vector_load %arg11[%parallel_loop3A_510, %parallel_loop3A_511] {strides = array<i32>} : memref<64x128xf32, #tpu.memory_space<vmem>>, vector<16xf32>,
        tpu.vector_store %arg11[%parallel_loop3A_510, %parallel_loop3A_511], %parallel_loop3A_509 {strides = array<i32>} : memref<64x128xf32, #tpu.memory_space<vmem>>, vector<16xf32>,
        %parallel_loop3A_513 = arith.index_cast %parallel_loop3A_477 : i32 to index
        %parallel_loop3A_514 = arith.constant 48 : index
        %parallel_loop3A_515 = tpu.vector_load %arg11[%parallel_loop3A_513, %parallel_loop3A_514] {strides = array<i32>} : memref<64x128xf32, #tpu.memory_space<vmem>>, vector<16xf32>,
        %parallel_loop3A_516 = arith.mulf %parallel_loop3A_515, %parallel_loop3A_491 : vector<16xf32>
        %parallel_loop3A_517 = arith.index_cast %parallel_loop3A_477 : i32 to index
        %parallel_loop3A_518 = arith.constant 48 : index
        %parallel_loop3A_519 = tpu.vector_load %arg11[%parallel_loop3A_517, %parallel_loop3A_518] {strides = array<i32>} : memref<64x128xf32, #tpu.memory_space<vmem>>, vector<16xf32>,
        tpu.vector_store %arg11[%parallel_loop3A_517, %parallel_loop3A_518], %parallel_loop3A_516 {strides = array<i32>} : memref<64x128xf32, #tpu.memory_space<vmem>>, vector<16xf32>,
        %parallel_loop3A_520 = arith.index_cast %parallel_loop3A_477 : i32 to index
        %parallel_loop3A_521 = arith.constant 64 : index
        %parallel_loop3A_522 = tpu.vector_load %arg11[%parallel_loop3A_520, %parallel_loop3A_521] {strides = array<i32>} : memref<64x128xf32, #tpu.memory_space<vmem>>, vector<16xf32>,
        %parallel_loop3A_523 = arith.mulf %parallel_loop3A_522, %parallel_loop3A_491 : vector<16xf32>
        %parallel_loop3A_524 = arith.index_cast %parallel_loop3A_477 : i32 to index
        %parallel_loop3A_525 = arith.constant 64 : index
        %parallel_loop3A_526 = tpu.vector_load %arg11[%parallel_loop3A_524, %parallel_loop3A_525] {strides = array<i32>} : memref<64x128xf32, #tpu.memory_space<vmem>>, vector<16xf32>,
        tpu.vector_store %arg11[%parallel_loop3A_524, %parallel_loop3A_525], %parallel_loop3A_523 {strides = array<i32>} : memref<64x128xf32, #tpu.memory_space<vmem>>, vector<16xf32>,
        %parallel_loop3A_527 = arith.index_cast %parallel_loop3A_477 : i32 to index
        %parallel_loop3A_528 = arith.constant 80 : index
        %parallel_loop3A_529 = tpu.vector_load %arg11[%parallel_loop3A_527, %parallel_loop3A_528] {strides = array<i32>} : memref<64x128xf32, #tpu.memory_space<vmem>>, vector<16xf32>,
        %parallel_loop3A_530 = arith.mulf %parallel_loop3A_529, %parallel_loop3A_491 : vector<16xf32>
        %parallel_loop3A_531 = arith.index_cast %parallel_loop3A_477 : i32 to index
        %parallel_loop3A_532 = arith.constant 80 : index
        %parallel_loop3A_533 = tpu.vector_load %arg11[%parallel_loop3A_531, %parallel_loop3A_532] {strides = array<i32>} : memref<64x128xf32, #tpu.memory_space<vmem>>, vector<16xf32>,
        tpu.vector_store %arg11[%parallel_loop3A_531, %parallel_loop3A_532], %parallel_loop3A_530 {strides = array<i32>} : memref<64x128xf32, #tpu.memory_space<vmem>>, vector<16xf32>,
        %parallel_loop3A_534 = arith.index_cast %parallel_loop3A_477 : i32 to index
        %parallel_loop3A_535 = arith.constant 96 : index
        %parallel_loop3A_536 = tpu.vector_load %arg11[%parallel_loop3A_534, %parallel_loop3A_535] {strides = array<i32>} : memref<64x128xf32, #tpu.memory_space<vmem>>, vector<16xf32>,
        %parallel_loop3A_537 = arith.mulf %parallel_loop3A_536, %parallel_loop3A_491 : vector<16xf32>
        %parallel_loop3A_538 = arith.index_cast %parallel_loop3A_477 : i32 to index
        %parallel_loop3A_539 = arith.constant 96 : index
        %parallel_loop3A_540 = tpu.vector_load %arg11[%parallel_loop3A_538, %parallel_loop3A_539] {strides = array<i32>} : memref<64x128xf32, #tpu.memory_space<vmem>>, vector<16xf32>,
        tpu.vector_store %arg11[%parallel_loop3A_538, %parallel_loop3A_539], %parallel_loop3A_537 {strides = array<i32>} : memref<64x128xf32, #tpu.memory_space<vmem>>, vector<16xf32>,
        %parallel_loop3A_541 = arith.index_cast %parallel_loop3A_477 : i32 to index
        %parallel_loop3A_542 = arith.constant 112 : index
        %parallel_loop3A_543 = tpu.vector_load %arg11[%parallel_loop3A_541, %parallel_loop3A_542] {strides = array<i32>} : memref<64x128xf32, #tpu.memory_space<vmem>>, vector<16xf32>,
        %parallel_loop3A_544 = arith.mulf %parallel_loop3A_543, %parallel_loop3A_491 : vector<16xf32>
        %parallel_loop3A_545 = arith.index_cast %parallel_loop3A_477 : i32 to index
        %parallel_loop3A_546 = arith.constant 112 : index
        %parallel_loop3A_547 = tpu.vector_load %arg11[%parallel_loop3A_545, %parallel_loop3A_546] {strides = array<i32>} : memref<64x128xf32, #tpu.memory_space<vmem>>, vector<16xf32>,
        tpu.vector_store %arg11[%parallel_loop3A_545, %parallel_loop3A_546], %parallel_loop3A_544 {strides = array<i32>} : memref<64x128xf32, #tpu.memory_space<vmem>>, vector<16xf32>,
        scf.yield %parallel_loop3A_478 : i32
      } {sc.loop_unroll_factor = 2 : i64, sc.parallel_access}
      %add3A_404 = arith.constant 320 : i32
      %add3A_405 = arith.addi %add3A_288, %add3A_404 : i32
      "tpu.region"() ({
        %run_scoped3A = tpu.sem_alloc : memref<!tpu.dma_semaphore, #tpu.memory_space<semaphore_mem>>
        %dma_start3A_477 = arith.constant 0 : i32
        %dma_start3A_478 = tpu.memref_slice %arg5[%add3A_405, %dma_start3A_477] : memref<102400x128xf32, #tpu.memory_space<hbm>> -> memref<64x128xf32, #tpu.memory_space<hbm>>
        %dma_start3A_479 = arith.constant 0 : i32
        %dma_start3A_480 = tpu.memref_slice %arg5[%add3A_405, %dma_start3A_479] : memref<102400x128xf32, #tpu.memory_space<hbm>> -> memref<64x128xf32, #tpu.memory_space<hbm>>
        tpu.enqueue_dma source(%arg11 : memref<64x128xf32, #tpu.memory_space<vmem>>) target(%dma_start3A_480 : memref<64x128xf32, #tpu.memory_space<hbm>>) target_semaphore(%run_scoped3A : memref<!tpu.dma_semaphore, #tpu.memory_space<semaphore_mem>>)
        %dma_wait3A_481 = arith.constant 0 : i32
        %dma_wait3A_482 = tpu.memref_slice %arg5[%add3A_405, %dma_wait3A_481] : memref<102400x128xf32, #tpu.memory_space<hbm>> -> memref<64x128xf32, #tpu.memory_space<hbm>>
        %dma_wait3A_483 = arith.constant 0 : i32
        %dma_wait3A_484 = tpu.memref_slice %arg5[%add3A_405, %dma_wait3A_483] : memref<102400x128xf32, #tpu.memory_space<hbm>> -> memref<64x128xf32, #tpu.memory_space<hbm>>
        tpu.wait_dma2 semaphore(%run_scoped3A : memref<!tpu.dma_semaphore, #tpu.memory_space<semaphore_mem>>) src(%arg11 : memref<64x128xf32, #tpu.memory_space<vmem>>) dst(%dma_wait3A_484 : memref<64x128xf32, #tpu.memory_space<hbm>>)
        tpu.yield
      }) : () -> ()
      %add3A_406 = arith.constant 448 : i32
      %add3A_407 = arith.addi %mul3A_25, %add3A_406 : i32
      %dma_start3A_408 = arith.constant 0 : i32
      %dma_start3A_409 = tpu.memref_slice %arg22[%add3A_407, %dma_start3A_408] : memref<10256x128xf32, #tpu.memory_space<vmem_shared>> -> memref<64x128xf32, #tpu.memory_space<vmem_shared>>
      %dma_start3A_410 = arith.constant 0 : i32
      %dma_start3A_411 = tpu.memref_slice %arg22[%add3A_407, %dma_start3A_410] : memref<10256x128xf32, #tpu.memory_space<vmem_shared>> -> memref<64x128xf32, #tpu.memory_space<vmem_shared>>
      tpu.enqueue_dma source(%dma_start3A_411 : memref<64x128xf32, #tpu.memory_space<vmem_shared>>) target(%arg11 : memref<64x128xf32, #tpu.memory_space<vmem>>) target_semaphore(%arg19 : memref<!tpu.dma_semaphore, #tpu.memory_space<semaphore_mem>>)
      %add3A_412 = arith.constant 384 : i32
      %add3A_413 = arith.addi %mul3A_25, %add3A_412 : i32
      %dma_wait3A_414 = arith.constant 0 : i32
      %dma_wait3A_415 = tpu.memref_slice %arg22[%add3A_413, %dma_wait3A_414] : memref<10256x128xf32, #tpu.memory_space<vmem_shared>> -> memref<64x128xf32, #tpu.memory_space<vmem_shared>>
      %dma_wait3A_416 = arith.constant 0 : i32
      %dma_wait3A_417 = tpu.memref_slice %arg22[%add3A_413, %dma_wait3A_416] : memref<10256x128xf32, #tpu.memory_space<vmem_shared>> -> memref<64x128xf32, #tpu.memory_space<vmem_shared>>
      tpu.wait_dma2 semaphore(%arg18 : memref<!tpu.dma_semaphore, #tpu.memory_space<semaphore_mem>>) src(%dma_wait3A_417 : memref<64x128xf32, #tpu.memory_space<vmem_shared>>) dst(%arg10 : memref<64x128xf32, #tpu.memory_space<vmem>>)
      %parallel_loop3A_418 = arith.constant 0 : i32
      %parallel_loop3A_419 = arith.constant 64 : i32
      %parallel_loop3A_420 = arith.constant 1 : i32
      %parallel_loop3A_421 = arith.constant 0 : i32
      %parallel_loop3A_422 = scf.for %parallel_loop3A_477 = %parallel_loop3A_418 to %parallel_loop3A_419 step %parallel_loop3A_420 iter_args(%parallel_loop3A_478 = %parallel_loop3A_421) -> (i32)  : i32 {
        %parallel_loop3A_479 = arith.constant 384 : i32
        %parallel_loop3A_480 = arith.addi %parallel_loop3A_479, %parallel_loop3A_477 : i32
        %parallel_loop3A_481 = arith.index_cast %parallel_loop3A_480 : i32 to index
        %parallel_loop3A_482 = tpu.vector_load %arg16[%parallel_loop3A_481] {strides = array<i32>} : memref<656xf32, #tpu.memory_space<vmem>>, vector<16xf32>,
        %parallel_loop3A_483 = vector.extract_strided_slice %parallel_loop3A_482 {offsets = [0], sizes = [1], strides = [1]} : vector<16xf32> to vector<1xf32>
        %parallel_loop3A_484 = vector.extract %parallel_loop3A_483[0] : f32 from vector<1xf32>
        %parallel_loop3A_485 = vector.broadcast %parallel_loop3A_484 : f32 to vector<16xf32>
        %parallel_loop3A_486 = arith.constant 1.000000e+00 : f32
        %parallel_loop3A_487 = vector.broadcast %parallel_loop3A_486 : f32 to vector<16xf32>
        %parallel_loop3A_488 = arith.maximumf %parallel_loop3A_485, %parallel_loop3A_487 : vector<16xf32>
        %parallel_loop3A_489 = arith.constant 1.000000e+00 : f32
        %parallel_loop3A_490 = vector.broadcast %parallel_loop3A_489 : f32 to vector<16xf32>
        %parallel_loop3A_491 = arith.divf %parallel_loop3A_490, %parallel_loop3A_488 : vector<16xf32>
        %parallel_loop3A_492 = arith.index_cast %parallel_loop3A_477 : i32 to index
        %parallel_loop3A_493 = arith.constant 0 : index
        %parallel_loop3A_494 = tpu.vector_load %arg10[%parallel_loop3A_492, %parallel_loop3A_493] {strides = array<i32>} : memref<64x128xf32, #tpu.memory_space<vmem>>, vector<16xf32>,
        %parallel_loop3A_495 = arith.mulf %parallel_loop3A_494, %parallel_loop3A_491 : vector<16xf32>
        %parallel_loop3A_496 = arith.index_cast %parallel_loop3A_477 : i32 to index
        %parallel_loop3A_497 = arith.constant 0 : index
        %parallel_loop3A_498 = tpu.vector_load %arg10[%parallel_loop3A_496, %parallel_loop3A_497] {strides = array<i32>} : memref<64x128xf32, #tpu.memory_space<vmem>>, vector<16xf32>,
        tpu.vector_store %arg10[%parallel_loop3A_496, %parallel_loop3A_497], %parallel_loop3A_495 {strides = array<i32>} : memref<64x128xf32, #tpu.memory_space<vmem>>, vector<16xf32>,
        %parallel_loop3A_499 = arith.index_cast %parallel_loop3A_477 : i32 to index
        %parallel_loop3A_500 = arith.constant 16 : index
        %parallel_loop3A_501 = tpu.vector_load %arg10[%parallel_loop3A_499, %parallel_loop3A_500] {strides = array<i32>} : memref<64x128xf32, #tpu.memory_space<vmem>>, vector<16xf32>,
        %parallel_loop3A_502 = arith.mulf %parallel_loop3A_501, %parallel_loop3A_491 : vector<16xf32>
        %parallel_loop3A_503 = arith.index_cast %parallel_loop3A_477 : i32 to index
        %parallel_loop3A_504 = arith.constant 16 : index
        %parallel_loop3A_505 = tpu.vector_load %arg10[%parallel_loop3A_503, %parallel_loop3A_504] {strides = array<i32>} : memref<64x128xf32, #tpu.memory_space<vmem>>, vector<16xf32>,
        tpu.vector_store %arg10[%parallel_loop3A_503, %parallel_loop3A_504], %parallel_loop3A_502 {strides = array<i32>} : memref<64x128xf32, #tpu.memory_space<vmem>>, vector<16xf32>,
        %parallel_loop3A_506 = arith.index_cast %parallel_loop3A_477 : i32 to index
        %parallel_loop3A_507 = arith.constant 32 : index
        %parallel_loop3A_508 = tpu.vector_load %arg10[%parallel_loop3A_506, %parallel_loop3A_507] {strides = array<i32>} : memref<64x128xf32, #tpu.memory_space<vmem>>, vector<16xf32>,
        %parallel_loop3A_509 = arith.mulf %parallel_loop3A_508, %parallel_loop3A_491 : vector<16xf32>
        %parallel_loop3A_510 = arith.index_cast %parallel_loop3A_477 : i32 to index
        %parallel_loop3A_511 = arith.constant 32 : index
        %parallel_loop3A_512 = tpu.vector_load %arg10[%parallel_loop3A_510, %parallel_loop3A_511] {strides = array<i32>} : memref<64x128xf32, #tpu.memory_space<vmem>>, vector<16xf32>,
        tpu.vector_store %arg10[%parallel_loop3A_510, %parallel_loop3A_511], %parallel_loop3A_509 {strides = array<i32>} : memref<64x128xf32, #tpu.memory_space<vmem>>, vector<16xf32>,
        %parallel_loop3A_513 = arith.index_cast %parallel_loop3A_477 : i32 to index
        %parallel_loop3A_514 = arith.constant 48 : index
        %parallel_loop3A_515 = tpu.vector_load %arg10[%parallel_loop3A_513, %parallel_loop3A_514] {strides = array<i32>} : memref<64x128xf32, #tpu.memory_space<vmem>>, vector<16xf32>,
        %parallel_loop3A_516 = arith.mulf %parallel_loop3A_515, %parallel_loop3A_491 : vector<16xf32>
        %parallel_loop3A_517 = arith.index_cast %parallel_loop3A_477 : i32 to index
        %parallel_loop3A_518 = arith.constant 48 : index
        %parallel_loop3A_519 = tpu.vector_load %arg10[%parallel_loop3A_517, %parallel_loop3A_518] {strides = array<i32>} : memref<64x128xf32, #tpu.memory_space<vmem>>, vector<16xf32>,
        tpu.vector_store %arg10[%parallel_loop3A_517, %parallel_loop3A_518], %parallel_loop3A_516 {strides = array<i32>} : memref<64x128xf32, #tpu.memory_space<vmem>>, vector<16xf32>,
        %parallel_loop3A_520 = arith.index_cast %parallel_loop3A_477 : i32 to index
        %parallel_loop3A_521 = arith.constant 64 : index
        %parallel_loop3A_522 = tpu.vector_load %arg10[%parallel_loop3A_520, %parallel_loop3A_521] {strides = array<i32>} : memref<64x128xf32, #tpu.memory_space<vmem>>, vector<16xf32>,
        %parallel_loop3A_523 = arith.mulf %parallel_loop3A_522, %parallel_loop3A_491 : vector<16xf32>
        %parallel_loop3A_524 = arith.index_cast %parallel_loop3A_477 : i32 to index
        %parallel_loop3A_525 = arith.constant 64 : index
        %parallel_loop3A_526 = tpu.vector_load %arg10[%parallel_loop3A_524, %parallel_loop3A_525] {strides = array<i32>} : memref<64x128xf32, #tpu.memory_space<vmem>>, vector<16xf32>,
        tpu.vector_store %arg10[%parallel_loop3A_524, %parallel_loop3A_525], %parallel_loop3A_523 {strides = array<i32>} : memref<64x128xf32, #tpu.memory_space<vmem>>, vector<16xf32>,
        %parallel_loop3A_527 = arith.index_cast %parallel_loop3A_477 : i32 to index
        %parallel_loop3A_528 = arith.constant 80 : index
        %parallel_loop3A_529 = tpu.vector_load %arg10[%parallel_loop3A_527, %parallel_loop3A_528] {strides = array<i32>} : memref<64x128xf32, #tpu.memory_space<vmem>>, vector<16xf32>,
        %parallel_loop3A_530 = arith.mulf %parallel_loop3A_529, %parallel_loop3A_491 : vector<16xf32>
        %parallel_loop3A_531 = arith.index_cast %parallel_loop3A_477 : i32 to index
        %parallel_loop3A_532 = arith.constant 80 : index
        %parallel_loop3A_533 = tpu.vector_load %arg10[%parallel_loop3A_531, %parallel_loop3A_532] {strides = array<i32>} : memref<64x128xf32, #tpu.memory_space<vmem>>, vector<16xf32>,
        tpu.vector_store %arg10[%parallel_loop3A_531, %parallel_loop3A_532], %parallel_loop3A_530 {strides = array<i32>} : memref<64x128xf32, #tpu.memory_space<vmem>>, vector<16xf32>,
        %parallel_loop3A_534 = arith.index_cast %parallel_loop3A_477 : i32 to index
        %parallel_loop3A_535 = arith.constant 96 : index
        %parallel_loop3A_536 = tpu.vector_load %arg10[%parallel_loop3A_534, %parallel_loop3A_535] {strides = array<i32>} : memref<64x128xf32, #tpu.memory_space<vmem>>, vector<16xf32>,
        %parallel_loop3A_537 = arith.mulf %parallel_loop3A_536, %parallel_loop3A_491 : vector<16xf32>
        %parallel_loop3A_538 = arith.index_cast %parallel_loop3A_477 : i32 to index
        %parallel_loop3A_539 = arith.constant 96 : index
        %parallel_loop3A_540 = tpu.vector_load %arg10[%parallel_loop3A_538, %parallel_loop3A_539] {strides = array<i32>} : memref<64x128xf32, #tpu.memory_space<vmem>>, vector<16xf32>,
        tpu.vector_store %arg10[%parallel_loop3A_538, %parallel_loop3A_539], %parallel_loop3A_537 {strides = array<i32>} : memref<64x128xf32, #tpu.memory_space<vmem>>, vector<16xf32>,
        %parallel_loop3A_541 = arith.index_cast %parallel_loop3A_477 : i32 to index
        %parallel_loop3A_542 = arith.constant 112 : index
        %parallel_loop3A_543 = tpu.vector_load %arg10[%parallel_loop3A_541, %parallel_loop3A_542] {strides = array<i32>} : memref<64x128xf32, #tpu.memory_space<vmem>>, vector<16xf32>,
        %parallel_loop3A_544 = arith.mulf %parallel_loop3A_543, %parallel_loop3A_491 : vector<16xf32>
        %parallel_loop3A_545 = arith.index_cast %parallel_loop3A_477 : i32 to index
        %parallel_loop3A_546 = arith.constant 112 : index
        %parallel_loop3A_547 = tpu.vector_load %arg10[%parallel_loop3A_545, %parallel_loop3A_546] {strides = array<i32>} : memref<64x128xf32, #tpu.memory_space<vmem>>, vector<16xf32>,
        tpu.vector_store %arg10[%parallel_loop3A_545, %parallel_loop3A_546], %parallel_loop3A_544 {strides = array<i32>} : memref<64x128xf32, #tpu.memory_space<vmem>>, vector<16xf32>,
        scf.yield %parallel_loop3A_478 : i32
      } {sc.loop_unroll_factor = 2 : i64, sc.parallel_access}
      %add3A_423 = arith.constant 384 : i32
      %add3A_424 = arith.addi %add3A_288, %add3A_423 : i32
      "tpu.region"() ({
        %run_scoped3A = tpu.sem_alloc : memref<!tpu.dma_semaphore, #tpu.memory_space<semaphore_mem>>
        %dma_start3A_477 = arith.constant 0 : i32
        %dma_start3A_478 = tpu.memref_slice %arg5[%add3A_424, %dma_start3A_477] : memref<102400x128xf32, #tpu.memory_space<hbm>> -> memref<64x128xf32, #tpu.memory_space<hbm>>
        %dma_start3A_479 = arith.constant 0 : i32
        %dma_start3A_480 = tpu.memref_slice %arg5[%add3A_424, %dma_start3A_479] : memref<102400x128xf32, #tpu.memory_space<hbm>> -> memref<64x128xf32, #tpu.memory_space<hbm>>
        tpu.enqueue_dma source(%arg10 : memref<64x128xf32, #tpu.memory_space<vmem>>) target(%dma_start3A_480 : memref<64x128xf32, #tpu.memory_space<hbm>>) target_semaphore(%run_scoped3A : memref<!tpu.dma_semaphore, #tpu.memory_space<semaphore_mem>>)
        %dma_wait3A_481 = arith.constant 0 : i32
        %dma_wait3A_482 = tpu.memref_slice %arg5[%add3A_424, %dma_wait3A_481] : memref<102400x128xf32, #tpu.memory_space<hbm>> -> memref<64x128xf32, #tpu.memory_space<hbm>>
        %dma_wait3A_483 = arith.constant 0 : i32
        %dma_wait3A_484 = tpu.memref_slice %arg5[%add3A_424, %dma_wait3A_483] : memref<102400x128xf32, #tpu.memory_space<hbm>> -> memref<64x128xf32, #tpu.memory_space<hbm>>
        tpu.wait_dma2 semaphore(%run_scoped3A : memref<!tpu.dma_semaphore, #tpu.memory_space<semaphore_mem>>) src(%arg10 : memref<64x128xf32, #tpu.memory_space<vmem>>) dst(%dma_wait3A_484 : memref<64x128xf32, #tpu.memory_space<hbm>>)
        tpu.yield
      }) : () -> ()
      %add3A_425 = arith.constant 512 : i32
      %add3A_426 = arith.addi %mul3A_25, %add3A_425 : i32
      %dma_start3A_427 = arith.constant 0 : i32
      %dma_start3A_428 = tpu.memref_slice %arg22[%add3A_426, %dma_start3A_427] : memref<10256x128xf32, #tpu.memory_space<vmem_shared>> -> memref<64x128xf32, #tpu.memory_space<vmem_shared>>
      %dma_start3A_429 = arith.constant 0 : i32
      %dma_start3A_430 = tpu.memref_slice %arg22[%add3A_426, %dma_start3A_429] : memref<10256x128xf32, #tpu.memory_space<vmem_shared>> -> memref<64x128xf32, #tpu.memory_space<vmem_shared>>
      tpu.enqueue_dma source(%dma_start3A_430 : memref<64x128xf32, #tpu.memory_space<vmem_shared>>) target(%arg10 : memref<64x128xf32, #tpu.memory_space<vmem>>) target_semaphore(%arg18 : memref<!tpu.dma_semaphore, #tpu.memory_space<semaphore_mem>>)
      %add3A_431 = arith.constant 448 : i32
      %add3A_432 = arith.addi %mul3A_25, %add3A_431 : i32
      %dma_wait3A_433 = arith.constant 0 : i32
      %dma_wait3A_434 = tpu.memref_slice %arg22[%add3A_432, %dma_wait3A_433] : memref<10256x128xf32, #tpu.memory_space<vmem_shared>> -> memref<64x128xf32, #tpu.memory_space<vmem_shared>>
      %dma_wait3A_435 = arith.constant 0 : i32
      %dma_wait3A_436 = tpu.memref_slice %arg22[%add3A_432, %dma_wait3A_435] : memref<10256x128xf32, #tpu.memory_space<vmem_shared>> -> memref<64x128xf32, #tpu.memory_space<vmem_shared>>
      tpu.wait_dma2 semaphore(%arg19 : memref<!tpu.dma_semaphore, #tpu.memory_space<semaphore_mem>>) src(%dma_wait3A_436 : memref<64x128xf32, #tpu.memory_space<vmem_shared>>) dst(%arg11 : memref<64x128xf32, #tpu.memory_space<vmem>>)
      %parallel_loop3A_437 = arith.constant 0 : i32
      %parallel_loop3A_438 = arith.constant 64 : i32
      %parallel_loop3A_439 = arith.constant 1 : i32
      %parallel_loop3A_440 = arith.constant 0 : i32
      %parallel_loop3A_441 = scf.for %parallel_loop3A_477 = %parallel_loop3A_437 to %parallel_loop3A_438 step %parallel_loop3A_439 iter_args(%parallel_loop3A_478 = %parallel_loop3A_440) -> (i32)  : i32 {
        %parallel_loop3A_479 = arith.constant 448 : i32
        %parallel_loop3A_480 = arith.addi %parallel_loop3A_479, %parallel_loop3A_477 : i32
        %parallel_loop3A_481 = arith.index_cast %parallel_loop3A_480 : i32 to index
        %parallel_loop3A_482 = tpu.vector_load %arg16[%parallel_loop3A_481] {strides = array<i32>} : memref<656xf32, #tpu.memory_space<vmem>>, vector<16xf32>,
        %parallel_loop3A_483 = vector.extract_strided_slice %parallel_loop3A_482 {offsets = [0], sizes = [1], strides = [1]} : vector<16xf32> to vector<1xf32>
        %parallel_loop3A_484 = vector.extract %parallel_loop3A_483[0] : f32 from vector<1xf32>
        %parallel_loop3A_485 = vector.broadcast %parallel_loop3A_484 : f32 to vector<16xf32>
        %parallel_loop3A_486 = arith.constant 1.000000e+00 : f32
        %parallel_loop3A_487 = vector.broadcast %parallel_loop3A_486 : f32 to vector<16xf32>
        %parallel_loop3A_488 = arith.maximumf %parallel_loop3A_485, %parallel_loop3A_487 : vector<16xf32>
        %parallel_loop3A_489 = arith.constant 1.000000e+00 : f32
        %parallel_loop3A_490 = vector.broadcast %parallel_loop3A_489 : f32 to vector<16xf32>
        %parallel_loop3A_491 = arith.divf %parallel_loop3A_490, %parallel_loop3A_488 : vector<16xf32>
        %parallel_loop3A_492 = arith.index_cast %parallel_loop3A_477 : i32 to index
        %parallel_loop3A_493 = arith.constant 0 : index
        %parallel_loop3A_494 = tpu.vector_load %arg11[%parallel_loop3A_492, %parallel_loop3A_493] {strides = array<i32>} : memref<64x128xf32, #tpu.memory_space<vmem>>, vector<16xf32>,
        %parallel_loop3A_495 = arith.mulf %parallel_loop3A_494, %parallel_loop3A_491 : vector<16xf32>
        %parallel_loop3A_496 = arith.index_cast %parallel_loop3A_477 : i32 to index
        %parallel_loop3A_497 = arith.constant 0 : index
        %parallel_loop3A_498 = tpu.vector_load %arg11[%parallel_loop3A_496, %parallel_loop3A_497] {strides = array<i32>} : memref<64x128xf32, #tpu.memory_space<vmem>>, vector<16xf32>,
        tpu.vector_store %arg11[%parallel_loop3A_496, %parallel_loop3A_497], %parallel_loop3A_495 {strides = array<i32>} : memref<64x128xf32, #tpu.memory_space<vmem>>, vector<16xf32>,
        %parallel_loop3A_499 = arith.index_cast %parallel_loop3A_477 : i32 to index
        %parallel_loop3A_500 = arith.constant 16 : index
        %parallel_loop3A_501 = tpu.vector_load %arg11[%parallel_loop3A_499, %parallel_loop3A_500] {strides = array<i32>} : memref<64x128xf32, #tpu.memory_space<vmem>>, vector<16xf32>,
        %parallel_loop3A_502 = arith.mulf %parallel_loop3A_501, %parallel_loop3A_491 : vector<16xf32>
        %parallel_loop3A_503 = arith.index_cast %parallel_loop3A_477 : i32 to index
        %parallel_loop3A_504 = arith.constant 16 : index
        %parallel_loop3A_505 = tpu.vector_load %arg11[%parallel_loop3A_503, %parallel_loop3A_504] {strides = array<i32>} : memref<64x128xf32, #tpu.memory_space<vmem>>, vector<16xf32>,
        tpu.vector_store %arg11[%parallel_loop3A_503, %parallel_loop3A_504], %parallel_loop3A_502 {strides = array<i32>} : memref<64x128xf32, #tpu.memory_space<vmem>>, vector<16xf32>,
        %parallel_loop3A_506 = arith.index_cast %parallel_loop3A_477 : i32 to index
        %parallel_loop3A_507 = arith.constant 32 : index
        %parallel_loop3A_508 = tpu.vector_load %arg11[%parallel_loop3A_506, %parallel_loop3A_507] {strides = array<i32>} : memref<64x128xf32, #tpu.memory_space<vmem>>, vector<16xf32>,
        %parallel_loop3A_509 = arith.mulf %parallel_loop3A_508, %parallel_loop3A_491 : vector<16xf32>
        %parallel_loop3A_510 = arith.index_cast %parallel_loop3A_477 : i32 to index
        %parallel_loop3A_511 = arith.constant 32 : index
        %parallel_loop3A_512 = tpu.vector_load %arg11[%parallel_loop3A_510, %parallel_loop3A_511] {strides = array<i32>} : memref<64x128xf32, #tpu.memory_space<vmem>>, vector<16xf32>,
        tpu.vector_store %arg11[%parallel_loop3A_510, %parallel_loop3A_511], %parallel_loop3A_509 {strides = array<i32>} : memref<64x128xf32, #tpu.memory_space<vmem>>, vector<16xf32>,
        %parallel_loop3A_513 = arith.index_cast %parallel_loop3A_477 : i32 to index
        %parallel_loop3A_514 = arith.constant 48 : index
        %parallel_loop3A_515 = tpu.vector_load %arg11[%parallel_loop3A_513, %parallel_loop3A_514] {strides = array<i32>} : memref<64x128xf32, #tpu.memory_space<vmem>>, vector<16xf32>,
        %parallel_loop3A_516 = arith.mulf %parallel_loop3A_515, %parallel_loop3A_491 : vector<16xf32>
        %parallel_loop3A_517 = arith.index_cast %parallel_loop3A_477 : i32 to index
        %parallel_loop3A_518 = arith.constant 48 : index
        %parallel_loop3A_519 = tpu.vector_load %arg11[%parallel_loop3A_517, %parallel_loop3A_518] {strides = array<i32>} : memref<64x128xf32, #tpu.memory_space<vmem>>, vector<16xf32>,
        tpu.vector_store %arg11[%parallel_loop3A_517, %parallel_loop3A_518], %parallel_loop3A_516 {strides = array<i32>} : memref<64x128xf32, #tpu.memory_space<vmem>>, vector<16xf32>,
        %parallel_loop3A_520 = arith.index_cast %parallel_loop3A_477 : i32 to index
        %parallel_loop3A_521 = arith.constant 64 : index
        %parallel_loop3A_522 = tpu.vector_load %arg11[%parallel_loop3A_520, %parallel_loop3A_521] {strides = array<i32>} : memref<64x128xf32, #tpu.memory_space<vmem>>, vector<16xf32>,
        %parallel_loop3A_523 = arith.mulf %parallel_loop3A_522, %parallel_loop3A_491 : vector<16xf32>
        %parallel_loop3A_524 = arith.index_cast %parallel_loop3A_477 : i32 to index
        %parallel_loop3A_525 = arith.constant 64 : index
        %parallel_loop3A_526 = tpu.vector_load %arg11[%parallel_loop3A_524, %parallel_loop3A_525] {strides = array<i32>} : memref<64x128xf32, #tpu.memory_space<vmem>>, vector<16xf32>,
        tpu.vector_store %arg11[%parallel_loop3A_524, %parallel_loop3A_525], %parallel_loop3A_523 {strides = array<i32>} : memref<64x128xf32, #tpu.memory_space<vmem>>, vector<16xf32>,
        %parallel_loop3A_527 = arith.index_cast %parallel_loop3A_477 : i32 to index
        %parallel_loop3A_528 = arith.constant 80 : index
        %parallel_loop3A_529 = tpu.vector_load %arg11[%parallel_loop3A_527, %parallel_loop3A_528] {strides = array<i32>} : memref<64x128xf32, #tpu.memory_space<vmem>>, vector<16xf32>,
        %parallel_loop3A_530 = arith.mulf %parallel_loop3A_529, %parallel_loop3A_491 : vector<16xf32>
        %parallel_loop3A_531 = arith.index_cast %parallel_loop3A_477 : i32 to index
        %parallel_loop3A_532 = arith.constant 80 : index
        %parallel_loop3A_533 = tpu.vector_load %arg11[%parallel_loop3A_531, %parallel_loop3A_532] {strides = array<i32>} : memref<64x128xf32, #tpu.memory_space<vmem>>, vector<16xf32>,
        tpu.vector_store %arg11[%parallel_loop3A_531, %parallel_loop3A_532], %parallel_loop3A_530 {strides = array<i32>} : memref<64x128xf32, #tpu.memory_space<vmem>>, vector<16xf32>,
        %parallel_loop3A_534 = arith.index_cast %parallel_loop3A_477 : i32 to index
        %parallel_loop3A_535 = arith.constant 96 : index
        %parallel_loop3A_536 = tpu.vector_load %arg11[%parallel_loop3A_534, %parallel_loop3A_535] {strides = array<i32>} : memref<64x128xf32, #tpu.memory_space<vmem>>, vector<16xf32>,
        %parallel_loop3A_537 = arith.mulf %parallel_loop3A_536, %parallel_loop3A_491 : vector<16xf32>
        %parallel_loop3A_538 = arith.index_cast %parallel_loop3A_477 : i32 to index
        %parallel_loop3A_539 = arith.constant 96 : index
        %parallel_loop3A_540 = tpu.vector_load %arg11[%parallel_loop3A_538, %parallel_loop3A_539] {strides = array<i32>} : memref<64x128xf32, #tpu.memory_space<vmem>>, vector<16xf32>,
        tpu.vector_store %arg11[%parallel_loop3A_538, %parallel_loop3A_539], %parallel_loop3A_537 {strides = array<i32>} : memref<64x128xf32, #tpu.memory_space<vmem>>, vector<16xf32>,
        %parallel_loop3A_541 = arith.index_cast %parallel_loop3A_477 : i32 to index
        %parallel_loop3A_542 = arith.constant 112 : index
        %parallel_loop3A_543 = tpu.vector_load %arg11[%parallel_loop3A_541, %parallel_loop3A_542] {strides = array<i32>} : memref<64x128xf32, #tpu.memory_space<vmem>>, vector<16xf32>,
        %parallel_loop3A_544 = arith.mulf %parallel_loop3A_543, %parallel_loop3A_491 : vector<16xf32>
        %parallel_loop3A_545 = arith.index_cast %parallel_loop3A_477 : i32 to index
        %parallel_loop3A_546 = arith.constant 112 : index
        %parallel_loop3A_547 = tpu.vector_load %arg11[%parallel_loop3A_545, %parallel_loop3A_546] {strides = array<i32>} : memref<64x128xf32, #tpu.memory_space<vmem>>, vector<16xf32>,
        tpu.vector_store %arg11[%parallel_loop3A_545, %parallel_loop3A_546], %parallel_loop3A_544 {strides = array<i32>} : memref<64x128xf32, #tpu.memory_space<vmem>>, vector<16xf32>,
        scf.yield %parallel_loop3A_478 : i32
      } {sc.loop_unroll_factor = 2 : i64, sc.parallel_access}
      %add3A_442 = arith.constant 448 : i32
      %add3A_443 = arith.addi %add3A_288, %add3A_442 : i32
      "tpu.region"() ({
        %run_scoped3A = tpu.sem_alloc : memref<!tpu.dma_semaphore, #tpu.memory_space<semaphore_mem>>
        %dma_start3A_477 = arith.constant 0 : i32
        %dma_start3A_478 = tpu.memref_slice %arg5[%add3A_443, %dma_start3A_477] : memref<102400x128xf32, #tpu.memory_space<hbm>> -> memref<64x128xf32, #tpu.memory_space<hbm>>
        %dma_start3A_479 = arith.constant 0 : i32
        %dma_start3A_480 = tpu.memref_slice %arg5[%add3A_443, %dma_start3A_479] : memref<102400x128xf32, #tpu.memory_space<hbm>> -> memref<64x128xf32, #tpu.memory_space<hbm>>
        tpu.enqueue_dma source(%arg11 : memref<64x128xf32, #tpu.memory_space<vmem>>) target(%dma_start3A_480 : memref<64x128xf32, #tpu.memory_space<hbm>>) target_semaphore(%run_scoped3A : memref<!tpu.dma_semaphore, #tpu.memory_space<semaphore_mem>>)
        %dma_wait3A_481 = arith.constant 0 : i32
        %dma_wait3A_482 = tpu.memref_slice %arg5[%add3A_443, %dma_wait3A_481] : memref<102400x128xf32, #tpu.memory_space<hbm>> -> memref<64x128xf32, #tpu.memory_space<hbm>>
        %dma_wait3A_483 = arith.constant 0 : i32
        %dma_wait3A_484 = tpu.memref_slice %arg5[%add3A_443, %dma_wait3A_483] : memref<102400x128xf32, #tpu.memory_space<hbm>> -> memref<64x128xf32, #tpu.memory_space<hbm>>
        tpu.wait_dma2 semaphore(%run_scoped3A : memref<!tpu.dma_semaphore, #tpu.memory_space<semaphore_mem>>) src(%arg11 : memref<64x128xf32, #tpu.memory_space<vmem>>) dst(%dma_wait3A_484 : memref<64x128xf32, #tpu.memory_space<hbm>>)
        tpu.yield
      }) : () -> ()
      %add3A_444 = arith.constant 576 : i32
      %add3A_445 = arith.addi %mul3A_25, %add3A_444 : i32
      %dma_start3A_446 = arith.constant 0 : i32
      %dma_start3A_447 = tpu.memref_slice %arg22[%add3A_445, %dma_start3A_446] : memref<10256x128xf32, #tpu.memory_space<vmem_shared>> -> memref<64x128xf32, #tpu.memory_space<vmem_shared>>
      %dma_start3A_448 = arith.constant 0 : i32
      %dma_start3A_449 = tpu.memref_slice %arg22[%add3A_445, %dma_start3A_448] : memref<10256x128xf32, #tpu.memory_space<vmem_shared>> -> memref<64x128xf32, #tpu.memory_space<vmem_shared>>
      tpu.enqueue_dma source(%dma_start3A_449 : memref<64x128xf32, #tpu.memory_space<vmem_shared>>) target(%arg11 : memref<64x128xf32, #tpu.memory_space<vmem>>) target_semaphore(%arg19 : memref<!tpu.dma_semaphore, #tpu.memory_space<semaphore_mem>>)
      %add3A_450 = arith.constant 512 : i32
      %add3A_451 = arith.addi %mul3A_25, %add3A_450 : i32
      %dma_wait3A_452 = arith.constant 0 : i32
      %dma_wait3A_453 = tpu.memref_slice %arg22[%add3A_451, %dma_wait3A_452] : memref<10256x128xf32, #tpu.memory_space<vmem_shared>> -> memref<64x128xf32, #tpu.memory_space<vmem_shared>>
      %dma_wait3A_454 = arith.constant 0 : i32
      %dma_wait3A_455 = tpu.memref_slice %arg22[%add3A_451, %dma_wait3A_454] : memref<10256x128xf32, #tpu.memory_space<vmem_shared>> -> memref<64x128xf32, #tpu.memory_space<vmem_shared>>
      tpu.wait_dma2 semaphore(%arg18 : memref<!tpu.dma_semaphore, #tpu.memory_space<semaphore_mem>>) src(%dma_wait3A_455 : memref<64x128xf32, #tpu.memory_space<vmem_shared>>) dst(%arg10 : memref<64x128xf32, #tpu.memory_space<vmem>>)
      %parallel_loop3A_456 = arith.constant 0 : i32
      %parallel_loop3A_457 = arith.constant 64 : i32
      %parallel_loop3A_458 = arith.constant 1 : i32
      %parallel_loop3A_459 = arith.constant 0 : i32
      %parallel_loop3A_460 = scf.for %parallel_loop3A_477 = %parallel_loop3A_456 to %parallel_loop3A_457 step %parallel_loop3A_458 iter_args(%parallel_loop3A_478 = %parallel_loop3A_459) -> (i32)  : i32 {
        %parallel_loop3A_479 = arith.constant 512 : i32
        %parallel_loop3A_480 = arith.addi %parallel_loop3A_479, %parallel_loop3A_477 : i32
        %parallel_loop3A_481 = arith.index_cast %parallel_loop3A_480 : i32 to index
        %parallel_loop3A_482 = tpu.vector_load %arg16[%parallel_loop3A_481] {strides = array<i32>} : memref<656xf32, #tpu.memory_space<vmem>>, vector<16xf32>,
        %parallel_loop3A_483 = vector.extract_strided_slice %parallel_loop3A_482 {offsets = [0], sizes = [1], strides = [1]} : vector<16xf32> to vector<1xf32>
        %parallel_loop3A_484 = vector.extract %parallel_loop3A_483[0] : f32 from vector<1xf32>
        %parallel_loop3A_485 = vector.broadcast %parallel_loop3A_484 : f32 to vector<16xf32>
        %parallel_loop3A_486 = arith.constant 1.000000e+00 : f32
        %parallel_loop3A_487 = vector.broadcast %parallel_loop3A_486 : f32 to vector<16xf32>
        %parallel_loop3A_488 = arith.maximumf %parallel_loop3A_485, %parallel_loop3A_487 : vector<16xf32>
        %parallel_loop3A_489 = arith.constant 1.000000e+00 : f32
        %parallel_loop3A_490 = vector.broadcast %parallel_loop3A_489 : f32 to vector<16xf32>
        %parallel_loop3A_491 = arith.divf %parallel_loop3A_490, %parallel_loop3A_488 : vector<16xf32>
        %parallel_loop3A_492 = arith.index_cast %parallel_loop3A_477 : i32 to index
        %parallel_loop3A_493 = arith.constant 0 : index
        %parallel_loop3A_494 = tpu.vector_load %arg10[%parallel_loop3A_492, %parallel_loop3A_493] {strides = array<i32>} : memref<64x128xf32, #tpu.memory_space<vmem>>, vector<16xf32>,
        %parallel_loop3A_495 = arith.mulf %parallel_loop3A_494, %parallel_loop3A_491 : vector<16xf32>
        %parallel_loop3A_496 = arith.index_cast %parallel_loop3A_477 : i32 to index
        %parallel_loop3A_497 = arith.constant 0 : index
        %parallel_loop3A_498 = tpu.vector_load %arg10[%parallel_loop3A_496, %parallel_loop3A_497] {strides = array<i32>} : memref<64x128xf32, #tpu.memory_space<vmem>>, vector<16xf32>,
        tpu.vector_store %arg10[%parallel_loop3A_496, %parallel_loop3A_497], %parallel_loop3A_495 {strides = array<i32>} : memref<64x128xf32, #tpu.memory_space<vmem>>, vector<16xf32>,
        %parallel_loop3A_499 = arith.index_cast %parallel_loop3A_477 : i32 to index
        %parallel_loop3A_500 = arith.constant 16 : index
        %parallel_loop3A_501 = tpu.vector_load %arg10[%parallel_loop3A_499, %parallel_loop3A_500] {strides = array<i32>} : memref<64x128xf32, #tpu.memory_space<vmem>>, vector<16xf32>,
        %parallel_loop3A_502 = arith.mulf %parallel_loop3A_501, %parallel_loop3A_491 : vector<16xf32>
        %parallel_loop3A_503 = arith.index_cast %parallel_loop3A_477 : i32 to index
        %parallel_loop3A_504 = arith.constant 16 : index
        %parallel_loop3A_505 = tpu.vector_load %arg10[%parallel_loop3A_503, %parallel_loop3A_504] {strides = array<i32>} : memref<64x128xf32, #tpu.memory_space<vmem>>, vector<16xf32>,
        tpu.vector_store %arg10[%parallel_loop3A_503, %parallel_loop3A_504], %parallel_loop3A_502 {strides = array<i32>} : memref<64x128xf32, #tpu.memory_space<vmem>>, vector<16xf32>,
        %parallel_loop3A_506 = arith.index_cast %parallel_loop3A_477 : i32 to index
        %parallel_loop3A_507 = arith.constant 32 : index
        %parallel_loop3A_508 = tpu.vector_load %arg10[%parallel_loop3A_506, %parallel_loop3A_507] {strides = array<i32>} : memref<64x128xf32, #tpu.memory_space<vmem>>, vector<16xf32>,
        %parallel_loop3A_509 = arith.mulf %parallel_loop3A_508, %parallel_loop3A_491 : vector<16xf32>
        %parallel_loop3A_510 = arith.index_cast %parallel_loop3A_477 : i32 to index
        %parallel_loop3A_511 = arith.constant 32 : index
        %parallel_loop3A_512 = tpu.vector_load %arg10[%parallel_loop3A_510, %parallel_loop3A_511] {strides = array<i32>} : memref<64x128xf32, #tpu.memory_space<vmem>>, vector<16xf32>,
        tpu.vector_store %arg10[%parallel_loop3A_510, %parallel_loop3A_511], %parallel_loop3A_509 {strides = array<i32>} : memref<64x128xf32, #tpu.memory_space<vmem>>, vector<16xf32>,
        %parallel_loop3A_513 = arith.index_cast %parallel_loop3A_477 : i32 to index
        %parallel_loop3A_514 = arith.constant 48 : index
        %parallel_loop3A_515 = tpu.vector_load %arg10[%parallel_loop3A_513, %parallel_loop3A_514] {strides = array<i32>} : memref<64x128xf32, #tpu.memory_space<vmem>>, vector<16xf32>,
        %parallel_loop3A_516 = arith.mulf %parallel_loop3A_515, %parallel_loop3A_491 : vector<16xf32>
        %parallel_loop3A_517 = arith.index_cast %parallel_loop3A_477 : i32 to index
        %parallel_loop3A_518 = arith.constant 48 : index
        %parallel_loop3A_519 = tpu.vector_load %arg10[%parallel_loop3A_517, %parallel_loop3A_518] {strides = array<i32>} : memref<64x128xf32, #tpu.memory_space<vmem>>, vector<16xf32>,
        tpu.vector_store %arg10[%parallel_loop3A_517, %parallel_loop3A_518], %parallel_loop3A_516 {strides = array<i32>} : memref<64x128xf32, #tpu.memory_space<vmem>>, vector<16xf32>,
        %parallel_loop3A_520 = arith.index_cast %parallel_loop3A_477 : i32 to index
        %parallel_loop3A_521 = arith.constant 64 : index
        %parallel_loop3A_522 = tpu.vector_load %arg10[%parallel_loop3A_520, %parallel_loop3A_521] {strides = array<i32>} : memref<64x128xf32, #tpu.memory_space<vmem>>, vector<16xf32>,
        %parallel_loop3A_523 = arith.mulf %parallel_loop3A_522, %parallel_loop3A_491 : vector<16xf32>
        %parallel_loop3A_524 = arith.index_cast %parallel_loop3A_477 : i32 to index
        %parallel_loop3A_525 = arith.constant 64 : index
        %parallel_loop3A_526 = tpu.vector_load %arg10[%parallel_loop3A_524, %parallel_loop3A_525] {strides = array<i32>} : memref<64x128xf32, #tpu.memory_space<vmem>>, vector<16xf32>,
        tpu.vector_store %arg10[%parallel_loop3A_524, %parallel_loop3A_525], %parallel_loop3A_523 {strides = array<i32>} : memref<64x128xf32, #tpu.memory_space<vmem>>, vector<16xf32>,
        %parallel_loop3A_527 = arith.index_cast %parallel_loop3A_477 : i32 to index
        %parallel_loop3A_528 = arith.constant 80 : index
        %parallel_loop3A_529 = tpu.vector_load %arg10[%parallel_loop3A_527, %parallel_loop3A_528] {strides = array<i32>} : memref<64x128xf32, #tpu.memory_space<vmem>>, vector<16xf32>,
        %parallel_loop3A_530 = arith.mulf %parallel_loop3A_529, %parallel_loop3A_491 : vector<16xf32>
        %parallel_loop3A_531 = arith.index_cast %parallel_loop3A_477 : i32 to index
        %parallel_loop3A_532 = arith.constant 80 : index
        %parallel_loop3A_533 = tpu.vector_load %arg10[%parallel_loop3A_531, %parallel_loop3A_532] {strides = array<i32>} : memref<64x128xf32, #tpu.memory_space<vmem>>, vector<16xf32>,
        tpu.vector_store %arg10[%parallel_loop3A_531, %parallel_loop3A_532], %parallel_loop3A_530 {strides = array<i32>} : memref<64x128xf32, #tpu.memory_space<vmem>>, vector<16xf32>,
        %parallel_loop3A_534 = arith.index_cast %parallel_loop3A_477 : i32 to index
        %parallel_loop3A_535 = arith.constant 96 : index
        %parallel_loop3A_536 = tpu.vector_load %arg10[%parallel_loop3A_534, %parallel_loop3A_535] {strides = array<i32>} : memref<64x128xf32, #tpu.memory_space<vmem>>, vector<16xf32>,
        %parallel_loop3A_537 = arith.mulf %parallel_loop3A_536, %parallel_loop3A_491 : vector<16xf32>
        %parallel_loop3A_538 = arith.index_cast %parallel_loop3A_477 : i32 to index
        %parallel_loop3A_539 = arith.constant 96 : index
        %parallel_loop3A_540 = tpu.vector_load %arg10[%parallel_loop3A_538, %parallel_loop3A_539] {strides = array<i32>} : memref<64x128xf32, #tpu.memory_space<vmem>>, vector<16xf32>,
        tpu.vector_store %arg10[%parallel_loop3A_538, %parallel_loop3A_539], %parallel_loop3A_537 {strides = array<i32>} : memref<64x128xf32, #tpu.memory_space<vmem>>, vector<16xf32>,
        %parallel_loop3A_541 = arith.index_cast %parallel_loop3A_477 : i32 to index
        %parallel_loop3A_542 = arith.constant 112 : index
        %parallel_loop3A_543 = tpu.vector_load %arg10[%parallel_loop3A_541, %parallel_loop3A_542] {strides = array<i32>} : memref<64x128xf32, #tpu.memory_space<vmem>>, vector<16xf32>,
        %parallel_loop3A_544 = arith.mulf %parallel_loop3A_543, %parallel_loop3A_491 : vector<16xf32>
        %parallel_loop3A_545 = arith.index_cast %parallel_loop3A_477 : i32 to index
        %parallel_loop3A_546 = arith.constant 112 : index
        %parallel_loop3A_547 = tpu.vector_load %arg10[%parallel_loop3A_545, %parallel_loop3A_546] {strides = array<i32>} : memref<64x128xf32, #tpu.memory_space<vmem>>, vector<16xf32>,
        tpu.vector_store %arg10[%parallel_loop3A_545, %parallel_loop3A_546], %parallel_loop3A_544 {strides = array<i32>} : memref<64x128xf32, #tpu.memory_space<vmem>>, vector<16xf32>,
        scf.yield %parallel_loop3A_478 : i32
      } {sc.loop_unroll_factor = 2 : i64, sc.parallel_access}
      %add3A_461 = arith.constant 512 : i32
      %add3A_462 = arith.addi %add3A_288, %add3A_461 : i32
      "tpu.region"() ({
        %run_scoped3A = tpu.sem_alloc : memref<!tpu.dma_semaphore, #tpu.memory_space<semaphore_mem>>
        %dma_start3A_477 = arith.constant 0 : i32
        %dma_start3A_478 = tpu.memref_slice %arg5[%add3A_462, %dma_start3A_477] : memref<102400x128xf32, #tpu.memory_space<hbm>> -> memref<64x128xf32, #tpu.memory_space<hbm>>
        %dma_start3A_479 = arith.constant 0 : i32
        %dma_start3A_480 = tpu.memref_slice %arg5[%add3A_462, %dma_start3A_479] : memref<102400x128xf32, #tpu.memory_space<hbm>> -> memref<64x128xf32, #tpu.memory_space<hbm>>
        tpu.enqueue_dma source(%arg10 : memref<64x128xf32, #tpu.memory_space<vmem>>) target(%dma_start3A_480 : memref<64x128xf32, #tpu.memory_space<hbm>>) target_semaphore(%run_scoped3A : memref<!tpu.dma_semaphore, #tpu.memory_space<semaphore_mem>>)
        %dma_wait3A_481 = arith.constant 0 : i32
        %dma_wait3A_482 = tpu.memref_slice %arg5[%add3A_462, %dma_wait3A_481] : memref<102400x128xf32, #tpu.memory_space<hbm>> -> memref<64x128xf32, #tpu.memory_space<hbm>>
        %dma_wait3A_483 = arith.constant 0 : i32
        %dma_wait3A_484 = tpu.memref_slice %arg5[%add3A_462, %dma_wait3A_483] : memref<102400x128xf32, #tpu.memory_space<hbm>> -> memref<64x128xf32, #tpu.memory_space<hbm>>
        tpu.wait_dma2 semaphore(%run_scoped3A : memref<!tpu.dma_semaphore, #tpu.memory_space<semaphore_mem>>) src(%arg10 : memref<64x128xf32, #tpu.memory_space<vmem>>) dst(%dma_wait3A_484 : memref<64x128xf32, #tpu.memory_space<hbm>>)
        tpu.yield
      }) : () -> ()
      %add3A_463 = arith.constant 576 : i32
      %add3A_464 = arith.addi %mul3A_25, %add3A_463 : i32
      %dma_wait3A_465 = arith.constant 0 : i32
      %dma_wait3A_466 = tpu.memref_slice %arg22[%add3A_464, %dma_wait3A_465] : memref<10256x128xf32, #tpu.memory_space<vmem_shared>> -> memref<64x128xf32, #tpu.memory_space<vmem_shared>>
      %dma_wait3A_467 = arith.constant 0 : i32
      %dma_wait3A_468 = tpu.memref_slice %arg22[%add3A_464, %dma_wait3A_467] : memref<10256x128xf32, #tpu.memory_space<vmem_shared>> -> memref<64x128xf32, #tpu.memory_space<vmem_shared>>
      tpu.wait_dma2 semaphore(%arg19 : memref<!tpu.dma_semaphore, #tpu.memory_space<semaphore_mem>>) src(%dma_wait3A_468 : memref<64x128xf32, #tpu.memory_space<vmem_shared>>) dst(%arg11 : memref<64x128xf32, #tpu.memory_space<vmem>>)
      %parallel_loop3A_469 = arith.constant 0 : i32
      %parallel_loop3A_470 = arith.constant 64 : i32
      %parallel_loop3A_471 = arith.constant 1 : i32
      %parallel_loop3A_472 = arith.constant 0 : i32
      %parallel_loop3A_473 = scf.for %parallel_loop3A_477 = %parallel_loop3A_469 to %parallel_loop3A_470 step %parallel_loop3A_471 iter_args(%parallel_loop3A_478 = %parallel_loop3A_472) -> (i32)  : i32 {
        %parallel_loop3A_479 = arith.constant 576 : i32
        %parallel_loop3A_480 = arith.addi %parallel_loop3A_479, %parallel_loop3A_477 : i32
        %parallel_loop3A_481 = arith.index_cast %parallel_loop3A_480 : i32 to index
        %parallel_loop3A_482 = tpu.vector_load %arg16[%parallel_loop3A_481] {strides = array<i32>} : memref<656xf32, #tpu.memory_space<vmem>>, vector<16xf32>,
        %parallel_loop3A_483 = vector.extract_strided_slice %parallel_loop3A_482 {offsets = [0], sizes = [1], strides = [1]} : vector<16xf32> to vector<1xf32>
        %parallel_loop3A_484 = vector.extract %parallel_loop3A_483[0] : f32 from vector<1xf32>
        %parallel_loop3A_485 = vector.broadcast %parallel_loop3A_484 : f32 to vector<16xf32>
        %parallel_loop3A_486 = arith.constant 1.000000e+00 : f32
        %parallel_loop3A_487 = vector.broadcast %parallel_loop3A_486 : f32 to vector<16xf32>
        %parallel_loop3A_488 = arith.maximumf %parallel_loop3A_485, %parallel_loop3A_487 : vector<16xf32>
        %parallel_loop3A_489 = arith.constant 1.000000e+00 : f32
        %parallel_loop3A_490 = vector.broadcast %parallel_loop3A_489 : f32 to vector<16xf32>
        %parallel_loop3A_491 = arith.divf %parallel_loop3A_490, %parallel_loop3A_488 : vector<16xf32>
        %parallel_loop3A_492 = arith.index_cast %parallel_loop3A_477 : i32 to index
        %parallel_loop3A_493 = arith.constant 0 : index
        %parallel_loop3A_494 = tpu.vector_load %arg11[%parallel_loop3A_492, %parallel_loop3A_493] {strides = array<i32>} : memref<64x128xf32, #tpu.memory_space<vmem>>, vector<16xf32>,
        %parallel_loop3A_495 = arith.mulf %parallel_loop3A_494, %parallel_loop3A_491 : vector<16xf32>
        %parallel_loop3A_496 = arith.index_cast %parallel_loop3A_477 : i32 to index
        %parallel_loop3A_497 = arith.constant 0 : index
        %parallel_loop3A_498 = tpu.vector_load %arg11[%parallel_loop3A_496, %parallel_loop3A_497] {strides = array<i32>} : memref<64x128xf32, #tpu.memory_space<vmem>>, vector<16xf32>,
        tpu.vector_store %arg11[%parallel_loop3A_496, %parallel_loop3A_497], %parallel_loop3A_495 {strides = array<i32>} : memref<64x128xf32, #tpu.memory_space<vmem>>, vector<16xf32>,
        %parallel_loop3A_499 = arith.index_cast %parallel_loop3A_477 : i32 to index
        %parallel_loop3A_500 = arith.constant 16 : index
        %parallel_loop3A_501 = tpu.vector_load %arg11[%parallel_loop3A_499, %parallel_loop3A_500] {strides = array<i32>} : memref<64x128xf32, #tpu.memory_space<vmem>>, vector<16xf32>,
        %parallel_loop3A_502 = arith.mulf %parallel_loop3A_501, %parallel_loop3A_491 : vector<16xf32>
        %parallel_loop3A_503 = arith.index_cast %parallel_loop3A_477 : i32 to index
        %parallel_loop3A_504 = arith.constant 16 : index
        %parallel_loop3A_505 = tpu.vector_load %arg11[%parallel_loop3A_503, %parallel_loop3A_504] {strides = array<i32>} : memref<64x128xf32, #tpu.memory_space<vmem>>, vector<16xf32>,
        tpu.vector_store %arg11[%parallel_loop3A_503, %parallel_loop3A_504], %parallel_loop3A_502 {strides = array<i32>} : memref<64x128xf32, #tpu.memory_space<vmem>>, vector<16xf32>,
        %parallel_loop3A_506 = arith.index_cast %parallel_loop3A_477 : i32 to index
        %parallel_loop3A_507 = arith.constant 32 : index
        %parallel_loop3A_508 = tpu.vector_load %arg11[%parallel_loop3A_506, %parallel_loop3A_507] {strides = array<i32>} : memref<64x128xf32, #tpu.memory_space<vmem>>, vector<16xf32>,
        %parallel_loop3A_509 = arith.mulf %parallel_loop3A_508, %parallel_loop3A_491 : vector<16xf32>
        %parallel_loop3A_510 = arith.index_cast %parallel_loop3A_477 : i32 to index
        %parallel_loop3A_511 = arith.constant 32 : index
        %parallel_loop3A_512 = tpu.vector_load %arg11[%parallel_loop3A_510, %parallel_loop3A_511] {strides = array<i32>} : memref<64x128xf32, #tpu.memory_space<vmem>>, vector<16xf32>,
        tpu.vector_store %arg11[%parallel_loop3A_510, %parallel_loop3A_511], %parallel_loop3A_509 {strides = array<i32>} : memref<64x128xf32, #tpu.memory_space<vmem>>, vector<16xf32>,
        %parallel_loop3A_513 = arith.index_cast %parallel_loop3A_477 : i32 to index
        %parallel_loop3A_514 = arith.constant 48 : index
        %parallel_loop3A_515 = tpu.vector_load %arg11[%parallel_loop3A_513, %parallel_loop3A_514] {strides = array<i32>} : memref<64x128xf32, #tpu.memory_space<vmem>>, vector<16xf32>,
        %parallel_loop3A_516 = arith.mulf %parallel_loop3A_515, %parallel_loop3A_491 : vector<16xf32>
        %parallel_loop3A_517 = arith.index_cast %parallel_loop3A_477 : i32 to index
        %parallel_loop3A_518 = arith.constant 48 : index
        %parallel_loop3A_519 = tpu.vector_load %arg11[%parallel_loop3A_517, %parallel_loop3A_518] {strides = array<i32>} : memref<64x128xf32, #tpu.memory_space<vmem>>, vector<16xf32>,
        tpu.vector_store %arg11[%parallel_loop3A_517, %parallel_loop3A_518], %parallel_loop3A_516 {strides = array<i32>} : memref<64x128xf32, #tpu.memory_space<vmem>>, vector<16xf32>,
        %parallel_loop3A_520 = arith.index_cast %parallel_loop3A_477 : i32 to index
        %parallel_loop3A_521 = arith.constant 64 : index
        %parallel_loop3A_522 = tpu.vector_load %arg11[%parallel_loop3A_520, %parallel_loop3A_521] {strides = array<i32>} : memref<64x128xf32, #tpu.memory_space<vmem>>, vector<16xf32>,
        %parallel_loop3A_523 = arith.mulf %parallel_loop3A_522, %parallel_loop3A_491 : vector<16xf32>
        %parallel_loop3A_524 = arith.index_cast %parallel_loop3A_477 : i32 to index
        %parallel_loop3A_525 = arith.constant 64 : index
        %parallel_loop3A_526 = tpu.vector_load %arg11[%parallel_loop3A_524, %parallel_loop3A_525] {strides = array<i32>} : memref<64x128xf32, #tpu.memory_space<vmem>>, vector<16xf32>,
        tpu.vector_store %arg11[%parallel_loop3A_524, %parallel_loop3A_525], %parallel_loop3A_523 {strides = array<i32>} : memref<64x128xf32, #tpu.memory_space<vmem>>, vector<16xf32>,
        %parallel_loop3A_527 = arith.index_cast %parallel_loop3A_477 : i32 to index
        %parallel_loop3A_528 = arith.constant 80 : index
        %parallel_loop3A_529 = tpu.vector_load %arg11[%parallel_loop3A_527, %parallel_loop3A_528] {strides = array<i32>} : memref<64x128xf32, #tpu.memory_space<vmem>>, vector<16xf32>,
        %parallel_loop3A_530 = arith.mulf %parallel_loop3A_529, %parallel_loop3A_491 : vector<16xf32>
        %parallel_loop3A_531 = arith.index_cast %parallel_loop3A_477 : i32 to index
        %parallel_loop3A_532 = arith.constant 80 : index
        %parallel_loop3A_533 = tpu.vector_load %arg11[%parallel_loop3A_531, %parallel_loop3A_532] {strides = array<i32>} : memref<64x128xf32, #tpu.memory_space<vmem>>, vector<16xf32>,
        tpu.vector_store %arg11[%parallel_loop3A_531, %parallel_loop3A_532], %parallel_loop3A_530 {strides = array<i32>} : memref<64x128xf32, #tpu.memory_space<vmem>>, vector<16xf32>,
        %parallel_loop3A_534 = arith.index_cast %parallel_loop3A_477 : i32 to index
        %parallel_loop3A_535 = arith.constant 96 : index
        %parallel_loop3A_536 = tpu.vector_load %arg11[%parallel_loop3A_534, %parallel_loop3A_535] {strides = array<i32>} : memref<64x128xf32, #tpu.memory_space<vmem>>, vector<16xf32>,
        %parallel_loop3A_537 = arith.mulf %parallel_loop3A_536, %parallel_loop3A_491 : vector<16xf32>
        %parallel_loop3A_538 = arith.index_cast %parallel_loop3A_477 : i32 to index
        %parallel_loop3A_539 = arith.constant 96 : index
        %parallel_loop3A_540 = tpu.vector_load %arg11[%parallel_loop3A_538, %parallel_loop3A_539] {strides = array<i32>} : memref<64x128xf32, #tpu.memory_space<vmem>>, vector<16xf32>,
        tpu.vector_store %arg11[%parallel_loop3A_538, %parallel_loop3A_539], %parallel_loop3A_537 {strides = array<i32>} : memref<64x128xf32, #tpu.memory_space<vmem>>, vector<16xf32>,
        %parallel_loop3A_541 = arith.index_cast %parallel_loop3A_477 : i32 to index
        %parallel_loop3A_542 = arith.constant 112 : index
        %parallel_loop3A_543 = tpu.vector_load %arg11[%parallel_loop3A_541, %parallel_loop3A_542] {strides = array<i32>} : memref<64x128xf32, #tpu.memory_space<vmem>>, vector<16xf32>,
        %parallel_loop3A_544 = arith.mulf %parallel_loop3A_543, %parallel_loop3A_491 : vector<16xf32>
        %parallel_loop3A_545 = arith.index_cast %parallel_loop3A_477 : i32 to index
        %parallel_loop3A_546 = arith.constant 112 : index
        %parallel_loop3A_547 = tpu.vector_load %arg11[%parallel_loop3A_545, %parallel_loop3A_546] {strides = array<i32>} : memref<64x128xf32, #tpu.memory_space<vmem>>, vector<16xf32>,
        tpu.vector_store %arg11[%parallel_loop3A_545, %parallel_loop3A_546], %parallel_loop3A_544 {strides = array<i32>} : memref<64x128xf32, #tpu.memory_space<vmem>>, vector<16xf32>,
        scf.yield %parallel_loop3A_478 : i32
      } {sc.loop_unroll_factor = 2 : i64, sc.parallel_access}
      %add3A_474 = arith.constant 576 : i32
      %add3A_475 = arith.addi %add3A_288, %add3A_474 : i32
      "tpu.region"() ({
        %run_scoped3A = tpu.sem_alloc : memref<!tpu.dma_semaphore, #tpu.memory_space<semaphore_mem>>
        %dma_start3A_477 = arith.constant 0 : i32
        %dma_start3A_478 = tpu.memref_slice %arg5[%add3A_475, %dma_start3A_477] : memref<102400x128xf32, #tpu.memory_space<hbm>> -> memref<64x128xf32, #tpu.memory_space<hbm>>
        %dma_start3A_479 = arith.constant 0 : i32
        %dma_start3A_480 = tpu.memref_slice %arg5[%add3A_475, %dma_start3A_479] : memref<102400x128xf32, #tpu.memory_space<hbm>> -> memref<64x128xf32, #tpu.memory_space<hbm>>
        tpu.enqueue_dma source(%arg11 : memref<64x128xf32, #tpu.memory_space<vmem>>) target(%dma_start3A_480 : memref<64x128xf32, #tpu.memory_space<hbm>>) target_semaphore(%run_scoped3A : memref<!tpu.dma_semaphore, #tpu.memory_space<semaphore_mem>>)
        %dma_wait3A_481 = arith.constant 0 : i32
        %dma_wait3A_482 = tpu.memref_slice %arg5[%add3A_475, %dma_wait3A_481] : memref<102400x128xf32, #tpu.memory_space<hbm>> -> memref<64x128xf32, #tpu.memory_space<hbm>>
        %dma_wait3A_483 = arith.constant 0 : i32
        %dma_wait3A_484 = tpu.memref_slice %arg5[%add3A_475, %dma_wait3A_483] : memref<102400x128xf32, #tpu.memory_space<hbm>> -> memref<64x128xf32, #tpu.memory_space<hbm>>
        tpu.wait_dma2 semaphore(%run_scoped3A : memref<!tpu.dma_semaphore, #tpu.memory_space<semaphore_mem>>) src(%arg11 : memref<64x128xf32, #tpu.memory_space<vmem>>) dst(%dma_wait3A_484 : memref<64x128xf32, #tpu.memory_space<hbm>>)
        tpu.yield
      }) : () -> ()
      %barrier3A_476 = arith.constant 0 : index
      tpu.barrier barrier_id(%barrier3A_476)
    }
    %scan3A_31 = arith.constant 5 : i32
    return
  }
}

</mosaic_0001>

<sc_bundles>
// kernel: _sc_aggregate.3.cloned.1.call-start
scs
__scs_entry_jumppad:
0x0: {  	(pc) =	sbr.rel $0x88, $3  }
0x1: {  	(tag) =	ssettag $0x0;
	lr =	simm.s32 $0x1  }
0x2: {  	[smem:$0x3F9E] =	sst lr;
	_ =	strace $0xD0000000  }
0x3: {  	_ = 	snop  }
0x4: {  	_ = 	snop  }
0x5: {  	_ = 	snop  }
0x6: {  	_ = 	snop  }
0x7: {  	_ = 	snop  }
__scs_overlays_trampoline_lowered:
0x8: {  	[smem:$0x3FAD] =	sst s0  }
0x9: {  	[smem:$0x3FAE] =	sst s1  }
0xa: {  	[smem:$0x3FAF] =	sst s2  }
0xb: {  	[smem:$0x3FB0] =	sst s3  }
0xc: {  	[smem:$0x3FB1] =	sst s4  }
0xd: {  	[smem:$0x3FB2] =	sst s5  }
0xe: {  	[smem:$0x3FB3] =	sst s6  }
0xf: {  	[smem:$0x3FB4] =	sst s7  }
0x10: {  	[smem:$0x3FB5] =	sst s8  }
0x11: {  	[smem:$0x3FB6] =	sst s9;
	s0 =	simm.s32 @!p0 $0x0  }
0x12: {  	s1 =	sld [smem:$0x3F9C];
	s0 =	simm.s32 @p0 $0x1  }
0x13: {  	[smem:$0x3FB7] =	sst s0;
	s0 =	simm.s32 @!p1 $0x0  }
0x14: {  	s2 =	sld [smem:$0x3F9B];
	s0 =	simm.s32 @p1 $0x1  }
0x15: {  	[smem:$0x3FB8] =	sst s0;
	s0 =	simm.s32 @!p2 $0x0  }
0x16: {  	s3 =	sld [smem:$0x3FDB];
	s0 =	simm.s32 @p2 $0x1  }
0x17: {  	s4 =	simm.s32 $0x1BF5;
	[smem:$0x3FBA] =	sst s0  }
0x18: {  	s0 =	sld [smem:$0x3F9D];
	_ =	swait.ge [sflag:s4], $0x0  }
0x19: {  	s7 =	sld [smem:$0x3F9E]  }
0x1a: {  	s8 =	sadd.s32 $0xFFFFE003, lr  }
0x1b: {  	s9 =	sadd.s32 $0xFFFFFEF7, lr;
	s5 =	simm.s32 $0xFFFFFFFF;
	p2 =	slt.u32 s8, $0xFFFFF086  }
0x1c: {  	p1 =	slt.u32 s9, $0xF7A;
	s5 =	simm.s32 @!p2 $0x0  }
0x1d: {  	s5 =	simm.s32 @p1 $0x1;
	p0 =	seq.s32 s7, s2  }
0x1e: {  	s7 =	smul.u32 @!p0 $0xF7A, s2;
	p2 =	seq.s32 @!p0 s5, $0x0  }
0x1f: {  	s9 =	smul.u32 $0xF7A, s1;
	s8 =	simm.s32 @!p0 $0x1BF5;
	p2 =	por !p2, p0  }
0x20: {  	[sflag:s8] =	ssyncset.s32 @!p0 $0xFFFFF086;
	s6 =	sadd.s32 @!p0 s3, s7;
	s7 =	simm.s32 @!p0 $0x108  }
0x21: {  	s3 =	sadd.s32 s3, s9;
	s6 =	sadd.s32 @!p0 $0x88, s6;
	s7 =	simm.s32 @p2 $0x1082  }
0x22: {  	[simem:s7], [sflag:s8] =	dma.local @!p0 [hbm:s6], $0xF7A  }
0x23: {  	s9 =	sor.u32 $0xD0000000, s2;
	s6 =	simm.s32 $0x108;
	_ =	swait.ge @!p0 [sflag:s8], $0x0  }
0x24: {  	s3 =	sadd.s32 $0x88, s3;
	s6 =	simm.s32 @!p1 $0x1082;
	[sflag:s4] =	ssyncset.s32 $0xFFFFF086  }
0x25: {  	[simem:s6], [sflag:s4] =	dma.local [hbm:s3], $0xF7A  }
0x26: {  	[smem:$0x3F9E] =	sst s1;
	(tag) =	ssettag s2;
	_ =	strace s9  }
0x27: {  	s1 =	sld [smem:$0x3FAE]  }
0x28: {  	s2 =	sld [smem:$0x3FAF]  }
0x29: {  	s4 =	sld [smem:$0x3FB1]  }
0x2a: {  	p0 =	seq.s32 s5, $0x0;
	s5 =	sld [smem:$0x3FB2]  }
0x2b: {  	s6 =	sld [smem:$0x3FB3]  }
0x2c: {  	s7 =	sld [smem:$0x3FB4]  }
0x2d: {  	s3 =	simm.s32 $0x108;
	s8 =	sld [smem:$0x3FB5]  }
0x2e: {  	s3 =	simm.s32 @!p0 $0x1082;
	s9 =	sld [smem:$0x3FB6]  }
0x2f: {  	lr =	sadd.s32 s0, s3;
	s0 =	sld [smem:$0x3FAD]  }
0x30: {  	s3 =	sld [smem:$0x3FB0]  }
0x31: {  	[smem:$0x3FB9] =	sst s10  }
0x32: {  	s10 =	sld [smem:$0x3FB7];
	_ =	sdelay $0x3  }
0x33: {  	p0 =	seq.s32 s10, $0x1;
	s10 =	sld [smem:$0x3FB9];
	_ =	sdelay $0x3  }
0x34: {  	[smem:$0x3FB9] =	sst s10  }
0x35: {  	s10 =	sld [smem:$0x3FB8];
	_ =	sdelay $0x3  }
0x36: {  	p1 =	seq.s32 s10, $0x1;
	s10 =	sld [smem:$0x3FB9];
	_ =	sdelay $0x3  }
0x37: {  	[smem:$0x3FB9] =	sst s10  }
0x38: {  	s10 =	sld [smem:$0x3FBA]  }
0x39: {  	_ = 	snop;
	(pc) =	sbr.ind lr, $3  }
0x3a: {  	_ = 	snop  }
0x3b: {  	_ = 	snop  }
0x3c: {  	p2 =	seq.s32 s10, $0x1;
	s10 =	sld [smem:$0x3FB9]  }
0x3d: {  	_ =	shalt  }
0x3e: {  	_ =	shalt  }
0x3f: {  	_ =	shalt  }
0x40: {  	_ =	shalt  }
0x41: {  	_ =	shalt  }
0x42: {  	_ =	shalt  }
0x43: {  	_ =	shalt  }
0x44: {  	_ =	shalt  }
0x45: {  	_ =	shalt  }
0x46: {  	_ =	shalt  }
0x47: {  	_ =	shalt  }
0x48: {  	_ =	shalt  }
0x49: {  	_ =	shalt  }
0x4a: {  	_ =	shalt  }
0x4b: {  	_ =	shalt  }
0x4c: {  	_ =	shalt  }
0x4d: {  	_ =	shalt  }
0x4e: {  	_ =	shalt  }
0x4f: {  	_ =	shalt  }
0x50: {  	_ =	shalt  }
0x51: {  	_ =	shalt  }
0x52: {  	_ =	shalt  }
0x53: {  	_ =	shalt  }
0x54: {  	_ =	shalt  }
0x55: {  	_ =	shalt  }
0x56: {  	_ =	shalt  }
0x57: {  	_ =	shalt  }
0x58: {  	_ =	shalt  }
0x59: {  	_ =	shalt  }
0x5a: {  	_ =	shalt  }
0x5b: {  	_ =	shalt  }
0x5c: {  	_ =	shalt  }
0x5d: {  	_ =	shalt  }
0x5e: {  	_ =	shalt  }
0x5f: {  	_ =	shalt  }
0x60: {  	_ =	shalt  }
0x61: {  	_ =	shalt  }
0x62: {  	_ =	shalt  }
0x63: {  	_ =	shalt  }
0x64: {  	_ =	shalt  }
0x65: {  	_ =	shalt  }
0x66: {  	_ =	shalt  }
0x67: {  	_ =	shalt  }
0x68: {  	_ =	shalt  }
0x69: {  	_ =	shalt  }
0x6a: {  	_ =	shalt  }
0x6b: {  	_ =	shalt  }
0x6c: {  	_ =	shalt  }
0x6d: {  	_ =	shalt  }
0x6e: {  	_ =	shalt  }
0x6f: {  	_ =	shalt  }
0x70: {  	_ =	shalt  }
0x71: {  	_ =	shalt  }
0x72: {  	_ =	shalt  }
0x73: {  	_ =	shalt  }
0x74: {  	_ =	shalt  }
0x75: {  	_ =	shalt  }
0x76: {  	_ =	shalt  }
0x77: {  	_ =	shalt  }
0x78: {  	_ =	shalt  }
0x79: {  	_ =	shalt  }
0x7a: {  	_ =	shalt  }
0x7b: {  	_ =	shalt  }
0x7c: {  	_ =	shalt  }
0x7d: {  	_ =	shalt  }
0x7e: {  	_ =	shalt  }
0x7f: {  	_ =	shalt  }
0x80: {  	_ =	shalt  }
0x81: {  	_ =	shalt  }
0x82: {  	_ =	shalt  }
0x83: {  	_ =	shalt  }
0x84: {  	_ =	shalt  }
0x85: {  	_ =	shalt  }
0x86: {  	_ =	shalt  }
0x87: {  	_ =	shalt  }
.Lfunc_end0:
.L_simem_size_0:
called_computation_lowered:
.L_overlay_start_0:
0x88: {  	s2 =	sld [smem:$0x3FD9]  }
0x89: {  	s3 =	sld [smem:$0x3FFE];
	_ =	sdelay $0x1  }
0x8a: {  	s1 =	srdreg.scid  }
0x8b: {  	s0 =	sand.u32 $0x1, s1  }
0x8c: {  	s18 =	sshll.u32 s0, $0xA;
	s2 =	sadd.s32 s3, s2  }
0x8d: {  	s2 =	sadd.s32 s2, s18  }
0x8e: {  	[smem:$0x3FC5] =	sst s2  }
0x8f: {  	_ = 	snop  }
0x90: {  	s2 =	sld [smem:$0x3FC9]  }
0x91: {  	s19 =	sld [smem:$0x3FC8]  }
0x92: {  	s4 =	sld [smem:$0x3FC7]  }
0x93: {  	s5 =	sld [smem:$0x3FD0];
	(tm) =	ssettm $0x1  }
0x94: {  	s6 =	sld [smem:$0x3FFB];
	_ =	sdelay $0x3  }
0x95: {  	_ =	strace s6  }
0x96: {  	s6 =	sld [smem:$0x3FFC];
	_ =	sdelay $0x3  }
0x97: {  	_ =	strace s6  }
0x98: {  	s6 =	sld [smem:$0x3FFD];
	_ =	sdelay $0x3  }
0x99: {  	_ =	strace s6  }
0x9a: {  	_ =	strace $0x8FFFFFFF  }
0x9b: {  	s20 =	sld [smem:$0x3FDB];
	_ =	sdelay $0x1  }
0x9c: {  	s7 =	simm.s32 $_scs_section_size  }
0x9d: {  	s8 =	simm.s32 $_size__tile_overlayer_lowered;
	s9 =	simm.s32 $_tile_overlayer_lowered  }
0x9e: {  	s23 =	simm.s32 $0x1BFF;
	s22 =	sshll.u32 s9, $0x1;
	s6 =	sadd.s32 s7, s20  }
0x9f: {  	s10 =	simm.s32 $0x0;
	s21 =	sshll.u32 s8, $0x1;
	s8 =	sadd.s32 s22, s6  }
0xa0: {  	[timem:s10], [sflag:s23] =	dma.local [hbm:s8], s21  }
0xa1: {  	_ =	swait.ge [sflag:s23], s21  }
0xa2: {  	s7 =	ssub.s32 $0x0, s21;
	[sflag:s23] =	ssyncset.done $0x0  }
0xa3: {  	[sflag:s23] =	ssyncadd.s32 s7;
	_ =	sdelay $0x1  }
0xa4: {  	s24 =	simm.s32 $0x1B8B  }
0xa5: {  	_ =	swait.ge [sflag:s24], $0x1  }
0xa6: {  	[sflag:s24] =	ssyncset.done $0x0  }
0xa7: {  	s25 =	simm.s32 $0x1B8E;
	[sflag:s24] =	ssyncadd.s32 $0xFFFFFFFF  }
0xa8: {  	s26 =	simm.s32 $execute0_lowered;
	[smem:$0x3FD2] =	sst s25  }
0xa9: {  	s7 =	sshll.u32 s26, $0x1;
	_ =	strace $0x80000046;
	[dreg:$0x1] =	wrdreg $0xFFFFFFFF  }
0xaa: {  	s28 =	simm.s32 $_size_execute0_lowered;
	s6 =	sadd.s32 s6, s7;
	[dreg:$0x0] =	wrdreg $0x0  }
0xab: {  	s7 =	sshll.u32 s28, $0x1;
	[dreg:$0x2] =	wrdreg s6  }
0xac: {  	[dreg:$0x3] =	wrdreg s7  }
0xad: {  	[dreg:$0x4] =	wrdreg $0xC0  }
0xae: {  	_ =	task [dreg:s10], $0x5FFFF  }
0xaf: {  	[dreg:$0x1] =	wrdreg $0xFFFFFFFF  }
0xb0: {  	[dreg:$0x0] =	wrdreg $0x60  }
0xb1: {  	[dreg:$0x2] =	wrdreg s2  }
0xb2: {  	[dreg:$0x3] =	wrdreg s19  }
0xb3: {  	[dreg:$0x4] =	wrdreg s4  }
0xb4: {  	[dreg:$0x5] =	wrdreg s5  }
0xb5: {  	[dreg:$0x6] =	wrdreg $0xA2000  }
0xb6: {  	[dreg:$0x7] =	wrdreg $0x1E2800  }
0xb7: {  	[dreg:$0x8] =	wrdreg $0x9  }
0xb8: {  	_ =	task.clear_ibuf [dreg:s10], $0x9FFFF;
	_ =	strace $0x90000046  }
0xb9: {  	s29 =	simm.s32 $0x9;
	_ =	strace $0x80000048  }
0xba: {  	_ =	swait.ge [sflag:s29], $0x1  }
0xbb: {  	[sflag:s29] =	ssyncadd.s32 $0xFFFFFFFF  }
0xbc: {  	_ =	strace $0x90000048  }
0xbd: {  	_ =	sfence  }
0xbe: {  	s30 =	sld [smem:$0x0];
	_ =	sdelay $0x2  }
0xbf: {  	s31 =	sshll.u32 s1, $0xD;
	s1 =	sshrl.u32 s1, $0x2  }
0xc0: {  	s3 =	sand.u32 $0x4000, s31;
	s1 =	sadd.s32 s1, s30  }
0xc1: {  	s0 =	sor.u32 s3, s0;
	s1 =	sshll.u32 s1, $0x11  }
0xc2: {  	s0 =	sor.u32 s1, s0  }
0xc3: {  	s0 =	sadd.s32 $0x8F2B, s0  }
0xc4: {  	[sflag:s0] =	ssyncadd.remote.s32 $0x1  }
0xc5: {  	_ =	sfence.sel $0xFFFF  }
0xc6: {  	[dreg:$0x0] =	wrdreg $0xFFFFFFFF;
	(pc) =	sbr.abs _section_cstart, $3  }
0xc7: {  	[dreg:$0x1] =	wrdreg $0xFFFFFFFF  }
0xc8: {  	_ =	task.clear_ibuf [dreg:s10], $0x2FFFF;
	_ =	strace $0x9FFFFFFF  }
0xc9: {  	(tm) =	ssettm $0x7FFFFFFF  }
tec
execute0_lowered:
.L_overlay_start_1:
0x0: {  	(tag) =	ssettag $0x1  }
0x1: {  	s0 =	rddreg [dreg:$0x0]  }
0x2: {  	s2 =	rddreg [dreg:$0x1]  }
0x3: {  	s3 =	rddreg [dreg:$0x2]  }
0x4: {  	s9 =	rddreg [dreg:$0x3]  }
0x5: {  	s5 =	rddreg [dreg:$0x4]  }
0x6: {  	s1 =	srdreg.scid;
	s4 =	stileid.u32;
	s7 =	simm.s32 $0x0  }
0x7: {  	s8 =	sand.u32 $0x1, s1;
	s25 =	smul.u32 $0x50000, s4;
	[smem:$0x7FF] =	sst s7  }
0x8: {  	s10 =	smul.u32 $0x280, s4;
	[dreg:$0x7] =	wrdreg s8  }
0x9: {  	s6 =	rddreg [dreg:$0x5];
	_ =	strace $0x80000047  }
0xa: {  	s1 =	sshrl.u32 s25, $0x2;
	[dreg:$0x8] =	wrdreg s10;
	s10 =	sadd.s32 s10, s6  }
0xb: {  	s14 =	sadd.s32 s1, s5;
	[dreg:$0x1e] =	wrdreg s10  }
0xc: {  	s1 =	sadd.s32 $0x1000, s14;
	[dreg:$0x9] =	wrdreg s14  }
0xd: {  	s11 =	sadd.s32 $0x3000, s14;
	[dreg:$0xa] =	wrdreg s1  }
0xe: {  	s12 =	sadd.s32 $0x5000, s14;
	[dreg:$0xc] =	wrdreg s11  }
0xf: {  	s13 =	sadd.s32 $0x7000, s14;
	[dreg:$0xe] =	wrdreg s12  }
0x10: {  	s26 =	ssub.s32 $0x2, s8;
	s15 =	sadd.s32 $0x9000, s14;
	[dreg:$0x10] =	wrdreg s13  }
0x11: {  	s8 =	sshrl.u32 s26, $0x1;
	s16 =	sadd.s32 $0xB000, s14;
	[dreg:$0x12] =	wrdreg s15  }
0x12: {  	s7 =	ssub.s32 s26, s8;
	s17 =	sadd.s32 $0xD000, s14;
	[dreg:$0x14] =	wrdreg s16  }
0x13: {  	s18 =	smax.u32 s7, $0x1;
	[dreg:$0x16] =	wrdreg s17  }
0x14: {  	s19 =	sadd.s32 $0xE000, s14;
	[dreg:$0x17] =	wrdreg s18  }
0x15: {  	s20 =	sadd.s32 $0xF000, s14;
	[dreg:$0x18] =	wrdreg s19  }
0x16: {  	s21 =	sadd.s32 $0x10000, s14;
	[dreg:$0x19] =	wrdreg s20  }
0x17: {  	p0 =	sne.s32 s4, $0x0;
	s22 =	sadd.s32 $0x11000, s14;
	[dreg:$0x1a] =	wrdreg s21  }
0x18: {  	s24 =	smul.u32 $0x9280, s4;
	s4 =	sadd.s32 $0x12000, s14;
	[dreg:$0x1b] =	wrdreg s22  }
0x19: {  	s7 =	sadd.s32 $0x13000, s14;
	[dreg:$0x1c] =	wrdreg s4  }
0x1a: {  	s23 =	sadd.s32 $0x2000, s14;
	[dreg:$0x1d] =	wrdreg s7  }
0x1b: {  	s25 =	sadd.s32 $0x4000, s14;
	[dreg:$0xb] =	wrdreg s23  }
0x1c: {  	s26 =	sadd.s32 $0x6000, s14;
	[dreg:$0xd] =	wrdreg s25  }
0x1d: {  	s29 =	sadd.s32 $0x8000, s14;
	[dreg:$0xf] =	wrdreg s26  }
0x1e: {  	s30 =	sadd.s32 $0xA000, s14;
	[dreg:$0x11] =	wrdreg s29  }
0x1f: {  	s31 =	sadd.s32 $0xC000, s14;
	[dreg:$0x13] =	wrdreg s30  }
0x20: {  	s11 =	sadd.s32 $0x140000, s5;
	[dreg:$0x15] =	wrdreg s31  }
0x21: {  	s12 =	sadd.s32 $0x2800, s6;
	[dreg:$0x1f] =	wrdreg s11  }
0x22: {  	s13 =	sadd.s32 $0x400, s9;
	[smem:$0x7F4] =	sst s12  }
0x23: {  	s15 =	sadd.s32 $0x800, s9;
	[smem:$0x7F5] =	sst s13  }
0x24: {  	s16 =	sadd.s32 $0xC00, s9;
	[smem:$0x7F6] =	sst s15  }
0x25: {  	s17 =	sadd.s32 $0x1000, s9;
	[smem:$0x7F7] =	sst s16  }
0x26: {  	s18 =	sadd.s32 $0x1400, s9;
	[smem:$0x7F8] =	sst s17  }
0x27: {  	s28 =	simm.s32 $0x6B00;
	s19 =	sadd.s32 $0x1800, s9;
	[smem:$0x7F9] =	sst s18  }
0x28: {  	s8 =	simm.s32 $0x1280;
	s20 =	sadd.s32 $0x1C00, s9;
	[smem:$0x7FA] =	sst s19  }
0x29: {  	s10 =	simm.s32 $0x0;
	s21 =	sadd.s32 $0x2000, s9;
	[smem:$0x7FB] =	sst s20  }
0x2a: {  	s22 =	sadd.s32 $0x2400, s9;
	s1 =	simm.s32 $0x1;
	[smem:$0x7FC] =	sst s21  }
0x2b: {  	s4 =	simm.s32 $0x2;
	s9 =	simm.s32 $0x3800;
	[smem:$0x7FD] =	sst s22  }
0x2c: {  	v0 =	vimm.f32 $1.000000000e+00;
	v1 =	vimm.f32 $0.0e+00;
	v4 =	vlaneseq.u32;
	s11 =	simm.s32 $0x2500;
	s13 =	simm.s32 $0x40;
	s15 =	simm.s32 $0x4B00  }
0x2d: {  	v2 =	vimm.s32 $0x0;
	v3 =	vmul.u32 $0xFA1, v4;
	v4 =	vor.u32 $0x2800, v4;
	s17 =	simm.s32 $0x8B00;
	s19 =	simm.s32 $0x5;
	s21 =	simm.s32 $0x8C00  }
.LBB2_1:
0x2e: {  	[tilespmem:$0x8C00] =	vst v0  }
0x2f: {  	[tilespmem:$0x8C10] =	vst v0  }
0x30: {  	[tilespmem:$0x8C20] =	vst v0  }
0x31: {  	[tilespmem:$0x8C30] =	vst v0  }
0x32: {  	[tilespmem:$0x8C80] =	vst v1  }
0x33: {  	[tilespmem:$0x8C90] =	vst v1  }
0x34: {  	[tilespmem:$0x8CA0] =	vst v1  }
0x35: {  	[tilespmem:$0x8CB0] =	vst v1  }
0x36: {  	[tilespmem:$0x8CC0] =	vst v1  }
0x37: {  	[tilespmem:$0x8CD0] =	vst v1  }
0x38: {  	[tilespmem:$0x8CE0] =	vst v1  }
0x39: {  	[tilespmem:$0x8CF0] =	vst v1  }
0x3a: {  	[tilespmem:$0x8D00] =	vst v1  }
0x3b: {  	[tilespmem:$0x8D10] =	vst v1  }
0x3c: {  	[tilespmem:$0x8D20] =	vst v1  }
0x3d: {  	[tilespmem:$0x8D30] =	vst v1  }
0x3e: {  	[tilespmem:$0x8D40] =	vst v1  }
0x3f: {  	[tilespmem:$0x8D50] =	vst v1  }
0x40: {  	[tilespmem:$0x8D60] =	vst v1  }
0x41: {  	[tilespmem:$0x8D70] =	vst v1  }
0x42: {  	[tilespmem:$0x8D80] =	vst v1  }
0x43: {  	[tilespmem:$0x8D90] =	vst v1  }
0x44: {  	[tilespmem:$0x8DA0] =	vst v1  }
0x45: {  	[tilespmem:$0x8DB0] =	vst v1  }
0x46: {  	[tilespmem:$0x8DC0] =	vst v1  }
0x47: {  	[tilespmem:$0x8DD0] =	vst v1  }
0x48: {  	[tilespmem:$0x8DE0] =	vst v1  }
0x49: {  	[tilespmem:$0x8DF0] =	vst v1  }
0x4a: {  	[tilespmem:$0x8E00] =	vst v1  }
0x4b: {  	[tilespmem:$0x8E10] =	vst v1  }
0x4c: {  	[tilespmem:$0x8E20] =	vst v1  }
0x4d: {  	[tilespmem:$0x8E30] =	vst v1  }
0x4e: {  	[tilespmem:$0x8E40] =	vst v1  }
0x4f: {  	[tilespmem:$0x8E50] =	vst v1  }
0x50: {  	[tilespmem:$0x8E60] =	vst v1  }
0x51: {  	[tilespmem:$0x8E70] =	vst v1  }
0x52: {  	[tilespmem:$0x8E80] =	vst v1  }
0x53: {  	[tilespmem:$0x8E90] =	vst v1  }
0x54: {  	[tilespmem:$0x8EA0] =	vst v1  }
0x55: {  	[tilespmem:$0x8EB0] =	vst v1  }
0x56: {  	[tilespmem:$0x8EC0] =	vst v1  }
0x57: {  	[tilespmem:$0x8ED0] =	vst v1  }
0x58: {  	[tilespmem:$0x8EE0] =	vst v1  }
0x59: {  	[smem:$0x7F3] =	sst s10;
	[tilespmem:$0x8EF0] =	vst v1;
	s7 =	simm.s32 $0x0;
	s10 =	simm.s32 $0x200  }
.LBB2_2:
0x5a: {  	p1 =	sne.s32 s10, $0x3E00;
	[tilespmem:s7+$0x9270] =	vst v1  }
0x5b: {  	[tilespmem:s7+$0x9200] =	vst v1  }
0x5c: {  	[tilespmem:s7+$0x9210] =	vst v1  }
.Ltmp0:
0x5d: {  	[tilespmem:s7+$0x9220] =	vst v1;
	(pc) =	sbr.rel @p1 .LBB2_2-.Ltmp0, $4  }
0x5e: {  	[tilespmem:s7+$0x9230] =	vst v1  }
0x5f: {  	[tilespmem:s7+$0x9240] =	vst v1  }
0x60: {  	[tilespmem:s7+$0x9250] =	vst v1  }
0x61: {  	[tilespmem:s7+$0x9260] =	vst v1;
	s7 =	sshra.s32 s10, $0x2;
	s10 =	sadd.s32 $0x200, s10  }
0x62: {  	[tilespmem:s7+$0x9270] =	vst v1  }
0x63: {  	[tilespmem:s7+$0x9200] =	vst v1  }
0x64: {  	[tilespmem:s7+$0x9210] =	vst v1  }
0x65: {  	[tilespmem:s7+$0x9220] =	vst v1  }
0x66: {  	[tilespmem:s7+$0x9230] =	vst v1  }
0x67: {  	[tilespmem:s7+$0x9240] =	vst v1  }
0x68: {  	[tilespmem:s7+$0x9250] =	vst v1  }
0x69: {  	s16 =	simm.s32 $0x0;
	[tilespmem:s7+$0x9260] =	vst v1  }
.LBB2_4:
0x6a: {  	s10 =	simm.s32 $0x9200  }
0x6b: {  	[spmem:s14] =	stream.linear.scatter [tilespmem:s10], [sflag:$0x1], $0x1000, $0x38;
	[tilespmem:$0x1E508] =	vst v63  }
0x6c: {  	s7 =	rddreg [dreg:$0xa]  }
0x6d: {  	[spmem:s7] =	stream.linear.scatter [tilespmem:s10], [sflag:$0x1], $0x1000, $0x38;
	[tilespmem:$0x1E508] =	vst v63  }
0x6e: {  	_ = 	snop  }
0x6f: {  	[spmem:s23] =	stream.linear.scatter [tilespmem:s10], [sflag:$0x1], $0x1000, $0x38;
	[tilespmem:$0x1E508] =	vst v63  }
0x70: {  	s23 =	rddreg [dreg:$0xc]  }
0x71: {  	[spmem:s23] =	stream.linear.scatter [tilespmem:s10], [sflag:$0x1], $0x1000, $0x38;
	[tilespmem:$0x1E508] =	vst v63  }
0x72: {  	_ = 	snop  }
0x73: {  	[spmem:s25] =	stream.linear.scatter [tilespmem:s10], [sflag:$0x1], $0x1000, $0x38;
	[tilespmem:$0x1E508] =	vst v63  }
0x74: {  	s25 =	rddreg [dreg:$0xe]  }
0x75: {  	[spmem:s25] =	stream.linear.scatter [tilespmem:s10], [sflag:$0x1], $0x1000, $0x38;
	[tilespmem:$0x1E508] =	vst v63  }
0x76: {  	_ = 	snop  }
0x77: {  	[spmem:s26] =	stream.linear.scatter [tilespmem:s10], [sflag:$0x1], $0x1000, $0x38;
	[tilespmem:$0x1E508] =	vst v63  }
0x78: {  	s26 =	rddreg [dreg:$0x10]  }
0x79: {  	[spmem:s26] =	stream.linear.scatter [tilespmem:s10], [sflag:$0x1], $0x1000, $0x38;
	[tilespmem:$0x1E508] =	vst v63  }
0x7a: {  	_ = 	snop  }
0x7b: {  	[spmem:s29] =	stream.linear.scatter [tilespmem:s10], [sflag:$0x1], $0x1000, $0x38;
	[tilespmem:$0x1E508] =	vst v63  }
0x7c: {  	s29 =	rddreg [dreg:$0x12]  }
0x7d: {  	[spmem:s29] =	stream.linear.scatter [tilespmem:s10], [sflag:$0x1], $0x1000, $0x38;
	[tilespmem:$0x1E508] =	vst v63  }
0x7e: {  	_ = 	snop  }
0x7f: {  	[spmem:s30] =	stream.linear.scatter [tilespmem:s10], [sflag:$0x1], $0x1000, $0x38;
	[tilespmem:$0x1E508] =	vst v63  }
0x80: {  	s30 =	rddreg [dreg:$0x14]  }
0x81: {  	[spmem:s30] =	stream.linear.scatter [tilespmem:s10], [sflag:$0x1], $0x1000, $0x38;
	[tilespmem:$0x1E508] =	vst v63  }
0x82: {  	_ = 	snop  }
0x83: {  	[spmem:s31] =	stream.linear.scatter [tilespmem:s10], [sflag:$0x1], $0x1000, $0x38;
	[tilespmem:$0x1E508] =	vst v63  }
0x84: {  	s12 =	rddreg [dreg:$0x16]  }
0x85: {  	[spmem:s12] =	stream.linear.scatter [tilespmem:s10], [sflag:$0x1], $0x1000, $0x38;
	[tilespmem:$0x1E508] =	vst v63  }
0x86: {  	s14 =	rddreg [dreg:$0x18]  }
0x87: {  	[spmem:s14] =	stream.linear.scatter [tilespmem:s10], [sflag:$0x1], $0x1000, $0x38;
	[tilespmem:$0x1E508] =	vst v63  }
0x88: {  	s18 =	rddreg [dreg:$0x19]  }
0x89: {  	[spmem:s18] =	stream.linear.scatter [tilespmem:s10], [sflag:$0x1], $0x1000, $0x38;
	[tilespmem:$0x1E508] =	vst v63  }
0x8a: {  	s20 =	rddreg [dreg:$0x1a]  }
0x8b: {  	[spmem:s20] =	stream.linear.scatter [tilespmem:s10], [sflag:$0x1], $0x1000, $0x38;
	[tilespmem:$0x1E508] =	vst v63  }
0x8c: {  	s22 =	rddreg [dreg:$0x1b]  }
0x8d: {  	[spmem:s22] =	stream.linear.scatter [tilespmem:s10], [sflag:$0x1], $0x1000, $0x38;
	[tilespmem:$0x1E508] =	vst v63  }
0x8e: {  	s23 =	rddreg [dreg:$0x1c]  }
0x8f: {  	[spmem:s23] =	stream.linear.scatter [tilespmem:s10], [sflag:$0x1], $0x1000, $0x38;
	[tilespmem:$0x1E508] =	vst v63  }
0x90: {  	s25 =	rddreg [dreg:$0x1d]  }
0x91: {  	[spmem:s25] =	stream.linear.scatter [tilespmem:s10], [sflag:$0x1], $0x1000, $0x38;
	[tilespmem:$0x1E508] =	vst v63  }
0x92: {  	s26 =	rddreg [dreg:$0x1e];
	s29 =	simm.s32 $0x8C80  }
0x93: {  	[spmem:s26] =	stream.linear.scatter [tilespmem:s29], [sflag:$0x2], $0x280, $0x38;
	[tilespmem:$0x1E508] =	vst v63  }
0x94: {  	_ =	swait.ge [sflag:s1], $0x1000  }
0x95: {  	[sflag:s1] =	ssyncset.done $0x0  }
0x96: {  	[sflag:s1] =	ssyncadd.s32 $0xFFFFF000  }
0x97: {  	_ =	swait.ge [sflag:s1], $0x1000  }
0x98: {  	[sflag:s1] =	ssyncset.done $0x0  }
0x99: {  	[sflag:s1] =	ssyncadd.s32 $0xFFFFF000  }
0x9a: {  	_ =	swait.ge [sflag:s1], $0x1000  }
0x9b: {  	[sflag:s1] =	ssyncset.done $0x0  }
0x9c: {  	[sflag:s1] =	ssyncadd.s32 $0xFFFFF000  }
0x9d: {  	_ =	swait.ge [sflag:s1], $0x1000  }
0x9e: {  	[sflag:s1] =	ssyncset.done $0x0  }
0x9f: {  	[sflag:s1] =	ssyncadd.s32 $0xFFFFF000  }
0xa0: {  	_ =	swait.ge [sflag:s1], $0x1000  }
0xa1: {  	[sflag:s1] =	ssyncset.done $0x0  }
0xa2: {  	[sflag:s1] =	ssyncadd.s32 $0xFFFFF000  }
0xa3: {  	_ =	swait.ge [sflag:s1], $0x1000  }
0xa4: {  	[sflag:s1] =	ssyncset.done $0x0  }
0xa5: {  	[sflag:s1] =	ssyncadd.s32 $0xFFFFF000  }
0xa6: {  	_ =	swait.ge [sflag:s1], $0x1000  }
0xa7: {  	[sflag:s1] =	ssyncset.done $0x0  }
0xa8: {  	[sflag:s1] =	ssyncadd.s32 $0xFFFFF000  }
0xa9: {  	_ =	swait.ge [sflag:s1], $0x1000  }
0xaa: {  	[sflag:s1] =	ssyncset.done $0x0  }
0xab: {  	[sflag:s1] =	ssyncadd.s32 $0xFFFFF000  }
0xac: {  	_ =	swait.ge [sflag:s1], $0x1000  }
0xad: {  	[sflag:s1] =	ssyncset.done $0x0  }
0xae: {  	[sflag:s1] =	ssyncadd.s32 $0xFFFFF000  }
0xaf: {  	_ =	swait.ge [sflag:s1], $0x1000  }
0xb0: {  	[sflag:s1] =	ssyncset.done $0x0  }
0xb1: {  	[sflag:s1] =	ssyncadd.s32 $0xFFFFF000  }
0xb2: {  	_ =	swait.ge [sflag:s1], $0x1000  }
0xb3: {  	[sflag:s1] =	ssyncset.done $0x0  }
0xb4: {  	[sflag:s1] =	ssyncadd.s32 $0xFFFFF000  }
0xb5: {  	_ =	swait.ge [sflag:s1], $0x1000  }
0xb6: {  	[sflag:s1] =	ssyncset.done $0x0  }
0xb7: {  	[sflag:s1] =	ssyncadd.s32 $0xFFFFF000  }
0xb8: {  	_ =	swait.ge [sflag:s1], $0x1000  }
0xb9: {  	[sflag:s1] =	ssyncset.done $0x0  }
0xba: {  	[sflag:s1] =	ssyncadd.s32 $0xFFFFF000  }
0xbb: {  	_ =	swait.ge [sflag:s1], $0x1000  }
0xbc: {  	[sflag:s1] =	ssyncset.done $0x0  }
0xbd: {  	[sflag:s1] =	ssyncadd.s32 $0xFFFFF000  }
0xbe: {  	_ =	swait.ge [sflag:s1], $0x1000  }
0xbf: {  	[sflag:s1] =	ssyncset.done $0x0  }
0xc0: {  	[sflag:s1] =	ssyncadd.s32 $0xFFFFF000  }
0xc1: {  	_ =	swait.ge [sflag:s1], $0x1000  }
0xc2: {  	[sflag:s1] =	ssyncset.done $0x0  }
0xc3: {  	[sflag:s1] =	ssyncadd.s32 $0xFFFFF000  }
0xc4: {  	_ =	swait.ge [sflag:s1], $0x1000  }
0xc5: {  	[sflag:s1] =	ssyncset.done $0x0  }
0xc6: {  	[sflag:s1] =	ssyncadd.s32 $0xFFFFF000  }
0xc7: {  	_ =	swait.ge [sflag:s1], $0x1000  }
0xc8: {  	[sflag:s1] =	ssyncset.done $0x0  }
0xc9: {  	[sflag:s1] =	ssyncadd.s32 $0xFFFFF000  }
0xca: {  	_ =	swait.ge [sflag:s1], $0x1000  }
0xcb: {  	[sflag:s1] =	ssyncset.done $0x0  }
0xcc: {  	[sflag:s1] =	ssyncadd.s32 $0xFFFFF000  }
0xcd: {  	_ =	swait.ge [sflag:s1], $0x1000  }
0xce: {  	[sflag:s1] =	ssyncset.done $0x0  }
0xcf: {  	[sflag:s1] =	ssyncadd.s32 $0xFFFFF000  }
0xd0: {  	_ =	swait.ge [sflag:s4], $0x280  }
0xd1: {  	[sflag:s4] =	ssyncset.done $0x0  }
0xd2: {  	s7 =	simm.s32 @!p0 $0x9200;
	s10 =	rddreg [dreg:$0x1f];
	[sflag:s4] =	ssyncadd.s32 $0xFFFFFD80  }
0xd3: {  	[spmem:s10] =	stream.linear.scatter @!p0 [tilespmem:s7], [sflag:$0x5], $0x800, $0x38;
	[tilespmem:$0x1E508] =	vst v63  }
0xd4: {  	s7 =	simm.s32 @!p0 $0x5  }
0xd5: {  	_ =	swait.ge @!p0 [sflag:s7], $0x800  }
0xd6: {  	s12 =	sld [smem:$0x7F4]  }
0xd7: {  	[sflag:s7] =	ssyncset.done @!p0 $0x0  }
0xd8: {  	s10 =	simm.s32 @!p0 $0x8C80;
	[smem:$0x7F1] =	sst s16;
	[sflag:s7] =	ssyncadd.s32 @!p0 $0xFFFFF800  }
0xd9: {  	[spmem:s12] =	stream.linear.scatter @!p0 [tilespmem:s10], [sflag:$0x5], $0x10, $0x38;
	[tilespmem:$0x1E508] =	vst v63  }
0xda: {  	s30 =	sshll.u32 s16, $0x1;
	s31 =	rddreg [dreg:$0x7];
	_ =	swait.ge @!p0 [sflag:s7], $0x10  }
0xdb: {  	s10 =	sor.u32 s31, s30;
	[sflag:s7] =	ssyncset.done @!p0 $0x0  }
0xdc: {  	s10 =	smul.u32 $0x2800, s10;
	[sflag:s7] =	ssyncadd.s32 @!p0 $0xFFFFFFF0  }
0xdd: {  	[bflag:$0x0] =	sbarrier.arrive $0xFFFF  }
0xde: {  	s18 =	simm.s32 $0x0;
	v5 =	vmov s10;
	[smem:$0x7F2] =	sst s10  }
.LBB2_5:
0xdf: {  	s7 =	smul.u32 $0x1250, s18;
	_ =	sdelay $0x1  }
0xe0: {  	s7 =	sadd.s32 s24, s7  }
0xe1: {  	s7 =	sshrl.u32 s7, $0x3  }
0xe2: {  	s20 =	simm.s32 $0x0;
	s10 =	sadd.s32 s2, s7  }
0xe3: {  	[tilespmem:s20], [sflag:$0x1] =	stream.linear.gather [hbm4b:s10+s20], $0x1250, $0x38;
	[tilespmem:$0x1E508] =	vst v63  }
0xe4: {  	s7 =	sadd.s32 s3, s7  }
0xe5: {  	[tilespmem:s8], [sflag:$0x2] =	stream.linear.gather [hbm4b:s7+s20], $0x1250, $0x38;
	[tilespmem:$0x1E508] =	vst v63  }
0xe6: {  	_ =	swait.ge [sflag:s1], $0x1250  }
0xe7: {  	[sflag:s1] =	ssyncset.done $0x0  }
0xe8: {  	[sflag:s1] =	ssyncadd.s32 $0xFFFFEDB0  }
0xe9: {  	_ =	swait.ge [sflag:s4], $0x1250  }
0xea: {  	[sflag:s4] =	ssyncset.done $0x0  }
0xeb: {  	s12 =	simm.s32 $0x12C0;
	[sflag:s4] =	ssyncadd.s32 $0xFFFFEDB0  }
0xec: {  	v6 =	vld [tilespmem:s12+$0xFFFFFFC0];
	_ =	sdelay $0x1  }
0xed: {  	v7 =	vld [tilespmem:s12+$0xFFFFFFD0]  }
0xee: {  	v8 =	vld [tilespmem:s12+$0xFFFFFFE0];
	_ =	sdelay $0x1  }
0xef: {  	v9 =	vld [tilespmem:s12+$0xFFFFFFF0];
	v25 =	vsub.s32 v6, v5  }
0xf0: {  	v12 =	vld [tilespmem:s12+$0x20];
	vm0 =	vlt.u32 v25, $0x2800  }
0xf1: {  	v7 =	vsub.s32 v7, v5;
	v6 =	vld [tilespmem:s12+$0x10];
	v10 =	vsel vm0, $0x1, v2  }
0xf2: {  	v11 =	vsub.s32 v8, v5;
	vm1 =	vlt.u32 v7, $0x2800;
	(xrf0) =	vadd.scan.msk.s32 $0xffff, v10  }
0xf3: {  	v13 =	vld [tilespmem:s12+$0x0];
	vm3 =	vlt.u32 v11, $0x2800;
	v14 =	vsel vm1, $0x1, v2  }
0xf4: {  	v8 =	vsel vm3, $0x1, v2;
	v10 =	vsub.s32 v9, v5;
	(xrf0) =	vadd.scan.msk.s32 $0xffff, v14  }
0xf5: {  	vm2 =	vlt.u32 v10, $0x2800;
	(xrf0) =	vadd.scan.msk.s32 $0xffff, v8  }
0xf6: {  	v9 =	vsel vm2, $0x1, v2;
	v6 =	vsub.s32 v6, v5;
	v8 =	vsub.s32 v12, v5  }
0xf7: {  	vm4 =	vlt.u32 v6, $0x2800;
	(xrf0) =	vadd.scan.msk.s32 $0xffff, v9;
	vm5 =	vlt.u32 v8, $0x2800  }
0xf8: {  	v15 =	vsub.s32 v13, v5;
	v9 =	vsel vm4, $0x1, v2;
	v12 =	vsel vm5, $0x1, v2;
	v13, _, _ =	vpop (xrf0)  }
0xf9: {  	vm6 =	vlt.u32 v15, $0x2800;
	(xrf0) =	vadd.scan.msk.s32 $0xffff, v9;
	v9 =	vld [tilespmem:s12+$0x30];
	(v2sf) =	vpush v13, $0xF  }
0xfa: {  	v14 =	vsel vm6, $0x1, v2;
	v18, _, _ =	vpop (xrf0);
	(xrf0) =	vadd.scan.msk.s32 $0xffff, v12  }
0xfb: {  	(v2sf) =	vpush v18, $0xF;
	(xrf0) =	vadd.scan.msk.s32 $0xffff, v14;
	v12, _, _ =	vpop (xrf0)  }
0xfc: {  	(v2sf) =	vpush v12, $0xF  }
0xfd: {  	v20, _, _ =	vpop (xrf0)  }
0xfe: {  	(v2sf) =	vpush v20, $0xF;
	v9 =	vsub.s32 v9, v5  }
0xff: {  	v16, _, _ =	vpop (xrf0);
	vm7 =	vlt.u32 v9, $0x2800  }
0x100: {  	(v2sf) =	vpush v16, $0xF;
	v17, _, _ =	vpop (xrf0);
	v14 =	vsel vm7, $0x1, v2  }
0x101: {  	v29, _, _ =	vpop (xrf0);
	(v2sf) =	vpush v17, $0xF;
	(xrf0) =	vadd.scan.msk.s32 $0xffff, v14;
	v14 =	vmov s20  }
0x102: {  	(v2sf) =	vpush v29, $0xF;
	v14 =	vadd.s32 $0xFFFFFFFF, v14  }
0x103: {  	v14 =	vbroadcast v14, $0x0  }
0x104: {  	v19 =	vimm.s32 $0x0;
	vm4 =	vmmov vm4;
	vm5 =	vmmov vm5  }
0x105: {  	v19 =	vsel vm4, $0xFFFFFFFF, v19;
	v13 =	vadd.s32 v13, v14;
	v14 =	vimm.s32 $0x0  }
0x106: {  	[tilespmem:$0x1FFE0] =	vst v19;
	v14 =	vsel vm5, $0xFFFFFFFF, v14  }
0x107: {  	s26 =	simm.s32 $0x1340;
	vm5 =	vgt.s32 v13, $0x0;
	[tilespmem:$0x1FFF0] =	vst v14  }
0x108: {  	v27 =	vnsel vm5, $0x0, v13;
	v13 =	vld [tilespmem:s26+$0xFFFFFFC0];
	s14 =	spop (v2sf)  }
0x109: {  	vm0 =	vmmov vm0;
	vm1 =	vmmov vm1;
	v22 =	vld [tilespmem:s26+$0xFFFFFFE0];
	s7 =	sadd.s32 $0x0, s14  }
0x10a: {  	vm2 =	vmmov vm2;
	vm4 =	vmmov vm6;
	s16 =	spop (v2sf);
	v14 =	vmov s7  }
0x10b: {  	vm7 =	vmmov vm7;
	v30, _, _ =	vpop (xrf0);
	vm5 =	vmmov vm3;
	v19 =	vld [tilespmem:s26+$0xFFFFFFD0];
	s7 =	sadd.s32 s16, s7;
	s22 =	spop (v2sf);
	v14 =	vadd.s32 $0xFFFFFFFF, v14  }
0x10c: {  	(v2sf) =	vpush v30, $0xF;
	v24 =	vld [tilespmem:s26+$0xFFFFFFF0];
	v21 =	vmov s7;
	s7 =	sadd.s32 s7, s22;
	v14 =	vbroadcast v14, $0x0  }
0x10d: {  	s23 =	spop (v2sf);
	v21 =	vadd.s32 $0xFFFFFFFF, v21;
	v23 =	vmov s7;
	v13 =	vsub.s32 v13, v5  }
0x10e: {  	v33 =	vld [tilespmem:s26+$0x20];
	s7 =	sadd.s32 s23, s7;
	v22 =	vsub.s32 v22, v5;
	v21 =	vbroadcast v21, $0x0;
	vm11 =	vlt.u32 v13, $0x2800  }
0x10f: {  	v36 =	vld [tilespmem:s26+$0x30];
	vm10 =	vlt.u32 v22, $0x2800;
	v26 =	vadd.s32 v18, v14;
	v14 =	vmov s7;
	s25 =	spop (v2sf)  }
0x110: {  	v18 =	vadd.s32 $0xFFFFFFFF, v23;
	v23 =	vld [tilespmem:s26+$0x0];
	v28 =	vadd.s32 v12, v21;
	v12 =	vadd.s32 $0xFFFFFFFF, v14;
	s14 =	spop (v2sf)  }
0x111: {  	s22 =	simm.s32 $0x40;
	v14 =	vsub.s32 v19, v5;
	v19 =	vld [tilespmem:s26+$0x10];
	v31 =	vbroadcast v18, $0x0;
	v21 =	vsub.s32 v24, v5;
	s23 =	spop (v2sf)  }
0x112: {  	v34 =	vld [tilespmem:s22+$0xFFFFFFC0];
	v32 =	vbroadcast v12, $0x0;
	vm3 =	vlt.u32 v14, $0x2800;
	v12 =	vsel vm11, $0x1, v2;
	s7 =	sadd.s32 s7, s23  }
0x113: {  	vm8 =	vlt.u32 v21, $0x2800;
	v18 =	vsel vm3, $0x1, v2;
	(xrf0) =	vadd.scan.msk.s32 $0xffff, v12;
	v35 =	vmov s7;
	s7 =	sadd.s32 s25, s7  }
0x114: {  	v38 =	vsel vm8, $0x1, v2;
	(xrf0) =	vadd.scan.msk.s32 $0xffff, v18;
	v18 =	vsel vm10, $0x1, v2;
	v12 =	vmov s7  }
0x115: {  	v24 =	vsub.s32 v23, v5;
	(xrf0) =	vadd.scan.msk.s32 $0xffff, v18;
	v18 =	vsub.s32 v33, v5;
	v35 =	vadd.s32 $0xFFFFFFFF, v35  }
0x116: {  	s7 =	sadd.s32 s7, s14;
	v37 =	vadd.s32 $0xFFFFFFFF, v12;
	v12 =	vsub.s32 v19, v5;
	vm14 =	vlt.u32 v24, $0x2800;
	(xrf0) =	vadd.scan.msk.s32 $0xffff, v38  }
0x117: {  	v23 =	vld [tilespmem:s22+$0xFFFFFFD0];
	[tilespmem:v27+s11+$0x0] =	vst.idx.msk vm0, v34;
	vm12 =	vlt.u32 v18, $0x2800;
	v19 =	vsub.s32 v36, v5;
	v62 =	vmov s7  }
0x118: {  	[tilespmem:v27+s9+$0x0] =	vst.idx.msk vm0, v25;
	v36 =	vadd.s32 v29, v32;
	vm9 =	vlt.u32 v12, $0x2800;
	v27 =	vadd.s32 $0xFFFFFFFF, v62  }
0x119: {  	v35 =	vbroadcast v35, $0x0;
	v60 =	vsel vm14, $0x1, v2;
	v39 =	vsel vm9, $0x1, v2;
	v33, _, _ =	vpop (xrf0)  }
0x11a: {  	v61 =	vsel vm12, $0x1, v2;
	v63 =	vbroadcast v27, $0x0;
	(xrf0) =	vadd.scan.msk.s32 $0xffff, v39;
	v25, _, _ =	vpop (xrf0);
	(v2sf) =	vpush v33, $0xF  }
0x11b: {  	v34 =	vbroadcast v37, $0x0;
	vm13 =	vlt.u32 v19, $0x2800;
	s30 =	spop (v2sf);
	(xrf0) =	vadd.scan.msk.s32 $0xffff, v61;
	(v2sf) =	vpush v25, $0xF;
	v27, _, _ =	vpop (xrf0)  }
0x11c: {  	s31 =	simm.s32 $0x4;
	s29 =	simm.s32 $0x40;
	v37 =	vsel vm13, $0x1, v2;
	s25 =	sadd.s32 s30, s7;
	v30 =	vadd.s32 v30, v63;
	(xrf0) =	vadd.scan.msk.s32 $0xffff, v60;
	v32, _, _ =	vpop (xrf0);
	(v2sf) =	vpush v27, $0xF  }
.LBB2_6:
0x11d: {  	vm0 =	vgt.s32 v36, $0x0  }
0x11e: {  	v38 =	vld [tilespmem:s29+$0x0];
	v36 =	vnsel vm0, $0x0, v36  }
0x11f: {  	(v2sf) =	vpush v32, $0xF;
	vm15 =	vgt.s32 v30, $0x0;
	vm6 =	vgt.s32 v28, $0x0  }
0x120: {  	v39 =	vnsel vm15, $0x0, v30;
	v30 =	vadd.s32 v20, v31;
	v31 =	vld [tilespmem:s29+$0xFFFFFFE0];
	v28 =	vnsel vm6, $0x0, v28  }
0x121: {  	v63 =	vld [tilespmem:$0x1FFE0];
	vm0 =	vgt.s32 v26, $0x0;
	v60, _, _ =	vpop (xrf0)  }
0x122: {  	(xrf0) =	vadd.scan.msk.s32 $0xffff, v37;
	v42 =	vld [tilespmem:s29+$0x10];
	vm6 =	vgt.s32 v30, $0x0;
	v26 =	vnsel vm0, $0x0, v26;
	(v2sf) =	vpush v60, $0xF;
	v40, _, _ =	vpop (xrf0)  }
0x123: {  	v62 =	vld [tilespmem:s29+$0xFFFFFFF0];
	v43 =	vnsel vm6, $0x0, v30;
	v29, _, _ =	vpop (xrf0);
	(v2sf) =	vpush v40, $0xF;
	[tilespmem:v36+s11+$0x0] =	vst.idx.msk vm4, v38  }
0x124: {  	v41 =	vmov s25;
	(v2sf) =	vpush v29, $0xF;
	[tilespmem:v36+s9+$0x0] =	vst.idx.msk vm4, v15;
	v15 =	vmov v24;
	v24 =	vld [tilespmem:$0x1FFF0]  }
0x125: {  	v44 =	vimm.s32 $0x0;
	v61 =	vadd.s32 $0xFFFFFFFF, v41;
	[tilespmem:v28+s11+$0x0] =	vst.idx.msk vm5, v31  }
0x126: {  	s22 =	sadd.s32 $0x80, s22;
	v20 =	vmovc v32;
	vm15 =	vmmov vm11;
	v32 =	vbroadcast v61, $0x0;
	vm6 =	vnez.u8 v63;
	[tilespmem:v28+s9+$0x0] =	vst.idx.msk vm5, v11  }
0x127: {  	vm0 =	vmmov vm6;
	vm6 =	vmmov vm9;
	v31 =	vimm.s32 $0x0;
	v11 =	vmovc v22;
	v22 =	vld [tilespmem:s22+$0xFFFFFFC0];
	[tilespmem:v26+s11+$0x0] =	vst.idx.msk vm1, v23  }
0x128: {  	s26 =	sadd.s32 $0x80, s26;
	v30, _, _ =	vpop (xrf0);
	vm9 =	vmmov vm7;
	vm7 =	vmmov vm13;
	v38 =	vsel vm6, $0xFFFFFFFF, v44;
	[tilespmem:v43+s11+$0x0] =	vst.idx.msk vm2, v62  }
0x129: {  	(v2sf) =	vpush v30, $0xF;
	vm4 =	vmmov vm14;
	[tilespmem:v43+s9+$0x0] =	vst.idx.msk vm2, v10;
	v10 =	vmovc v21;
	v21 =	vld [tilespmem:s26+$0xFFFFFFC0];
	vm6 =	vnez.u8 v24  }
0x12a: {  	v23 =	vld [tilespmem:s22+$0xFFFFFFD0];
	[tilespmem:v26+s9+$0x0] =	vst.idx.msk vm1, v7;
	v24 =	vadd.s32 v33, v32;
	vm11 =	vmmov vm6;
	vm6 =	vmmov vm12  }
0x12b: {  	v28 =	vadd.s32 v17, v34;
	v7 =	vmovc v14;
	v14 =	vld [tilespmem:s26+$0xFFFFFFD0];
	s7 =	spop (v2sf);
	v31 =	vsel vm6, $0xFFFFFFFF, v31;
	vm6 =	vgt.s32 v24, $0x0  }
0x12c: {  	vm5 =	vmmov vm10;
	s7 =	sadd.s32 s25, s7;
	s10 =	spop (v2sf);
	v32 =	vnsel vm6, $0x0, v24;
	vm6 =	vgt.s32 v28, $0x0  }
0x12d: {  	v45 =	vld [tilespmem:s29+$0x20];
	vm2 =	vmmov vm8;
	v46 =	vmov s7;
	s7 =	sadd.s32 s10, s7;
	s16 =	spop (v2sf);
	v28 =	vnsel vm6, $0x0, v28  }
0x12e: {  	vm1 =	vmmov vm3;
	v50 =	vld [tilespmem:s26+$0xFFFFFFF0];
	v52 =	vsub.s32 v21, v5;
	v47 =	vmov s7;
	s7 =	sadd.s32 s7, s16;
	s23 =	spop (v2sf)  }
0x12f: {  	[tilespmem:$0x1FFF0] =	vst v31;
	v31 =	vld [tilespmem:s29+$0x30];
	v24 =	vadd.s32 v16, v35;
	v26 =	vadd.s32 $0xFFFFFFFF, v46;
	v49 =	vmov s7;
	s7 =	sadd.s32 s23, s7  }
0x130: {  	v14 =	vsub.s32 v14, v5;
	vm6 =	vgt.s32 v24, $0x0;
	v51 =	vmov s7  }
0x131: {  	v48 =	vld [tilespmem:s26+$0xFFFFFFE0];
	v26 =	vbroadcast v26, $0x0;
	vm3 =	vlt.u32 v14, $0x2800;
	s25 =	spop (v2sf);
	v21 =	vadd.s32 $0xFFFFFFFF, v51;
	[tilespmem:v32+s11+$0x0] =	vst.idx.msk vm15, v22  }
0x132: {  	v24 =	vnsel vm6, $0x0, v24;
	s14 =	spop (v2sf);
	v53 =	vbroadcast v21, $0x0;
	v22 =	vadd.s32 $0xFFFFFFFF, v47;
	[tilespmem:v28+s11+$0x0] =	vst.idx.msk vm11, v45  }
0x133: {  	v26 =	vadd.s32 v25, v26;
	v21 =	vsub.s32 v50, v5;
	s23 =	spop (v2sf);
	v22 =	vbroadcast v22, $0x0;
	[tilespmem:v28+s9+$0x0] =	vst.idx.msk vm11, v8  }
0x134: {  	v25 =	vadd.s32 $0xFFFFFFFF, v49;
	vm8 =	vlt.u32 v21, $0x2800;
	s7 =	sadd.s32 s7, s23;
	v36 =	vadd.s32 v29, v53;
	v8 =	vmovc v18;
	v18 =	vld [tilespmem:s26+$0x0];
	[tilespmem:v39+s11+$0x0] =	vst.idx.msk vm9, v31  }
0x135: {  	vm11 =	vlt.u32 v52, $0x2800;
	v56 =	vmov s7;
	v28 =	vadd.s32 v27, v22;
	v27 =	vld [tilespmem:s26+$0x10];
	[tilespmem:v39+s9+$0x0] =	vst.idx.msk vm9, v9  }
0x136: {  	v31 =	vbroadcast v25, $0x0;
	v22 =	vsub.s32 v48, v5;
	v9 =	vmovc v19;
	v19 =	vsel vm11, $0x1, v2;
	v54 =	vld [tilespmem:s26+$0x20]  }
0x137: {  	s7 =	sadd.s32 s25, s7;
	[tilespmem:v24+s11+$0x0] =	vst.idx.msk vm0, v42;
	v25 =	vsel vm3, $0x1, v2;
	vm10 =	vlt.u32 v22, $0x2800;
	(xrf0) =	vadd.scan.msk.s32 $0xffff, v19  }
0x138: {  	v61 =	vadd.s32 $0xFFFFFFFF, v56;
	v19 =	vmov s7;
	(xrf0) =	vadd.scan.msk.s32 $0xffff, v25;
	v25 =	vsel vm10, $0x1, v2  }
0x139: {  	v16 =	vmovc v60;
	[tilespmem:v24+s9+$0x0] =	vst.idx.msk vm0, v6;
	v55 =	vld [tilespmem:s26+$0x30];
	s7 =	sadd.s32 s7, s14;
	v57 =	vadd.s32 $0xFFFFFFFF, v19;
	v19 =	vsel vm8, $0x1, v2;
	(xrf0) =	vadd.scan.msk.s32 $0xffff, v25  }
0x13a: {  	s31 =	sadd.s32 $0x4, s31;
	v6 =	vmovc v12;
	v60 =	vmov s7;
	v24 =	vsub.s32 v18, v5;
	v12 =	vsub.s32 v27, v5;
	(xrf0) =	vadd.scan.msk.s32 $0xffff, v19  }
0x13b: {  	p1 =	slt.u32 s31, $0x8C;
	vm14 =	vlt.u32 v24, $0x2800;
	vm9 =	vlt.u32 v12, $0x2800;
	v18 =	vsub.s32 v54, v5  }
.Ltmp1:
0x13c: {  	v17 =	vmovc v40;
	[tilespmem:v32+s9+$0x0] =	vst.idx.msk vm15, v13;
	v13 =	vmovc v52;
	v27 =	vsel vm14, $0x1, v2;
	v58 =	vsel vm9, $0x1, v2;
	vm12 =	vlt.u32 v18, $0x2800;
	(pc) =	sbr.rel @p1 .LBB2_6-.Ltmp1, $4  }
0x13d: {  	v35 =	vbroadcast v61, $0x0;
	v62 =	vadd.s32 $0xFFFFFFFF, v60;
	v33, _, _ =	vpop (xrf0);
	(xrf0) =	vadd.scan.msk.s32 $0xffff, v58;
	v59 =	vsel vm12, $0x1, v2  }
0x13e: {  	s30 =	spop (v2sf);
	v63 =	vbroadcast v62, $0x0;
	v19 =	vsub.s32 v55, v5;
	v25, _, _ =	vpop (xrf0);
	(v2sf) =	vpush v33, $0xF;
	(xrf0) =	vadd.scan.msk.s32 $0xffff, v59  }
0x13f: {  	v34 =	vbroadcast v57, $0x0;
	vm13 =	vlt.u32 v19, $0x2800;
	(v2sf) =	vpush v25, $0xF;
	(xrf0) =	vadd.scan.msk.s32 $0xffff, v27;
	v27, _, _ =	vpop (xrf0)  }
0x140: {  	[tilespmem:$0x1FFE0] =	vst v38;
	s29 =	smov.u32 s22;
	s25 =	sadd.s32 s30, s7;
	v30 =	vadd.s32 v30, v63;
	v37 =	vsel vm13, $0x1, v2;
	v32, _, _ =	vpop (xrf0);
	(v2sf) =	vpush v27, $0xF  }
0x141: {  	vm0 =	vgt.s32 v36, $0x0  }
0x142: {  	(v2sf) =	vpush v32, $0xF;
	v39 =	vld [tilespmem:s29+$0x0];
	v36 =	vnsel vm0, $0x0, v36;
	_ =	sdelay $0x1  }
0x143: {  	vm15 =	vgt.s32 v28, $0x0;
	v29, _, _ =	vpop (xrf0)  }
0x144: {  	v62 =	vld [tilespmem:s29+$0xFFFFFFE0];
	v28 =	vnsel vm15, $0x0, v28;
	(v2sf) =	vpush v29, $0xF;
	v38, _, _ =	vpop (xrf0)  }
0x145: {  	v40, _, _ =	vpop (xrf0);
	(v2sf) =	vpush v38, $0xF  }
0x146: {  	v63 =	vld [tilespmem:s29+$0x10];
	(v2sf) =	vpush v40, $0xF;
	[tilespmem:v36+s11+$0x0] =	vst.idx.msk vm4, v39  }
0x147: {  	v20 =	vadd.s32 v20, v31;
	v41 =	vmov s25;
	[tilespmem:v36+s9+$0x0] =	vst.idx.msk vm4, v15  }
0x148: {  	vm6 =	vgt.s32 v20, $0x0;
	v41 =	vadd.s32 $0xFFFFFFFF, v41;
	v15 =	vld [tilespmem:$0x1FFF0]  }
0x149: {  	v42 =	vld [tilespmem:s29+$0xFFFFFFF0];
	v20 =	vnsel vm6, $0x0, v20;
	v41 =	vbroadcast v41, $0x0;
	vm6 =	vgt.s32 v26, $0x0;
	[tilespmem:v28+s11+$0x0] =	vst.idx.msk vm5, v62  }
0x14a: {  	v17 =	vadd.s32 v17, v34;
	v26 =	vnsel vm6, $0x0, v26;
	[tilespmem:v28+s9+$0x0] =	vst.idx.msk vm5, v11  }
0x14b: {  	v16 =	vadd.s32 v16, v35;
	vm7 =	vmmov vm7;
	v36 =	vadd.s32 v33, v41;
	v31 =	vld [tilespmem:$0x1FFE0]  }
0x14c: {  	vm3 =	vmmov vm3;
	vm4 =	vgt.s32 v17, $0x0;
	vm0 =	vgt.s32 v36, $0x0;
	s7 =	spop (v2sf)  }
0x14d: {  	v41 =	vnsel vm4, $0x0, v17;
	vm4 =	vmmov vm11;
	vm6 =	vnez.u8 v15;
	s7 =	sadd.s32 s25, s7;
	s25 =	sadd.s32 $0x80, s22  }
0x14e: {  	vm15 =	vgt.s32 v30, $0x0;
	v39 =	vnsel vm0, $0x0, v36;
	s10 =	spop (v2sf);
	vm6 =	vmmov vm6;
	v49 =	vld [tilespmem:s25+$0xFFFFFFC0]  }
0x14f: {  	v43 =	vld [tilespmem:s29+$0x20];
	(xrf0) =	vadd.scan.msk.s32 $0xffff, v37;
	v30 =	vnsel vm15, $0x0, v30;
	vm15 =	vgt.s32 v16, $0x0;
	[tilespmem:v26+s11+$0x0] =	vst.idx.msk vm1, v23;
	s10 =	sadd.s32 s10, s7;
	s14 =	spop (v2sf)  }
0x150: {  	v16 =	vnsel vm15, $0x0, v16;
	[tilespmem:v26+s9+$0x0] =	vst.idx.msk vm1, v7;
	v7 =	vmov s7;
	s14 =	sadd.s32 s10, s14;
	s23 =	spop (v2sf);
	vm11 =	vnez.u8 v31  }
0x151: {  	v45 =	vld [tilespmem:s29+$0x30];
	vm0 =	vmmov vm10;
	[tilespmem:v20+s11+$0x0] =	vst.idx.msk vm2, v42;
	v7 =	vadd.s32 $0xFFFFFFFF, v7;
	vm15 =	vmmov vm11;
	s23 =	sadd.s32 s23, s14  }
0x152: {  	[tilespmem:v20+s9+$0x0] =	vst.idx.msk vm2, v10;
	v47 =	vmov s10;
	v7 =	vbroadcast v7, $0x0;
	v46 =	vmov s23  }
0x153: {  	vm2 =	vmmov vm14;
	v54 =	vld [tilespmem:s25+$0xFFFFFFD0];
	v23 =	vadd.s32 $0xFFFFFFFF, v47;
	v20 =	vadd.s32 $0xFFFFFFFF, v46;
	s26 =	spop (v2sf);
	[tilespmem:v39+s11+$0x0] =	vst.idx.msk vm4, v49  }
0x154: {  	v48 =	vmov s14;
	v7 =	vadd.s32 v25, v7;
	v20 =	vbroadcast v20, $0x0;
	s29 =	spop (v2sf);
	[tilespmem:v41+s11+$0x0] =	vst.idx.msk vm6, v43  }
0x155: {  	v23 =	vbroadcast v23, $0x0;
	v26 =	vadd.s32 $0xFFFFFFFF, v48;
	vm10 =	vgt.s32 v7, $0x0;
	s30 =	spop (v2sf);
	[tilespmem:v41+s9+$0x0] =	vst.idx.msk vm6, v8  }
0x156: {  	v44, _, _ =	vpop (xrf0);
	v52 =	vbroadcast v26, $0x0;
	v7 =	vnsel vm10, $0x0, v7;
	v50 =	vadd.s32 v40, v20;
	s22 =	sadd.s32 s23, s30;
	[tilespmem:v30+s11+$0x0] =	vst.idx.msk vm7, v45  }
0x157: {  	(v2sf) =	vpush v44, $0xF;
	v51 =	vadd.s32 v27, v23;
	vm6 =	vgt.s32 v50, $0x0;
	[tilespmem:v16+s11+$0x0] =	vst.idx.msk vm15, v63;
	s10 =	sadd.s32 s26, s22  }
0x158: {  	v53 =	vld [tilespmem:s25+$0x0];
	v10 =	vadd.s32 v32, v52;
	v8 =	vnsel vm6, $0x0, v50;
	[tilespmem:v16+s9+$0x0] =	vst.idx.msk vm15, v6;
	v6 =	vmov s10  }
0x159: {  	vm11 =	vgt.s32 v10, $0x0;
	[tilespmem:v30+s9+$0x0] =	vst.idx.msk vm7, v9;
	vm7 =	vgt.s32 v51, $0x0;
	s10 =	sadd.s32 s10, s29;
	v6 =	vadd.s32 $0xFFFFFFFF, v6  }
0x15a: {  	v55 =	vld [tilespmem:s25+$0xFFFFFFE0];
	[tilespmem:v39+s9+$0x0] =	vst.idx.msk vm4, v13;
	v15 =	vnsel vm7, $0x0, v51;
	v57 =	vmov s10;
	v6 =	vbroadcast v6, $0x0  }
0x15b: {  	v10 =	vnsel vm11, $0x0, v10;
	v59 =	vmov s22;
	v11 =	vadd.s32 $0xFFFFFFFF, v57;
	[tilespmem:v7+s11+$0x0] =	vst.idx.msk vm3, v54  }
0x15c: {  	v58 =	vld [tilespmem:s25+$0xFFFFFFF0];
	vm15 =	vmmov vm12;
	v11 =	vbroadcast v11, $0x0;
	[tilespmem:v7+s9+$0x0] =	vst.idx.msk vm3, v14;
	v6 =	vadd.s32 v38, v6  }
0x15d: {  	v56 =	vld [tilespmem:s25+$0x10];
	v60 =	vadd.s32 $0xFFFFFFFF, v59;
	vm11 =	vmmov vm15;
	[tilespmem:v8+s11+$0x0] =	vst.idx.msk vm2, v53;
	vm12 =	vgt.s32 v6, $0x0  }
0x15e: {  	v62 =	vld [tilespmem:s25+$0x20];
	v61 =	vadd.s32 v44, v11;
	[tilespmem:v8+s9+$0x0] =	vst.idx.msk vm2, v24;
	v8 =	vbroadcast v60, $0x0;
	v6 =	vnsel vm12, $0x0, v6  }
0x15f: {  	vm10 =	vmmov vm13;
	[tilespmem:v15+s11+$0x0] =	vst.idx.msk vm0, v55;
	vm13 =	vgt.s32 v61, $0x0  }
0x160: {  	v63 =	vld [tilespmem:s25+$0x30];
	vm15 =	vmmov vm9;
	[tilespmem:v15+s9+$0x0] =	vst.idx.msk vm0, v22;
	v9 =	vnsel vm13, $0x0, v61;
	v8 =	vadd.s32 v29, v8  }
0x161: {  	vm0 =	vmmov vm15;
	[tilespmem:v10+s11+$0x0] =	vst.idx.msk vm8, v58;
	vm1 =	vgt.s32 v8, $0x0  }
0x162: {  	[tilespmem:v10+s9+$0x0] =	vst.idx.msk vm8, v21;
	v7 =	vnsel vm1, $0x0, v8  }
0x163: {  	[tilespmem:v6+s11+$0x0] =	vst.idx.msk vm11, v62  }
0x164: {  	[tilespmem:v6+s9+$0x0] =	vst.idx.msk vm11, v18  }
0x165: {  	[tilespmem:v9+s11+$0x0] =	vst.idx.msk vm10, v63  }
0x166: {  	[tilespmem:v9+s9+$0x0] =	vst.idx.msk vm10, v19  }
0x167: {  	vm14 =	vmmov vm8;
	s31 =	spop (v2sf);
	[tilespmem:v7+s11+$0x0] =	vst.idx.msk vm0, v56  }
0x168: {  	vm14 =	vmmov vm10;
	s7 =	sadd.s32 s31, s10;
	[tilespmem:v7+s9+$0x0] =	vst.idx.msk vm0, v12  }
.LBB2_8:
0x169: {  	s10 =	sshra.s32 s20, $0x2  }
0x16a: {  	v6 =	vld [tilespmem:s10+$0x2480];
	_ =	sdelay $0x4  }
0x16b: {  	v6 =	vsub.s32 v6, v5  }
0x16c: {  	vm0 =	vlt.u32 v6, $0x2800  }
0x16d: {  	v7 =	vsel vm0, $0x1, v2  }
0x16e: {  	(xrf0) =	vadd.scan.msk.s32 $0xffff, v7;
	_ =	sdelay $0x4  }
0x16f: {  	v7 =	vld [tilespmem:s10+$0x2490]  }
0x170: {  	v8, _, _ =	vpop (xrf0)  }
0x171: {  	(v2sf) =	vpush v8, $0xF;
	_ =	sdelay $0x2  }
0x172: {  	v7 =	vsub.s32 v7, v5  }
0x173: {  	vm1 =	vlt.u32 v7, $0x2800  }
0x174: {  	v9 =	vsel vm1, $0x1, v2  }
0x175: {  	(xrf0) =	vadd.scan.msk.s32 $0xffff, v9;
	_ =	sdelay $0x5  }
0x176: {  	v9, _, _ =	vpop (xrf0)  }
0x177: {  	(v2sf) =	vpush v9, $0xF;
	_ =	sdelay $0x1  }
0x178: {  	v10 =	vmov s7;
	s14 =	spop (v2sf)  }
0x179: {  	v10 =	vadd.s32 $0xFFFFFFFF, v10;
	s30 =	sadd.s32 s7, s14  }
0x17a: {  	v10 =	vbroadcast v10, $0x0;
	v11 =	vmov s30  }
0x17b: {  	v11 =	vadd.s32 $0xFFFFFFFF, v11  }
0x17c: {  	v8 =	vadd.s32 v8, v10;
	v61 =	vbroadcast v11, $0x0  }
0x17d: {  	vm2 =	vgt.s32 v8, $0x0  }
0x17e: {  	v62 =	vld [tilespmem:s10+$0x1200];
	v8 =	vnsel vm2, $0x0, v8;
	v9 =	vadd.s32 v9, v61  }
0x17f: {  	vm15 =	vgt.s32 v9, $0x0  }
0x180: {  	v63 =	vld [tilespmem:s10+$0x1210];
	v9 =	vnsel vm15, $0x0, v9  }
0x181: {  	p1 =	sne.s32 s20, $0x80  }
.Ltmp2:
0x182: {  	_ = 	snop;
	(pc) =	sbr.rel @p1 .LBB2_8-.Ltmp2, $4  }
0x183: {  	[tilespmem:v8+s11+$0x0] =	vst.idx.msk vm0, v62  }
0x184: {  	[tilespmem:v8+s9+$0x0] =	vst.idx.msk vm0, v6  }
0x185: {  	s31 =	spop (v2sf);
	[tilespmem:v9+s11+$0x0] =	vst.idx.msk vm1, v63  }
0x186: {  	s20 =	sadd.s32 $0x80, s20;
	s7 =	sadd.s32 s31, s30;
	[tilespmem:v9+s9+$0x0] =	vst.idx.msk vm1, v7  }
0x187: {  	v6 =	vld [tilespmem:$0x24C0];
	_ =	sdelay $0x4  }
0x188: {  	v6 =	vsub.s32 v6, v5  }
0x189: {  	vm0 =	vlt.u32 v6, $0x2800  }
0x18a: {  	v7 =	vsel vm0, $0x1, v2  }
0x18b: {  	(xrf0) =	vadd.scan.msk.s32 $0xffff, v7;
	_ =	sdelay $0x5  }
0x18c: {  	v7, _, _ =	vpop (xrf0)  }
0x18d: {  	(v2sf) =	vpush v7, $0xF;
	_ =	sdelay $0x3  }
0x18e: {  	v8 =	vmov s7  }
0x18f: {  	v8 =	vadd.s32 $0xFFFFFFFF, v8  }
0x190: {  	v8 =	vbroadcast v8, $0x0;
	_ =	sdelay $0x1  }
0x191: {  	v7 =	vadd.s32 v7, v8  }
0x192: {  	vm1 =	vgt.s32 v7, $0x0  }
0x193: {  	v63 =	vld [tilespmem:$0x1240];
	v7 =	vnsel vm1, $0x0, v7;
	_ =	sdelay $0x4  }
0x194: {  	[tilespmem:v7+s11+$0x0] =	vst.idx.msk vm0, v63;
	s10 =	spop (v2sf)  }
0x195: {  	[tilespmem:v7+s9+$0x0] =	vst.idx.msk vm0, v6;
	s20 =	sadd.s32 s7, s10  }
0x196: {  	[tilespmem:s20+$0x2500] =	vst v3  }
0x197: {  	[tilespmem:s20+$0x3800] =	vst v4  }
0x198: {  	[tilespmem:s20+$0x2510] =	vst v3;
	p1 =	slt.s32 s20, $0x1  }
.Ltmp3:
0x199: {  	[tilespmem:s20+$0x3810] =	vst v4;
	(pc) =	sbr.rel @p1 .LBB2_14-.Ltmp3, $4  }
0x19a: {  	[tilespmem:s20+$0x2520] =	vst v3  }
0x19b: {  	[tilespmem:s20+$0x3820] =	vst v4  }
0x19c: {  	[tilespmem:s20+$0x2530] =	vst v3  }
0x19d: {  	[tilespmem:s20+$0x3830] =	vst v4  }
0x19e: {  	[tilespmem:s15], [sflag:$0x1] =	stream.indirect.gather [hbm4b:s0+s13], $0x80, s11, s13, $0xb8;
	[tilespmem:$0x1E508] =	vst v63  }
0x19f: {  	p2 =	slt.u32 s20, $0x41  }
0x1a0: {  	s7 =	simm.s32 @!p2 $0x40;
	s10 =	simm.s32 @!p2 $0x2540;
	s14 =	simm.s32 @!p2 $0x6B00  }
0x1a1: {  	[tilespmem:s14], [sflag:$0x2] =	stream.indirect.gather @!p2 [hbm4b:s0+s7], $0x80, s10, s7, $0xb8;
	[tilespmem:$0x1E508] =	vst v63  }
0x1a2: {  	_ =	swait.ge [sflag:s1], $0x2000  }
0x1a3: {  	[sflag:s1] =	ssyncset.done $0x0  }
0x1a4: {  	[sflag:s1] =	ssyncadd.s32 $0xFFFFE000  }
0x1a5: {  	v6 =	vld [tilespmem:$0x3800]  }
0x1a6: {  	v7 =	vld [tilespmem:$0x3810]  }
0x1a7: {  	v8 =	vld [tilespmem:$0x3820]  }
0x1a8: {  	v9 =	vld [tilespmem:$0x3830];
	_ =	sdelay $0x1  }
0x1a9: {  	[tilespmem:$0x8B00] =	vst v6  }
0x1aa: {  	[tilespmem:$0x8B10] =	vst v7  }
0x1ab: {  	[tilespmem:$0x8B20] =	vst v8  }
0x1ac: {  	p3 =	slt.u32 s20, $0x81;
	[tilespmem:$0x8B30] =	vst v9  }
0x1ad: {  	[spmem:s5] =	stream.indirect.scatter.add.f32 [tilespmem:s15], [sflag:$0x5], $0x80, s17, s13, $0xb8;
	[tilespmem:$0x1E508] =	vst v63  }
.Ltmp4:
0x1ae: {  	_ = 	snop;
	(pc) =	sbr.rel @p3 .LBB2_12-.Ltmp4, $4  }
0x1af: {  	_ =	swait.ge [sflag:s19], $0x2000  }
0x1b0: {  	[sflag:s19] =	ssyncset.done $0x0  }
0x1b1: {  	[sflag:s19] =	ssyncadd.s32 $0xFFFFE000  }
0x1b2: {  	[spmem:s6] =	stream.indirect.scatter.add.f32 [tilespmem:s21], [sflag:$0x3], $0x1, s17, s13, $0xb8;
	[tilespmem:$0x1E508] =	vst v63  }
.Ltmp5:
0x1b3: {  	(pc) =	sbr.rel .LBB2_13-.Ltmp5, $3  }
0x1b4: {  	_ =	sdelay $0x1  }
0x1b5: {  	s7 =	simm.s32 $0x2580  }
0x1b6: {  	[tilespmem:s15], [sflag:$0x1] =	stream.indirect.gather [hbm4b:s0+s13], $0x80, s7, s13, $0xb8;
	[tilespmem:$0x1E508] =	vst v63  }
.LBB2_12:
.Ltmp6:
0x1b7: {  	(pc) =	sbr.rel @p2 .LBB2_14-.Ltmp6, $1  }
0x1b8: {  	_ =	sdelay $0x3  }
.LBB2_13:
0x1b9: {  	_ =	swait.ge [sflag:s4], $0x2000  }
0x1ba: {  	[sflag:s4] =	ssyncset.done $0x0  }
0x1bb: {  	[sflag:s4] =	ssyncadd.s32 $0xFFFFE000  }
0x1bc: {  	v6 =	vld [tilespmem:$0x3840]  }
0x1bd: {  	v7 =	vld [tilespmem:$0x3850]  }
0x1be: {  	v8 =	vld [tilespmem:$0x3860]  }
0x1bf: {  	v9 =	vld [tilespmem:$0x3870];
	_ =	sdelay $0x1  }
0x1c0: {  	[tilespmem:$0x8B80] =	vst v6  }
0x1c1: {  	[tilespmem:$0x8B90] =	vst v7  }
0x1c2: {  	[tilespmem:$0x8BA0] =	vst v8  }
0x1c3: {  	s7 =	simm.s32 $0x8B80;
	[tilespmem:$0x8BB0] =	vst v9  }
0x1c4: {  	[spmem:s5] =	stream.indirect.scatter.add.f32 [tilespmem:s28], [sflag:$0x5], $0x80, s7, s13, $0xb8;
	[tilespmem:$0x1E508] =	vst v63  }
0x1c5: {  	_ =	swait.ge [sflag:s19], $0x2000  }
0x1c6: {  	[sflag:s19] =	ssyncset.done $0x0  }
0x1c7: {  	[sflag:s19] =	ssyncadd.s32 $0xFFFFE000  }
0x1c8: {  	[spmem:s6] =	stream.indirect.scatter.add.f32 [tilespmem:s21], [sflag:$0x4], $0x1, s7, s13, $0xb8;
	[tilespmem:$0x1E508] =	vst v63  }
.LBB2_14:
0x1c9: {  	s7 =	simm.s32 $0x25C0;
	p2 =	sle.s32 s20, $0xC0  }
0x1ca: {  	p3 =	sle.s32 s20, $0x80;
	s22 =	simm.s32 @!p2 $0x40;
	s10 =	simm.s32 @!p2 $0x6B00  }
0x1cb: {  	[tilespmem:s10], [sflag:$0x2] =	stream.indirect.gather @!p2 [hbm4b:s0+s22], $0x80, s7, s22, $0xb8;
	[tilespmem:$0x1E508] =	vst v63  }
0x1cc: {  	s7 =	simm.s32 @!p3 $0x1  }
0x1cd: {  	_ =	swait.ge @!p3 [sflag:s7], $0x2000  }
0x1ce: {  	[sflag:s7] =	ssyncset.done @!p3 $0x0  }
0x1cf: {  	s14 =	simm.s32 @!p3 $0x3;
	[sflag:s7] =	ssyncadd.s32 @!p3 $0xFFFFE000  }
0x1d0: {  	_ =	swait.ge @!p3 [sflag:s14], $0x40  }
0x1d1: {  	[sflag:s14] =	ssyncset.done @!p3 $0x0  }
0x1d2: {  	s7 =	simm.s32 $0x38F0;
	[sflag:s14] =	ssyncadd.s32 @!p3 $0xFFFFFFC0  }
0x1d3: {  	v6 =	vld @!p3 [tilespmem:s7+$0xFFFFFF90];
	_ =	sdelay $0x4  }
0x1d4: {  	[tilespmem:$0x8B00] =	vst @!p3 v6  }
0x1d5: {  	v6 =	vld @!p3 [tilespmem:s7+$0xFFFFFFA0];
	_ =	sdelay $0x4  }
0x1d6: {  	[tilespmem:$0x8B10] =	vst @!p3 v6  }
0x1d7: {  	v6 =	vld @!p3 [tilespmem:s7+$0xFFFFFFB0];
	_ =	sdelay $0x4  }
0x1d8: {  	[tilespmem:$0x8B20] =	vst @!p3 v6  }
0x1d9: {  	v6 =	vld @!p3 [tilespmem:s7+$0xFFFFFFC0];
	_ =	sdelay $0x3  }
0x1da: {  	s23 =	simm.s32 @!p3 $0x8B00  }
0x1db: {  	s25 =	simm.s32 @!p3 $0x4B00;
	s26 =	simm.s32 @!p3 $0x5;
	s14 =	simm.s32 @!p3 $0x40;
	[tilespmem:$0x8B30] =	vst @!p3 v6  }
0x1dc: {  	[spmem:s5] =	stream.indirect.scatter.add.f32 @!p3 [tilespmem:s25], [sflag:$0x5], $0x80, s23, s14, $0xb8;
	[tilespmem:$0x1E508] =	vst v63  }
0x1dd: {  	_ =	swait.ge @!p3 [sflag:s26], $0x2000  }
0x1de: {  	p4 =	sle.s32 s20, $0x100;
	p2 =	por p2, p2;
	[sflag:s26] =	ssyncset.done @!p3 $0x0  }
0x1df: {  	s25 =	simm.s32 @!p3 $0x8C00;
	[sflag:s26] =	ssyncadd.s32 @!p3 $0xFFFFE000;
	s26 =	simm.s32 @!p4 $0x2600  }
0x1e0: {  	[spmem:s6] =	stream.indirect.scatter.add.f32 @!p3 [tilespmem:s25], [sflag:$0x3], $0x1, s23, s14, $0xb8;
	[tilespmem:$0x1E508] =	vst v63  }
0x1e1: {  	s14 =	simm.s32 @!p4 $0x4B00;
	s23 =	simm.s32 @!p4 $0x40;
	s25 =	simm.s32 @!p2 $0x2  }
0x1e2: {  	[tilespmem:s14], [sflag:$0x1] =	stream.indirect.gather @!p4 [hbm4b:s0+s23], $0x80, s26, s23, $0xb8;
	[tilespmem:$0x1E508] =	vst v63  }
0x1e3: {  	_ =	swait.ge @!p2 [sflag:s25], $0x2000  }
0x1e4: {  	[sflag:s25] =	ssyncset.done @!p2 $0x0  }
0x1e5: {  	s14 =	simm.s32 @!p2 $0x4;
	[sflag:s25] =	ssyncadd.s32 @!p2 $0xFFFFE000  }
0x1e6: {  	_ =	swait.ge @!p2 [sflag:s14], $0x40  }
0x1e7: {  	[sflag:s14] =	ssyncset.done @!p2 $0x0  }
0x1e8: {  	[sflag:s14] =	ssyncadd.s32 @!p2 $0xFFFFFFC0  }
0x1e9: {  	v6 =	vld @!p2 [tilespmem:s7+$0xFFFFFFD0];
	_ =	sdelay $0x4  }
0x1ea: {  	[tilespmem:$0x8B80] =	vst @!p2 v6  }
0x1eb: {  	v6 =	vld @!p2 [tilespmem:s7+$0xFFFFFFE0];
	_ =	sdelay $0x4  }
0x1ec: {  	[tilespmem:$0x8B90] =	vst @!p2 v6  }
0x1ed: {  	v6 =	vld @!p2 [tilespmem:s7+$0xFFFFFFF0];
	_ =	sdelay $0x4  }
0x1ee: {  	[tilespmem:$0x8BA0] =	vst @!p2 v6  }
0x1ef: {  	v6 =	vld @!p2 [tilespmem:s7+$0x0];
	_ =	sdelay $0x3  }
0x1f0: {  	s31 =	simm.s32 $0x180;
	s29 =	simm.s32 $0x2640;
	s23 =	simm.s32 @!p2 $0x8B80  }
0x1f1: {  	s26 =	simm.s32 $0x3970;
	s25 =	simm.s32 $0x200;
	s14 =	simm.s32 @!p2 $0x5;
	[tilespmem:$0x8BB0] =	vst @!p2 v6  }
0x1f2: {  	[spmem:s5] =	stream.indirect.scatter.add.f32 @!p2 [tilespmem:s10], [sflag:$0x5], $0x80, s23, s22, $0xb8;
	[tilespmem:$0x1E508] =	vst v63  }
.LBB2_15:
0x1f3: {  	s10 =	sadd.s32 $0xFFFFFFC0, s31  }
0x1f4: {  	_ =	swait.ge @!p2 [sflag:s14], $0x2000;
	s7 =	smov.u32 s25;
	s25 =	sadd.s32 $0x80, s25  }
0x1f5: {  	s16 =	sadd.s32 $0xFFFFFF80, s31;
	p5 =	sge.s32 s10, s20;
	[sflag:s14] =	ssyncset.done @!p2 $0x0  }
0x1f6: {  	p3 =	sne.s32 s25, $0x1380;
	s10 =	simm.s32 @!p2 $0x8C00;
	[sflag:s14] =	ssyncadd.s32 @!p2 $0xFFFFE000  }
0x1f7: {  	[spmem:s6] =	stream.indirect.scatter.add.f32 @!p2 [tilespmem:s10], [sflag:$0x4], $0x1, s23, s22, $0xb8;
	[tilespmem:$0x1E508] =	vst v63  }
0x1f8: {  	p4 =	sge.s32 s16, s20;
	s22 =	simm.s32 @!p5 $0x40;
	s10 =	simm.s32 @!p5 $0x6B00  }
0x1f9: {  	[tilespmem:s10], [sflag:$0x2] =	stream.indirect.gather @!p5 [hbm4b:s0+s22], $0x80, s29, s22, $0xb8;
	[tilespmem:$0x1E508] =	vst v63  }
0x1fa: {  	s14 =	simm.s32 @!p4 $0x1;
	s16 =	simm.s32 @!p4 $0x3;
	p2 =	por p5, p5  }
0x1fb: {  	_ =	swait.ge @!p4 [sflag:s14], $0x2000  }
0x1fc: {  	[sflag:s14] =	ssyncset.done @!p4 $0x0  }
0x1fd: {  	[sflag:s14] =	ssyncadd.s32 @!p4 $0xFFFFE000  }
0x1fe: {  	_ =	swait.ge @!p4 [sflag:s16], $0x40  }
0x1ff: {  	[sflag:s16] =	ssyncset.done @!p4 $0x0  }
0x200: {  	[sflag:s16] =	ssyncadd.s32 @!p4 $0xFFFFFFC0  }
0x201: {  	v6 =	vld @!p4 [tilespmem:s26+$0xFFFFFF90];
	_ =	sdelay $0x4  }
0x202: {  	[tilespmem:$0x8B00] =	vst @!p4 v6  }
0x203: {  	v6 =	vld @!p4 [tilespmem:s26+$0xFFFFFFA0];
	_ =	sdelay $0x4  }
0x204: {  	[tilespmem:$0x8B10] =	vst @!p4 v6  }
0x205: {  	v6 =	vld @!p4 [tilespmem:s26+$0xFFFFFFB0];
	_ =	sdelay $0x4  }
0x206: {  	[tilespmem:$0x8B20] =	vst @!p4 v6  }
0x207: {  	v6 =	vld @!p4 [tilespmem:s26+$0xFFFFFFC0];
	_ =	sdelay $0x1  }
0x208: {  	s23 =	simm.s32 @!p4 $0x4B00;
	s14 =	simm.s32 @!p4 $0x40;
	s16 =	simm.s32 @!p4 $0x8B00  }
0x209: {  	s30 =	simm.s32 @!p4 $0x5;
	_ =	sdelay $0x1  }
0x20a: {  	[tilespmem:$0x8B30] =	vst @!p4 v6  }
0x20b: {  	[spmem:s5] =	stream.indirect.scatter.add.f32 @!p4 [tilespmem:s23], [sflag:$0x5], $0x80, s16, s14, $0xb8;
	[tilespmem:$0x1E508] =	vst v63  }
0x20c: {  	_ =	swait.ge @!p4 [sflag:s30], $0x2000  }
0x20d: {  	p5 =	sge.s32 s31, s20;
	s23 =	simm.s32 @!p4 $0x8C00;
	[sflag:s30] =	ssyncset.done @!p4 $0x0  }
0x20e: {  	s12 =	simm.s32 @!p5 $0x4B00;
	[sflag:s30] =	ssyncadd.s32 @!p4 $0xFFFFE000;
	s30 =	sadd.s32 @!p5 $0x40, s29  }
0x20f: {  	[spmem:s6] =	stream.indirect.scatter.add.f32 @!p4 [tilespmem:s23], [sflag:$0x3], $0x1, s16, s14, $0xb8;
	[tilespmem:$0x1E508] =	vst v63  }
0x210: {  	s31 =	smov.u32 s7;
	s14 =	simm.s32 @!p5 $0x40;
	s16 =	simm.s32 @!p2 $0x2  }
0x211: {  	[tilespmem:s12], [sflag:$0x1] =	stream.indirect.gather @!p5 [hbm4b:s0+s14], $0x80, s30, s14, $0xb8;
	[tilespmem:$0x1E508] =	vst v63  }
0x212: {  	_ =	swait.ge @!p2 [sflag:s16], $0x2000  }
0x213: {  	[sflag:s16] =	ssyncset.done @!p2 $0x0  }
0x214: {  	s7 =	simm.s32 @!p2 $0x4;
	[sflag:s16] =	ssyncadd.s32 @!p2 $0xFFFFE000  }
0x215: {  	_ =	swait.ge @!p2 [sflag:s7], $0x40  }
0x216: {  	[sflag:s7] =	ssyncset.done @!p2 $0x0  }
0x217: {  	[sflag:s7] =	ssyncadd.s32 @!p2 $0xFFFFFFC0  }
0x218: {  	v6 =	vld @!p2 [tilespmem:s26+$0xFFFFFFD0];
	_ =	sdelay $0x4  }
0x219: {  	[tilespmem:$0x8B80] =	vst @!p2 v6  }
0x21a: {  	v6 =	vld @!p2 [tilespmem:s26+$0xFFFFFFE0];
	_ =	sdelay $0x4  }
0x21b: {  	[tilespmem:$0x8B90] =	vst @!p2 v6  }
0x21c: {  	v6 =	vld @!p2 [tilespmem:s26+$0xFFFFFFF0];
	_ =	sdelay $0x4  }
0x21d: {  	[tilespmem:$0x8BA0] =	vst @!p2 v6  }
0x21e: {  	v6 =	vld @!p2 [tilespmem:s26+$0x0];
	_ =	sdelay $0x1  }
.Ltmp7:
0x21f: {  	s23 =	simm.s32 @!p2 $0x8B80;
	s14 =	simm.s32 @!p2 $0x5;
	(pc) =	sbr.rel @p3 .LBB2_15-.Ltmp7, $3  }
0x220: {  	_ =	sdelay $0x1  }
0x221: {  	s29 =	sadd.s32 $0x80, s29;
	s26 =	sadd.s32 $0x80, s26;
	[tilespmem:$0x8BB0] =	vst @!p2 v6  }
0x222: {  	[spmem:s5] =	stream.indirect.scatter.add.f32 @!p2 [tilespmem:s10], [sflag:$0x5], $0x80, s23, s22, $0xb8;
	[tilespmem:$0x1E508] =	vst v63  }
0x223: {  	_ =	swait.ge @!p2 [sflag:s14], $0x2000;
	s7 =	sadd.s32 $0xFFFFFFC0, s31  }
0x224: {  	s10 =	sadd.s32 $0xFFFFFF80, s31;
	[sflag:s14] =	ssyncset.done @!p2 $0x0;
	p3 =	sge.s32 s7, s20  }
0x225: {  	s7 =	simm.s32 @!p2 $0x8C00;
	p4 =	sge.s32 s10, s20;
	[sflag:s14] =	ssyncadd.s32 @!p2 $0xFFFFE000  }
0x226: {  	[spmem:s6] =	stream.indirect.scatter.add.f32 @!p2 [tilespmem:s7], [sflag:$0x4], $0x1, s23, s22, $0xb8;
	[tilespmem:$0x1E508] =	vst v63  }
0x227: {  	s12 =	simm.s32 @!p3 $0x6B00;
	s10 =	simm.s32 @!p4 $0x1;
	s7 =	simm.s32 @!p3 $0x40  }
0x228: {  	[tilespmem:s12], [sflag:$0x2] =	stream.indirect.gather @!p3 [hbm4b:s0+s7], $0x80, s29, s7, $0xb8;
	[tilespmem:$0x1E508] =	vst v63  }
0x229: {  	_ =	swait.ge @!p4 [sflag:s10], $0x2000  }
0x22a: {  	[sflag:s10] =	ssyncset.done @!p4 $0x0  }
0x22b: {  	s14 =	simm.s32 @!p4 $0x3;
	[sflag:s10] =	ssyncadd.s32 @!p4 $0xFFFFE000  }
0x22c: {  	_ =	swait.ge @!p4 [sflag:s14], $0x40  }
0x22d: {  	[sflag:s14] =	ssyncset.done @!p4 $0x0  }
0x22e: {  	[sflag:s14] =	ssyncadd.s32 @!p4 $0xFFFFFFC0  }
0x22f: {  	v6 =	vld @!p4 [tilespmem:s26+$0xFFFFFF90];
	_ =	sdelay $0x4  }
0x230: {  	[tilespmem:$0x8B00] =	vst @!p4 v6  }
0x231: {  	v6 =	vld @!p4 [tilespmem:s26+$0xFFFFFFA0];
	_ =	sdelay $0x4  }
0x232: {  	[tilespmem:$0x8B10] =	vst @!p4 v6  }
0x233: {  	v6 =	vld @!p4 [tilespmem:s26+$0xFFFFFFB0];
	_ =	sdelay $0x4  }
0x234: {  	[tilespmem:$0x8B20] =	vst @!p4 v6  }
0x235: {  	v6 =	vld @!p4 [tilespmem:s26+$0xFFFFFFC0];
	_ =	sdelay $0x3  }
0x236: {  	s16 =	simm.s32 @!p4 $0x4B00  }
0x237: {  	s22 =	simm.s32 @!p4 $0x5;
	s10 =	simm.s32 @!p4 $0x40;
	s14 =	simm.s32 @!p4 $0x8B00;
	[tilespmem:$0x8B30] =	vst @!p4 v6  }
0x238: {  	[spmem:s5] =	stream.indirect.scatter.add.f32 @!p4 [tilespmem:s16], [sflag:$0x5], $0x80, s14, s10, $0xb8;
	[tilespmem:$0x1E508] =	vst v63  }
0x239: {  	_ =	swait.ge @!p4 [sflag:s22], $0x2000  }
0x23a: {  	p2 =	por p3, p3;
	p3 =	sge.s32 s31, s20;
	[sflag:s22] =	ssyncset.done @!p4 $0x0  }
0x23b: {  	s16 =	simm.s32 @!p4 $0x8C00;
	[sflag:s22] =	ssyncadd.s32 @!p4 $0xFFFFE000;
	s22 =	sadd.s32 @!p3 $0x40, s29  }
0x23c: {  	[spmem:s6] =	stream.indirect.scatter.add.f32 @!p4 [tilespmem:s16], [sflag:$0x3], $0x1, s14, s10, $0xb8;
	[tilespmem:$0x1E508] =	vst v63  }
0x23d: {  	s10 =	simm.s32 @!p3 $0x4B00;
	s14 =	simm.s32 @!p3 $0x40;
	s16 =	simm.s32 @!p2 $0x2  }
0x23e: {  	[tilespmem:s10], [sflag:$0x1] =	stream.indirect.gather @!p3 [hbm4b:s0+s14], $0x80, s22, s14, $0xb8;
	[tilespmem:$0x1E508] =	vst v63  }
0x23f: {  	_ =	swait.ge @!p2 [sflag:s16], $0x2000  }
0x240: {  	[sflag:s16] =	ssyncset.done @!p2 $0x0  }
0x241: {  	s10 =	simm.s32 @!p2 $0x4;
	[sflag:s16] =	ssyncadd.s32 @!p2 $0xFFFFE000  }
0x242: {  	_ =	swait.ge @!p2 [sflag:s10], $0x40  }
0x243: {  	[sflag:s10] =	ssyncset.done @!p2 $0x0  }
0x244: {  	[sflag:s10] =	ssyncadd.s32 @!p2 $0xFFFFFFC0  }
0x245: {  	v6 =	vld @!p2 [tilespmem:s26+$0xFFFFFFD0];
	_ =	sdelay $0x4  }
0x246: {  	[tilespmem:$0x8B80] =	vst @!p2 v6  }
0x247: {  	v6 =	vld @!p2 [tilespmem:s26+$0xFFFFFFE0];
	_ =	sdelay $0x4  }
0x248: {  	[tilespmem:$0x8B90] =	vst @!p2 v6  }
0x249: {  	v6 =	vld @!p2 [tilespmem:s26+$0xFFFFFFF0];
	_ =	sdelay $0x4  }
0x24a: {  	[tilespmem:$0x8BA0] =	vst @!p2 v6  }
0x24b: {  	v6 =	vld @!p2 [tilespmem:s26+$0x0];
	_ =	sdelay $0x4  }
0x24c: {  	s14 =	simm.s32 @!p2 $0x5;
	s10 =	simm.s32 @!p2 $0x8B80;
	[tilespmem:$0x8BB0] =	vst @!p2 v6  }
0x24d: {  	[spmem:s5] =	stream.indirect.scatter.add.f32 @!p2 [tilespmem:s12], [sflag:$0x5], $0x80, s10, s7, $0xb8;
	[tilespmem:$0x1E508] =	vst v63  }
0x24e: {  	_ =	swait.ge @!p2 [sflag:s14], $0x2000  }
0x24f: {  	[sflag:s14] =	ssyncset.done @!p2 $0x0  }
0x250: {  	s12 =	simm.s32 @!p2 $0x8C00;
	[sflag:s14] =	ssyncadd.s32 @!p2 $0xFFFFE000  }
0x251: {  	[spmem:s6] =	stream.indirect.scatter.add.f32 @!p2 [tilespmem:s12], [sflag:$0x4], $0x1, s10, s7, $0xb8;
	[tilespmem:$0x1E508] =	vst v63  }
0x252: {  	s7 =	simm.s32 @!p1 $0x3  }
0x253: {  	_ =	swait.ge @!p1 [sflag:s7], $0x40  }
0x254: {  	s18 =	sadd.s32 $0x1, s18;
	p2 =	slt.u32 @!p1 s20, $0x41;
	[sflag:s7] =	ssyncset.done @!p1 $0x0  }
0x255: {  	p2 =	por p2, p1;
	[sflag:s7] =	ssyncadd.s32 @!p1 $0xFFFFFFC0;
	p1 =	sne.s32 s18, $0x8  }
.Ltmp8:
0x256: {  	_ = 	snop;
	(pc) =	sbr.rel @p1 .LBB2_5-.Ltmp8, $4  }
0x257: {  	s7 =	simm.s32 @!p2 $0x4  }
0x258: {  	_ =	swait.ge @!p2 [sflag:s7], $0x40  }
0x259: {  	[sflag:s7] =	ssyncset.done @!p2 $0x0  }
0x25a: {  	[sflag:s7] =	ssyncadd.s32 @!p2 $0xFFFFFFC0  }
0x25b: {  	[bflag:$0x0] =	sbarrier.arrive $0xFFFF  }
0x25c: {  	s10 =	simm.s32 $0x8F00;
	s7 =	rddreg [dreg:$0x1e]  }
0x25d: {  	[tilespmem:s10], [sflag:$0x5] =	stream.linear.gather [spmem:s7], $0x280, $0x38;
	[tilespmem:$0x1E508] =	vst v63  }
0x25e: {  	_ =	swait.ge [sflag:s19], $0x280  }
0x25f: {  	[sflag:s19] =	ssyncset.done $0x0  }
0x260: {  	s14 =	rddreg [dreg:$0x9];
	[sflag:s19] =	ssyncadd.s32 $0xFFFFFD80  }
0x261: {  	[tilespmem:s15], [sflag:$0x1] =	stream.linear.gather [spmem:s14], $0x2000, $0x38;
	[tilespmem:$0x1E508] =	vst v63  }
0x262: {  	s23 =	rddreg [dreg:$0xb]  }
0x263: {  	[tilespmem:s28], [sflag:$0x2] =	stream.linear.gather [spmem:s23], $0x2000, $0x38;
	[tilespmem:$0x1E508] =	vst v63  }
0x264: {  	_ =	swait.ge [sflag:s1], $0x2000  }
0x265: {  	[sflag:s1] =	ssyncset.done $0x0  }
0x266: {  	s30 =	simm.s32 $0x8F01;
	[sflag:s1] =	ssyncadd.s32 $0xFFFFE000  }
0x267: {  	v5 =	vld [tilespmem:s30+$0x0]  }
0x268: {  	v6 =	vld [tilespmem:s30+$0xFFFFFFFF];
	_ =	sdelay $0x3  }
0x269: {  	v5 =	vmax.f32 v5, $1.000000000e+00  }
0x26a: {  	v6 =	vmax.f32 v6, $1.000000000e+00;
	v5 =	vbroadcast v5, $0x0  }
0x26b: {  	v6 =	vbroadcast v6, $0x0  }
0x26c: {  	(erf) = vrcp.f32 v5  }
0x26d: {  	(erf) = vrcp.f32 v6;
	_ =	sdelay $0x2  }
0x26e: {  	s18 =	simm.s32 $0x4B80  }
0x26f: {  	v7 =	vld [tilespmem:s18+$0x70]  }
0x270: {  	v5 =	vld [tilespmem:s18+$0xFFFFFF80]  }
0x271: {  	v6 =	vld [tilespmem:s18+$0xFFFFFF90]  }
0x272: {  	v8 =	vld [tilespmem:s18+$0xFFFFFFA0]  }
0x273: {  	v10 =	vld [tilespmem:s18+$0xFFFFFFB0];
	v12 =	vpop (erf)  }
0x274: {  	s31 =	simm.s32 $0x8F03;
	v11 =	vld [tilespmem:s18+$0xFFFFFFC0];
	v9 =	vpop (erf)  }
0x275: {  	v13 =	vld [tilespmem:s31+$0x0];
	v5 =	vmul.f32 v9, v5  }
0x276: {  	v14 =	vld [tilespmem:s31+$0xFFFFFFFF];
	v6 =	vmul.f32 v9, v6  }
0x277: {  	v8 =	vmul.f32 v8, v9;
	[tilespmem:s18+$0xFFFFFF80] =	vst v5;
	v5 =	vld [tilespmem:s18+$0xFFFFFFD0]  }
0x278: {  	[tilespmem:s18+$0xFFFFFF90] =	vst v6;
	v6 =	vmul.f32 v7, v12;
	v7 =	vld [tilespmem:s18+$0xFFFFFFE0]  }
0x279: {  	[tilespmem:s18+$0xFFFFFFA0] =	vst v8;
	v8 =	vld [tilespmem:s18+$0xFFFFFFF0]  }
0x27a: {  	[tilespmem:s18+$0x70] =	vst v6;
	v6 =	vmax.f32 v13, $1.000000000e+00  }
0x27b: {  	v6 =	vbroadcast v6, $0x0  }
0x27c: {  	v10 =	vmul.f32 v10, v9;
	v5 =	vmul.f32 v5, v9  }
0x27d: {  	v15 =	vld [tilespmem:s18+$0x10];
	v11 =	vmul.f32 v11, v9;
	(erf) = vrcp.f32 v6  }
0x27e: {  	v13 =	vld [tilespmem:s18+$0x0];
	v6 =	vmul.f32 v7, v9;
	[tilespmem:s18+$0xFFFFFFD0] =	vst v5;
	v5 =	vmul.f32 v8, v9;
	v9 =	vmax.f32 v14, $1.000000000e+00  }
0x27f: {  	[tilespmem:s18+$0xFFFFFFB0] =	vst v10;
	v10 =	vld [tilespmem:s18+$0x20];
	v14 =	vbroadcast v9, $0x0  }
0x280: {  	v7 =	vld [tilespmem:s18+$0x30]  }
0x281: {  	[tilespmem:s18+$0xFFFFFFC0] =	vst v11;
	v11 =	vld [tilespmem:s18+$0x40];
	(erf) = vrcp.f32 v14;
	_ =	sdelay $0x1  }
0x282: {  	v8 =	vmul.f32 v12, v13;
	v13 =	vld [tilespmem:s18+$0x50];
	[tilespmem:s18+$0xFFFFFFF0] =	vst v5;
	v5 =	vmul.f32 v12, v15  }
0x283: {  	s20 =	simm.s32 $0x4C80;
	[tilespmem:s18+$0xFFFFFFE0] =	vst v6;
	v15 =	vld [tilespmem:s18+$0x60]  }
0x284: {  	v10 =	vmul.f32 v10, v12;
	v6 =	vld [tilespmem:s20+$0x70];
	[tilespmem:s18+$0x10] =	vst v5;
	v5 =	vmul.f32 v7, v12  }
0x285: {  	v16 =	vmul.f32 v11, v12;
	[tilespmem:s18+$0x0] =	vst v8;
	v8 =	vld [tilespmem:s20+$0xFFFFFF80]  }
0x286: {  	[tilespmem:s18+$0x20] =	vst v10;
	v9 =	vld [tilespmem:s20+$0xFFFFFF90]  }
0x287: {  	v10 =	vld [tilespmem:s20+$0xFFFFFFA0];
	[tilespmem:s18+$0x40] =	vst v16;
	v11 =	vmul.f32 v13, v12  }
0x288: {  	s22 =	simm.s32 $0x8F05;
	s10 =	simm.s32 $0x2;
	v7 =	vld [tilespmem:s20+$0xFFFFFFB0];
	[tilespmem:s18+$0x30] =	vst v5;
	v12 =	vmul.f32 v15, v12;
	v5 =	vpop (erf)  }
.LBB2_18:
0x289: {  	v13 =	vld [tilespmem:s22+$0x0];
	s10 =	sadd.s32 $0x2, s10;
	v6 =	vmul.f32 v6, v5;
	v14 =	vpop (erf);
	[tilespmem:s18+$0x50] =	vst v11  }
0x28a: {  	v11 =	vld [tilespmem:s22+$0xFFFFFFFF];
	p1 =	slt.u32 s10, $0x3E;
	v8 =	vmul.f32 v14, v8;
	[tilespmem:s18+$0x60] =	vst v12;
	s18 =	smov.u32 s20  }
0x28b: {  	v9 =	vmul.f32 v14, v9;
	v12 =	vld [tilespmem:s20+$0xFFFFFFC0];
	[tilespmem:s20+$0x70] =	vst v6  }
0x28c: {  	[tilespmem:s20+$0xFFFFFF80] =	vst v8;
	v6 =	vmul.f32 v10, v14;
	v8 =	vld [tilespmem:s20+$0xFFFFFFD0]  }
0x28d: {  	[tilespmem:s20+$0xFFFFFF90] =	vst v9;
	v7 =	vmul.f32 v7, v14;
	v9 =	vld [tilespmem:s20+$0xFFFFFFE0]  }
0x28e: {  	v10 =	vmax.f32 v13, $1.000000000e+00;
	[tilespmem:s20+$0xFFFFFFA0] =	vst v6;
	v6 =	vld [tilespmem:s20+$0xFFFFFFF0]  }
0x28f: {  	v11 =	vmax.f32 v11, $1.000000000e+00;
	v10 =	vbroadcast v10, $0x0;
	[tilespmem:s20+$0xFFFFFFB0] =	vst v7;
	v7 =	vld [tilespmem:s20+$0x0]  }
0x290: {  	v11 =	vbroadcast v11, $0x0;
	v12 =	vmul.f32 v12, v14;
	v13 =	vld [tilespmem:s20+$0x10]  }
0x291: {  	(erf) = vrcp.f32 v10;
	v8 =	vmul.f32 v8, v14;
	v10 =	vld [tilespmem:s20+$0x20]  }
0x292: {  	(erf) = vrcp.f32 v11;
	[tilespmem:s20+$0xFFFFFFC0] =	vst v12;
	v9 =	vmul.f32 v9, v14;
	v11 =	vld [tilespmem:s20+$0x30]  }
0x293: {  	[tilespmem:s20+$0xFFFFFFD0] =	vst v8;
	v6 =	vmul.f32 v6, v14;
	v12 =	vld [tilespmem:s20+$0x40]  }
0x294: {  	[tilespmem:s20+$0xFFFFFFE0] =	vst v9;
	v7 =	vmul.f32 v5, v7;
	v14 =	vld [tilespmem:s20+$0x50]  }
0x295: {  	s20 =	sadd.s32 $0x100, s20;
	[tilespmem:s18+$0xFFFFFFF0] =	vst v6;
	v9 =	vmul.f32 v5, v13;
	v13 =	vld [tilespmem:s18+$0x60]  }
.Ltmp9:
0x296: {  	v6 =	vld [tilespmem:s20+$0x70];
	[tilespmem:s18+$0x0] =	vst v7;
	v7 =	vmul.f32 v10, v5;
	(pc) =	sbr.rel @p1 .LBB2_18-.Ltmp9, $4  }
0x297: {  	v8 =	vld [tilespmem:s20+$0xFFFFFF80];
	[tilespmem:s18+$0x10] =	vst v9;
	v11 =	vmul.f32 v11, v5  }
0x298: {  	v9 =	vld [tilespmem:s20+$0xFFFFFF90];
	[tilespmem:s18+$0x20] =	vst v7;
	v12 =	vmul.f32 v12, v5  }
0x299: {  	v10 =	vld [tilespmem:s20+$0xFFFFFFA0];
	[tilespmem:s18+$0x30] =	vst v11;
	v11 =	vmul.f32 v14, v5  }
0x29a: {  	s22 =	sadd.s32 $0x2, s22;
	v7 =	vld [tilespmem:s20+$0xFFFFFFB0];
	[tilespmem:s18+$0x40] =	vst v12;
	v12 =	vmul.f32 v13, v5;
	v5 =	vpop (erf)  }
0x29b: {  	v13 =	vpop (erf)  }
0x29c: {  	v14 =	vld [tilespmem:s20+$0xFFFFFFC0];
	[tilespmem:s18+$0x50] =	vst v11;
	v8 =	vmul.f32 v13, v8  }
0x29d: {  	v6 =	vmul.f32 v6, v5;
	[tilespmem:s18+$0x60] =	vst v12  }
0x29e: {  	v9 =	vmul.f32 v13, v9;
	[tilespmem:s20+$0xFFFFFF80] =	vst v8;
	v8 =	vld [tilespmem:s20+$0xFFFFFFD0]  }
0x29f: {  	[tilespmem:s20+$0x70] =	vst v6;
	v6 =	vld [tilespmem:s20+$0xFFFFFFF0];
	v10 =	vmul.f32 v10, v13  }
0x2a0: {  	[tilespmem:s20+$0xFFFFFF90] =	vst v9;
	v9 =	vld [tilespmem:s20+$0xFFFFFFE0];
	v7 =	vmul.f32 v7, v13  }
0x2a1: {  	v12 =	vld [tilespmem:s20+$0x10];
	[tilespmem:s20+$0xFFFFFFA0] =	vst v10;
	v11 =	vmul.f32 v14, v13  }
0x2a2: {  	v10 =	vld [tilespmem:s20+$0x0];
	[tilespmem:s20+$0xFFFFFFB0] =	vst v7  }
0x2a3: {  	[tilespmem:s20+$0xFFFFFFC0] =	vst v11;
	v11 =	vld [tilespmem:s20+$0x30];
	v7 =	vmul.f32 v8, v13  }
0x2a4: {  	v6 =	vmul.f32 v6, v13;
	v8 =	vld [tilespmem:s20+$0x20]  }
0x2a5: {  	v9 =	vmul.f32 v9, v13;
	[tilespmem:s20+$0xFFFFFFD0] =	vst v7;
	v7 =	vld [tilespmem:s20+$0x40]  }
0x2a6: {  	[tilespmem:s20+$0xFFFFFFF0] =	vst v6;
	v6 =	vmul.f32 v5, v12  }
0x2a7: {  	[tilespmem:s20+$0xFFFFFFE0] =	vst v9;
	v9 =	vmul.f32 v5, v10  }
0x2a8: {  	[tilespmem:s20+$0x10] =	vst v6;
	v6 =	vmul.f32 v11, v5  }
0x2a9: {  	[tilespmem:s20+$0x0] =	vst v9;
	v8 =	vmul.f32 v8, v5  }
0x2aa: {  	v10 =	vld [tilespmem:s20+$0x50];
	[tilespmem:s20+$0x30] =	vst v6;
	v7 =	vmul.f32 v7, v5  }
0x2ab: {  	v12 =	vld [tilespmem:s20+$0x60];
	[tilespmem:s20+$0x20] =	vst v8  }
0x2ac: {  	[tilespmem:s20+$0x40] =	vst v7  }
0x2ad: {  	s10 =	sld [smem:$0x7F2];
	_ =	sdelay $0x1  }
0x2ae: {  	v6 =	vmul.f32 v10, v5;
	s7 =	rddreg [dreg:$0x8]  }
0x2af: {  	v5 =	vmul.f32 v12, v5;
	s7 =	sadd.s32 s7, s10  }
0x2b0: {  	s29 =	rddreg [dreg:$0x3];
	[tilespmem:s20+$0x50] =	vst v6;
	s16 =	sshll.u32 s7, $0x4  }
0x2b1: {  	s12 =	simm.s32 $0x0;
	[tilespmem:s20+$0x60] =	vst v5;
	s7 =	sadd.s32 s29, s16  }
0x2b2: {  	[hbm4b:s7+s12] =	stream.linear.scatter [tilespmem:s15], [sflag:$0x5], $0x2000, $0x38;
	[tilespmem:$0x1E508] =	vst v63  }
0x2b3: {  	_ =	swait.ge [sflag:s19], $0x2000  }
0x2b4: {  	[sflag:s19] =	ssyncset.done $0x0  }
0x2b5: {  	s25 =	rddreg [dreg:$0xd];
	[sflag:s19] =	ssyncadd.s32 $0xFFFFE000  }
0x2b6: {  	[tilespmem:s15], [sflag:$0x1] =	stream.linear.gather [spmem:s25], $0x2000, $0x38;
	[tilespmem:$0x1E508] =	vst v63  }
0x2b7: {  	_ =	swait.ge [sflag:s4], $0x2000  }
0x2b8: {  	[sflag:s4] =	ssyncset.done $0x0  }
0x2b9: {  	s30 =	simm.s32 $0x8F41;
	[sflag:s4] =	ssyncadd.s32 $0xFFFFE000  }
0x2ba: {  	v5 =	vld [tilespmem:s30+$0x0]  }
0x2bb: {  	v6 =	vld [tilespmem:s30+$0xFFFFFFFF];
	_ =	sdelay $0x3  }
0x2bc: {  	v5 =	vmax.f32 v5, $1.000000000e+00  }
0x2bd: {  	v6 =	vmax.f32 v6, $1.000000000e+00;
	v5 =	vbroadcast v5, $0x0  }
0x2be: {  	v6 =	vbroadcast v6, $0x0  }
0x2bf: {  	(erf) = vrcp.f32 v5  }
0x2c0: {  	(erf) = vrcp.f32 v6;
	_ =	sdelay $0x2  }
0x2c1: {  	s18 =	simm.s32 $0x6B80  }
0x2c2: {  	v7 =	vld [tilespmem:s18+$0x70]  }
0x2c3: {  	v5 =	vld [tilespmem:s18+$0xFFFFFF80]  }
0x2c4: {  	v6 =	vld [tilespmem:s18+$0xFFFFFF90]  }
0x2c5: {  	v8 =	vld [tilespmem:s18+$0xFFFFFFA0]  }
0x2c6: {  	v10 =	vld [tilespmem:s18+$0xFFFFFFB0];
	v12 =	vpop (erf)  }
0x2c7: {  	s31 =	simm.s32 $0x8F43;
	v11 =	vld [tilespmem:s18+$0xFFFFFFC0];
	v9 =	vpop (erf)  }
0x2c8: {  	v13 =	vld [tilespmem:s31+$0x0];
	v5 =	vmul.f32 v9, v5  }
0x2c9: {  	v14 =	vld [tilespmem:s31+$0xFFFFFFFF];
	v6 =	vmul.f32 v9, v6  }
0x2ca: {  	v8 =	vmul.f32 v8, v9;
	[tilespmem:s18+$0xFFFFFF80] =	vst v5;
	v5 =	vld [tilespmem:s18+$0xFFFFFFD0]  }
0x2cb: {  	[tilespmem:s18+$0xFFFFFF90] =	vst v6;
	v6 =	vmul.f32 v7, v12;
	v7 =	vld [tilespmem:s18+$0xFFFFFFE0]  }
0x2cc: {  	[tilespmem:s18+$0xFFFFFFA0] =	vst v8;
	v8 =	vld [tilespmem:s18+$0xFFFFFFF0]  }
0x2cd: {  	[tilespmem:s18+$0x70] =	vst v6;
	v6 =	vmax.f32 v13, $1.000000000e+00  }
0x2ce: {  	v10 =	vmul.f32 v10, v9;
	v6 =	vbroadcast v6, $0x0  }
0x2cf: {  	v15 =	vld [tilespmem:s18+$0x10];
	v5 =	vmul.f32 v5, v9  }
0x2d0: {  	v11 =	vmul.f32 v11, v9;
	[tilespmem:s18+$0xFFFFFFB0] =	vst v10;
	v10 =	vld [tilespmem:s18+$0x20];
	(erf) = vrcp.f32 v6  }
0x2d1: {  	v13 =	vld [tilespmem:s18+$0x0];
	v6 =	vmul.f32 v7, v9;
	[tilespmem:s18+$0xFFFFFFD0] =	vst v5;
	v5 =	vmul.f32 v8, v9;
	v9 =	vmax.f32 v14, $1.000000000e+00  }
0x2d2: {  	[tilespmem:s18+$0xFFFFFFC0] =	vst v11;
	v11 =	vld [tilespmem:s18+$0x40];
	v14 =	vbroadcast v9, $0x0  }
0x2d3: {  	v7 =	vld [tilespmem:s18+$0x30]  }
0x2d4: {  	(erf) = vrcp.f32 v14  }
0x2d5: {  	v10 =	vmul.f32 v10, v12;
	[tilespmem:s18+$0xFFFFFFE0] =	vst v6  }
0x2d6: {  	v8 =	vmul.f32 v12, v13;
	v13 =	vld [tilespmem:s18+$0x50];
	[tilespmem:s18+$0xFFFFFFF0] =	vst v5;
	v5 =	vmul.f32 v12, v15  }
0x2d7: {  	s20 =	simm.s32 $0x6C80;
	[tilespmem:s18+$0x20] =	vst v10;
	v15 =	vld [tilespmem:s18+$0x60]  }
0x2d8: {  	v16 =	vmul.f32 v11, v12;
	v6 =	vld [tilespmem:s20+$0x70];
	[tilespmem:s18+$0x10] =	vst v5;
	v5 =	vmul.f32 v7, v12  }
0x2d9: {  	[tilespmem:s18+$0x0] =	vst v8;
	v8 =	vld [tilespmem:s20+$0xFFFFFF80]  }
0x2da: {  	[tilespmem:s18+$0x40] =	vst v16;
	v9 =	vld [tilespmem:s20+$0xFFFFFF90]  }
0x2db: {  	v10 =	vld [tilespmem:s20+$0xFFFFFFA0];
	v11 =	vmul.f32 v13, v12;
	[tilespmem:s18+$0x30] =	vst v5  }
0x2dc: {  	s22 =	simm.s32 $0x8F45;
	s10 =	simm.s32 $0x2;
	v7 =	vld [tilespmem:s20+$0xFFFFFFB0];
	v12 =	vmul.f32 v15, v12;
	s26 =	rddreg [dreg:$0xf];
	v5 =	vpop (erf)  }
.LBB2_20:
0x2dd: {  	v13 =	vld [tilespmem:s22+$0x0];
	s10 =	sadd.s32 $0x2, s10;
	v6 =	vmul.f32 v6, v5;
	v14 =	vpop (erf);
	[tilespmem:s18+$0x50] =	vst v11  }
0x2de: {  	v11 =	vld [tilespmem:s22+$0xFFFFFFFF];
	p1 =	slt.u32 s10, $0x3E;
	v8 =	vmul.f32 v14, v8;
	[tilespmem:s18+$0x60] =	vst v12;
	s18 =	smov.u32 s20  }
0x2df: {  	v9 =	vmul.f32 v14, v9;
	v12 =	vld [tilespmem:s20+$0xFFFFFFC0];
	[tilespmem:s20+$0x70] =	vst v6  }
0x2e0: {  	[tilespmem:s20+$0xFFFFFF80] =	vst v8;
	v6 =	vmul.f32 v10, v14;
	v8 =	vld [tilespmem:s20+$0xFFFFFFD0]  }
0x2e1: {  	[tilespmem:s20+$0xFFFFFF90] =	vst v9;
	v7 =	vmul.f32 v7, v14;
	v9 =	vld [tilespmem:s20+$0xFFFFFFE0]  }
0x2e2: {  	v10 =	vmax.f32 v13, $1.000000000e+00;
	[tilespmem:s20+$0xFFFFFFA0] =	vst v6;
	v6 =	vld [tilespmem:s20+$0xFFFFFFF0]  }
0x2e3: {  	v11 =	vmax.f32 v11, $1.000000000e+00;
	v10 =	vbroadcast v10, $0x0;
	[tilespmem:s20+$0xFFFFFFB0] =	vst v7;
	v7 =	vld [tilespmem:s20+$0x0]  }
0x2e4: {  	v11 =	vbroadcast v11, $0x0;
	v12 =	vmul.f32 v12, v14;
	v13 =	vld [tilespmem:s20+$0x10]  }
0x2e5: {  	(erf) = vrcp.f32 v10;
	v8 =	vmul.f32 v8, v14;
	v10 =	vld [tilespmem:s20+$0x20]  }
0x2e6: {  	(erf) = vrcp.f32 v11;
	[tilespmem:s20+$0xFFFFFFC0] =	vst v12;
	v9 =	vmul.f32 v9, v14;
	v11 =	vld [tilespmem:s20+$0x30]  }
0x2e7: {  	[tilespmem:s20+$0xFFFFFFD0] =	vst v8;
	v6 =	vmul.f32 v6, v14;
	v12 =	vld [tilespmem:s20+$0x40]  }
0x2e8: {  	[tilespmem:s20+$0xFFFFFFE0] =	vst v9;
	v7 =	vmul.f32 v5, v7;
	v14 =	vld [tilespmem:s20+$0x50]  }
0x2e9: {  	s20 =	sadd.s32 $0x100, s20;
	[tilespmem:s18+$0xFFFFFFF0] =	vst v6;
	v9 =	vmul.f32 v5, v13;
	v13 =	vld [tilespmem:s18+$0x60]  }
.Ltmp10:
0x2ea: {  	v6 =	vld [tilespmem:s20+$0x70];
	[tilespmem:s18+$0x0] =	vst v7;
	v7 =	vmul.f32 v10, v5;
	(pc) =	sbr.rel @p1 .LBB2_20-.Ltmp10, $4  }
0x2eb: {  	v8 =	vld [tilespmem:s20+$0xFFFFFF80];
	[tilespmem:s18+$0x10] =	vst v9;
	v11 =	vmul.f32 v11, v5  }
0x2ec: {  	v9 =	vld [tilespmem:s20+$0xFFFFFF90];
	[tilespmem:s18+$0x20] =	vst v7;
	v12 =	vmul.f32 v12, v5  }
0x2ed: {  	v10 =	vld [tilespmem:s20+$0xFFFFFFA0];
	[tilespmem:s18+$0x30] =	vst v11;
	v11 =	vmul.f32 v14, v5  }
0x2ee: {  	s22 =	sadd.s32 $0x2, s22;
	v7 =	vld [tilespmem:s20+$0xFFFFFFB0];
	[tilespmem:s18+$0x40] =	vst v12;
	v12 =	vmul.f32 v13, v5;
	v5 =	vpop (erf)  }
0x2ef: {  	v13 =	vpop (erf);
	v6 =	vmul.f32 v6, v5  }
0x2f0: {  	v14 =	vld [tilespmem:s20+$0xFFFFFFC0];
	[tilespmem:s18+$0x50] =	vst v11;
	v8 =	vmul.f32 v13, v8  }
0x2f1: {  	v9 =	vmul.f32 v13, v9;
	[tilespmem:s20+$0x70] =	vst v6;
	v6 =	vld [tilespmem:s20+$0xFFFFFFF0]  }
0x2f2: {  	[tilespmem:s20+$0xFFFFFF80] =	vst v8;
	v8 =	vld [tilespmem:s20+$0xFFFFFFD0]  }
0x2f3: {  	v10 =	vmul.f32 v10, v13;
	[tilespmem:s20+$0xFFFFFF90] =	vst v9;
	v9 =	vld [tilespmem:s20+$0xFFFFFFE0]  }
0x2f4: {  	[tilespmem:s18+$0x60] =	vst v12;
	v12 =	vld [tilespmem:s20+$0x10];
	v7 =	vmul.f32 v7, v13  }
0x2f5: {  	[tilespmem:s20+$0xFFFFFFA0] =	vst v10;
	v10 =	vld [tilespmem:s20+$0x0];
	v11 =	vmul.f32 v14, v13  }
0x2f6: {  	[tilespmem:s20+$0xFFFFFFB0] =	vst v7;
	v6 =	vmul.f32 v6, v13  }
0x2f7: {  	[tilespmem:s20+$0xFFFFFFC0] =	vst v11;
	v11 =	vld [tilespmem:s20+$0x30];
	v7 =	vmul.f32 v8, v13  }
0x2f8: {  	v8 =	vld [tilespmem:s20+$0x20];
	v9 =	vmul.f32 v9, v13;
	[tilespmem:s20+$0xFFFFFFF0] =	vst v6  }
0x2f9: {  	[tilespmem:s20+$0xFFFFFFD0] =	vst v7;
	v7 =	vld [tilespmem:s20+$0x40]  }
0x2fa: {  	v6 =	vmul.f32 v5, v12;
	[tilespmem:s20+$0xFFFFFFE0] =	vst v9;
	v9 =	vmul.f32 v5, v10;
	v10 =	vld [tilespmem:s20+$0x50]  }
0x2fb: {  	v12 =	vld [tilespmem:s20+$0x60]  }
0x2fc: {  	[tilespmem:s20+$0x10] =	vst v6;
	v6 =	vmul.f32 v11, v5  }
0x2fd: {  	[tilespmem:s20+$0x0] =	vst v9;
	v8 =	vmul.f32 v8, v5  }
0x2fe: {  	[tilespmem:s20+$0x30] =	vst v6;
	v7 =	vmul.f32 v7, v5  }
0x2ff: {  	[tilespmem:s20+$0x20] =	vst v8;
	v6 =	vmul.f32 v10, v5  }
0x300: {  	v5 =	vmul.f32 v12, v5;
	[tilespmem:s20+$0x40] =	vst v7  }
0x301: {  	[tilespmem:s20+$0x50] =	vst v6  }
0x302: {  	[tilespmem:s20+$0x60] =	vst v5  }
0x303: {  	s7 =	sld [smem:$0x7F5];
	_ =	sdelay $0x2  }
0x304: {  	s10 =	simm.s32 $0x6B00;
	s7 =	sadd.s32 s16, s7  }
0x305: {  	[hbm4b:s7+s12] =	stream.linear.scatter [tilespmem:s10], [sflag:$0x5], $0x2000, $0x38;
	[tilespmem:$0x1E508] =	vst v63  }
0x306: {  	_ =	swait.ge [sflag:s19], $0x2000  }
0x307: {  	[sflag:s19] =	ssyncset.done $0x0  }
0x308: {  	[sflag:s19] =	ssyncadd.s32 $0xFFFFE000  }
0x309: {  	[tilespmem:s10], [sflag:$0x2] =	stream.linear.gather [spmem:s26], $0x2000, $0x38;
	[tilespmem:$0x1E508] =	vst v63  }
0x30a: {  	_ =	swait.ge [sflag:s1], $0x2000  }
0x30b: {  	[sflag:s1] =	ssyncset.done $0x0  }
0x30c: {  	s28 =	simm.s32 $0x8F81;
	[sflag:s1] =	ssyncadd.s32 $0xFFFFE000  }
0x30d: {  	v5 =	vld [tilespmem:s28+$0x0]  }
0x30e: {  	v6 =	vld [tilespmem:s28+$0xFFFFFFFF];
	_ =	sdelay $0x3  }
0x30f: {  	v5 =	vmax.f32 v5, $1.000000000e+00  }
0x310: {  	v6 =	vmax.f32 v6, $1.000000000e+00;
	v5 =	vbroadcast v5, $0x0  }
0x311: {  	v6 =	vbroadcast v6, $0x0  }
0x312: {  	(erf) = vrcp.f32 v5  }
0x313: {  	(erf) = vrcp.f32 v6;
	_ =	sdelay $0x2  }
0x314: {  	s18 =	simm.s32 $0x4B80  }
0x315: {  	v7 =	vld [tilespmem:s18+$0x70]  }
0x316: {  	v5 =	vld [tilespmem:s18+$0xFFFFFF80]  }
0x317: {  	v6 =	vld [tilespmem:s18+$0xFFFFFF90]  }
0x318: {  	v8 =	vld [tilespmem:s18+$0xFFFFFFA0]  }
0x319: {  	v10 =	vld [tilespmem:s18+$0xFFFFFFB0];
	v12 =	vpop (erf)  }
0x31a: {  	s31 =	simm.s32 $0x8F83;
	v11 =	vld [tilespmem:s18+$0xFFFFFFC0];
	v9 =	vpop (erf)  }
0x31b: {  	v13 =	vld [tilespmem:s31+$0x0];
	v5 =	vmul.f32 v9, v5  }
0x31c: {  	v14 =	vld [tilespmem:s31+$0xFFFFFFFF];
	v6 =	vmul.f32 v9, v6  }
0x31d: {  	v8 =	vmul.f32 v8, v9;
	[tilespmem:s18+$0xFFFFFF80] =	vst v5;
	v5 =	vld [tilespmem:s18+$0xFFFFFFD0]  }
0x31e: {  	[tilespmem:s18+$0xFFFFFF90] =	vst v6;
	v6 =	vmul.f32 v7, v12;
	v7 =	vld [tilespmem:s18+$0xFFFFFFE0]  }
0x31f: {  	v10 =	vmul.f32 v10, v9;
	[tilespmem:s18+$0xFFFFFFA0] =	vst v8;
	v8 =	vld [tilespmem:s18+$0xFFFFFFF0]  }
0x320: {  	[tilespmem:s18+$0x70] =	vst v6;
	v6 =	vmax.f32 v13, $1.000000000e+00  }
0x321: {  	v11 =	vmul.f32 v11, v9;
	[tilespmem:s18+$0xFFFFFFB0] =	vst v10;
	v10 =	vld [tilespmem:s18+$0x20];
	v6 =	vbroadcast v6, $0x0  }
0x322: {  	v15 =	vld [tilespmem:s18+$0x10];
	v5 =	vmul.f32 v5, v9  }
0x323: {  	[tilespmem:s18+$0xFFFFFFC0] =	vst v11;
	v11 =	vld [tilespmem:s18+$0x40];
	(erf) = vrcp.f32 v6  }
0x324: {  	v13 =	vld [tilespmem:s18+$0x0];
	v6 =	vmul.f32 v7, v9;
	[tilespmem:s18+$0xFFFFFFD0] =	vst v5;
	v5 =	vmul.f32 v8, v9;
	v9 =	vmax.f32 v14, $1.000000000e+00  }
0x325: {  	v14 =	vbroadcast v9, $0x0  }
0x326: {  	v7 =	vld [tilespmem:s18+$0x30];
	v10 =	vmul.f32 v10, v12  }
0x327: {  	[tilespmem:s18+$0xFFFFFFE0] =	vst v6;
	(erf) = vrcp.f32 v14  }
0x328: {  	v16 =	vmul.f32 v11, v12;
	[tilespmem:s18+$0x20] =	vst v10  }
0x329: {  	v8 =	vmul.f32 v12, v13;
	v13 =	vld [tilespmem:s18+$0x50];
	[tilespmem:s18+$0xFFFFFFF0] =	vst v5;
	v5 =	vmul.f32 v12, v15  }
0x32a: {  	s20 =	simm.s32 $0x4C80;
	[tilespmem:s18+$0x40] =	vst v16;
	v15 =	vld [tilespmem:s18+$0x60]  }
0x32b: {  	v6 =	vld [tilespmem:s20+$0x70];
	[tilespmem:s18+$0x10] =	vst v5;
	v5 =	vmul.f32 v7, v12  }
0x32c: {  	[tilespmem:s18+$0x0] =	vst v8;
	v8 =	vld [tilespmem:s20+$0xFFFFFF80]  }
0x32d: {  	v9 =	vld [tilespmem:s20+$0xFFFFFF90];
	[tilespmem:s18+$0x30] =	vst v5  }
0x32e: {  	v10 =	vld [tilespmem:s20+$0xFFFFFFA0];
	v11 =	vmul.f32 v13, v12;
	s29 =	rddreg [dreg:$0x11]  }
0x32f: {  	s22 =	simm.s32 $0x8F85;
	s10 =	simm.s32 $0x2;
	v7 =	vld [tilespmem:s20+$0xFFFFFFB0];
	v12 =	vmul.f32 v15, v12;
	s30 =	rddreg [dreg:$0x13];
	v5 =	vpop (erf)  }
.LBB2_22:
0x330: {  	v13 =	vld [tilespmem:s22+$0x0];
	s10 =	sadd.s32 $0x2, s10;
	v6 =	vmul.f32 v6, v5;
	v14 =	vpop (erf);
	[tilespmem:s18+$0x50] =	vst v11  }
0x331: {  	v11 =	vld [tilespmem:s22+$0xFFFFFFFF];
	p1 =	slt.u32 s10, $0x3E;
	v8 =	vmul.f32 v14, v8;
	[tilespmem:s18+$0x60] =	vst v12;
	s18 =	smov.u32 s20  }
0x332: {  	v9 =	vmul.f32 v14, v9;
	v12 =	vld [tilespmem:s20+$0xFFFFFFC0];
	[tilespmem:s20+$0x70] =	vst v6  }
0x333: {  	[tilespmem:s20+$0xFFFFFF80] =	vst v8;
	v6 =	vmul.f32 v10, v14;
	v8 =	vld [tilespmem:s20+$0xFFFFFFD0]  }
0x334: {  	[tilespmem:s20+$0xFFFFFF90] =	vst v9;
	v7 =	vmul.f32 v7, v14;
	v9 =	vld [tilespmem:s20+$0xFFFFFFE0]  }
0x335: {  	v10 =	vmax.f32 v13, $1.000000000e+00;
	[tilespmem:s20+$0xFFFFFFA0] =	vst v6;
	v6 =	vld [tilespmem:s20+$0xFFFFFFF0]  }
0x336: {  	v11 =	vmax.f32 v11, $1.000000000e+00;
	v10 =	vbroadcast v10, $0x0;
	[tilespmem:s20+$0xFFFFFFB0] =	vst v7;
	v7 =	vld [tilespmem:s20+$0x0]  }
0x337: {  	v11 =	vbroadcast v11, $0x0;
	v12 =	vmul.f32 v12, v14;
	v13 =	vld [tilespmem:s20+$0x10]  }
0x338: {  	(erf) = vrcp.f32 v10;
	v8 =	vmul.f32 v8, v14;
	v10 =	vld [tilespmem:s20+$0x20]  }
0x339: {  	(erf) = vrcp.f32 v11;
	[tilespmem:s20+$0xFFFFFFC0] =	vst v12;
	v9 =	vmul.f32 v9, v14;
	v11 =	vld [tilespmem:s20+$0x30]  }
0x33a: {  	[tilespmem:s20+$0xFFFFFFD0] =	vst v8;
	v6 =	vmul.f32 v6, v14;
	v12 =	vld [tilespmem:s20+$0x40]  }
0x33b: {  	[tilespmem:s20+$0xFFFFFFE0] =	vst v9;
	v7 =	vmul.f32 v5, v7;
	v14 =	vld [tilespmem:s20+$0x50]  }
0x33c: {  	s20 =	sadd.s32 $0x100, s20;
	[tilespmem:s18+$0xFFFFFFF0] =	vst v6;
	v9 =	vmul.f32 v5, v13;
	v13 =	vld [tilespmem:s18+$0x60]  }
.Ltmp11:
0x33d: {  	v6 =	vld [tilespmem:s20+$0x70];
	[tilespmem:s18+$0x0] =	vst v7;
	v7 =	vmul.f32 v10, v5;
	(pc) =	sbr.rel @p1 .LBB2_22-.Ltmp11, $4  }
0x33e: {  	v8 =	vld [tilespmem:s20+$0xFFFFFF80];
	[tilespmem:s18+$0x10] =	vst v9;
	v11 =	vmul.f32 v11, v5  }
0x33f: {  	v9 =	vld [tilespmem:s20+$0xFFFFFF90];
	[tilespmem:s18+$0x20] =	vst v7;
	v12 =	vmul.f32 v12, v5  }
0x340: {  	v10 =	vld [tilespmem:s20+$0xFFFFFFA0];
	[tilespmem:s18+$0x30] =	vst v11;
	v11 =	vmul.f32 v14, v5  }
0x341: {  	s22 =	sadd.s32 $0x2, s22;
	v7 =	vld [tilespmem:s20+$0xFFFFFFB0];
	[tilespmem:s18+$0x40] =	vst v12;
	v12 =	vmul.f32 v13, v5;
	v5 =	vpop (erf)  }
0x342: {  	v13 =	vpop (erf);
	v6 =	vmul.f32 v6, v5  }
0x343: {  	v14 =	vld [tilespmem:s20+$0xFFFFFFC0];
	[tilespmem:s18+$0x50] =	vst v11;
	v8 =	vmul.f32 v13, v8  }
0x344: {  	v9 =	vmul.f32 v13, v9;
	[tilespmem:s20+$0x70] =	vst v6;
	v6 =	vld [tilespmem:s20+$0xFFFFFFF0]  }
0x345: {  	[tilespmem:s20+$0xFFFFFF80] =	vst v8;
	v8 =	vld [tilespmem:s20+$0xFFFFFFD0]  }
0x346: {  	v10 =	vmul.f32 v10, v13;
	[tilespmem:s20+$0xFFFFFF90] =	vst v9;
	v9 =	vld [tilespmem:s20+$0xFFFFFFE0]  }
0x347: {  	[tilespmem:s18+$0x60] =	vst v12;
	v12 =	vld [tilespmem:s20+$0x10];
	v7 =	vmul.f32 v7, v13  }
0x348: {  	[tilespmem:s20+$0xFFFFFFA0] =	vst v10;
	v10 =	vld [tilespmem:s20+$0x0];
	v11 =	vmul.f32 v14, v13  }
0x349: {  	[tilespmem:s20+$0xFFFFFFB0] =	vst v7;
	v6 =	vmul.f32 v6, v13  }
0x34a: {  	[tilespmem:s20+$0xFFFFFFC0] =	vst v11;
	v11 =	vld [tilespmem:s20+$0x30];
	v7 =	vmul.f32 v8, v13  }
0x34b: {  	v8 =	vld [tilespmem:s20+$0x20];
	v9 =	vmul.f32 v9, v13;
	[tilespmem:s20+$0xFFFFFFF0] =	vst v6  }
0x34c: {  	[tilespmem:s20+$0xFFFFFFD0] =	vst v7;
	v7 =	vld [tilespmem:s20+$0x40]  }
0x34d: {  	v6 =	vmul.f32 v5, v12;
	[tilespmem:s20+$0xFFFFFFE0] =	vst v9;
	v9 =	vmul.f32 v5, v10;
	v10 =	vld [tilespmem:s20+$0x50]  }
0x34e: {  	v12 =	vld [tilespmem:s20+$0x60]  }
0x34f: {  	[tilespmem:s20+$0x10] =	vst v6;
	v6 =	vmul.f32 v11, v5  }
0x350: {  	[tilespmem:s20+$0x0] =	vst v9;
	v8 =	vmul.f32 v8, v5  }
0x351: {  	[tilespmem:s20+$0x30] =	vst v6;
	v7 =	vmul.f32 v7, v5  }
0x352: {  	[tilespmem:s20+$0x20] =	vst v8;
	v6 =	vmul.f32 v10, v5  }
0x353: {  	v5 =	vmul.f32 v12, v5;
	[tilespmem:s20+$0x40] =	vst v7  }
0x354: {  	[tilespmem:s20+$0x50] =	vst v6  }
0x355: {  	[tilespmem:s20+$0x60] =	vst v5  }
0x356: {  	s7 =	sld [smem:$0x7F6];
	_ =	sdelay $0x2  }
0x357: {  	s7 =	sadd.s32 s16, s7  }
0x358: {  	[hbm4b:s7+s12] =	stream.linear.scatter [tilespmem:s15], [sflag:$0x5], $0x2000, $0x38;
	[tilespmem:$0x1E508] =	vst v63  }
0x359: {  	_ =	swait.ge [sflag:s19], $0x2000  }
0x35a: {  	[sflag:s19] =	ssyncset.done $0x0  }
0x35b: {  	[sflag:s19] =	ssyncadd.s32 $0xFFFFE000  }
0x35c: {  	[tilespmem:s15], [sflag:$0x1] =	stream.linear.gather [spmem:s29], $0x2000, $0x38;
	[tilespmem:$0x1E508] =	vst v63  }
0x35d: {  	_ =	swait.ge [sflag:s4], $0x2000  }
0x35e: {  	[sflag:s4] =	ssyncset.done $0x0  }
0x35f: {  	s22 =	simm.s32 $0x8FC1;
	[sflag:s4] =	ssyncadd.s32 $0xFFFFE000  }
0x360: {  	v5 =	vld [tilespmem:s22+$0x0]  }
0x361: {  	v6 =	vld [tilespmem:s22+$0xFFFFFFFF];
	_ =	sdelay $0x3  }
0x362: {  	v5 =	vmax.f32 v5, $1.000000000e+00  }
0x363: {  	v6 =	vmax.f32 v6, $1.000000000e+00;
	v5 =	vbroadcast v5, $0x0  }
0x364: {  	v6 =	vbroadcast v6, $0x0  }
0x365: {  	(erf) = vrcp.f32 v5  }
0x366: {  	(erf) = vrcp.f32 v6;
	_ =	sdelay $0x2  }
0x367: {  	s18 =	simm.s32 $0x6B80  }
0x368: {  	v7 =	vld [tilespmem:s18+$0x70]  }
0x369: {  	v5 =	vld [tilespmem:s18+$0xFFFFFF80]  }
0x36a: {  	v6 =	vld [tilespmem:s18+$0xFFFFFF90]  }
0x36b: {  	v8 =	vld [tilespmem:s18+$0xFFFFFFA0]  }
0x36c: {  	v10 =	vld [tilespmem:s18+$0xFFFFFFB0];
	v12 =	vpop (erf)  }
0x36d: {  	s28 =	simm.s32 $0x8FC3;
	v11 =	vld [tilespmem:s18+$0xFFFFFFC0];
	v9 =	vpop (erf)  }
0x36e: {  	v13 =	vld [tilespmem:s28+$0x0];
	v5 =	vmul.f32 v9, v5  }
0x36f: {  	v14 =	vld [tilespmem:s28+$0xFFFFFFFF];
	v6 =	vmul.f32 v9, v6  }
0x370: {  	v8 =	vmul.f32 v8, v9;
	[tilespmem:s18+$0xFFFFFF80] =	vst v5;
	v5 =	vld [tilespmem:s18+$0xFFFFFFD0]  }
0x371: {  	[tilespmem:s18+$0xFFFFFF90] =	vst v6;
	v6 =	vmul.f32 v7, v12;
	v7 =	vld [tilespmem:s18+$0xFFFFFFE0]  }
0x372: {  	[tilespmem:s18+$0xFFFFFFA0] =	vst v8;
	v8 =	vld [tilespmem:s18+$0xFFFFFFF0]  }
0x373: {  	[tilespmem:s18+$0x70] =	vst v6;
	v6 =	vmax.f32 v13, $1.000000000e+00  }
0x374: {  	v10 =	vmul.f32 v10, v9;
	v6 =	vbroadcast v6, $0x0  }
0x375: {  	v15 =	vld [tilespmem:s18+$0x10];
	v5 =	vmul.f32 v5, v9  }
0x376: {  	v11 =	vmul.f32 v11, v9;
	[tilespmem:s18+$0xFFFFFFB0] =	vst v10;
	v10 =	vld [tilespmem:s18+$0x20];
	(erf) = vrcp.f32 v6  }
0x377: {  	v13 =	vld [tilespmem:s18+$0x0];
	v6 =	vmul.f32 v7, v9;
	[tilespmem:s18+$0xFFFFFFD0] =	vst v5;
	v5 =	vmul.f32 v8, v9;
	v9 =	vmax.f32 v14, $1.000000000e+00  }
0x378: {  	[tilespmem:s18+$0xFFFFFFC0] =	vst v11;
	v11 =	vld [tilespmem:s18+$0x40];
	v14 =	vbroadcast v9, $0x0  }
0x379: {  	v7 =	vld [tilespmem:s18+$0x30]  }
0x37a: {  	(erf) = vrcp.f32 v14  }
0x37b: {  	v10 =	vmul.f32 v10, v12;
	[tilespmem:s18+$0xFFFFFFE0] =	vst v6  }
0x37c: {  	v8 =	vmul.f32 v12, v13;
	v13 =	vld [tilespmem:s18+$0x50];
	[tilespmem:s18+$0xFFFFFFF0] =	vst v5;
	v5 =	vmul.f32 v12, v15  }
0x37d: {  	s20 =	simm.s32 $0x6C80;
	[tilespmem:s18+$0x20] =	vst v10;
	v15 =	vld [tilespmem:s18+$0x60]  }
0x37e: {  	v16 =	vmul.f32 v11, v12;
	v6 =	vld [tilespmem:s20+$0x70];
	[tilespmem:s18+$0x10] =	vst v5;
	v5 =	vmul.f32 v7, v12  }
0x37f: {  	[tilespmem:s18+$0x0] =	vst v8;
	v8 =	vld [tilespmem:s20+$0xFFFFFF80]  }
0x380: {  	[tilespmem:s18+$0x40] =	vst v16;
	v9 =	vld [tilespmem:s20+$0xFFFFFF90]  }
0x381: {  	v10 =	vld [tilespmem:s20+$0xFFFFFFA0];
	v11 =	vmul.f32 v13, v12;
	[tilespmem:s18+$0x30] =	vst v5  }
0x382: {  	s10 =	simm.s32 $0x2;
	s22 =	simm.s32 $0x8FC5;
	v7 =	vld [tilespmem:s20+$0xFFFFFFB0];
	v12 =	vmul.f32 v15, v12;
	s31 =	rddreg [dreg:$0x15];
	v5 =	vpop (erf)  }
.LBB2_24:
0x383: {  	v13 =	vld [tilespmem:s22+$0x0];
	s10 =	sadd.s32 $0x2, s10;
	v6 =	vmul.f32 v6, v5;
	v14 =	vpop (erf);
	[tilespmem:s18+$0x50] =	vst v11  }
0x384: {  	v11 =	vld [tilespmem:s22+$0xFFFFFFFF];
	p1 =	slt.u32 s10, $0x3E;
	v8 =	vmul.f32 v14, v8;
	[tilespmem:s18+$0x60] =	vst v12;
	s18 =	smov.u32 s20  }
0x385: {  	v9 =	vmul.f32 v14, v9;
	v12 =	vld [tilespmem:s20+$0xFFFFFFC0];
	[tilespmem:s20+$0x70] =	vst v6  }
0x386: {  	[tilespmem:s20+$0xFFFFFF80] =	vst v8;
	v6 =	vmul.f32 v10, v14;
	v8 =	vld [tilespmem:s20+$0xFFFFFFD0]  }
0x387: {  	[tilespmem:s20+$0xFFFFFF90] =	vst v9;
	v7 =	vmul.f32 v7, v14;
	v9 =	vld [tilespmem:s20+$0xFFFFFFE0]  }
0x388: {  	v10 =	vmax.f32 v13, $1.000000000e+00;
	[tilespmem:s20+$0xFFFFFFA0] =	vst v6;
	v6 =	vld [tilespmem:s20+$0xFFFFFFF0]  }
0x389: {  	v11 =	vmax.f32 v11, $1.000000000e+00;
	v10 =	vbroadcast v10, $0x0;
	[tilespmem:s20+$0xFFFFFFB0] =	vst v7;
	v7 =	vld [tilespmem:s20+$0x0]  }
0x38a: {  	v11 =	vbroadcast v11, $0x0;
	v12 =	vmul.f32 v12, v14;
	v13 =	vld [tilespmem:s20+$0x10]  }
0x38b: {  	(erf) = vrcp.f32 v10;
	v8 =	vmul.f32 v8, v14;
	v10 =	vld [tilespmem:s20+$0x20]  }
0x38c: {  	(erf) = vrcp.f32 v11;
	[tilespmem:s20+$0xFFFFFFC0] =	vst v12;
	v9 =	vmul.f32 v9, v14;
	v11 =	vld [tilespmem:s20+$0x30]  }
0x38d: {  	[tilespmem:s20+$0xFFFFFFD0] =	vst v8;
	v6 =	vmul.f32 v6, v14;
	v12 =	vld [tilespmem:s20+$0x40]  }
0x38e: {  	[tilespmem:s20+$0xFFFFFFE0] =	vst v9;
	v7 =	vmul.f32 v5, v7;
	v14 =	vld [tilespmem:s20+$0x50]  }
0x38f: {  	s20 =	sadd.s32 $0x100, s20;
	[tilespmem:s18+$0xFFFFFFF0] =	vst v6;
	v9 =	vmul.f32 v5, v13;
	v13 =	vld [tilespmem:s18+$0x60]  }
.Ltmp12:
0x390: {  	v6 =	vld [tilespmem:s20+$0x70];
	[tilespmem:s18+$0x0] =	vst v7;
	v7 =	vmul.f32 v10, v5;
	(pc) =	sbr.rel @p1 .LBB2_24-.Ltmp12, $4  }
0x391: {  	v8 =	vld [tilespmem:s20+$0xFFFFFF80];
	[tilespmem:s18+$0x10] =	vst v9;
	v11 =	vmul.f32 v11, v5  }
0x392: {  	v9 =	vld [tilespmem:s20+$0xFFFFFF90];
	[tilespmem:s18+$0x20] =	vst v7;
	v12 =	vmul.f32 v12, v5  }
0x393: {  	v10 =	vld [tilespmem:s20+$0xFFFFFFA0];
	[tilespmem:s18+$0x30] =	vst v11;
	v11 =	vmul.f32 v14, v5  }
0x394: {  	s22 =	sadd.s32 $0x2, s22;
	v7 =	vld [tilespmem:s20+$0xFFFFFFB0];
	[tilespmem:s18+$0x40] =	vst v12;
	v12 =	vmul.f32 v13, v5;
	v5 =	vpop (erf)  }
0x395: {  	v13 =	vpop (erf);
	v6 =	vmul.f32 v6, v5  }
0x396: {  	v14 =	vld [tilespmem:s20+$0xFFFFFFC0];
	[tilespmem:s18+$0x50] =	vst v11;
	v8 =	vmul.f32 v13, v8  }
0x397: {  	v9 =	vmul.f32 v13, v9;
	[tilespmem:s20+$0x70] =	vst v6;
	v6 =	vld [tilespmem:s20+$0xFFFFFFF0]  }
0x398: {  	[tilespmem:s20+$0xFFFFFF80] =	vst v8;
	v8 =	vld [tilespmem:s20+$0xFFFFFFD0]  }
0x399: {  	v10 =	vmul.f32 v10, v13;
	[tilespmem:s20+$0xFFFFFF90] =	vst v9;
	v9 =	vld [tilespmem:s20+$0xFFFFFFE0]  }
0x39a: {  	[tilespmem:s18+$0x60] =	vst v12;
	v12 =	vld [tilespmem:s20+$0x10];
	v7 =	vmul.f32 v7, v13  }
0x39b: {  	[tilespmem:s20+$0xFFFFFFA0] =	vst v10;
	v10 =	vld [tilespmem:s20+$0x0];
	v11 =	vmul.f32 v14, v13  }
0x39c: {  	[tilespmem:s20+$0xFFFFFFB0] =	vst v7;
	v6 =	vmul.f32 v6, v13  }
0x39d: {  	[tilespmem:s20+$0xFFFFFFC0] =	vst v11;
	v11 =	vld [tilespmem:s20+$0x30];
	v7 =	vmul.f32 v8, v13  }
0x39e: {  	v8 =	vld [tilespmem:s20+$0x20];
	v9 =	vmul.f32 v9, v13;
	[tilespmem:s20+$0xFFFFFFF0] =	vst v6  }
0x39f: {  	[tilespmem:s20+$0xFFFFFFD0] =	vst v7;
	v7 =	vld [tilespmem:s20+$0x40]  }
0x3a0: {  	v6 =	vmul.f32 v5, v12;
	[tilespmem:s20+$0xFFFFFFE0] =	vst v9;
	v9 =	vmul.f32 v5, v10;
	v10 =	vld [tilespmem:s20+$0x50]  }
0x3a1: {  	v12 =	vld [tilespmem:s20+$0x60]  }
0x3a2: {  	[tilespmem:s20+$0x10] =	vst v6;
	v6 =	vmul.f32 v11, v5  }
0x3a3: {  	[tilespmem:s20+$0x0] =	vst v9;
	v8 =	vmul.f32 v8, v5  }
0x3a4: {  	[tilespmem:s20+$0x30] =	vst v6;
	v7 =	vmul.f32 v7, v5  }
0x3a5: {  	[tilespmem:s20+$0x20] =	vst v8;
	v6 =	vmul.f32 v10, v5  }
0x3a6: {  	v5 =	vmul.f32 v12, v5;
	[tilespmem:s20+$0x40] =	vst v7  }
0x3a7: {  	[tilespmem:s20+$0x50] =	vst v6  }
0x3a8: {  	[tilespmem:s20+$0x60] =	vst v5  }
0x3a9: {  	s7 =	sld [smem:$0x7F7];
	_ =	sdelay $0x2  }
0x3aa: {  	s10 =	simm.s32 $0x6B00;
	s7 =	sadd.s32 s16, s7  }
0x3ab: {  	[hbm4b:s7+s12] =	stream.linear.scatter [tilespmem:s10], [sflag:$0x5], $0x2000, $0x38;
	[tilespmem:$0x1E508] =	vst v63  }
0x3ac: {  	_ =	swait.ge [sflag:s19], $0x2000  }
0x3ad: {  	[sflag:s19] =	ssyncset.done $0x0  }
0x3ae: {  	[sflag:s19] =	ssyncadd.s32 $0xFFFFE000  }
0x3af: {  	[tilespmem:s10], [sflag:$0x2] =	stream.linear.gather [spmem:s30], $0x2000, $0x38;
	[tilespmem:$0x1E508] =	vst v63  }
0x3b0: {  	_ =	swait.ge [sflag:s1], $0x2000  }
0x3b1: {  	[sflag:s1] =	ssyncset.done $0x0  }
0x3b2: {  	s22 =	simm.s32 $0x9001;
	[sflag:s1] =	ssyncadd.s32 $0xFFFFE000  }
0x3b3: {  	v5 =	vld [tilespmem:s22+$0x0]  }
0x3b4: {  	v6 =	vld [tilespmem:s22+$0xFFFFFFFF];
	_ =	sdelay $0x3  }
0x3b5: {  	v5 =	vmax.f32 v5, $1.000000000e+00  }
0x3b6: {  	v6 =	vmax.f32 v6, $1.000000000e+00;
	v5 =	vbroadcast v5, $0x0  }
0x3b7: {  	v6 =	vbroadcast v6, $0x0  }
0x3b8: {  	(erf) = vrcp.f32 v5  }
0x3b9: {  	(erf) = vrcp.f32 v6;
	_ =	sdelay $0x2  }
0x3ba: {  	s18 =	simm.s32 $0x4B80  }
0x3bb: {  	v7 =	vld [tilespmem:s18+$0x70]  }
0x3bc: {  	v5 =	vld [tilespmem:s18+$0xFFFFFF80]  }
0x3bd: {  	v6 =	vld [tilespmem:s18+$0xFFFFFF90]  }
0x3be: {  	v8 =	vld [tilespmem:s18+$0xFFFFFFA0]  }
0x3bf: {  	v10 =	vld [tilespmem:s18+$0xFFFFFFB0];
	v12 =	vpop (erf)  }
0x3c0: {  	s28 =	simm.s32 $0x9003;
	v11 =	vld [tilespmem:s18+$0xFFFFFFC0];
	v9 =	vpop (erf)  }
0x3c1: {  	v13 =	vld [tilespmem:s28+$0x0];
	v5 =	vmul.f32 v9, v5  }
0x3c2: {  	v14 =	vld [tilespmem:s28+$0xFFFFFFFF];
	v6 =	vmul.f32 v9, v6  }
0x3c3: {  	v8 =	vmul.f32 v8, v9;
	[tilespmem:s18+$0xFFFFFF80] =	vst v5;
	v5 =	vld [tilespmem:s18+$0xFFFFFFD0]  }
0x3c4: {  	[tilespmem:s18+$0xFFFFFF90] =	vst v6;
	v6 =	vmul.f32 v7, v12;
	v7 =	vld [tilespmem:s18+$0xFFFFFFE0]  }
0x3c5: {  	[tilespmem:s18+$0xFFFFFFA0] =	vst v8;
	v8 =	vld [tilespmem:s18+$0xFFFFFFF0]  }
0x3c6: {  	[tilespmem:s18+$0x70] =	vst v6;
	v6 =	vmax.f32 v13, $1.000000000e+00  }
0x3c7: {  	v6 =	vbroadcast v6, $0x0  }
0x3c8: {  	v10 =	vmul.f32 v10, v9;
	v5 =	vmul.f32 v5, v9  }
0x3c9: {  	v15 =	vld [tilespmem:s18+$0x10];
	v11 =	vmul.f32 v11, v9;
	(erf) = vrcp.f32 v6  }
0x3ca: {  	v13 =	vld [tilespmem:s18+$0x0];
	v6 =	vmul.f32 v7, v9;
	[tilespmem:s18+$0xFFFFFFD0] =	vst v5;
	v5 =	vmul.f32 v8, v9;
	v9 =	vmax.f32 v14, $1.000000000e+00  }
0x3cb: {  	[tilespmem:s18+$0xFFFFFFB0] =	vst v10;
	v10 =	vld [tilespmem:s18+$0x20];
	v14 =	vbroadcast v9, $0x0  }
0x3cc: {  	v7 =	vld [tilespmem:s18+$0x30]  }
0x3cd: {  	[tilespmem:s18+$0xFFFFFFC0] =	vst v11;
	v11 =	vld [tilespmem:s18+$0x40];
	(erf) = vrcp.f32 v14;
	_ =	sdelay $0x1  }
0x3ce: {  	v8 =	vmul.f32 v12, v13;
	v13 =	vld [tilespmem:s18+$0x50];
	[tilespmem:s18+$0xFFFFFFF0] =	vst v5;
	v5 =	vmul.f32 v12, v15  }
0x3cf: {  	s20 =	simm.s32 $0x4C80;
	[tilespmem:s18+$0xFFFFFFE0] =	vst v6;
	v15 =	vld [tilespmem:s18+$0x60]  }
0x3d0: {  	v10 =	vmul.f32 v10, v12;
	v6 =	vld [tilespmem:s20+$0x70];
	[tilespmem:s18+$0x10] =	vst v5;
	v5 =	vmul.f32 v7, v12  }
0x3d1: {  	v16 =	vmul.f32 v11, v12;
	[tilespmem:s18+$0x0] =	vst v8;
	v8 =	vld [tilespmem:s20+$0xFFFFFF80]  }
0x3d2: {  	[tilespmem:s18+$0x20] =	vst v10;
	v9 =	vld [tilespmem:s20+$0xFFFFFF90]  }
0x3d3: {  	v10 =	vld [tilespmem:s20+$0xFFFFFFA0];
	[tilespmem:s18+$0x40] =	vst v16;
	v11 =	vmul.f32 v13, v12  }
0x3d4: {  	s10 =	simm.s32 $0x2;
	s22 =	simm.s32 $0x9005;
	v7 =	vld [tilespmem:s20+$0xFFFFFFB0];
	[tilespmem:s18+$0x30] =	vst v5;
	v12 =	vmul.f32 v15, v12;
	v5 =	vpop (erf)  }
.LBB2_26:
0x3d5: {  	v13 =	vld [tilespmem:s22+$0x0];
	s10 =	sadd.s32 $0x2, s10;
	v6 =	vmul.f32 v6, v5;
	v14 =	vpop (erf);
	[tilespmem:s18+$0x50] =	vst v11  }
0x3d6: {  	v11 =	vld [tilespmem:s22+$0xFFFFFFFF];
	p1 =	slt.u32 s10, $0x3E;
	v8 =	vmul.f32 v14, v8;
	[tilespmem:s18+$0x60] =	vst v12;
	s18 =	smov.u32 s20  }
0x3d7: {  	v9 =	vmul.f32 v14, v9;
	v12 =	vld [tilespmem:s20+$0xFFFFFFC0];
	[tilespmem:s20+$0x70] =	vst v6  }
0x3d8: {  	[tilespmem:s20+$0xFFFFFF80] =	vst v8;
	v6 =	vmul.f32 v10, v14;
	v8 =	vld [tilespmem:s20+$0xFFFFFFD0]  }
0x3d9: {  	[tilespmem:s20+$0xFFFFFF90] =	vst v9;
	v7 =	vmul.f32 v7, v14;
	v9 =	vld [tilespmem:s20+$0xFFFFFFE0]  }
0x3da: {  	v10 =	vmax.f32 v13, $1.000000000e+00;
	[tilespmem:s20+$0xFFFFFFA0] =	vst v6;
	v6 =	vld [tilespmem:s20+$0xFFFFFFF0]  }
0x3db: {  	v11 =	vmax.f32 v11, $1.000000000e+00;
	v10 =	vbroadcast v10, $0x0;
	[tilespmem:s20+$0xFFFFFFB0] =	vst v7;
	v7 =	vld [tilespmem:s20+$0x0]  }
0x3dc: {  	v11 =	vbroadcast v11, $0x0;
	v12 =	vmul.f32 v12, v14;
	v13 =	vld [tilespmem:s20+$0x10]  }
0x3dd: {  	(erf) = vrcp.f32 v10;
	v8 =	vmul.f32 v8, v14;
	v10 =	vld [tilespmem:s20+$0x20]  }
0x3de: {  	(erf) = vrcp.f32 v11;
	[tilespmem:s20+$0xFFFFFFC0] =	vst v12;
	v9 =	vmul.f32 v9, v14;
	v11 =	vld [tilespmem:s20+$0x30]  }
0x3df: {  	[tilespmem:s20+$0xFFFFFFD0] =	vst v8;
	v6 =	vmul.f32 v6, v14;
	v12 =	vld [tilespmem:s20+$0x40]  }
0x3e0: {  	[tilespmem:s20+$0xFFFFFFE0] =	vst v9;
	v7 =	vmul.f32 v5, v7;
	v14 =	vld [tilespmem:s20+$0x50]  }
0x3e1: {  	s20 =	sadd.s32 $0x100, s20;
	[tilespmem:s18+$0xFFFFFFF0] =	vst v6;
	v9 =	vmul.f32 v5, v13;
	v13 =	vld [tilespmem:s18+$0x60]  }
.Ltmp13:
0x3e2: {  	v6 =	vld [tilespmem:s20+$0x70];
	[tilespmem:s18+$0x0] =	vst v7;
	v7 =	vmul.f32 v10, v5;
	(pc) =	sbr.rel @p1 .LBB2_26-.Ltmp13, $4  }
0x3e3: {  	v8 =	vld [tilespmem:s20+$0xFFFFFF80];
	[tilespmem:s18+$0x10] =	vst v9;
	v11 =	vmul.f32 v11, v5  }
0x3e4: {  	v9 =	vld [tilespmem:s20+$0xFFFFFF90];
	[tilespmem:s18+$0x20] =	vst v7;
	v12 =	vmul.f32 v12, v5  }
0x3e5: {  	v10 =	vld [tilespmem:s20+$0xFFFFFFA0];
	[tilespmem:s18+$0x30] =	vst v11;
	v11 =	vmul.f32 v14, v5  }
0x3e6: {  	s22 =	sadd.s32 $0x2, s22;
	v7 =	vld [tilespmem:s20+$0xFFFFFFB0];
	[tilespmem:s18+$0x40] =	vst v12;
	v12 =	vmul.f32 v13, v5;
	v5 =	vpop (erf)  }
0x3e7: {  	v13 =	vpop (erf);
	v6 =	vmul.f32 v6, v5  }
0x3e8: {  	v14 =	vld [tilespmem:s20+$0xFFFFFFC0];
	[tilespmem:s18+$0x50] =	vst v11;
	v8 =	vmul.f32 v13, v8  }
0x3e9: {  	v9 =	vmul.f32 v13, v9;
	[tilespmem:s20+$0x70] =	vst v6;
	v6 =	vld [tilespmem:s20+$0xFFFFFFF0]  }
0x3ea: {  	[tilespmem:s20+$0xFFFFFF80] =	vst v8;
	v8 =	vld [tilespmem:s20+$0xFFFFFFD0]  }
0x3eb: {  	v10 =	vmul.f32 v10, v13;
	[tilespmem:s20+$0xFFFFFF90] =	vst v9;
	v9 =	vld [tilespmem:s20+$0xFFFFFFE0]  }
0x3ec: {  	[tilespmem:s18+$0x60] =	vst v12;
	v12 =	vld [tilespmem:s20+$0x10];
	v7 =	vmul.f32 v7, v13  }
0x3ed: {  	[tilespmem:s20+$0xFFFFFFA0] =	vst v10;
	v10 =	vld [tilespmem:s20+$0x0];
	v11 =	vmul.f32 v14, v13  }
0x3ee: {  	[tilespmem:s20+$0xFFFFFFB0] =	vst v7;
	v6 =	vmul.f32 v6, v13  }
0x3ef: {  	[tilespmem:s20+$0xFFFFFFC0] =	vst v11;
	v11 =	vld [tilespmem:s20+$0x30];
	v7 =	vmul.f32 v8, v13  }
0x3f0: {  	v8 =	vld [tilespmem:s20+$0x20];
	v9 =	vmul.f32 v9, v13;
	[tilespmem:s20+$0xFFFFFFF0] =	vst v6  }
0x3f1: {  	[tilespmem:s20+$0xFFFFFFD0] =	vst v7;
	v7 =	vld [tilespmem:s20+$0x40]  }
0x3f2: {  	v6 =	vmul.f32 v5, v12;
	[tilespmem:s20+$0xFFFFFFE0] =	vst v9;
	v9 =	vmul.f32 v5, v10;
	v10 =	vld [tilespmem:s20+$0x50]  }
0x3f3: {  	v12 =	vld [tilespmem:s20+$0x60]  }
0x3f4: {  	[tilespmem:s20+$0x10] =	vst v6;
	v6 =	vmul.f32 v11, v5  }
0x3f5: {  	[tilespmem:s20+$0x0] =	vst v9;
	v8 =	vmul.f32 v8, v5  }
0x3f6: {  	[tilespmem:s20+$0x30] =	vst v6;
	v7 =	vmul.f32 v7, v5  }
0x3f7: {  	[tilespmem:s20+$0x20] =	vst v8;
	v6 =	vmul.f32 v10, v5  }
0x3f8: {  	v5 =	vmul.f32 v12, v5;
	[tilespmem:s20+$0x40] =	vst v7  }
0x3f9: {  	[tilespmem:s20+$0x50] =	vst v6  }
0x3fa: {  	[tilespmem:s20+$0x60] =	vst v5  }
0x3fb: {  	s7 =	sld [smem:$0x7F8];
	_ =	sdelay $0x2  }
0x3fc: {  	s7 =	sadd.s32 s16, s7  }
0x3fd: {  	[hbm4b:s7+s12] =	stream.linear.scatter [tilespmem:s15], [sflag:$0x5], $0x2000, $0x38;
	[tilespmem:$0x1E508] =	vst v63  }
0x3fe: {  	_ =	swait.ge [sflag:s19], $0x2000  }
0x3ff: {  	[sflag:s19] =	ssyncset.done $0x0  }
0x400: {  	[sflag:s19] =	ssyncadd.s32 $0xFFFFE000  }
0x401: {  	[tilespmem:s15], [sflag:$0x1] =	stream.linear.gather [spmem:s31], $0x2000, $0x38;
	[tilespmem:$0x1E508] =	vst v63  }
0x402: {  	_ =	swait.ge [sflag:s4], $0x2000  }
0x403: {  	[sflag:s4] =	ssyncset.done $0x0  }
0x404: {  	s22 =	simm.s32 $0x9041;
	[sflag:s4] =	ssyncadd.s32 $0xFFFFE000  }
0x405: {  	v5 =	vld [tilespmem:s22+$0x0]  }
0x406: {  	v6 =	vld [tilespmem:s22+$0xFFFFFFFF];
	_ =	sdelay $0x3  }
0x407: {  	v5 =	vmax.f32 v5, $1.000000000e+00  }
0x408: {  	v6 =	vmax.f32 v6, $1.000000000e+00;
	v5 =	vbroadcast v5, $0x0  }
0x409: {  	v6 =	vbroadcast v6, $0x0  }
0x40a: {  	(erf) = vrcp.f32 v5  }
0x40b: {  	(erf) = vrcp.f32 v6;
	_ =	sdelay $0x2  }
0x40c: {  	s18 =	simm.s32 $0x6B80  }
0x40d: {  	v7 =	vld [tilespmem:s18+$0x70]  }
0x40e: {  	v5 =	vld [tilespmem:s18+$0xFFFFFF80]  }
0x40f: {  	v6 =	vld [tilespmem:s18+$0xFFFFFF90]  }
0x410: {  	v8 =	vld [tilespmem:s18+$0xFFFFFFA0]  }
0x411: {  	v10 =	vld [tilespmem:s18+$0xFFFFFFB0];
	v12 =	vpop (erf)  }
0x412: {  	s28 =	simm.s32 $0x9043;
	v11 =	vld [tilespmem:s18+$0xFFFFFFC0];
	v9 =	vpop (erf)  }
0x413: {  	v13 =	vld [tilespmem:s28+$0x0];
	v5 =	vmul.f32 v9, v5  }
0x414: {  	v14 =	vld [tilespmem:s28+$0xFFFFFFFF];
	v6 =	vmul.f32 v9, v6  }
0x415: {  	v8 =	vmul.f32 v8, v9;
	[tilespmem:s18+$0xFFFFFF80] =	vst v5;
	v5 =	vld [tilespmem:s18+$0xFFFFFFD0]  }
0x416: {  	[tilespmem:s18+$0xFFFFFF90] =	vst v6;
	v6 =	vmul.f32 v7, v12;
	v7 =	vld [tilespmem:s18+$0xFFFFFFE0]  }
0x417: {  	[tilespmem:s18+$0xFFFFFFA0] =	vst v8;
	v8 =	vld [tilespmem:s18+$0xFFFFFFF0]  }
0x418: {  	[tilespmem:s18+$0x70] =	vst v6;
	v6 =	vmax.f32 v13, $1.000000000e+00  }
0x419: {  	v6 =	vbroadcast v6, $0x0  }
0x41a: {  	v10 =	vmul.f32 v10, v9;
	v5 =	vmul.f32 v5, v9  }
0x41b: {  	v15 =	vld [tilespmem:s18+$0x10];
	v11 =	vmul.f32 v11, v9;
	(erf) = vrcp.f32 v6  }
0x41c: {  	v13 =	vld [tilespmem:s18+$0x0];
	v6 =	vmul.f32 v7, v9;
	[tilespmem:s18+$0xFFFFFFD0] =	vst v5;
	v5 =	vmul.f32 v8, v9;
	v9 =	vmax.f32 v14, $1.000000000e+00  }
0x41d: {  	[tilespmem:s18+$0xFFFFFFB0] =	vst v10;
	v10 =	vld [tilespmem:s18+$0x20];
	v14 =	vbroadcast v9, $0x0  }
0x41e: {  	v7 =	vld [tilespmem:s18+$0x30]  }
0x41f: {  	[tilespmem:s18+$0xFFFFFFC0] =	vst v11;
	v11 =	vld [tilespmem:s18+$0x40];
	(erf) = vrcp.f32 v14;
	_ =	sdelay $0x1  }
0x420: {  	v8 =	vmul.f32 v12, v13;
	v13 =	vld [tilespmem:s18+$0x50];
	[tilespmem:s18+$0xFFFFFFF0] =	vst v5;
	v5 =	vmul.f32 v12, v15  }
0x421: {  	s20 =	simm.s32 $0x6C80;
	[tilespmem:s18+$0xFFFFFFE0] =	vst v6;
	v15 =	vld [tilespmem:s18+$0x60]  }
0x422: {  	v10 =	vmul.f32 v10, v12;
	v6 =	vld [tilespmem:s20+$0x70];
	[tilespmem:s18+$0x10] =	vst v5;
	v5 =	vmul.f32 v7, v12  }
0x423: {  	v16 =	vmul.f32 v11, v12;
	[tilespmem:s18+$0x0] =	vst v8;
	v8 =	vld [tilespmem:s20+$0xFFFFFF80]  }
0x424: {  	[tilespmem:s18+$0x20] =	vst v10;
	v9 =	vld [tilespmem:s20+$0xFFFFFF90]  }
0x425: {  	v10 =	vld [tilespmem:s20+$0xFFFFFFA0];
	[tilespmem:s18+$0x40] =	vst v16;
	v11 =	vmul.f32 v13, v12  }
0x426: {  	s10 =	simm.s32 $0x2;
	s22 =	simm.s32 $0x9045;
	v7 =	vld [tilespmem:s20+$0xFFFFFFB0];
	[tilespmem:s18+$0x30] =	vst v5;
	v12 =	vmul.f32 v15, v12;
	v5 =	vpop (erf)  }
.LBB2_28:
0x427: {  	v13 =	vld [tilespmem:s22+$0x0];
	s10 =	sadd.s32 $0x2, s10;
	v6 =	vmul.f32 v6, v5;
	v14 =	vpop (erf);
	[tilespmem:s18+$0x50] =	vst v11  }
0x428: {  	v11 =	vld [tilespmem:s22+$0xFFFFFFFF];
	p1 =	slt.u32 s10, $0x3E;
	v8 =	vmul.f32 v14, v8;
	[tilespmem:s18+$0x60] =	vst v12;
	s18 =	smov.u32 s20  }
0x429: {  	v9 =	vmul.f32 v14, v9;
	v12 =	vld [tilespmem:s20+$0xFFFFFFC0];
	[tilespmem:s20+$0x70] =	vst v6  }
0x42a: {  	[tilespmem:s20+$0xFFFFFF80] =	vst v8;
	v6 =	vmul.f32 v10, v14;
	v8 =	vld [tilespmem:s20+$0xFFFFFFD0]  }
0x42b: {  	[tilespmem:s20+$0xFFFFFF90] =	vst v9;
	v7 =	vmul.f32 v7, v14;
	v9 =	vld [tilespmem:s20+$0xFFFFFFE0]  }
0x42c: {  	v10 =	vmax.f32 v13, $1.000000000e+00;
	[tilespmem:s20+$0xFFFFFFA0] =	vst v6;
	v6 =	vld [tilespmem:s20+$0xFFFFFFF0]  }
0x42d: {  	v11 =	vmax.f32 v11, $1.000000000e+00;
	v10 =	vbroadcast v10, $0x0;
	[tilespmem:s20+$0xFFFFFFB0] =	vst v7;
	v7 =	vld [tilespmem:s20+$0x0]  }
0x42e: {  	v11 =	vbroadcast v11, $0x0;
	v12 =	vmul.f32 v12, v14;
	v13 =	vld [tilespmem:s20+$0x10]  }
0x42f: {  	(erf) = vrcp.f32 v10;
	v8 =	vmul.f32 v8, v14;
	v10 =	vld [tilespmem:s20+$0x20]  }
0x430: {  	(erf) = vrcp.f32 v11;
	[tilespmem:s20+$0xFFFFFFC0] =	vst v12;
	v9 =	vmul.f32 v9, v14;
	v11 =	vld [tilespmem:s20+$0x30]  }
0x431: {  	[tilespmem:s20+$0xFFFFFFD0] =	vst v8;
	v6 =	vmul.f32 v6, v14;
	v12 =	vld [tilespmem:s20+$0x40]  }
0x432: {  	[tilespmem:s20+$0xFFFFFFE0] =	vst v9;
	v7 =	vmul.f32 v5, v7;
	v14 =	vld [tilespmem:s20+$0x50]  }
0x433: {  	s20 =	sadd.s32 $0x100, s20;
	[tilespmem:s18+$0xFFFFFFF0] =	vst v6;
	v9 =	vmul.f32 v5, v13;
	v13 =	vld [tilespmem:s18+$0x60]  }
.Ltmp14:
0x434: {  	v6 =	vld [tilespmem:s20+$0x70];
	[tilespmem:s18+$0x0] =	vst v7;
	v7 =	vmul.f32 v10, v5;
	(pc) =	sbr.rel @p1 .LBB2_28-.Ltmp14, $4  }
0x435: {  	v8 =	vld [tilespmem:s20+$0xFFFFFF80];
	[tilespmem:s18+$0x10] =	vst v9;
	v11 =	vmul.f32 v11, v5  }
0x436: {  	v9 =	vld [tilespmem:s20+$0xFFFFFF90];
	[tilespmem:s18+$0x20] =	vst v7;
	v12 =	vmul.f32 v12, v5  }
0x437: {  	v10 =	vld [tilespmem:s20+$0xFFFFFFA0];
	[tilespmem:s18+$0x30] =	vst v11;
	v11 =	vmul.f32 v14, v5  }
0x438: {  	s22 =	sadd.s32 $0x2, s22;
	v7 =	vld [tilespmem:s20+$0xFFFFFFB0];
	[tilespmem:s18+$0x40] =	vst v12;
	v12 =	vmul.f32 v13, v5;
	v5 =	vpop (erf)  }
0x439: {  	v13 =	vpop (erf);
	v6 =	vmul.f32 v6, v5  }
0x43a: {  	v14 =	vld [tilespmem:s20+$0xFFFFFFC0];
	[tilespmem:s18+$0x50] =	vst v11;
	v8 =	vmul.f32 v13, v8  }
0x43b: {  	v9 =	vmul.f32 v13, v9;
	[tilespmem:s20+$0x70] =	vst v6;
	v6 =	vld [tilespmem:s20+$0xFFFFFFF0]  }
0x43c: {  	[tilespmem:s20+$0xFFFFFF80] =	vst v8;
	v8 =	vld [tilespmem:s20+$0xFFFFFFD0]  }
0x43d: {  	v10 =	vmul.f32 v10, v13;
	[tilespmem:s20+$0xFFFFFF90] =	vst v9;
	v9 =	vld [tilespmem:s20+$0xFFFFFFE0]  }
0x43e: {  	[tilespmem:s18+$0x60] =	vst v12;
	v12 =	vld [tilespmem:s20+$0x10];
	v7 =	vmul.f32 v7, v13  }
0x43f: {  	[tilespmem:s20+$0xFFFFFFA0] =	vst v10;
	v10 =	vld [tilespmem:s20+$0x0];
	v11 =	vmul.f32 v14, v13  }
0x440: {  	[tilespmem:s20+$0xFFFFFFB0] =	vst v7;
	v6 =	vmul.f32 v6, v13  }
0x441: {  	[tilespmem:s20+$0xFFFFFFC0] =	vst v11;
	v11 =	vld [tilespmem:s20+$0x30];
	v7 =	vmul.f32 v8, v13  }
0x442: {  	v8 =	vld [tilespmem:s20+$0x20];
	v9 =	vmul.f32 v9, v13;
	[tilespmem:s20+$0xFFFFFFF0] =	vst v6  }
0x443: {  	[tilespmem:s20+$0xFFFFFFD0] =	vst v7;
	v7 =	vld [tilespmem:s20+$0x40]  }
0x444: {  	v6 =	vmul.f32 v5, v12;
	[tilespmem:s20+$0xFFFFFFE0] =	vst v9;
	v9 =	vmul.f32 v5, v10;
	v10 =	vld [tilespmem:s20+$0x50]  }
0x445: {  	v12 =	vld [tilespmem:s20+$0x60]  }
0x446: {  	[tilespmem:s20+$0x10] =	vst v6;
	v6 =	vmul.f32 v11, v5  }
0x447: {  	[tilespmem:s20+$0x0] =	vst v9;
	v8 =	vmul.f32 v8, v5  }
0x448: {  	[tilespmem:s20+$0x30] =	vst v6;
	v7 =	vmul.f32 v7, v5  }
0x449: {  	[tilespmem:s20+$0x20] =	vst v8;
	v6 =	vmul.f32 v10, v5  }
0x44a: {  	v5 =	vmul.f32 v12, v5;
	[tilespmem:s20+$0x40] =	vst v7  }
0x44b: {  	[tilespmem:s20+$0x50] =	vst v6  }
0x44c: {  	[tilespmem:s20+$0x60] =	vst v5  }
0x44d: {  	s7 =	sld [smem:$0x7F9];
	_ =	sdelay $0x2  }
0x44e: {  	s10 =	simm.s32 $0x6B00;
	s7 =	sadd.s32 s16, s7  }
0x44f: {  	[hbm4b:s7+s12] =	stream.linear.scatter [tilespmem:s10], [sflag:$0x5], $0x2000, $0x38;
	[tilespmem:$0x1E508] =	vst v63  }
0x450: {  	_ =	swait.ge [sflag:s19], $0x2000  }
0x451: {  	[sflag:s19] =	ssyncset.done $0x0  }
0x452: {  	s20 =	rddreg [dreg:$0x18];
	[sflag:s19] =	ssyncadd.s32 $0xFFFFE000  }
0x453: {  	[tilespmem:s10], [sflag:$0x2] =	stream.linear.gather [spmem:s20], $0x2000, $0x38;
	[tilespmem:$0x1E508] =	vst v63  }
0x454: {  	_ =	swait.ge [sflag:s1], $0x2000  }
0x455: {  	[sflag:s1] =	ssyncset.done $0x0  }
0x456: {  	s22 =	simm.s32 $0x9081;
	[sflag:s1] =	ssyncadd.s32 $0xFFFFE000  }
0x457: {  	v5 =	vld [tilespmem:s22+$0x0]  }
0x458: {  	v6 =	vld [tilespmem:s22+$0xFFFFFFFF];
	_ =	sdelay $0x3  }
0x459: {  	v5 =	vmax.f32 v5, $1.000000000e+00  }
0x45a: {  	v6 =	vmax.f32 v6, $1.000000000e+00;
	v5 =	vbroadcast v5, $0x0  }
0x45b: {  	v6 =	vbroadcast v6, $0x0  }
0x45c: {  	(erf) = vrcp.f32 v5  }
0x45d: {  	(erf) = vrcp.f32 v6;
	_ =	sdelay $0x2  }
0x45e: {  	s18 =	simm.s32 $0x4B80  }
0x45f: {  	v7 =	vld [tilespmem:s18+$0x70]  }
0x460: {  	v5 =	vld [tilespmem:s18+$0xFFFFFF80]  }
0x461: {  	v6 =	vld [tilespmem:s18+$0xFFFFFF90]  }
0x462: {  	v8 =	vld [tilespmem:s18+$0xFFFFFFA0]  }
0x463: {  	v10 =	vld [tilespmem:s18+$0xFFFFFFB0];
	v12 =	vpop (erf)  }
0x464: {  	s28 =	simm.s32 $0x9083;
	v11 =	vld [tilespmem:s18+$0xFFFFFFC0];
	v9 =	vpop (erf)  }
0x465: {  	v13 =	vld [tilespmem:s28+$0x0];
	v5 =	vmul.f32 v9, v5  }
0x466: {  	v14 =	vld [tilespmem:s28+$0xFFFFFFFF];
	v6 =	vmul.f32 v9, v6  }
0x467: {  	v8 =	vmul.f32 v8, v9;
	[tilespmem:s18+$0xFFFFFF80] =	vst v5;
	v5 =	vld [tilespmem:s18+$0xFFFFFFD0]  }
0x468: {  	[tilespmem:s18+$0xFFFFFF90] =	vst v6;
	v6 =	vmul.f32 v7, v12;
	v7 =	vld [tilespmem:s18+$0xFFFFFFE0]  }
0x469: {  	[tilespmem:s18+$0xFFFFFFA0] =	vst v8;
	v8 =	vld [tilespmem:s18+$0xFFFFFFF0]  }
0x46a: {  	[tilespmem:s18+$0x70] =	vst v6;
	v6 =	vmax.f32 v13, $1.000000000e+00  }
0x46b: {  	v6 =	vbroadcast v6, $0x0  }
0x46c: {  	v10 =	vmul.f32 v10, v9;
	v5 =	vmul.f32 v5, v9  }
0x46d: {  	v15 =	vld [tilespmem:s18+$0x10];
	v11 =	vmul.f32 v11, v9;
	(erf) = vrcp.f32 v6  }
0x46e: {  	v13 =	vld [tilespmem:s18+$0x0];
	v6 =	vmul.f32 v7, v9;
	[tilespmem:s18+$0xFFFFFFD0] =	vst v5;
	v5 =	vmul.f32 v8, v9;
	v9 =	vmax.f32 v14, $1.000000000e+00  }
0x46f: {  	[tilespmem:s18+$0xFFFFFFB0] =	vst v10;
	v10 =	vld [tilespmem:s18+$0x20];
	v14 =	vbroadcast v9, $0x0  }
0x470: {  	v7 =	vld [tilespmem:s18+$0x30]  }
0x471: {  	[tilespmem:s18+$0xFFFFFFC0] =	vst v11;
	v11 =	vld [tilespmem:s18+$0x40];
	(erf) = vrcp.f32 v14;
	_ =	sdelay $0x1  }
0x472: {  	v8 =	vmul.f32 v12, v13;
	v13 =	vld [tilespmem:s18+$0x50];
	[tilespmem:s18+$0xFFFFFFF0] =	vst v5;
	v5 =	vmul.f32 v12, v15  }
0x473: {  	s20 =	simm.s32 $0x4C80;
	[tilespmem:s18+$0xFFFFFFE0] =	vst v6;
	v15 =	vld [tilespmem:s18+$0x60]  }
0x474: {  	v10 =	vmul.f32 v10, v12;
	v6 =	vld [tilespmem:s20+$0x70];
	[tilespmem:s18+$0x10] =	vst v5;
	v5 =	vmul.f32 v7, v12  }
0x475: {  	v16 =	vmul.f32 v11, v12;
	[tilespmem:s18+$0x0] =	vst v8;
	v8 =	vld [tilespmem:s20+$0xFFFFFF80]  }
0x476: {  	[tilespmem:s18+$0x20] =	vst v10;
	v9 =	vld [tilespmem:s20+$0xFFFFFF90]  }
0x477: {  	v10 =	vld [tilespmem:s20+$0xFFFFFFA0];
	[tilespmem:s18+$0x40] =	vst v16;
	v11 =	vmul.f32 v13, v12  }
0x478: {  	s10 =	simm.s32 $0x2;
	s22 =	simm.s32 $0x9085;
	v7 =	vld [tilespmem:s20+$0xFFFFFFB0];
	[tilespmem:s18+$0x30] =	vst v5;
	v12 =	vmul.f32 v15, v12;
	v5 =	vpop (erf)  }
.LBB2_30:
0x479: {  	v13 =	vld [tilespmem:s22+$0x0];
	s10 =	sadd.s32 $0x2, s10;
	v6 =	vmul.f32 v6, v5;
	v14 =	vpop (erf);
	[tilespmem:s18+$0x50] =	vst v11  }
0x47a: {  	v11 =	vld [tilespmem:s22+$0xFFFFFFFF];
	p1 =	slt.u32 s10, $0x3E;
	v8 =	vmul.f32 v14, v8;
	[tilespmem:s18+$0x60] =	vst v12;
	s18 =	smov.u32 s20  }
0x47b: {  	v9 =	vmul.f32 v14, v9;
	v12 =	vld [tilespmem:s20+$0xFFFFFFC0];
	[tilespmem:s20+$0x70] =	vst v6  }
0x47c: {  	[tilespmem:s20+$0xFFFFFF80] =	vst v8;
	v6 =	vmul.f32 v10, v14;
	v8 =	vld [tilespmem:s20+$0xFFFFFFD0]  }
0x47d: {  	[tilespmem:s20+$0xFFFFFF90] =	vst v9;
	v7 =	vmul.f32 v7, v14;
	v9 =	vld [tilespmem:s20+$0xFFFFFFE0]  }
0x47e: {  	v10 =	vmax.f32 v13, $1.000000000e+00;
	[tilespmem:s20+$0xFFFFFFA0] =	vst v6;
	v6 =	vld [tilespmem:s20+$0xFFFFFFF0]  }
0x47f: {  	v11 =	vmax.f32 v11, $1.000000000e+00;
	v10 =	vbroadcast v10, $0x0;
	[tilespmem:s20+$0xFFFFFFB0] =	vst v7;
	v7 =	vld [tilespmem:s20+$0x0]  }
0x480: {  	v11 =	vbroadcast v11, $0x0;
	v12 =	vmul.f32 v12, v14;
	v13 =	vld [tilespmem:s20+$0x10]  }
0x481: {  	(erf) = vrcp.f32 v10;
	v8 =	vmul.f32 v8, v14;
	v10 =	vld [tilespmem:s20+$0x20]  }
0x482: {  	(erf) = vrcp.f32 v11;
	[tilespmem:s20+$0xFFFFFFC0] =	vst v12;
	v9 =	vmul.f32 v9, v14;
	v11 =	vld [tilespmem:s20+$0x30]  }
0x483: {  	[tilespmem:s20+$0xFFFFFFD0] =	vst v8;
	v6 =	vmul.f32 v6, v14;
	v12 =	vld [tilespmem:s20+$0x40]  }
0x484: {  	[tilespmem:s20+$0xFFFFFFE0] =	vst v9;
	v7 =	vmul.f32 v5, v7;
	v14 =	vld [tilespmem:s20+$0x50]  }
0x485: {  	s20 =	sadd.s32 $0x100, s20;
	[tilespmem:s18+$0xFFFFFFF0] =	vst v6;
	v9 =	vmul.f32 v5, v13;
	v13 =	vld [tilespmem:s18+$0x60]  }
.Ltmp15:
0x486: {  	v6 =	vld [tilespmem:s20+$0x70];
	[tilespmem:s18+$0x0] =	vst v7;
	v7 =	vmul.f32 v10, v5;
	(pc) =	sbr.rel @p1 .LBB2_30-.Ltmp15, $4  }
0x487: {  	v8 =	vld [tilespmem:s20+$0xFFFFFF80];
	[tilespmem:s18+$0x10] =	vst v9;
	v11 =	vmul.f32 v11, v5  }
0x488: {  	v9 =	vld [tilespmem:s20+$0xFFFFFF90];
	[tilespmem:s18+$0x20] =	vst v7;
	v12 =	vmul.f32 v12, v5  }
0x489: {  	v10 =	vld [tilespmem:s20+$0xFFFFFFA0];
	[tilespmem:s18+$0x30] =	vst v11;
	v11 =	vmul.f32 v14, v5  }
0x48a: {  	s22 =	sadd.s32 $0x2, s22;
	v7 =	vld [tilespmem:s20+$0xFFFFFFB0];
	[tilespmem:s18+$0x40] =	vst v12;
	v12 =	vmul.f32 v13, v5;
	v5 =	vpop (erf)  }
0x48b: {  	v13 =	vpop (erf);
	v6 =	vmul.f32 v6, v5  }
0x48c: {  	v14 =	vld [tilespmem:s20+$0xFFFFFFC0];
	[tilespmem:s18+$0x50] =	vst v11;
	v8 =	vmul.f32 v13, v8  }
0x48d: {  	v9 =	vmul.f32 v13, v9;
	[tilespmem:s20+$0x70] =	vst v6;
	v6 =	vld [tilespmem:s20+$0xFFFFFFF0]  }
0x48e: {  	[tilespmem:s20+$0xFFFFFF80] =	vst v8;
	v8 =	vld [tilespmem:s20+$0xFFFFFFD0]  }
0x48f: {  	v10 =	vmul.f32 v10, v13;
	[tilespmem:s20+$0xFFFFFF90] =	vst v9;
	v9 =	vld [tilespmem:s20+$0xFFFFFFE0]  }
0x490: {  	[tilespmem:s18+$0x60] =	vst v12;
	v12 =	vld [tilespmem:s20+$0x10];
	v7 =	vmul.f32 v7, v13  }
0x491: {  	[tilespmem:s20+$0xFFFFFFA0] =	vst v10;
	v10 =	vld [tilespmem:s20+$0x0];
	v11 =	vmul.f32 v14, v13  }
0x492: {  	[tilespmem:s20+$0xFFFFFFB0] =	vst v7;
	v6 =	vmul.f32 v6, v13  }
0x493: {  	[tilespmem:s20+$0xFFFFFFC0] =	vst v11;
	v11 =	vld [tilespmem:s20+$0x30];
	v7 =	vmul.f32 v8, v13  }
0x494: {  	v8 =	vld [tilespmem:s20+$0x20];
	v9 =	vmul.f32 v9, v13;
	[tilespmem:s20+$0xFFFFFFF0] =	vst v6  }
0x495: {  	[tilespmem:s20+$0xFFFFFFD0] =	vst v7;
	v7 =	vld [tilespmem:s20+$0x40]  }
0x496: {  	v6 =	vmul.f32 v5, v12;
	[tilespmem:s20+$0xFFFFFFE0] =	vst v9;
	v9 =	vmul.f32 v5, v10;
	v10 =	vld [tilespmem:s20+$0x50]  }
0x497: {  	v12 =	vld [tilespmem:s20+$0x60]  }
0x498: {  	[tilespmem:s20+$0x10] =	vst v6;
	v6 =	vmul.f32 v11, v5  }
0x499: {  	[tilespmem:s20+$0x0] =	vst v9;
	v8 =	vmul.f32 v8, v5  }
0x49a: {  	[tilespmem:s20+$0x30] =	vst v6;
	v7 =	vmul.f32 v7, v5  }
0x49b: {  	[tilespmem:s20+$0x20] =	vst v8;
	v6 =	vmul.f32 v10, v5  }
0x49c: {  	v5 =	vmul.f32 v12, v5;
	[tilespmem:s20+$0x40] =	vst v7  }
0x49d: {  	[tilespmem:s20+$0x50] =	vst v6  }
0x49e: {  	[tilespmem:s20+$0x60] =	vst v5  }
0x49f: {  	s7 =	sld [smem:$0x7FA];
	_ =	sdelay $0x2  }
0x4a0: {  	s7 =	sadd.s32 s16, s7  }
0x4a1: {  	[hbm4b:s7+s12] =	stream.linear.scatter [tilespmem:s15], [sflag:$0x5], $0x2000, $0x38;
	[tilespmem:$0x1E508] =	vst v63  }
0x4a2: {  	_ =	swait.ge [sflag:s19], $0x2000  }
0x4a3: {  	[sflag:s19] =	ssyncset.done $0x0  }
0x4a4: {  	s20 =	rddreg [dreg:$0x1a];
	[sflag:s19] =	ssyncadd.s32 $0xFFFFE000  }
0x4a5: {  	[tilespmem:s15], [sflag:$0x1] =	stream.linear.gather [spmem:s20], $0x2000, $0x38;
	[tilespmem:$0x1E508] =	vst v63  }
0x4a6: {  	_ =	swait.ge [sflag:s4], $0x2000  }
0x4a7: {  	[sflag:s4] =	ssyncset.done $0x0  }
0x4a8: {  	s22 =	simm.s32 $0x90C1;
	[sflag:s4] =	ssyncadd.s32 $0xFFFFE000  }
0x4a9: {  	v5 =	vld [tilespmem:s22+$0x0]  }
0x4aa: {  	v6 =	vld [tilespmem:s22+$0xFFFFFFFF];
	_ =	sdelay $0x3  }
0x4ab: {  	v5 =	vmax.f32 v5, $1.000000000e+00  }
0x4ac: {  	v6 =	vmax.f32 v6, $1.000000000e+00;
	v5 =	vbroadcast v5, $0x0  }
0x4ad: {  	v6 =	vbroadcast v6, $0x0  }
0x4ae: {  	(erf) = vrcp.f32 v5  }
0x4af: {  	(erf) = vrcp.f32 v6;
	_ =	sdelay $0x2  }
0x4b0: {  	s18 =	simm.s32 $0x6B80  }
0x4b1: {  	v7 =	vld [tilespmem:s18+$0x70]  }
0x4b2: {  	v5 =	vld [tilespmem:s18+$0xFFFFFF80]  }
0x4b3: {  	v6 =	vld [tilespmem:s18+$0xFFFFFF90]  }
0x4b4: {  	v8 =	vld [tilespmem:s18+$0xFFFFFFA0]  }
0x4b5: {  	v10 =	vld [tilespmem:s18+$0xFFFFFFB0];
	v12 =	vpop (erf)  }
0x4b6: {  	s28 =	simm.s32 $0x90C3;
	v11 =	vld [tilespmem:s18+$0xFFFFFFC0];
	v9 =	vpop (erf)  }
0x4b7: {  	v13 =	vld [tilespmem:s28+$0x0];
	v5 =	vmul.f32 v9, v5  }
0x4b8: {  	v14 =	vld [tilespmem:s28+$0xFFFFFFFF];
	v6 =	vmul.f32 v9, v6  }
0x4b9: {  	v8 =	vmul.f32 v8, v9;
	[tilespmem:s18+$0xFFFFFF80] =	vst v5;
	v5 =	vld [tilespmem:s18+$0xFFFFFFD0]  }
0x4ba: {  	[tilespmem:s18+$0xFFFFFF90] =	vst v6;
	v6 =	vmul.f32 v7, v12;
	v7 =	vld [tilespmem:s18+$0xFFFFFFE0]  }
0x4bb: {  	[tilespmem:s18+$0xFFFFFFA0] =	vst v8;
	v8 =	vld [tilespmem:s18+$0xFFFFFFF0]  }
0x4bc: {  	[tilespmem:s18+$0x70] =	vst v6;
	v6 =	vmax.f32 v13, $1.000000000e+00  }
0x4bd: {  	v6 =	vbroadcast v6, $0x0  }
0x4be: {  	v10 =	vmul.f32 v10, v9;
	v5 =	vmul.f32 v5, v9  }
0x4bf: {  	v15 =	vld [tilespmem:s18+$0x10];
	v11 =	vmul.f32 v11, v9;
	(erf) = vrcp.f32 v6  }
0x4c0: {  	v13 =	vld [tilespmem:s18+$0x0];
	v6 =	vmul.f32 v7, v9;
	[tilespmem:s18+$0xFFFFFFD0] =	vst v5;
	v5 =	vmul.f32 v8, v9;
	v9 =	vmax.f32 v14, $1.000000000e+00  }
0x4c1: {  	[tilespmem:s18+$0xFFFFFFB0] =	vst v10;
	v10 =	vld [tilespmem:s18+$0x20];
	v14 =	vbroadcast v9, $0x0  }
0x4c2: {  	v7 =	vld [tilespmem:s18+$0x30]  }
0x4c3: {  	[tilespmem:s18+$0xFFFFFFC0] =	vst v11;
	v11 =	vld [tilespmem:s18+$0x40];
	(erf) = vrcp.f32 v14;
	_ =	sdelay $0x1  }
0x4c4: {  	v8 =	vmul.f32 v12, v13;
	v13 =	vld [tilespmem:s18+$0x50];
	[tilespmem:s18+$0xFFFFFFF0] =	vst v5;
	v5 =	vmul.f32 v12, v15  }
0x4c5: {  	s20 =	simm.s32 $0x6C80;
	[tilespmem:s18+$0xFFFFFFE0] =	vst v6;
	v15 =	vld [tilespmem:s18+$0x60]  }
0x4c6: {  	v10 =	vmul.f32 v10, v12;
	v6 =	vld [tilespmem:s20+$0x70];
	[tilespmem:s18+$0x10] =	vst v5;
	v5 =	vmul.f32 v7, v12  }
0x4c7: {  	v16 =	vmul.f32 v11, v12;
	[tilespmem:s18+$0x0] =	vst v8;
	v8 =	vld [tilespmem:s20+$0xFFFFFF80]  }
0x4c8: {  	[tilespmem:s18+$0x20] =	vst v10;
	v9 =	vld [tilespmem:s20+$0xFFFFFF90]  }
0x4c9: {  	v10 =	vld [tilespmem:s20+$0xFFFFFFA0];
	[tilespmem:s18+$0x40] =	vst v16;
	v11 =	vmul.f32 v13, v12  }
0x4ca: {  	s10 =	simm.s32 $0x2;
	s22 =	simm.s32 $0x90C5;
	v7 =	vld [tilespmem:s20+$0xFFFFFFB0];
	[tilespmem:s18+$0x30] =	vst v5;
	v12 =	vmul.f32 v15, v12;
	v5 =	vpop (erf)  }
.LBB2_32:
0x4cb: {  	v13 =	vld [tilespmem:s22+$0x0];
	s10 =	sadd.s32 $0x2, s10;
	v6 =	vmul.f32 v6, v5;
	v14 =	vpop (erf);
	[tilespmem:s18+$0x50] =	vst v11  }
0x4cc: {  	v11 =	vld [tilespmem:s22+$0xFFFFFFFF];
	p1 =	slt.u32 s10, $0x3E;
	v8 =	vmul.f32 v14, v8;
	[tilespmem:s18+$0x60] =	vst v12;
	s18 =	smov.u32 s20  }
0x4cd: {  	v9 =	vmul.f32 v14, v9;
	v12 =	vld [tilespmem:s20+$0xFFFFFFC0];
	[tilespmem:s20+$0x70] =	vst v6  }
0x4ce: {  	[tilespmem:s20+$0xFFFFFF80] =	vst v8;
	v6 =	vmul.f32 v10, v14;
	v8 =	vld [tilespmem:s20+$0xFFFFFFD0]  }
0x4cf: {  	[tilespmem:s20+$0xFFFFFF90] =	vst v9;
	v7 =	vmul.f32 v7, v14;
	v9 =	vld [tilespmem:s20+$0xFFFFFFE0]  }
0x4d0: {  	v10 =	vmax.f32 v13, $1.000000000e+00;
	[tilespmem:s20+$0xFFFFFFA0] =	vst v6;
	v6 =	vld [tilespmem:s20+$0xFFFFFFF0]  }
0x4d1: {  	v11 =	vmax.f32 v11, $1.000000000e+00;
	v10 =	vbroadcast v10, $0x0;
	[tilespmem:s20+$0xFFFFFFB0] =	vst v7;
	v7 =	vld [tilespmem:s20+$0x0]  }
0x4d2: {  	v11 =	vbroadcast v11, $0x0;
	v12 =	vmul.f32 v12, v14;
	v13 =	vld [tilespmem:s20+$0x10]  }
0x4d3: {  	(erf) = vrcp.f32 v10;
	v8 =	vmul.f32 v8, v14;
	v10 =	vld [tilespmem:s20+$0x20]  }
0x4d4: {  	(erf) = vrcp.f32 v11;
	[tilespmem:s20+$0xFFFFFFC0] =	vst v12;
	v9 =	vmul.f32 v9, v14;
	v11 =	vld [tilespmem:s20+$0x30]  }
0x4d5: {  	[tilespmem:s20+$0xFFFFFFD0] =	vst v8;
	v6 =	vmul.f32 v6, v14;
	v12 =	vld [tilespmem:s20+$0x40]  }
0x4d6: {  	[tilespmem:s20+$0xFFFFFFE0] =	vst v9;
	v7 =	vmul.f32 v5, v7;
	v14 =	vld [tilespmem:s20+$0x50]  }
0x4d7: {  	s20 =	sadd.s32 $0x100, s20;
	[tilespmem:s18+$0xFFFFFFF0] =	vst v6;
	v9 =	vmul.f32 v5, v13;
	v13 =	vld [tilespmem:s18+$0x60]  }
.Ltmp16:
0x4d8: {  	v6 =	vld [tilespmem:s20+$0x70];
	[tilespmem:s18+$0x0] =	vst v7;
	v7 =	vmul.f32 v10, v5;
	(pc) =	sbr.rel @p1 .LBB2_32-.Ltmp16, $4  }
0x4d9: {  	v8 =	vld [tilespmem:s20+$0xFFFFFF80];
	[tilespmem:s18+$0x10] =	vst v9;
	v11 =	vmul.f32 v11, v5  }
0x4da: {  	v9 =	vld [tilespmem:s20+$0xFFFFFF90];
	[tilespmem:s18+$0x20] =	vst v7;
	v12 =	vmul.f32 v12, v5  }
0x4db: {  	v10 =	vld [tilespmem:s20+$0xFFFFFFA0];
	[tilespmem:s18+$0x30] =	vst v11;
	v11 =	vmul.f32 v14, v5  }
0x4dc: {  	s22 =	sadd.s32 $0x2, s22;
	v7 =	vld [tilespmem:s20+$0xFFFFFFB0];
	[tilespmem:s18+$0x40] =	vst v12;
	v12 =	vmul.f32 v13, v5;
	v5 =	vpop (erf)  }
0x4dd: {  	v13 =	vpop (erf);
	v6 =	vmul.f32 v6, v5  }
0x4de: {  	v14 =	vld [tilespmem:s20+$0xFFFFFFC0];
	[tilespmem:s18+$0x50] =	vst v11;
	v8 =	vmul.f32 v13, v8  }
0x4df: {  	v9 =	vmul.f32 v13, v9;
	[tilespmem:s20+$0x70] =	vst v6;
	v6 =	vld [tilespmem:s20+$0xFFFFFFF0]  }
0x4e0: {  	[tilespmem:s20+$0xFFFFFF80] =	vst v8;
	v8 =	vld [tilespmem:s20+$0xFFFFFFD0]  }
0x4e1: {  	v10 =	vmul.f32 v10, v13;
	[tilespmem:s20+$0xFFFFFF90] =	vst v9;
	v9 =	vld [tilespmem:s20+$0xFFFFFFE0]  }
0x4e2: {  	[tilespmem:s18+$0x60] =	vst v12;
	v12 =	vld [tilespmem:s20+$0x10];
	v7 =	vmul.f32 v7, v13  }
0x4e3: {  	[tilespmem:s20+$0xFFFFFFA0] =	vst v10;
	v10 =	vld [tilespmem:s20+$0x0];
	v11 =	vmul.f32 v14, v13  }
0x4e4: {  	[tilespmem:s20+$0xFFFFFFB0] =	vst v7;
	v6 =	vmul.f32 v6, v13  }
0x4e5: {  	[tilespmem:s20+$0xFFFFFFC0] =	vst v11;
	v11 =	vld [tilespmem:s20+$0x30];
	v7 =	vmul.f32 v8, v13  }
0x4e6: {  	v8 =	vld [tilespmem:s20+$0x20];
	v9 =	vmul.f32 v9, v13;
	[tilespmem:s20+$0xFFFFFFF0] =	vst v6  }
0x4e7: {  	[tilespmem:s20+$0xFFFFFFD0] =	vst v7;
	v7 =	vld [tilespmem:s20+$0x40]  }
0x4e8: {  	v6 =	vmul.f32 v5, v12;
	[tilespmem:s20+$0xFFFFFFE0] =	vst v9;
	v9 =	vmul.f32 v5, v10;
	v10 =	vld [tilespmem:s20+$0x50]  }
0x4e9: {  	v12 =	vld [tilespmem:s20+$0x60]  }
0x4ea: {  	[tilespmem:s20+$0x10] =	vst v6;
	v6 =	vmul.f32 v11, v5  }
0x4eb: {  	[tilespmem:s20+$0x0] =	vst v9;
	v8 =	vmul.f32 v8, v5  }
0x4ec: {  	[tilespmem:s20+$0x30] =	vst v6;
	v7 =	vmul.f32 v7, v5  }
0x4ed: {  	[tilespmem:s20+$0x20] =	vst v8;
	v6 =	vmul.f32 v10, v5  }
0x4ee: {  	v5 =	vmul.f32 v12, v5;
	[tilespmem:s20+$0x40] =	vst v7  }
0x4ef: {  	[tilespmem:s20+$0x50] =	vst v6  }
0x4f0: {  	[tilespmem:s20+$0x60] =	vst v5  }
0x4f1: {  	s7 =	sld [smem:$0x7FB];
	_ =	sdelay $0x2  }
0x4f2: {  	s10 =	simm.s32 $0x6B00;
	s7 =	sadd.s32 s16, s7  }
0x4f3: {  	[hbm4b:s7+s12] =	stream.linear.scatter [tilespmem:s10], [sflag:$0x5], $0x2000, $0x38;
	[tilespmem:$0x1E508] =	vst v63  }
0x4f4: {  	_ =	swait.ge [sflag:s19], $0x2000  }
0x4f5: {  	[sflag:s19] =	ssyncset.done $0x0  }
0x4f6: {  	s18 =	rddreg [dreg:$0x1c];
	[sflag:s19] =	ssyncadd.s32 $0xFFFFE000  }
0x4f7: {  	[tilespmem:s10], [sflag:$0x2] =	stream.linear.gather [spmem:s18], $0x2000, $0x38;
	[tilespmem:$0x1E508] =	vst v63  }
0x4f8: {  	_ =	swait.ge [sflag:s1], $0x2000  }
0x4f9: {  	[sflag:s1] =	ssyncset.done $0x0  }
0x4fa: {  	s20 =	simm.s32 $0x9101;
	[sflag:s1] =	ssyncadd.s32 $0xFFFFE000  }
0x4fb: {  	v5 =	vld [tilespmem:s20+$0x0]  }
0x4fc: {  	v6 =	vld [tilespmem:s20+$0xFFFFFFFF];
	_ =	sdelay $0x3  }
0x4fd: {  	v5 =	vmax.f32 v5, $1.000000000e+00  }
0x4fe: {  	v6 =	vmax.f32 v6, $1.000000000e+00;
	v5 =	vbroadcast v5, $0x0  }
0x4ff: {  	v6 =	vbroadcast v6, $0x0  }
0x500: {  	(erf) = vrcp.f32 v5  }
0x501: {  	(erf) = vrcp.f32 v6;
	_ =	sdelay $0x2  }
0x502: {  	s18 =	simm.s32 $0x4B80  }
0x503: {  	v7 =	vld [tilespmem:s18+$0x70]  }
0x504: {  	v5 =	vld [tilespmem:s18+$0xFFFFFF80]  }
0x505: {  	v6 =	vld [tilespmem:s18+$0xFFFFFF90]  }
0x506: {  	v8 =	vld [tilespmem:s18+$0xFFFFFFA0]  }
0x507: {  	v10 =	vld [tilespmem:s18+$0xFFFFFFB0];
	v12 =	vpop (erf)  }
0x508: {  	s22 =	simm.s32 $0x9103;
	v11 =	vld [tilespmem:s18+$0xFFFFFFC0];
	v9 =	vpop (erf)  }
0x509: {  	v13 =	vld [tilespmem:s22+$0x0];
	v5 =	vmul.f32 v9, v5  }
0x50a: {  	v14 =	vld [tilespmem:s22+$0xFFFFFFFF];
	v6 =	vmul.f32 v9, v6  }
0x50b: {  	v8 =	vmul.f32 v8, v9;
	[tilespmem:s18+$0xFFFFFF80] =	vst v5;
	v5 =	vld [tilespmem:s18+$0xFFFFFFD0]  }
0x50c: {  	[tilespmem:s18+$0xFFFFFF90] =	vst v6;
	v6 =	vmul.f32 v7, v12;
	v7 =	vld [tilespmem:s18+$0xFFFFFFE0]  }
0x50d: {  	[tilespmem:s18+$0xFFFFFFA0] =	vst v8;
	v8 =	vld [tilespmem:s18+$0xFFFFFFF0]  }
0x50e: {  	[tilespmem:s18+$0x70] =	vst v6;
	v6 =	vmax.f32 v13, $1.000000000e+00  }
0x50f: {  	v6 =	vbroadcast v6, $0x0  }
0x510: {  	v10 =	vmul.f32 v10, v9;
	v5 =	vmul.f32 v5, v9  }
0x511: {  	v15 =	vld [tilespmem:s18+$0x10];
	v11 =	vmul.f32 v11, v9;
	(erf) = vrcp.f32 v6  }
0x512: {  	v13 =	vld [tilespmem:s18+$0x0];
	v6 =	vmul.f32 v7, v9;
	[tilespmem:s18+$0xFFFFFFD0] =	vst v5;
	v5 =	vmul.f32 v8, v9;
	v9 =	vmax.f32 v14, $1.000000000e+00  }
0x513: {  	[tilespmem:s18+$0xFFFFFFB0] =	vst v10;
	v10 =	vld [tilespmem:s18+$0x20];
	v14 =	vbroadcast v9, $0x0  }
0x514: {  	v7 =	vld [tilespmem:s18+$0x30]  }
0x515: {  	[tilespmem:s18+$0xFFFFFFC0] =	vst v11;
	v11 =	vld [tilespmem:s18+$0x40];
	(erf) = vrcp.f32 v14;
	_ =	sdelay $0x1  }
0x516: {  	v8 =	vmul.f32 v12, v13;
	v13 =	vld [tilespmem:s18+$0x50];
	[tilespmem:s18+$0xFFFFFFF0] =	vst v5;
	v5 =	vmul.f32 v12, v15  }
0x517: {  	s20 =	simm.s32 $0x4C80;
	[tilespmem:s18+$0xFFFFFFE0] =	vst v6;
	v15 =	vld [tilespmem:s18+$0x60]  }
0x518: {  	v10 =	vmul.f32 v10, v12;
	v6 =	vld [tilespmem:s20+$0x70];
	[tilespmem:s18+$0x10] =	vst v5;
	v5 =	vmul.f32 v7, v12  }
0x519: {  	v16 =	vmul.f32 v11, v12;
	[tilespmem:s18+$0x0] =	vst v8;
	v8 =	vld [tilespmem:s20+$0xFFFFFF80]  }
0x51a: {  	[tilespmem:s18+$0x20] =	vst v10;
	v9 =	vld [tilespmem:s20+$0xFFFFFF90]  }
0x51b: {  	v10 =	vld [tilespmem:s20+$0xFFFFFFA0];
	[tilespmem:s18+$0x40] =	vst v16;
	v11 =	vmul.f32 v13, v12  }
0x51c: {  	s28 =	simm.s32 $0x6B00;
	s10 =	simm.s32 $0x2;
	s22 =	simm.s32 $0x9105;
	v7 =	vld [tilespmem:s20+$0xFFFFFFB0];
	[tilespmem:s18+$0x30] =	vst v5;
	v12 =	vmul.f32 v15, v12;
	v5 =	vpop (erf)  }
.LBB2_34:
0x51d: {  	v13 =	vld [tilespmem:s22+$0x0];
	s10 =	sadd.s32 $0x2, s10;
	v6 =	vmul.f32 v6, v5;
	v14 =	vpop (erf);
	[tilespmem:s18+$0x50] =	vst v11  }
0x51e: {  	v11 =	vld [tilespmem:s22+$0xFFFFFFFF];
	p1 =	slt.u32 s10, $0x3E;
	v8 =	vmul.f32 v14, v8;
	[tilespmem:s18+$0x60] =	vst v12;
	s18 =	smov.u32 s20  }
0x51f: {  	v9 =	vmul.f32 v14, v9;
	v12 =	vld [tilespmem:s20+$0xFFFFFFC0];
	[tilespmem:s20+$0x70] =	vst v6  }
0x520: {  	[tilespmem:s20+$0xFFFFFF80] =	vst v8;
	v6 =	vmul.f32 v10, v14;
	v8 =	vld [tilespmem:s20+$0xFFFFFFD0]  }
0x521: {  	[tilespmem:s20+$0xFFFFFF90] =	vst v9;
	v7 =	vmul.f32 v7, v14;
	v9 =	vld [tilespmem:s20+$0xFFFFFFE0]  }
0x522: {  	v10 =	vmax.f32 v13, $1.000000000e+00;
	[tilespmem:s20+$0xFFFFFFA0] =	vst v6;
	v6 =	vld [tilespmem:s20+$0xFFFFFFF0]  }
0x523: {  	v11 =	vmax.f32 v11, $1.000000000e+00;
	v10 =	vbroadcast v10, $0x0;
	[tilespmem:s20+$0xFFFFFFB0] =	vst v7;
	v7 =	vld [tilespmem:s20+$0x0]  }
0x524: {  	v11 =	vbroadcast v11, $0x0;
	v12 =	vmul.f32 v12, v14;
	v13 =	vld [tilespmem:s20+$0x10]  }
0x525: {  	(erf) = vrcp.f32 v10;
	v8 =	vmul.f32 v8, v14;
	v10 =	vld [tilespmem:s20+$0x20]  }
0x526: {  	(erf) = vrcp.f32 v11;
	[tilespmem:s20+$0xFFFFFFC0] =	vst v12;
	v9 =	vmul.f32 v9, v14;
	v11 =	vld [tilespmem:s20+$0x30]  }
0x527: {  	[tilespmem:s20+$0xFFFFFFD0] =	vst v8;
	v6 =	vmul.f32 v6, v14;
	v12 =	vld [tilespmem:s20+$0x40]  }
0x528: {  	[tilespmem:s20+$0xFFFFFFE0] =	vst v9;
	v7 =	vmul.f32 v5, v7;
	v14 =	vld [tilespmem:s20+$0x50]  }
0x529: {  	s20 =	sadd.s32 $0x100, s20;
	[tilespmem:s18+$0xFFFFFFF0] =	vst v6;
	v9 =	vmul.f32 v5, v13;
	v13 =	vld [tilespmem:s18+$0x60]  }
.Ltmp17:
0x52a: {  	v6 =	vld [tilespmem:s20+$0x70];
	[tilespmem:s18+$0x0] =	vst v7;
	v7 =	vmul.f32 v10, v5;
	(pc) =	sbr.rel @p1 .LBB2_34-.Ltmp17, $4  }
0x52b: {  	v8 =	vld [tilespmem:s20+$0xFFFFFF80];
	[tilespmem:s18+$0x10] =	vst v9;
	v11 =	vmul.f32 v11, v5  }
0x52c: {  	v9 =	vld [tilespmem:s20+$0xFFFFFF90];
	[tilespmem:s18+$0x20] =	vst v7;
	v12 =	vmul.f32 v12, v5  }
0x52d: {  	v10 =	vld [tilespmem:s20+$0xFFFFFFA0];
	[tilespmem:s18+$0x30] =	vst v11;
	v11 =	vmul.f32 v14, v5  }
0x52e: {  	s22 =	sadd.s32 $0x2, s22;
	v7 =	vld [tilespmem:s20+$0xFFFFFFB0];
	[tilespmem:s18+$0x40] =	vst v12;
	v12 =	vmul.f32 v13, v5;
	v5 =	vpop (erf)  }
0x52f: {  	v13 =	vpop (erf);
	v6 =	vmul.f32 v6, v5  }
0x530: {  	v14 =	vld [tilespmem:s20+$0xFFFFFFC0];
	[tilespmem:s18+$0x50] =	vst v11;
	v8 =	vmul.f32 v13, v8  }
0x531: {  	v9 =	vmul.f32 v13, v9;
	[tilespmem:s20+$0x70] =	vst v6;
	v6 =	vld [tilespmem:s20+$0xFFFFFFF0]  }
0x532: {  	[tilespmem:s20+$0xFFFFFF80] =	vst v8;
	v8 =	vld [tilespmem:s20+$0xFFFFFFD0]  }
0x533: {  	v10 =	vmul.f32 v10, v13;
	[tilespmem:s20+$0xFFFFFF90] =	vst v9;
	v9 =	vld [tilespmem:s20+$0xFFFFFFE0]  }
0x534: {  	[tilespmem:s18+$0x60] =	vst v12;
	v12 =	vld [tilespmem:s20+$0x10];
	v7 =	vmul.f32 v7, v13  }
0x535: {  	[tilespmem:s20+$0xFFFFFFA0] =	vst v10;
	v10 =	vld [tilespmem:s20+$0x0];
	v11 =	vmul.f32 v14, v13  }
0x536: {  	[tilespmem:s20+$0xFFFFFFB0] =	vst v7;
	v6 =	vmul.f32 v6, v13  }
0x537: {  	[tilespmem:s20+$0xFFFFFFC0] =	vst v11;
	v11 =	vld [tilespmem:s20+$0x30];
	v7 =	vmul.f32 v8, v13  }
0x538: {  	v8 =	vld [tilespmem:s20+$0x20];
	v9 =	vmul.f32 v9, v13;
	[tilespmem:s20+$0xFFFFFFF0] =	vst v6  }
0x539: {  	[tilespmem:s20+$0xFFFFFFD0] =	vst v7;
	v7 =	vld [tilespmem:s20+$0x40]  }
0x53a: {  	v6 =	vmul.f32 v5, v12;
	[tilespmem:s20+$0xFFFFFFE0] =	vst v9;
	v9 =	vmul.f32 v5, v10;
	v10 =	vld [tilespmem:s20+$0x50]  }
0x53b: {  	v12 =	vld [tilespmem:s20+$0x60]  }
0x53c: {  	[tilespmem:s20+$0x10] =	vst v6;
	v6 =	vmul.f32 v11, v5  }
0x53d: {  	[tilespmem:s20+$0x0] =	vst v9;
	v8 =	vmul.f32 v8, v5  }
0x53e: {  	[tilespmem:s20+$0x30] =	vst v6;
	v7 =	vmul.f32 v7, v5  }
0x53f: {  	[tilespmem:s20+$0x20] =	vst v8;
	v6 =	vmul.f32 v10, v5  }
0x540: {  	v5 =	vmul.f32 v12, v5;
	[tilespmem:s20+$0x40] =	vst v7  }
0x541: {  	[tilespmem:s20+$0x50] =	vst v6  }
0x542: {  	[tilespmem:s20+$0x60] =	vst v5  }
0x543: {  	s7 =	sld [smem:$0x7FC];
	_ =	sdelay $0x2  }
0x544: {  	s7 =	sadd.s32 s16, s7  }
0x545: {  	[hbm4b:s7+s12] =	stream.linear.scatter [tilespmem:s15], [sflag:$0x5], $0x2000, $0x38;
	[tilespmem:$0x1E508] =	vst v63  }
0x546: {  	_ =	swait.ge [sflag:s19], $0x2000  }
0x547: {  	[sflag:s19] =	ssyncset.done $0x0  }
0x548: {  	[sflag:s19] =	ssyncadd.s32 $0xFFFFE000  }
0x549: {  	_ =	swait.ge [sflag:s4], $0x2000  }
0x54a: {  	[sflag:s4] =	ssyncset.done $0x0  }
0x54b: {  	s20 =	simm.s32 $0x9141;
	[sflag:s4] =	ssyncadd.s32 $0xFFFFE000  }
0x54c: {  	v5 =	vld [tilespmem:s20+$0x0]  }
0x54d: {  	v6 =	vld [tilespmem:s20+$0xFFFFFFFF];
	_ =	sdelay $0x3  }
0x54e: {  	v5 =	vmax.f32 v5, $1.000000000e+00  }
0x54f: {  	v6 =	vmax.f32 v6, $1.000000000e+00;
	v5 =	vbroadcast v5, $0x0  }
0x550: {  	v6 =	vbroadcast v6, $0x0  }
0x551: {  	(erf) = vrcp.f32 v5  }
0x552: {  	(erf) = vrcp.f32 v6;
	_ =	sdelay $0x2  }
0x553: {  	s18 =	simm.s32 $0x6B80  }
0x554: {  	v7 =	vld [tilespmem:s18+$0x70]  }
0x555: {  	v5 =	vld [tilespmem:s18+$0xFFFFFF80]  }
0x556: {  	v6 =	vld [tilespmem:s18+$0xFFFFFF90]  }
0x557: {  	v8 =	vld [tilespmem:s18+$0xFFFFFFA0]  }
0x558: {  	v10 =	vld [tilespmem:s18+$0xFFFFFFB0];
	v12 =	vpop (erf)  }
0x559: {  	s22 =	simm.s32 $0x9143;
	v11 =	vld [tilespmem:s18+$0xFFFFFFC0];
	v9 =	vpop (erf)  }
0x55a: {  	v13 =	vld [tilespmem:s22+$0x0];
	v5 =	vmul.f32 v9, v5  }
0x55b: {  	v14 =	vld [tilespmem:s22+$0xFFFFFFFF];
	v6 =	vmul.f32 v9, v6  }
0x55c: {  	v8 =	vmul.f32 v8, v9;
	[tilespmem:s18+$0xFFFFFF80] =	vst v5;
	v5 =	vld [tilespmem:s18+$0xFFFFFFD0]  }
0x55d: {  	[tilespmem:s18+$0xFFFFFF90] =	vst v6;
	v6 =	vmul.f32 v7, v12;
	v7 =	vld [tilespmem:s18+$0xFFFFFFE0]  }
0x55e: {  	[tilespmem:s18+$0xFFFFFFA0] =	vst v8;
	v8 =	vld [tilespmem:s18+$0xFFFFFFF0]  }
0x55f: {  	[tilespmem:s18+$0x70] =	vst v6;
	v6 =	vmax.f32 v13, $1.000000000e+00  }
0x560: {  	v6 =	vbroadcast v6, $0x0  }
0x561: {  	v10 =	vmul.f32 v10, v9;
	v5 =	vmul.f32 v5, v9  }
0x562: {  	v15 =	vld [tilespmem:s18+$0x10];
	v11 =	vmul.f32 v11, v9;
	(erf) = vrcp.f32 v6  }
0x563: {  	v13 =	vld [tilespmem:s18+$0x0];
	v6 =	vmul.f32 v7, v9;
	[tilespmem:s18+$0xFFFFFFD0] =	vst v5;
	v5 =	vmul.f32 v8, v9;
	v9 =	vmax.f32 v14, $1.000000000e+00  }
0x564: {  	[tilespmem:s18+$0xFFFFFFB0] =	vst v10;
	v10 =	vld [tilespmem:s18+$0x20];
	v14 =	vbroadcast v9, $0x0  }
0x565: {  	v7 =	vld [tilespmem:s18+$0x30]  }
0x566: {  	[tilespmem:s18+$0xFFFFFFC0] =	vst v11;
	v11 =	vld [tilespmem:s18+$0x40];
	(erf) = vrcp.f32 v14;
	_ =	sdelay $0x1  }
0x567: {  	v8 =	vmul.f32 v12, v13;
	v13 =	vld [tilespmem:s18+$0x50];
	[tilespmem:s18+$0xFFFFFFF0] =	vst v5;
	v5 =	vmul.f32 v12, v15  }
0x568: {  	s20 =	simm.s32 $0x6C80;
	[tilespmem:s18+$0xFFFFFFE0] =	vst v6;
	v15 =	vld [tilespmem:s18+$0x60]  }
0x569: {  	v10 =	vmul.f32 v10, v12;
	v6 =	vld [tilespmem:s20+$0x70];
	[tilespmem:s18+$0x10] =	vst v5;
	v5 =	vmul.f32 v7, v12  }
0x56a: {  	v16 =	vmul.f32 v11, v12;
	[tilespmem:s18+$0x0] =	vst v8;
	v8 =	vld [tilespmem:s20+$0xFFFFFF80]  }
0x56b: {  	[tilespmem:s18+$0x20] =	vst v10;
	v9 =	vld [tilespmem:s20+$0xFFFFFF90]  }
0x56c: {  	v10 =	vld [tilespmem:s20+$0xFFFFFFA0];
	[tilespmem:s18+$0x40] =	vst v16;
	v11 =	vmul.f32 v13, v12  }
0x56d: {  	s10 =	simm.s32 $0x2;
	s22 =	simm.s32 $0x9145;
	v7 =	vld [tilespmem:s20+$0xFFFFFFB0];
	[tilespmem:s18+$0x30] =	vst v5;
	v12 =	vmul.f32 v15, v12;
	v5 =	vpop (erf)  }
.LBB2_36:
0x56e: {  	v13 =	vld [tilespmem:s22+$0x0];
	s10 =	sadd.s32 $0x2, s10;
	v6 =	vmul.f32 v6, v5;
	v14 =	vpop (erf);
	[tilespmem:s18+$0x50] =	vst v11  }
0x56f: {  	v11 =	vld [tilespmem:s22+$0xFFFFFFFF];
	p1 =	slt.u32 s10, $0x3E;
	v8 =	vmul.f32 v14, v8;
	[tilespmem:s18+$0x60] =	vst v12;
	s18 =	smov.u32 s20  }
0x570: {  	v9 =	vmul.f32 v14, v9;
	v12 =	vld [tilespmem:s20+$0xFFFFFFC0];
	[tilespmem:s20+$0x70] =	vst v6  }
0x571: {  	[tilespmem:s20+$0xFFFFFF80] =	vst v8;
	v6 =	vmul.f32 v10, v14;
	v8 =	vld [tilespmem:s20+$0xFFFFFFD0]  }
0x572: {  	[tilespmem:s20+$0xFFFFFF90] =	vst v9;
	v7 =	vmul.f32 v7, v14;
	v9 =	vld [tilespmem:s20+$0xFFFFFFE0]  }
0x573: {  	v10 =	vmax.f32 v13, $1.000000000e+00;
	[tilespmem:s20+$0xFFFFFFA0] =	vst v6;
	v6 =	vld [tilespmem:s20+$0xFFFFFFF0]  }
0x574: {  	v11 =	vmax.f32 v11, $1.000000000e+00;
	v10 =	vbroadcast v10, $0x0;
	[tilespmem:s20+$0xFFFFFFB0] =	vst v7;
	v7 =	vld [tilespmem:s20+$0x0]  }
0x575: {  	v11 =	vbroadcast v11, $0x0;
	v12 =	vmul.f32 v12, v14;
	v13 =	vld [tilespmem:s20+$0x10]  }
0x576: {  	(erf) = vrcp.f32 v10;
	v8 =	vmul.f32 v8, v14;
	v10 =	vld [tilespmem:s20+$0x20]  }
0x577: {  	(erf) = vrcp.f32 v11;
	[tilespmem:s20+$0xFFFFFFC0] =	vst v12;
	v9 =	vmul.f32 v9, v14;
	v11 =	vld [tilespmem:s20+$0x30]  }
0x578: {  	[tilespmem:s20+$0xFFFFFFD0] =	vst v8;
	v6 =	vmul.f32 v6, v14;
	v12 =	vld [tilespmem:s20+$0x40]  }
0x579: {  	[tilespmem:s20+$0xFFFFFFE0] =	vst v9;
	v7 =	vmul.f32 v5, v7;
	v14 =	vld [tilespmem:s20+$0x50]  }
0x57a: {  	s20 =	sadd.s32 $0x100, s20;
	[tilespmem:s18+$0xFFFFFFF0] =	vst v6;
	v9 =	vmul.f32 v5, v13;
	v13 =	vld [tilespmem:s18+$0x60]  }
.Ltmp18:
0x57b: {  	v6 =	vld [tilespmem:s20+$0x70];
	[tilespmem:s18+$0x0] =	vst v7;
	v7 =	vmul.f32 v10, v5;
	(pc) =	sbr.rel @p1 .LBB2_36-.Ltmp18, $4  }
0x57c: {  	v8 =	vld [tilespmem:s20+$0xFFFFFF80];
	[tilespmem:s18+$0x10] =	vst v9;
	v11 =	vmul.f32 v11, v5  }
0x57d: {  	v9 =	vld [tilespmem:s20+$0xFFFFFF90];
	[tilespmem:s18+$0x20] =	vst v7;
	v12 =	vmul.f32 v12, v5  }
0x57e: {  	v10 =	vld [tilespmem:s20+$0xFFFFFFA0];
	[tilespmem:s18+$0x30] =	vst v11;
	v11 =	vmul.f32 v14, v5  }
0x57f: {  	s22 =	sadd.s32 $0x2, s22;
	v7 =	vld [tilespmem:s20+$0xFFFFFFB0];
	[tilespmem:s18+$0x40] =	vst v12;
	v12 =	vmul.f32 v13, v5;
	v5 =	vpop (erf)  }
0x580: {  	v13 =	vpop (erf);
	v14 =	vld [tilespmem:s20+$0xFFFFFFC0];
	v6 =	vmul.f32 v6, v5;
	[tilespmem:s18+$0x50] =	vst v11  }
0x581: {  	v54 =	vld [tilespmem:s20+$0xFFFFFFD0];
	v8 =	vmul.f32 v13, v8;
	[tilespmem:s18+$0x60] =	vst v12  }
0x582: {  	v55 =	vld [tilespmem:s20+$0xFFFFFFE0];
	v9 =	vmul.f32 v13, v9;
	[tilespmem:s20+$0x70] =	vst v6  }
0x583: {  	v6 =	vld [tilespmem:s20+$0xFFFFFFF0];
	[tilespmem:s20+$0xFFFFFF80] =	vst v8;
	v10 =	vmul.f32 v10, v13  }
0x584: {  	v56 =	vld [tilespmem:s20+$0x0];
	[tilespmem:s20+$0xFFFFFF90] =	vst v9;
	v7 =	vmul.f32 v7, v13  }
0x585: {  	v58 =	vld [tilespmem:s20+$0x10];
	[tilespmem:s20+$0xFFFFFFA0] =	vst v10;
	v57 =	vmul.f32 v14, v13  }
0x586: {  	v59 =	vld [tilespmem:s20+$0x20];
	[tilespmem:s20+$0xFFFFFFB0] =	vst v7;
	v7 =	vmul.f32 v54, v13  }
0x587: {  	v60 =	vld [tilespmem:s20+$0x30];
	v9 =	vmul.f32 v55, v13;
	[tilespmem:s20+$0xFFFFFFC0] =	vst v57  }
0x588: {  	v6 =	vmul.f32 v6, v13;
	[tilespmem:s20+$0xFFFFFFD0] =	vst v7;
	v7 =	vld [tilespmem:s20+$0x40]  }
0x589: {  	v62 =	vld [tilespmem:s20+$0x50];
	v61 =	vmul.f32 v5, v56;
	[tilespmem:s20+$0xFFFFFFE0] =	vst v9  }
0x58a: {  	v63 =	vld [tilespmem:s20+$0x60];
	[tilespmem:s20+$0xFFFFFFF0] =	vst v6;
	v6 =	vmul.f32 v5, v58  }
0x58b: {  	v8 =	vmul.f32 v59, v5;
	[tilespmem:s20+$0x0] =	vst v61  }
0x58c: {  	[tilespmem:s20+$0x10] =	vst v6;
	v6 =	vmul.f32 v60, v5  }
0x58d: {  	[tilespmem:s20+$0x20] =	vst v8;
	v7 =	vmul.f32 v7, v5  }
0x58e: {  	[tilespmem:s20+$0x30] =	vst v6;
	v6 =	vmul.f32 v62, v5  }
0x58f: {  	v5 =	vmul.f32 v63, v5;
	[tilespmem:s20+$0x40] =	vst v7  }
0x590: {  	[tilespmem:s20+$0x50] =	vst v6  }
0x591: {  	[tilespmem:s20+$0x60] =	vst v5  }
0x592: {  	s7 =	sld [smem:$0x7FD];
	_ =	sdelay $0x2  }
0x593: {  	s7 =	sadd.s32 s16, s7  }
0x594: {  	[hbm4b:s7+s12] =	stream.linear.scatter [tilespmem:s28], [sflag:$0x5], $0x2000, $0x38;
	[tilespmem:$0x1E508] =	vst v63  }
0x595: {  	_ =	swait.ge [sflag:s19], $0x2000  }
0x596: {  	s22 =	sld [smem:$0x7F1];
	_ =	sdelay $0x2  }
0x597: {  	s16 =	sadd.s32 $0x1, s22  }
0x598: {  	p1 =	sne.s32 s16, $0x5  }
.Ltmp19:
0x599: {  	_ = 	snop;
	(pc) =	sbr.rel @p1 .LBB2_4-.Ltmp19, $3  }
0x59a: {  	[sflag:s19] =	ssyncset.done $0x0  }
0x59b: {  	[sflag:s19] =	ssyncadd.s32 $0xFFFFE000  }
0x59c: {  	[bflag:$0x0] =	sbarrier.arrive $0xFFFF;
	_ =	sdelay $0x1  }
0x59d: {  	s10 =	sld [smem:$0x7F3];
	_ =	sdelay $0x2  }
0x59e: {  	s7 =	rddreg [dreg:$0x17];
	s10 =	sadd.s32 $0x1, s10  }
0x59f: {  	p1 =	sne.s32 s10, s7  }
.Ltmp20:
0x5a0: {  	_ = 	snop;
	(pc) =	sbr.rel @p1 .LBB2_1-.Ltmp20, $1  }
0x5a1: {  	_ =	sdelay $0x3  }
0x5a2: {  	_ =	sfence.sel $0x180000  }
0x5a3: {  	[bflag:$0x0] =	sbarrier.arrive $0xFFFF  }
0x5a4: {  	_ =	strace $0x90000047  }
0x5a5: {  	[bflag:$0x2] =	sbarrier.arrive $0xFFFF  }
0x5a6: {  	s0 =	rddreg [dreg:$0x6]  }
0x5a7: {  	s0 =	sadd.s32 @!p0 $0x100000, s0  }
0x5a8: {  	[sflag:s0] =	ssyncadd.tile.s32 @!p0 $0x1;
	_ =	shalt  }
.Lfunc_end2:
_tile_overlayer_lowered:
.L_overlay_start_2:
0x5a9: {  	(tag) =	ssettag $0x2  }
0x5aa: {  	s0 =	rddreg [dreg:$0x0];
	s2 =	stileid.u32  }
0x5ab: {  	s1 =	rddreg [dreg:$0x1];
	p0 =	sne.s32 s2, $0x0  }
0x5ac: {  	s3 =	rddreg [dreg:$0x2];
	[bflag:$0x3] =	sbarrier.arrive $0xFFFF;
	s2 =	simm.s32 @!p0 $0x1C05  }
0x5ad: {  	[timem:s3], [sflag:s2] =	dma.local @!p0 [hbm:s0], s1  }
0x5ae: {  	s0 =	simm.s32 @!p0 $0x5  }
0x5af: {  	_ =	swait.ge @!p0 [sflag:s0], s1  }
0x5b0: {  	s1 =	ssub.s32 @!p0 $0x0, s1;
	[sflag:s0] =	ssyncset.done @!p0 $0x0  }
0x5b1: {  	[sflag:s0] =	ssyncadd.s32 @!p0 s1  }
0x5b2: {  	[bflag:$0x3] =	sbarrier.arrive $0xFFFF  }
0x5b3: {  	_ =	shalt  }

</sc_bundles>
